<compile_context>
chip_gen: v7x
topology: tpu7x:2x2x1
jax: 0.10.2.dev20260603
libtpu: 0.0.44.dev20260713+nightly
codegen_flags: <defaults>
</compile_context>

<pallas_src>
import jax
import jax.numpy as jnp
from jax import lax
from jax.experimental import pallas as pl
from jax.experimental.pallas import tpu as pltpu
from jax.experimental.pallas import tpu_sc as plsc

N = 10000
E = 320000
D = 128
H = 8
DH = 16
F = H * DH
FW = F + 2 * H

NC = 2
NS = 16
L = 16

NP = 10016
ROWS_PER_TILE = NP // NS
CH = 80
TCH = 126
EPAD = NC * NS * TCH * CH
EIHALF = EPAD
DUMMY = N


def _prologue_body(x_ref, w_ref, al_ref, ar_ref, tbl_ref, rle_ref):
    feat = jnp.dot(x_ref[...], w_ref[...], preferred_element_type=jnp.float32)
    el = jnp.dot(feat, al_ref[...], preferred_element_type=jnp.float32)
    er = jnp.dot(feat, ar_ref[...], preferred_element_type=jnp.float32)
    tbl_ref[pl.ds(0, N), :] = jnp.concatenate([feat, el, el], axis=1)
    tbl_ref[pl.ds(N, NP - N), :] = jnp.zeros((NP - N, FW), jnp.float32)
    rle_ref[pl.ds(0, N), :] = jnp.concatenate([er, er], axis=1)
    rle_ref[pl.ds(N, NP - N), :] = jnp.zeros((NP - N, 2 * H), jnp.float32)


def _prologue(x, W, Al, Ar):
    return pl.pallas_call(
        _prologue_body,
        grid=(1,),
        in_specs=[
            pl.BlockSpec((N, D), lambda i: (0, 0)),
            pl.BlockSpec((D, F), lambda i: (0, 0)),
            pl.BlockSpec((F, H), lambda i: (0, 0)),
            pl.BlockSpec((F, H), lambda i: (0, 0)),
        ],
        out_specs=[
            pl.BlockSpec((NP, FW), lambda i: (0, 0)),
            pl.BlockSpec((NP, 2 * H), lambda i: (0, 0)),
        ],
        out_shape=[
            jax.ShapeDtypeStruct((NP, FW), jnp.float32),
            jax.ShapeDtypeStruct((NP, 2 * H), jnp.float32),
        ],
    )(x, W, Al, Ar)


def _edge_body(tbl_hbm, rle_hbm, ei_hbm, acc_out,
               srcb, dstb, dsc, erv, fv, acc_sh,
               s_src, s_dst, s_er, s_fv, s_sc):
    c = lax.axis_index("c")
    s = lax.axis_index("s")
    wid = c * NS + s
    row0 = s * ROWS_PER_TILE
    base = wid * TCH
    z16 = jnp.zeros((L,), jnp.float32)

    def off_src(t):
        return pl.multiple_of((base + t) * CH, CH)

    def off_dst(t):
        return pl.multiple_of(EIHALF + (base + t) * CH, CH)

    def _zero_fv(i, _):
        for j in range(FW // L):
            fv[0][i, pl.ds(j * L, L)] = z16
        return 0
    lax.fori_loop(0, CH, _zero_fv, 0)
    for k in range(ROWS_PER_TILE // CH):
        pltpu.sync_copy(fv[0], acc_sh.at[pl.ds(row0 + k * CH, CH)])
    _rem = ROWS_PER_TILE % CH
    if _rem:
        pltpu.sync_copy(
            fv[0].at[pl.ds(0, _rem)],
            acc_sh.at[pl.ds(row0 + (ROWS_PER_TILE // CH) * CH, _rem)])
    plsc.subcore_barrier()

    def issue_idx(t, b):
        pltpu.async_copy(ei_hbm.at[pl.ds(off_src(t), CH)], srcb[b], s_src[b])
        pltpu.async_copy(ei_hbm.at[pl.ds(off_dst(t), CH)], dstb[b], s_dst[b])

    def wait_idx(b):
        pltpu.make_async_copy(ei_hbm.at[pl.ds(0, CH)], srcb[b], s_src[b]).wait()
        pltpu.make_async_copy(ei_hbm.at[pl.ds(0, CH)], dstb[b], s_dst[b]).wait()

    def mask_idx(b):
        for k in range(CH // L):
            sl = pl.ds(k * L, L)
            sv = srcb[b][sl]
            dv = dstb[b][sl]
            m = sv == dv
            srcb[b][sl] = jnp.where(m, DUMMY, sv)
            dm = jnp.where(m, DUMMY, dv)
            dstb[b][sl] = dm
            dsc[b][sl] = dm

    def issue_gathers(b):
        pltpu.async_copy(tbl_hbm.at[srcb[b]], fv[b], s_fv[b])
        pltpu.async_copy(rle_hbm.at[dstb[b]], erv[b], s_er[b])

    def wait_gathers(b):
        pltpu.make_async_copy(tbl_hbm.at[srcb[b]], fv[b], s_fv[b]).wait()
        pltpu.make_async_copy(rle_hbm.at[dstb[b]], erv[b], s_er[b]).wait()

    def compute(b):
        def _edge(i, _):
            sv = fv[b][i, pl.ds(F, L)] + erv[b][i, :]
            ee = jnp.exp(jnp.maximum(sv, 0.2 * sv))
            fv[b][i, pl.ds(F, L)] = ee
            for j in range(F // L):
                sl = pl.ds(j * L, L)
                fv[b][i, sl] = fv[b][i, sl] * ee
            return 0
        lax.fori_loop(0, CH, _edge, 0, unroll=4)

    def issue_scatter(b):
        pltpu.async_copy(fv[b], acc_sh.at[dsc[b]], s_sc[b], add=True)

    def wait_scatter(b):
        pltpu.make_async_copy(fv[b], acc_sh.at[dsc[b]], s_sc[b]).wait()

    def step(t, b, first=False, last=False, prefetch=True):
        nb = (b + 1) % 3
        pb = (b + 2) % 3
        if not last:
            wait_idx(nb)
            mask_idx(nb)
            issue_gathers(nb)
        wait_gathers(b)
        if prefetch:
            issue_idx(t + 2, pb)
        compute(b)
        if not first:
            wait_scatter(pb)
        issue_scatter(b)

    issue_idx(0, 0)
    wait_idx(0)
    mask_idx(0)
    issue_gathers(0)
    issue_idx(1, 1)

    step(0, 0, first=True)

    def _triple(g, _):
        t = 3 * g + 1
        step(t, 1)
        step(t + 1, 2)
        step(t + 2, 0)
        return 0
    lax.fori_loop(0, (TCH - 3) // 3, _triple, 0)

    step(TCH - 2, 1, prefetch=False)
    step(TCH - 1, 2, last=True, prefetch=False)
    wait_scatter(2)

    plsc.subcore_barrier()
    rows = pl.ds(row0, ROWS_PER_TILE)
    pltpu.sync_copy(acc_sh.at[rows], acc_out.at[c, rows])


def _edge_pass(tbl, rle, ei_flat):
    mesh = plsc.VectorSubcoreMesh(
        core_axis_name="c", subcore_axis_name="s", num_cores=NC, num_subcores=NS)
    kfn = pl.kernel(
        _edge_body,
        out_type=jax.ShapeDtypeStruct((NC, NP, FW), jnp.float32),
        mesh=mesh,
        scratch_types=[
            [pltpu.VMEM((CH,), jnp.int32) for _ in range(3)],
            [pltpu.VMEM((CH,), jnp.int32) for _ in range(3)],
            [pltpu.VMEM((CH,), jnp.int32) for _ in range(3)],
            [pltpu.VMEM((CH, 2 * H), jnp.float32) for _ in range(3)],
            [pltpu.VMEM((CH, FW), jnp.float32) for _ in range(3)],
            pltpu.VMEM_SHARED((NP, FW), jnp.float32),
            [pltpu.SemaphoreType.DMA for _ in range(3)],
            [pltpu.SemaphoreType.DMA for _ in range(3)],
            [pltpu.SemaphoreType.DMA for _ in range(3)],
            [pltpu.SemaphoreType.DMA for _ in range(3)],
            [pltpu.SemaphoreType.DMA for _ in range(3)],
        ],
        compiler_params=pltpu.CompilerParams(use_tc_tiling_on_sc=False),
    )
    return kfn(tbl, rle, ei_flat)


def _epilogue_body(acc0_ref, acc1_ref, tbl_ref, rle_ref, b8_ref, p_ref,
                   out_ref):
    a0 = acc0_ref[...]
    a1 = acc1_ref[...]
    tbl = tbl_ref[...]
    sv = tbl[:, F:F + H] + rle_ref[:, :H]
    ee = jnp.exp(jnp.maximum(sv, 0.2 * sv))
    dent = a0[:, F:F + H] + a1[:, F:F + H] + ee
    b8 = b8_ref[...]
    eeb = jnp.dot(ee, b8, preferred_element_type=jnp.float32)
    denb = jnp.dot(dent, b8, preferred_element_type=jnp.float32) + 1e-16
    acc = a0[:, :F] + a1[:, :F] + eeb * tbl[:, :F]
    out_ref[...] = jnp.dot(acc / denb, p_ref[...],
                           preferred_element_type=jnp.float32)


def kernel(x, edge_index, W, attn_l, attn_r):
    r = jnp.arange(F)
    q = (r % H) * DH + r // H
    Wp = W[:, q]
    hsel = (r[:, None] % H == jnp.arange(H)[None, :]).astype(jnp.float32)
    Alp = attn_l.T.reshape(F)[:, None] * hsel
    Arp = attn_r.T.reshape(F)[:, None] * hsel
    B8 = hsel.T
    P = (r[:, None] == (r[None, :] % DH) * H + r[None, :] // DH
         ).astype(jnp.float32)

    fill = DUMMY + jnp.arange(EIHALF - E, dtype=jnp.int32) % (NP - N)
    fill_s = DUMMY + (jnp.arange(EIHALF - E, dtype=jnp.int32) + 1) % (NP - N)
    ei_flat = jnp.concatenate(
        [edge_index[0], fill_s, edge_index[1], fill])

    tbl, rle = _prologue(x, Wp, Alp, Arp)
    acc = _edge_pass(tbl, rle, ei_flat)

    blk = 2000
    out = pl.pallas_call(
        _epilogue_body,
        grid=(N // blk,),
        in_specs=[
            pl.BlockSpec((blk, FW), lambda i: (i, 0)),
            pl.BlockSpec((blk, FW), lambda i: (i, 0)),
            pl.BlockSpec((blk, FW), lambda i: (i, 0)),
            pl.BlockSpec((blk, 2 * H), lambda i: (i, 0)),
            pl.BlockSpec((H, F), lambda i: (0, 0)),
            pl.BlockSpec((F, F), lambda i: (0, 0)),
        ],
        out_specs=pl.BlockSpec((blk, F), lambda i: (i, 0)),
        out_shape=jax.ShapeDtypeStruct((N, F), jnp.float32),
    )(acc[0], acc[1], tbl, rle, B8, P)
    return out

# --- scband reference (transcript-rebuilt; emitter-appended) ---
"""Pipeline reference for scband-bi-graph-contrast-layer-25409026523344 (READ-ONLY COPY).

The authoritative reference and input builder live on the scoring server;
editing this copy changes nothing except your own understanding.
"""

import jax, jax.numpy as jnp
import numpy as np

N = 10000
E = 320000
D = 128
H = 8
DH = 16  # hidden_dim // num_heads


def setup_inputs(seed: int = 0) -> dict:
    key = jax.random.key(seed)
    k1, k2, k3, k4, k5 = jax.random.split(key, 5)
    x = jax.random.normal(k1, (N, D), dtype=jnp.float32)
    edge_index = jax.random.randint(k2, (2, E), 0, N, dtype=jnp.int32)
    # GATConv params: fc weight [D, H*DH], attn_l/attn_r [H, DH]
    W = jax.random.normal(k3, (D, H * DH), dtype=jnp.float32) * 0.1
    attn_l = jax.random.normal(k4, (H, DH), dtype=jnp.float32) * 0.1
    attn_r = jax.random.normal(k5, (H, DH), dtype=jnp.float32) * 0.1
    return {"x": x, "edge_index": edge_index, "W": W, "attn_l": attn_l, "attn_r": attn_r}


def reference(x, edge_index, W, attn_l, attn_r):
    # BiGraphContrastLayer.forward (feat branch): remove_self_loop + add_self_loop,
    # then GATConv(in_dim, hidden_dim//8, 8 heads), then flatten heads.
    n = x.shape[0]
    src, dst = edge_index[0], edge_index[1]
    # drop existing self loops, then add canonical self loops
    keep = src != dst
    big = jnp.int32(n)  # route dropped edges to a dummy slot
    src_k = jnp.where(keep, src, big)
    dst_k = jnp.where(keep, dst, big)
    loop = jnp.arange(n, dtype=src.dtype)
    src_a = jnp.concatenate([src_k, loop])
    dst_a = jnp.concatenate([dst_k, loop])
    nseg = n + 1  # segment n is the dummy bucket for removed self-loops

    feat = (x @ W).reshape(n, H, DH)
    el = jnp.sum(feat * attn_l[None, :, :], axis=-1)  # [N, H]
    er = jnp.sum(feat * attn_r[None, :, :], axis=-1)  # [N, H]
    feat_p = jnp.concatenate([feat, jnp.zeros((1, H, DH), feat.dtype)], axis=0)
    el_p = jnp.concatenate([el, jnp.zeros((1, H), el.dtype)], axis=0)
    er_p = jnp.concatenate([er, jnp.zeros((1, H), er.dtype)], axis=0)

    e = jax.nn.leaky_relu(el_p[src_a] + er_p[dst_a], negative_slope=0.2)  # [E', H]
    emax = jax.lax.stop_gradient(jax.ops.segment_max(e, dst_a, num_segments=nseg))
    ee = jnp.exp(e - emax[dst_a])
    denom = jax.ops.segment_sum(ee, dst_a, num_segments=nseg)
    alpha = ee / (denom[dst_a] + 1e-16)  # edge softmax over incoming edges
    msg = feat_p[src_a] * alpha[:, :, None]  # [E', H, DH]
    out = jax.ops.segment_sum(msg, dst_a, num_segments=nseg)[:n]  # [N, H, DH]
    return out.reshape(n, H * DH)  # flatten(start_dim=1)

if __name__ == "__main__":
    import jax
    _d = setup_inputs()
    print(jax.jit(kernel)(*tuple(_d.values())))

</pallas_src>

<mosaic_0001>
#map = affine_map<(d0, d1) -> (0, 0)>
#map1 = affine_map<(d0, d1) -> (0)>
#map2 = affine_map<(d0, d1) -> (0, 0, 0)>
module attributes {stable_mosaic.version = 14 : i64} {
  func.func @_edge_body(%arg0: i32, %arg1: i32, %arg2: memref<10016x144xf32, #tpu.memory_space<hbm>>, %arg3: memref<10016x16xf32, #tpu.memory_space<hbm>>, %arg4: memref<645120xi32, #tpu.memory_space<hbm>>, %arg5: memref<2x10016x144xf32, #tpu.memory_space<hbm>>, %arg6: memref<80xi32, #tpu.memory_space<vmem>>, %arg7: memref<80xi32, #tpu.memory_space<vmem>>, %arg8: memref<80xi32, #tpu.memory_space<vmem>>, %arg9: memref<80xi32, #tpu.memory_space<vmem>>, %arg10: memref<80xi32, #tpu.memory_space<vmem>>, %arg11: memref<80xi32, #tpu.memory_space<vmem>>, %arg12: memref<80xi32, #tpu.memory_space<vmem>>, %arg13: memref<80xi32, #tpu.memory_space<vmem>>, %arg14: memref<80xi32, #tpu.memory_space<vmem>>, %arg15: memref<80x16xf32, #tpu.memory_space<vmem>>, %arg16: memref<80x16xf32, #tpu.memory_space<vmem>>, %arg17: memref<80x16xf32, #tpu.memory_space<vmem>>, %arg18: memref<80x144xf32, #tpu.memory_space<vmem>>, %arg19: memref<80x144xf32, #tpu.memory_space<vmem>>, %arg20: memref<80x144xf32, #tpu.memory_space<vmem>>, %arg21: memref<10016x144xf32, #tpu.memory_space<vmem_shared>>, %arg22: memref<!tpu.dma_semaphore, #tpu.memory_space<semaphore_mem>>, %arg23: memref<!tpu.dma_semaphore, #tpu.memory_space<semaphore_mem>>, %arg24: memref<!tpu.dma_semaphore, #tpu.memory_space<semaphore_mem>>, %arg25: memref<!tpu.dma_semaphore, #tpu.memory_space<semaphore_mem>>, %arg26: memref<!tpu.dma_semaphore, #tpu.memory_space<semaphore_mem>>, %arg27: memref<!tpu.dma_semaphore, #tpu.memory_space<semaphore_mem>>, %arg28: memref<!tpu.dma_semaphore, #tpu.memory_space<semaphore_mem>>, %arg29: memref<!tpu.dma_semaphore, #tpu.memory_space<semaphore_mem>>, %arg30: memref<!tpu.dma_semaphore, #tpu.memory_space<semaphore_mem>>, %arg31: memref<!tpu.dma_semaphore, #tpu.memory_space<semaphore_mem>>, %arg32: memref<!tpu.dma_semaphore, #tpu.memory_space<semaphore_mem>>, %arg33: memref<!tpu.dma_semaphore, #tpu.memory_space<semaphore_mem>>, %arg34: memref<!tpu.dma_semaphore, #tpu.memory_space<semaphore_mem>>, %arg35: memref<!tpu.dma_semaphore, #tpu.memory_space<semaphore_mem>>, %arg36: memref<!tpu.dma_semaphore, #tpu.memory_space<semaphore_mem>>) attributes {dimension_semantics = [#tpu.dimension_semantics<core_parallel>, #tpu.dimension_semantics<subcore_parallel>], iteration_bounds = array<i64: 2, 16>, scalar_prefetch = 0 : i64, scratch_operands = 31 : i64, tpu.core_type = #tpu.core_type<sc_vector_subcore>, window_params = [{transform_indices = #map}, {transform_indices = #map}, {transform_indices = #map1}, {transform_indices = #map2}]} {
    %mul3A = arith.constant 16 : i32
    %mul3A_0 = arith.muli %arg0, %mul3A : i32
    %add3A = arith.addi %mul3A_0, %arg1 : i32
    %mul3A_1 = arith.constant 626 : i32
    %mul3A_2 = arith.muli %arg1, %mul3A_1 : i32
    %mul3A_3 = arith.constant 126 : i32
    %mul3A_4 = arith.muli %add3A, %mul3A_3 : i32
    %broadcast_in_dim3A = arith.constant 0.000000e+00 : f32
    %broadcast_in_dim3A_5 = vector.broadcast %broadcast_in_dim3A : f32 to vector<16xf32>
    %scan3A = arith.constant 0 : i32
    %scan3A_6 = arith.constant 0 : i32
    %scan3A_7 = arith.constant 80 : i32
    %scan3A_8 = arith.addi %scan3A_6, %scan3A_7 : i32
    %scan3A_9 = arith.constant 1 : i32
    %scan3A_10 = scf.for %scan3A_550 = %scan3A_6 to %scan3A_8 step %scan3A_9 iter_args(%scan3A_551 = %scan3A) -> (i32)  : i32 {
      %swap3A_552 = arith.index_cast %scan3A_550 : i32 to index
      %swap3A_553 = arith.constant 0 : index
      %swap3A_554 = tpu.vector_load %arg18[%swap3A_552, %swap3A_553] {strides = array<i32>} : memref<80x144xf32, #tpu.memory_space<vmem>>, vector<1x16xf32>,
      %swap3A_555 = vector.shape_cast %swap3A_554 : vector<1x16xf32> to vector<16xf32>
      %swap3A_556 = vector.shape_cast %broadcast_in_dim3A_5 : vector<16xf32> to vector<1x16xf32>
      tpu.vector_store %arg18[%swap3A_552, %swap3A_553], %swap3A_556 {strides = array<i32>} : memref<80x144xf32, #tpu.memory_space<vmem>>, vector<1x16xf32>,
      %swap3A_557 = arith.index_cast %scan3A_550 : i32 to index
      %swap3A_558 = arith.constant 16 : index
      %swap3A_559 = tpu.vector_load %arg18[%swap3A_557, %swap3A_558] {strides = array<i32>} : memref<80x144xf32, #tpu.memory_space<vmem>>, vector<1x16xf32>,
      %swap3A_560 = vector.shape_cast %swap3A_559 : vector<1x16xf32> to vector<16xf32>
      %swap3A_561 = vector.shape_cast %broadcast_in_dim3A_5 : vector<16xf32> to vector<1x16xf32>
      tpu.vector_store %arg18[%swap3A_557, %swap3A_558], %swap3A_561 {strides = array<i32>} : memref<80x144xf32, #tpu.memory_space<vmem>>, vector<1x16xf32>,
      %swap3A_562 = arith.index_cast %scan3A_550 : i32 to index
      %swap3A_563 = arith.constant 32 : index
      %swap3A_564 = tpu.vector_load %arg18[%swap3A_562, %swap3A_563] {strides = array<i32>} : memref<80x144xf32, #tpu.memory_space<vmem>>, vector<1x16xf32>,
      %swap3A_565 = vector.shape_cast %swap3A_564 : vector<1x16xf32> to vector<16xf32>
      %swap3A_566 = vector.shape_cast %broadcast_in_dim3A_5 : vector<16xf32> to vector<1x16xf32>
      tpu.vector_store %arg18[%swap3A_562, %swap3A_563], %swap3A_566 {strides = array<i32>} : memref<80x144xf32, #tpu.memory_space<vmem>>, vector<1x16xf32>,
      %swap3A_567 = arith.index_cast %scan3A_550 : i32 to index
      %swap3A_568 = arith.constant 48 : index
      %swap3A_569 = tpu.vector_load %arg18[%swap3A_567, %swap3A_568] {strides = array<i32>} : memref<80x144xf32, #tpu.memory_space<vmem>>, vector<1x16xf32>,
      %swap3A_570 = vector.shape_cast %swap3A_569 : vector<1x16xf32> to vector<16xf32>
      %swap3A_571 = vector.shape_cast %broadcast_in_dim3A_5 : vector<16xf32> to vector<1x16xf32>
      tpu.vector_store %arg18[%swap3A_567, %swap3A_568], %swap3A_571 {strides = array<i32>} : memref<80x144xf32, #tpu.memory_space<vmem>>, vector<1x16xf32>,
      %swap3A_572 = arith.index_cast %scan3A_550 : i32 to index
      %swap3A_573 = arith.constant 64 : index
      %swap3A_574 = tpu.vector_load %arg18[%swap3A_572, %swap3A_573] {strides = array<i32>} : memref<80x144xf32, #tpu.memory_space<vmem>>, vector<1x16xf32>,
      %swap3A_575 = vector.shape_cast %swap3A_574 : vector<1x16xf32> to vector<16xf32>
      %swap3A_576 = vector.shape_cast %broadcast_in_dim3A_5 : vector<16xf32> to vector<1x16xf32>
      tpu.vector_store %arg18[%swap3A_572, %swap3A_573], %swap3A_576 {strides = array<i32>} : memref<80x144xf32, #tpu.memory_space<vmem>>, vector<1x16xf32>,
      %swap3A_577 = arith.index_cast %scan3A_550 : i32 to index
      %swap3A_578 = arith.constant 80 : index
      %swap3A_579 = tpu.vector_load %arg18[%swap3A_577, %swap3A_578] {strides = array<i32>} : memref<80x144xf32, #tpu.memory_space<vmem>>, vector<1x16xf32>,
      %swap3A_580 = vector.shape_cast %swap3A_579 : vector<1x16xf32> to vector<16xf32>
      %swap3A_581 = vector.shape_cast %broadcast_in_dim3A_5 : vector<16xf32> to vector<1x16xf32>
      tpu.vector_store %arg18[%swap3A_577, %swap3A_578], %swap3A_581 {strides = array<i32>} : memref<80x144xf32, #tpu.memory_space<vmem>>, vector<1x16xf32>,
      %swap3A_582 = arith.index_cast %scan3A_550 : i32 to index
      %swap3A_583 = arith.constant 96 : index
      %swap3A_584 = tpu.vector_load %arg18[%swap3A_582, %swap3A_583] {strides = array<i32>} : memref<80x144xf32, #tpu.memory_space<vmem>>, vector<1x16xf32>,
      %swap3A_585 = vector.shape_cast %swap3A_584 : vector<1x16xf32> to vector<16xf32>
      %swap3A_586 = vector.shape_cast %broadcast_in_dim3A_5 : vector<16xf32> to vector<1x16xf32>
      tpu.vector_store %arg18[%swap3A_582, %swap3A_583], %swap3A_586 {strides = array<i32>} : memref<80x144xf32, #tpu.memory_space<vmem>>, vector<1x16xf32>,
      %swap3A_587 = arith.index_cast %scan3A_550 : i32 to index
      %swap3A_588 = arith.constant 112 : index
      %swap3A_589 = tpu.vector_load %arg18[%swap3A_587, %swap3A_588] {strides = array<i32>} : memref<80x144xf32, #tpu.memory_space<vmem>>, vector<1x16xf32>,
      %swap3A_590 = vector.shape_cast %swap3A_589 : vector<1x16xf32> to vector<16xf32>
      %swap3A_591 = vector.shape_cast %broadcast_in_dim3A_5 : vector<16xf32> to vector<1x16xf32>
      tpu.vector_store %arg18[%swap3A_587, %swap3A_588], %swap3A_591 {strides = array<i32>} : memref<80x144xf32, #tpu.memory_space<vmem>>, vector<1x16xf32>,
      %swap3A_592 = arith.index_cast %scan3A_550 : i32 to index
      %swap3A_593 = arith.constant 128 : index
      %swap3A_594 = tpu.vector_load %arg18[%swap3A_592, %swap3A_593] {strides = array<i32>} : memref<80x144xf32, #tpu.memory_space<vmem>>, vector<1x16xf32>,
      %swap3A_595 = vector.shape_cast %swap3A_594 : vector<1x16xf32> to vector<16xf32>
      %swap3A_596 = vector.shape_cast %broadcast_in_dim3A_5 : vector<16xf32> to vector<1x16xf32>
      tpu.vector_store %arg18[%swap3A_592, %swap3A_593], %swap3A_596 {strides = array<i32>} : memref<80x144xf32, #tpu.memory_space<vmem>>, vector<1x16xf32>,
      %scan3A_597 = arith.constant 0 : i32
      scf.yield %scan3A_597 : i32
    }
    %scan3A_11 = arith.constant 80 : i32
    %add3A_12 = arith.constant 0 : i32
    %add3A_13 = arith.addi %mul3A_2, %add3A_12 : i32
    "tpu.region"() ({
      %run_scoped3A = tpu.sem_alloc : memref<!tpu.dma_semaphore, #tpu.memory_space<semaphore_mem>>
      %dma_start3A_550 = arith.constant 0 : i32
      %dma_start3A_551 = tpu.memref_slice %arg21[%add3A_13, %dma_start3A_550] : memref<10016x144xf32, #tpu.memory_space<vmem_shared>> -> memref<80x144xf32, #tpu.memory_space<vmem_shared>>
      %dma_start3A_552 = arith.constant 0 : i32
      %dma_start3A_553 = tpu.memref_slice %arg21[%add3A_13, %dma_start3A_552] : memref<10016x144xf32, #tpu.memory_space<vmem_shared>> -> memref<80x144xf32, #tpu.memory_space<vmem_shared>>
      tpu.enqueue_dma source(%arg18 : memref<80x144xf32, #tpu.memory_space<vmem>>) target(%dma_start3A_553 : memref<80x144xf32, #tpu.memory_space<vmem_shared>>) target_semaphore(%run_scoped3A : memref<!tpu.dma_semaphore, #tpu.memory_space<semaphore_mem>>)
      %dma_wait3A_554 = arith.constant 0 : i32
      %dma_wait3A_555 = tpu.memref_slice %arg21[%add3A_13, %dma_wait3A_554] : memref<10016x144xf32, #tpu.memory_space<vmem_shared>> -> memref<80x144xf32, #tpu.memory_space<vmem_shared>>
      %dma_wait3A_556 = arith.constant 0 : i32
      %dma_wait3A_557 = tpu.memref_slice %arg21[%add3A_13, %dma_wait3A_556] : memref<10016x144xf32, #tpu.memory_space<vmem_shared>> -> memref<80x144xf32, #tpu.memory_space<vmem_shared>>
      tpu.wait_dma2 semaphore(%run_scoped3A : memref<!tpu.dma_semaphore, #tpu.memory_space<semaphore_mem>>) src(%arg18 : memref<80x144xf32, #tpu.memory_space<vmem>>) dst(%dma_wait3A_557 : memref<80x144xf32, #tpu.memory_space<vmem_shared>>)
      tpu.yield
    }) : () -> ()
    %add3A_14 = arith.constant 80 : i32
    %add3A_15 = arith.addi %mul3A_2, %add3A_14 : i32
    "tpu.region"() ({
      %run_scoped3A = tpu.sem_alloc : memref<!tpu.dma_semaphore, #tpu.memory_space<semaphore_mem>>
      %dma_start3A_550 = arith.constant 0 : i32
      %dma_start3A_551 = tpu.memref_slice %arg21[%add3A_15, %dma_start3A_550] : memref<10016x144xf32, #tpu.memory_space<vmem_shared>> -> memref<80x144xf32, #tpu.memory_space<vmem_shared>>
      %dma_start3A_552 = arith.constant 0 : i32
      %dma_start3A_553 = tpu.memref_slice %arg21[%add3A_15, %dma_start3A_552] : memref<10016x144xf32, #tpu.memory_space<vmem_shared>> -> memref<80x144xf32, #tpu.memory_space<vmem_shared>>
      tpu.enqueue_dma source(%arg18 : memref<80x144xf32, #tpu.memory_space<vmem>>) target(%dma_start3A_553 : memref<80x144xf32, #tpu.memory_space<vmem_shared>>) target_semaphore(%run_scoped3A : memref<!tpu.dma_semaphore, #tpu.memory_space<semaphore_mem>>)
      %dma_wait3A_554 = arith.constant 0 : i32
      %dma_wait3A_555 = tpu.memref_slice %arg21[%add3A_15, %dma_wait3A_554] : memref<10016x144xf32, #tpu.memory_space<vmem_shared>> -> memref<80x144xf32, #tpu.memory_space<vmem_shared>>
      %dma_wait3A_556 = arith.constant 0 : i32
      %dma_wait3A_557 = tpu.memref_slice %arg21[%add3A_15, %dma_wait3A_556] : memref<10016x144xf32, #tpu.memory_space<vmem_shared>> -> memref<80x144xf32, #tpu.memory_space<vmem_shared>>
      tpu.wait_dma2 semaphore(%run_scoped3A : memref<!tpu.dma_semaphore, #tpu.memory_space<semaphore_mem>>) src(%arg18 : memref<80x144xf32, #tpu.memory_space<vmem>>) dst(%dma_wait3A_557 : memref<80x144xf32, #tpu.memory_space<vmem_shared>>)
      tpu.yield
    }) : () -> ()
    %add3A_16 = arith.constant 160 : i32
    %add3A_17 = arith.addi %mul3A_2, %add3A_16 : i32
    "tpu.region"() ({
      %run_scoped3A = tpu.sem_alloc : memref<!tpu.dma_semaphore, #tpu.memory_space<semaphore_mem>>
      %dma_start3A_550 = arith.constant 0 : i32
      %dma_start3A_551 = tpu.memref_slice %arg21[%add3A_17, %dma_start3A_550] : memref<10016x144xf32, #tpu.memory_space<vmem_shared>> -> memref<80x144xf32, #tpu.memory_space<vmem_shared>>
      %dma_start3A_552 = arith.constant 0 : i32
      %dma_start3A_553 = tpu.memref_slice %arg21[%add3A_17, %dma_start3A_552] : memref<10016x144xf32, #tpu.memory_space<vmem_shared>> -> memref<80x144xf32, #tpu.memory_space<vmem_shared>>
      tpu.enqueue_dma source(%arg18 : memref<80x144xf32, #tpu.memory_space<vmem>>) target(%dma_start3A_553 : memref<80x144xf32, #tpu.memory_space<vmem_shared>>) target_semaphore(%run_scoped3A : memref<!tpu.dma_semaphore, #tpu.memory_space<semaphore_mem>>)
      %dma_wait3A_554 = arith.constant 0 : i32
      %dma_wait3A_555 = tpu.memref_slice %arg21[%add3A_17, %dma_wait3A_554] : memref<10016x144xf32, #tpu.memory_space<vmem_shared>> -> memref<80x144xf32, #tpu.memory_space<vmem_shared>>
      %dma_wait3A_556 = arith.constant 0 : i32
      %dma_wait3A_557 = tpu.memref_slice %arg21[%add3A_17, %dma_wait3A_556] : memref<10016x144xf32, #tpu.memory_space<vmem_shared>> -> memref<80x144xf32, #tpu.memory_space<vmem_shared>>
      tpu.wait_dma2 semaphore(%run_scoped3A : memref<!tpu.dma_semaphore, #tpu.memory_space<semaphore_mem>>) src(%arg18 : memref<80x144xf32, #tpu.memory_space<vmem>>) dst(%dma_wait3A_557 : memref<80x144xf32, #tpu.memory_space<vmem_shared>>)
      tpu.yield
    }) : () -> ()
    %add3A_18 = arith.constant 240 : i32
    %add3A_19 = arith.addi %mul3A_2, %add3A_18 : i32
    "tpu.region"() ({
      %run_scoped3A = tpu.sem_alloc : memref<!tpu.dma_semaphore, #tpu.memory_space<semaphore_mem>>
      %dma_start3A_550 = arith.constant 0 : i32
      %dma_start3A_551 = tpu.memref_slice %arg21[%add3A_19, %dma_start3A_550] : memref<10016x144xf32, #tpu.memory_space<vmem_shared>> -> memref<80x144xf32, #tpu.memory_space<vmem_shared>>
      %dma_start3A_552 = arith.constant 0 : i32
      %dma_start3A_553 = tpu.memref_slice %arg21[%add3A_19, %dma_start3A_552] : memref<10016x144xf32, #tpu.memory_space<vmem_shared>> -> memref<80x144xf32, #tpu.memory_space<vmem_shared>>
      tpu.enqueue_dma source(%arg18 : memref<80x144xf32, #tpu.memory_space<vmem>>) target(%dma_start3A_553 : memref<80x144xf32, #tpu.memory_space<vmem_shared>>) target_semaphore(%run_scoped3A : memref<!tpu.dma_semaphore, #tpu.memory_space<semaphore_mem>>)
      %dma_wait3A_554 = arith.constant 0 : i32
      %dma_wait3A_555 = tpu.memref_slice %arg21[%add3A_19, %dma_wait3A_554] : memref<10016x144xf32, #tpu.memory_space<vmem_shared>> -> memref<80x144xf32, #tpu.memory_space<vmem_shared>>
      %dma_wait3A_556 = arith.constant 0 : i32
      %dma_wait3A_557 = tpu.memref_slice %arg21[%add3A_19, %dma_wait3A_556] : memref<10016x144xf32, #tpu.memory_space<vmem_shared>> -> memref<80x144xf32, #tpu.memory_space<vmem_shared>>
      tpu.wait_dma2 semaphore(%run_scoped3A : memref<!tpu.dma_semaphore, #tpu.memory_space<semaphore_mem>>) src(%arg18 : memref<80x144xf32, #tpu.memory_space<vmem>>) dst(%dma_wait3A_557 : memref<80x144xf32, #tpu.memory_space<vmem_shared>>)
      tpu.yield
    }) : () -> ()
    %add3A_20 = arith.constant 320 : i32
    %add3A_21 = arith.addi %mul3A_2, %add3A_20 : i32
    "tpu.region"() ({
      %run_scoped3A = tpu.sem_alloc : memref<!tpu.dma_semaphore, #tpu.memory_space<semaphore_mem>>
      %dma_start3A_550 = arith.constant 0 : i32
      %dma_start3A_551 = tpu.memref_slice %arg21[%add3A_21, %dma_start3A_550] : memref<10016x144xf32, #tpu.memory_space<vmem_shared>> -> memref<80x144xf32, #tpu.memory_space<vmem_shared>>
      %dma_start3A_552 = arith.constant 0 : i32
      %dma_start3A_553 = tpu.memref_slice %arg21[%add3A_21, %dma_start3A_552] : memref<10016x144xf32, #tpu.memory_space<vmem_shared>> -> memref<80x144xf32, #tpu.memory_space<vmem_shared>>
      tpu.enqueue_dma source(%arg18 : memref<80x144xf32, #tpu.memory_space<vmem>>) target(%dma_start3A_553 : memref<80x144xf32, #tpu.memory_space<vmem_shared>>) target_semaphore(%run_scoped3A : memref<!tpu.dma_semaphore, #tpu.memory_space<semaphore_mem>>)
      %dma_wait3A_554 = arith.constant 0 : i32
      %dma_wait3A_555 = tpu.memref_slice %arg21[%add3A_21, %dma_wait3A_554] : memref<10016x144xf32, #tpu.memory_space<vmem_shared>> -> memref<80x144xf32, #tpu.memory_space<vmem_shared>>
      %dma_wait3A_556 = arith.constant 0 : i32
      %dma_wait3A_557 = tpu.memref_slice %arg21[%add3A_21, %dma_wait3A_556] : memref<10016x144xf32, #tpu.memory_space<vmem_shared>> -> memref<80x144xf32, #tpu.memory_space<vmem_shared>>
      tpu.wait_dma2 semaphore(%run_scoped3A : memref<!tpu.dma_semaphore, #tpu.memory_space<semaphore_mem>>) src(%arg18 : memref<80x144xf32, #tpu.memory_space<vmem>>) dst(%dma_wait3A_557 : memref<80x144xf32, #tpu.memory_space<vmem_shared>>)
      tpu.yield
    }) : () -> ()
    %add3A_22 = arith.constant 400 : i32
    %add3A_23 = arith.addi %mul3A_2, %add3A_22 : i32
    "tpu.region"() ({
      %run_scoped3A = tpu.sem_alloc : memref<!tpu.dma_semaphore, #tpu.memory_space<semaphore_mem>>
      %dma_start3A_550 = arith.constant 0 : i32
      %dma_start3A_551 = tpu.memref_slice %arg21[%add3A_23, %dma_start3A_550] : memref<10016x144xf32, #tpu.memory_space<vmem_shared>> -> memref<80x144xf32, #tpu.memory_space<vmem_shared>>
      %dma_start3A_552 = arith.constant 0 : i32
      %dma_start3A_553 = tpu.memref_slice %arg21[%add3A_23, %dma_start3A_552] : memref<10016x144xf32, #tpu.memory_space<vmem_shared>> -> memref<80x144xf32, #tpu.memory_space<vmem_shared>>
      tpu.enqueue_dma source(%arg18 : memref<80x144xf32, #tpu.memory_space<vmem>>) target(%dma_start3A_553 : memref<80x144xf32, #tpu.memory_space<vmem_shared>>) target_semaphore(%run_scoped3A : memref<!tpu.dma_semaphore, #tpu.memory_space<semaphore_mem>>)
      %dma_wait3A_554 = arith.constant 0 : i32
      %dma_wait3A_555 = tpu.memref_slice %arg21[%add3A_23, %dma_wait3A_554] : memref<10016x144xf32, #tpu.memory_space<vmem_shared>> -> memref<80x144xf32, #tpu.memory_space<vmem_shared>>
      %dma_wait3A_556 = arith.constant 0 : i32
      %dma_wait3A_557 = tpu.memref_slice %arg21[%add3A_23, %dma_wait3A_556] : memref<10016x144xf32, #tpu.memory_space<vmem_shared>> -> memref<80x144xf32, #tpu.memory_space<vmem_shared>>
      tpu.wait_dma2 semaphore(%run_scoped3A : memref<!tpu.dma_semaphore, #tpu.memory_space<semaphore_mem>>) src(%arg18 : memref<80x144xf32, #tpu.memory_space<vmem>>) dst(%dma_wait3A_557 : memref<80x144xf32, #tpu.memory_space<vmem_shared>>)
      tpu.yield
    }) : () -> ()
    %add3A_24 = arith.constant 480 : i32
    %add3A_25 = arith.addi %mul3A_2, %add3A_24 : i32
    "tpu.region"() ({
      %run_scoped3A = tpu.sem_alloc : memref<!tpu.dma_semaphore, #tpu.memory_space<semaphore_mem>>
      %dma_start3A_550 = arith.constant 0 : i32
      %dma_start3A_551 = tpu.memref_slice %arg21[%add3A_25, %dma_start3A_550] : memref<10016x144xf32, #tpu.memory_space<vmem_shared>> -> memref<80x144xf32, #tpu.memory_space<vmem_shared>>
      %dma_start3A_552 = arith.constant 0 : i32
      %dma_start3A_553 = tpu.memref_slice %arg21[%add3A_25, %dma_start3A_552] : memref<10016x144xf32, #tpu.memory_space<vmem_shared>> -> memref<80x144xf32, #tpu.memory_space<vmem_shared>>
      tpu.enqueue_dma source(%arg18 : memref<80x144xf32, #tpu.memory_space<vmem>>) target(%dma_start3A_553 : memref<80x144xf32, #tpu.memory_space<vmem_shared>>) target_semaphore(%run_scoped3A : memref<!tpu.dma_semaphore, #tpu.memory_space<semaphore_mem>>)
      %dma_wait3A_554 = arith.constant 0 : i32
      %dma_wait3A_555 = tpu.memref_slice %arg21[%add3A_25, %dma_wait3A_554] : memref<10016x144xf32, #tpu.memory_space<vmem_shared>> -> memref<80x144xf32, #tpu.memory_space<vmem_shared>>
      %dma_wait3A_556 = arith.constant 0 : i32
      %dma_wait3A_557 = tpu.memref_slice %arg21[%add3A_25, %dma_wait3A_556] : memref<10016x144xf32, #tpu.memory_space<vmem_shared>> -> memref<80x144xf32, #tpu.memory_space<vmem_shared>>
      tpu.wait_dma2 semaphore(%run_scoped3A : memref<!tpu.dma_semaphore, #tpu.memory_space<semaphore_mem>>) src(%arg18 : memref<80x144xf32, #tpu.memory_space<vmem>>) dst(%dma_wait3A_557 : memref<80x144xf32, #tpu.memory_space<vmem_shared>>)
      tpu.yield
    }) : () -> ()
    %add3A_26 = arith.constant 560 : i32
    %add3A_27 = arith.addi %mul3A_2, %add3A_26 : i32
    "tpu.region"() ({
      %run_scoped3A = tpu.sem_alloc : memref<!tpu.dma_semaphore, #tpu.memory_space<semaphore_mem>>
      %dma_start3A_550 = arith.constant 0 : i32
      %dma_start3A_551 = arith.constant 0 : i32
      %dma_start3A_552 = tpu.memref_slice %arg18[%dma_start3A_550, %dma_start3A_551] : memref<80x144xf32, #tpu.memory_space<vmem>> -> memref<66x144xf32, #tpu.memory_space<vmem>>
      %dma_start3A_553 = arith.constant 0 : i32
      %dma_start3A_554 = tpu.memref_slice %arg21[%add3A_27, %dma_start3A_553] : memref<10016x144xf32, #tpu.memory_space<vmem_shared>> -> memref<66x144xf32, #tpu.memory_space<vmem_shared>>
      %dma_start3A_555 = arith.constant 0 : i32
      %dma_start3A_556 = tpu.memref_slice %arg21[%add3A_27, %dma_start3A_555] : memref<10016x144xf32, #tpu.memory_space<vmem_shared>> -> memref<66x144xf32, #tpu.memory_space<vmem_shared>>
      %dma_start3A_557 = arith.constant 0 : i32
      %dma_start3A_558 = arith.constant 0 : i32
      %dma_start3A_559 = tpu.memref_slice %arg18[%dma_start3A_557, %dma_start3A_558] : memref<80x144xf32, #tpu.memory_space<vmem>> -> memref<66x144xf32, #tpu.memory_space<vmem>>
      tpu.enqueue_dma source(%dma_start3A_559 : memref<66x144xf32, #tpu.memory_space<vmem>>) target(%dma_start3A_556 : memref<66x144xf32, #tpu.memory_space<vmem_shared>>) target_semaphore(%run_scoped3A : memref<!tpu.dma_semaphore, #tpu.memory_space<semaphore_mem>>)
      %dma_wait3A_560 = arith.constant 0 : i32
      %dma_wait3A_561 = arith.constant 0 : i32
      %dma_wait3A_562 = tpu.memref_slice %arg18[%dma_wait3A_560, %dma_wait3A_561] : memref<80x144xf32, #tpu.memory_space<vmem>> -> memref<66x144xf32, #tpu.memory_space<vmem>>
      %dma_wait3A_563 = arith.constant 0 : i32
      %dma_wait3A_564 = tpu.memref_slice %arg21[%add3A_27, %dma_wait3A_563] : memref<10016x144xf32, #tpu.memory_space<vmem_shared>> -> memref<66x144xf32, #tpu.memory_space<vmem_shared>>
      %dma_wait3A_565 = arith.constant 0 : i32
      %dma_wait3A_566 = tpu.memref_slice %arg21[%add3A_27, %dma_wait3A_565] : memref<10016x144xf32, #tpu.memory_space<vmem_shared>> -> memref<66x144xf32, #tpu.memory_space<vmem_shared>>
      %dma_wait3A_567 = arith.constant 0 : i32
      %dma_wait3A_568 = arith.constant 0 : i32
      %dma_wait3A_569 = tpu.memref_slice %arg18[%dma_wait3A_567, %dma_wait3A_568] : memref<80x144xf32, #tpu.memory_space<vmem>> -> memref<66x144xf32, #tpu.memory_space<vmem>>
      tpu.wait_dma2 semaphore(%run_scoped3A : memref<!tpu.dma_semaphore, #tpu.memory_space<semaphore_mem>>) src(%dma_wait3A_569 : memref<66x144xf32, #tpu.memory_space<vmem>>) dst(%dma_wait3A_566 : memref<66x144xf32, #tpu.memory_space<vmem_shared>>)
      tpu.yield
    }) : () -> ()
    %barrier3A = arith.constant 0 : index
    tpu.barrier barrier_id(%barrier3A)
    %add3A_28 = arith.constant 0 : i32
    %add3A_29 = arith.addi %mul3A_4, %add3A_28 : i32
    %mul3A_30 = arith.constant 80 : i32
    %mul3A_31 = arith.muli %add3A_29, %mul3A_30 : i32
    %multiple_of3A = tpu.assume_multiple %mul3A_31, 80 : i32
    %dma_start3A = tpu.memref_slice %arg4[%multiple_of3A] : memref<645120xi32, #tpu.memory_space<hbm>> -> memref<80xi32, #tpu.memory_space<hbm>>
    %dma_start3A_32 = tpu.memref_slice %arg4[%multiple_of3A] : memref<645120xi32, #tpu.memory_space<hbm>> -> memref<80xi32, #tpu.memory_space<hbm>>
    tpu.enqueue_dma source(%dma_start3A_32 : memref<80xi32, #tpu.memory_space<hbm>>) target(%arg6 : memref<80xi32, #tpu.memory_space<vmem>>) target_semaphore(%arg22 : memref<!tpu.dma_semaphore, #tpu.memory_space<semaphore_mem>>)
    %add3A_33 = arith.constant 0 : i32
    %add3A_34 = arith.addi %mul3A_4, %add3A_33 : i32
    %mul3A_35 = arith.constant 80 : i32
    %mul3A_36 = arith.muli %add3A_34, %mul3A_35 : i32
    %add3A_37 = arith.constant 322560 : i32
    %add3A_38 = arith.addi %add3A_37, %mul3A_36 : i32
    %multiple_of3A_39 = tpu.assume_multiple %add3A_38, 80 : i32
    %dma_start3A_40 = tpu.memref_slice %arg4[%multiple_of3A_39] : memref<645120xi32, #tpu.memory_space<hbm>> -> memref<80xi32, #tpu.memory_space<hbm>>
    %dma_start3A_41 = tpu.memref_slice %arg4[%multiple_of3A_39] : memref<645120xi32, #tpu.memory_space<hbm>> -> memref<80xi32, #tpu.memory_space<hbm>>
    tpu.enqueue_dma source(%dma_start3A_41 : memref<80xi32, #tpu.memory_space<hbm>>) target(%arg9 : memref<80xi32, #tpu.memory_space<vmem>>) target_semaphore(%arg25 : memref<!tpu.dma_semaphore, #tpu.memory_space<semaphore_mem>>)
    %dma_wait3A = arith.constant 0 : i32
    %dma_wait3A_42 = tpu.memref_slice %arg4[%dma_wait3A] : memref<645120xi32, #tpu.memory_space<hbm>> -> memref<80xi32, #tpu.memory_space<hbm>>
    %dma_wait3A_43 = arith.constant 0 : i32
    %dma_wait3A_44 = tpu.memref_slice %arg4[%dma_wait3A_43] : memref<645120xi32, #tpu.memory_space<hbm>> -> memref<80xi32, #tpu.memory_space<hbm>>
    tpu.wait_dma2 semaphore(%arg22 : memref<!tpu.dma_semaphore, #tpu.memory_space<semaphore_mem>>) src(%dma_wait3A_44 : memref<80xi32, #tpu.memory_space<hbm>>) dst(%arg6 : memref<80xi32, #tpu.memory_space<vmem>>)
    %dma_wait3A_45 = arith.constant 0 : i32
    %dma_wait3A_46 = tpu.memref_slice %arg4[%dma_wait3A_45] : memref<645120xi32, #tpu.memory_space<hbm>> -> memref<80xi32, #tpu.memory_space<hbm>>
    %dma_wait3A_47 = arith.constant 0 : i32
    %dma_wait3A_48 = tpu.memref_slice %arg4[%dma_wait3A_47] : memref<645120xi32, #tpu.memory_space<hbm>> -> memref<80xi32, #tpu.memory_space<hbm>>
    tpu.wait_dma2 semaphore(%arg25 : memref<!tpu.dma_semaphore, #tpu.memory_space<semaphore_mem>>) src(%dma_wait3A_48 : memref<80xi32, #tpu.memory_space<hbm>>) dst(%arg9 : memref<80xi32, #tpu.memory_space<vmem>>)
    %get3A = arith.constant 0 : index
    %get3A_49 = tpu.vector_load %arg6[%get3A] {strides = array<i32>} : memref<80xi32, #tpu.memory_space<vmem>>, vector<16xi32>,
    %get3A_50 = vector.shape_cast %get3A_49 : vector<16xi32> to vector<16xi32>
    %get3A_51 = arith.constant 0 : index
    %get3A_52 = tpu.vector_load %arg9[%get3A_51] {strides = array<i32>} : memref<80xi32, #tpu.memory_space<vmem>>, vector<16xi32>,
    %get3A_53 = vector.shape_cast %get3A_52 : vector<16xi32> to vector<16xi32>
    %eq3A = arith.cmpi eq, %get3A_50, %get3A_53 : vector<16xi32>
    %jit3A = arith.constant 10000 : i32
    %broadcast_in_dim3A_54 = vector.broadcast %jit3A : i32 to vector<16xi32>
    %select_n3A = arith.select %eq3A, %broadcast_in_dim3A_54, %get3A_50 : vector<16xi1>, vector<16xi32>
    %swap3A = arith.constant 0 : index
    %swap3A_55 = tpu.vector_load %arg6[%swap3A] {strides = array<i32>} : memref<80xi32, #tpu.memory_space<vmem>>, vector<16xi32>,
    %swap3A_56 = vector.shape_cast %swap3A_55 : vector<16xi32> to vector<16xi32>
    %swap3A_57 = vector.shape_cast %select_n3A : vector<16xi32> to vector<16xi32>
    tpu.vector_store %arg6[%swap3A], %swap3A_57 {strides = array<i32>} : memref<80xi32, #tpu.memory_space<vmem>>, vector<16xi32>,
    %jit3A_58 = arith.constant 10000 : i32
    %broadcast_in_dim3A_59 = vector.broadcast %jit3A_58 : i32 to vector<16xi32>
    %select_n3A_60 = arith.select %eq3A, %broadcast_in_dim3A_59, %get3A_53 : vector<16xi1>, vector<16xi32>
    %swap3A_61 = arith.constant 0 : index
    %swap3A_62 = tpu.vector_load %arg9[%swap3A_61] {strides = array<i32>} : memref<80xi32, #tpu.memory_space<vmem>>, vector<16xi32>,
    %swap3A_63 = vector.shape_cast %swap3A_62 : vector<16xi32> to vector<16xi32>
    %swap3A_64 = vector.shape_cast %select_n3A_60 : vector<16xi32> to vector<16xi32>
    tpu.vector_store %arg9[%swap3A_61], %swap3A_64 {strides = array<i32>} : memref<80xi32, #tpu.memory_space<vmem>>, vector<16xi32>,
    %swap3A_65 = arith.constant 0 : index
    %swap3A_66 = tpu.vector_load %arg12[%swap3A_65] {strides = array<i32>} : memref<80xi32, #tpu.memory_space<vmem>>, vector<16xi32>,
    %swap3A_67 = vector.shape_cast %swap3A_66 : vector<16xi32> to vector<16xi32>
    %swap3A_68 = vector.shape_cast %select_n3A_60 : vector<16xi32> to vector<16xi32>
    tpu.vector_store %arg12[%swap3A_65], %swap3A_68 {strides = array<i32>} : memref<80xi32, #tpu.memory_space<vmem>>, vector<16xi32>,
    %get3A_69 = arith.constant 16 : index
    %get3A_70 = tpu.vector_load %arg6[%get3A_69] {strides = array<i32>} : memref<80xi32, #tpu.memory_space<vmem>>, vector<16xi32>,
    %get3A_71 = vector.shape_cast %get3A_70 : vector<16xi32> to vector<16xi32>
    %get3A_72 = arith.constant 16 : index
    %get3A_73 = tpu.vector_load %arg9[%get3A_72] {strides = array<i32>} : memref<80xi32, #tpu.memory_space<vmem>>, vector<16xi32>,
    %get3A_74 = vector.shape_cast %get3A_73 : vector<16xi32> to vector<16xi32>
    %eq3A_75 = arith.cmpi eq, %get3A_71, %get3A_74 : vector<16xi32>
    %jit3A_76 = arith.constant 10000 : i32
    %broadcast_in_dim3A_77 = vector.broadcast %jit3A_76 : i32 to vector<16xi32>
    %select_n3A_78 = arith.select %eq3A_75, %broadcast_in_dim3A_77, %get3A_71 : vector<16xi1>, vector<16xi32>
    %swap3A_79 = arith.constant 16 : index
    %swap3A_80 = tpu.vector_load %arg6[%swap3A_79] {strides = array<i32>} : memref<80xi32, #tpu.memory_space<vmem>>, vector<16xi32>,
    %swap3A_81 = vector.shape_cast %swap3A_80 : vector<16xi32> to vector<16xi32>
    %swap3A_82 = vector.shape_cast %select_n3A_78 : vector<16xi32> to vector<16xi32>
    tpu.vector_store %arg6[%swap3A_79], %swap3A_82 {strides = array<i32>} : memref<80xi32, #tpu.memory_space<vmem>>, vector<16xi32>,
    %jit3A_83 = arith.constant 10000 : i32
    %broadcast_in_dim3A_84 = vector.broadcast %jit3A_83 : i32 to vector<16xi32>
    %select_n3A_85 = arith.select %eq3A_75, %broadcast_in_dim3A_84, %get3A_74 : vector<16xi1>, vector<16xi32>
    %swap3A_86 = arith.constant 16 : index
    %swap3A_87 = tpu.vector_load %arg9[%swap3A_86] {strides = array<i32>} : memref<80xi32, #tpu.memory_space<vmem>>, vector<16xi32>,
    %swap3A_88 = vector.shape_cast %swap3A_87 : vector<16xi32> to vector<16xi32>
    %swap3A_89 = vector.shape_cast %select_n3A_85 : vector<16xi32> to vector<16xi32>
    tpu.vector_store %arg9[%swap3A_86], %swap3A_89 {strides = array<i32>} : memref<80xi32, #tpu.memory_space<vmem>>, vector<16xi32>,
    %swap3A_90 = arith.constant 16 : index
    %swap3A_91 = tpu.vector_load %arg12[%swap3A_90] {strides = array<i32>} : memref<80xi32, #tpu.memory_space<vmem>>, vector<16xi32>,
    %swap3A_92 = vector.shape_cast %swap3A_91 : vector<16xi32> to vector<16xi32>
    %swap3A_93 = vector.shape_cast %select_n3A_85 : vector<16xi32> to vector<16xi32>
    tpu.vector_store %arg12[%swap3A_90], %swap3A_93 {strides = array<i32>} : memref<80xi32, #tpu.memory_space<vmem>>, vector<16xi32>,
    %get3A_94 = arith.constant 32 : index
    %get3A_95 = tpu.vector_load %arg6[%get3A_94] {strides = array<i32>} : memref<80xi32, #tpu.memory_space<vmem>>, vector<16xi32>,
    %get3A_96 = vector.shape_cast %get3A_95 : vector<16xi32> to vector<16xi32>
    %get3A_97 = arith.constant 32 : index
    %get3A_98 = tpu.vector_load %arg9[%get3A_97] {strides = array<i32>} : memref<80xi32, #tpu.memory_space<vmem>>, vector<16xi32>,
    %get3A_99 = vector.shape_cast %get3A_98 : vector<16xi32> to vector<16xi32>
    %eq3A_100 = arith.cmpi eq, %get3A_96, %get3A_99 : vector<16xi32>
    %jit3A_101 = arith.constant 10000 : i32
    %broadcast_in_dim3A_102 = vector.broadcast %jit3A_101 : i32 to vector<16xi32>
    %select_n3A_103 = arith.select %eq3A_100, %broadcast_in_dim3A_102, %get3A_96 : vector<16xi1>, vector<16xi32>
    %swap3A_104 = arith.constant 32 : index
    %swap3A_105 = tpu.vector_load %arg6[%swap3A_104] {strides = array<i32>} : memref<80xi32, #tpu.memory_space<vmem>>, vector<16xi32>,
    %swap3A_106 = vector.shape_cast %swap3A_105 : vector<16xi32> to vector<16xi32>
    %swap3A_107 = vector.shape_cast %select_n3A_103 : vector<16xi32> to vector<16xi32>
    tpu.vector_store %arg6[%swap3A_104], %swap3A_107 {strides = array<i32>} : memref<80xi32, #tpu.memory_space<vmem>>, vector<16xi32>,
    %jit3A_108 = arith.constant 10000 : i32
    %broadcast_in_dim3A_109 = vector.broadcast %jit3A_108 : i32 to vector<16xi32>
    %select_n3A_110 = arith.select %eq3A_100, %broadcast_in_dim3A_109, %get3A_99 : vector<16xi1>, vector<16xi32>
    %swap3A_111 = arith.constant 32 : index
    %swap3A_112 = tpu.vector_load %arg9[%swap3A_111] {strides = array<i32>} : memref<80xi32, #tpu.memory_space<vmem>>, vector<16xi32>,
    %swap3A_113 = vector.shape_cast %swap3A_112 : vector<16xi32> to vector<16xi32>
    %swap3A_114 = vector.shape_cast %select_n3A_110 : vector<16xi32> to vector<16xi32>
    tpu.vector_store %arg9[%swap3A_111], %swap3A_114 {strides = array<i32>} : memref<80xi32, #tpu.memory_space<vmem>>, vector<16xi32>,
    %swap3A_115 = arith.constant 32 : index
    %swap3A_116 = tpu.vector_load %arg12[%swap3A_115] {strides = array<i32>} : memref<80xi32, #tpu.memory_space<vmem>>, vector<16xi32>,
    %swap3A_117 = vector.shape_cast %swap3A_116 : vector<16xi32> to vector<16xi32>
    %swap3A_118 = vector.shape_cast %select_n3A_110 : vector<16xi32> to vector<16xi32>
    tpu.vector_store %arg12[%swap3A_115], %swap3A_118 {strides = array<i32>} : memref<80xi32, #tpu.memory_space<vmem>>, vector<16xi32>,
    %get3A_119 = arith.constant 48 : index
    %get3A_120 = tpu.vector_load %arg6[%get3A_119] {strides = array<i32>} : memref<80xi32, #tpu.memory_space<vmem>>, vector<16xi32>,
    %get3A_121 = vector.shape_cast %get3A_120 : vector<16xi32> to vector<16xi32>
    %get3A_122 = arith.constant 48 : index
    %get3A_123 = tpu.vector_load %arg9[%get3A_122] {strides = array<i32>} : memref<80xi32, #tpu.memory_space<vmem>>, vector<16xi32>,
    %get3A_124 = vector.shape_cast %get3A_123 : vector<16xi32> to vector<16xi32>
    %eq3A_125 = arith.cmpi eq, %get3A_121, %get3A_124 : vector<16xi32>
    %jit3A_126 = arith.constant 10000 : i32
    %broadcast_in_dim3A_127 = vector.broadcast %jit3A_126 : i32 to vector<16xi32>
    %select_n3A_128 = arith.select %eq3A_125, %broadcast_in_dim3A_127, %get3A_121 : vector<16xi1>, vector<16xi32>
    %swap3A_129 = arith.constant 48 : index
    %swap3A_130 = tpu.vector_load %arg6[%swap3A_129] {strides = array<i32>} : memref<80xi32, #tpu.memory_space<vmem>>, vector<16xi32>,
    %swap3A_131 = vector.shape_cast %swap3A_130 : vector<16xi32> to vector<16xi32>
    %swap3A_132 = vector.shape_cast %select_n3A_128 : vector<16xi32> to vector<16xi32>
    tpu.vector_store %arg6[%swap3A_129], %swap3A_132 {strides = array<i32>} : memref<80xi32, #tpu.memory_space<vmem>>, vector<16xi32>,
    %jit3A_133 = arith.constant 10000 : i32
    %broadcast_in_dim3A_134 = vector.broadcast %jit3A_133 : i32 to vector<16xi32>
    %select_n3A_135 = arith.select %eq3A_125, %broadcast_in_dim3A_134, %get3A_124 : vector<16xi1>, vector<16xi32>
    %swap3A_136 = arith.constant 48 : index
    %swap3A_137 = tpu.vector_load %arg9[%swap3A_136] {strides = array<i32>} : memref<80xi32, #tpu.memory_space<vmem>>, vector<16xi32>,
    %swap3A_138 = vector.shape_cast %swap3A_137 : vector<16xi32> to vector<16xi32>
    %swap3A_139 = vector.shape_cast %select_n3A_135 : vector<16xi32> to vector<16xi32>
    tpu.vector_store %arg9[%swap3A_136], %swap3A_139 {strides = array<i32>} : memref<80xi32, #tpu.memory_space<vmem>>, vector<16xi32>,
    %swap3A_140 = arith.constant 48 : index
    %swap3A_141 = tpu.vector_load %arg12[%swap3A_140] {strides = array<i32>} : memref<80xi32, #tpu.memory_space<vmem>>, vector<16xi32>,
    %swap3A_142 = vector.shape_cast %swap3A_141 : vector<16xi32> to vector<16xi32>
    %swap3A_143 = vector.shape_cast %select_n3A_135 : vector<16xi32> to vector<16xi32>
    tpu.vector_store %arg12[%swap3A_140], %swap3A_143 {strides = array<i32>} : memref<80xi32, #tpu.memory_space<vmem>>, vector<16xi32>,
    %get3A_144 = arith.constant 64 : index
    %get3A_145 = tpu.vector_load %arg6[%get3A_144] {strides = array<i32>} : memref<80xi32, #tpu.memory_space<vmem>>, vector<16xi32>,
    %get3A_146 = vector.shape_cast %get3A_145 : vector<16xi32> to vector<16xi32>
    %get3A_147 = arith.constant 64 : index
    %get3A_148 = tpu.vector_load %arg9[%get3A_147] {strides = array<i32>} : memref<80xi32, #tpu.memory_space<vmem>>, vector<16xi32>,
    %get3A_149 = vector.shape_cast %get3A_148 : vector<16xi32> to vector<16xi32>
    %eq3A_150 = arith.cmpi eq, %get3A_146, %get3A_149 : vector<16xi32>
    %jit3A_151 = arith.constant 10000 : i32
    %broadcast_in_dim3A_152 = vector.broadcast %jit3A_151 : i32 to vector<16xi32>
    %select_n3A_153 = arith.select %eq3A_150, %broadcast_in_dim3A_152, %get3A_146 : vector<16xi1>, vector<16xi32>
    %swap3A_154 = arith.constant 64 : index
    %swap3A_155 = tpu.vector_load %arg6[%swap3A_154] {strides = array<i32>} : memref<80xi32, #tpu.memory_space<vmem>>, vector<16xi32>,
    %swap3A_156 = vector.shape_cast %swap3A_155 : vector<16xi32> to vector<16xi32>
    %swap3A_157 = vector.shape_cast %select_n3A_153 : vector<16xi32> to vector<16xi32>
    tpu.vector_store %arg6[%swap3A_154], %swap3A_157 {strides = array<i32>} : memref<80xi32, #tpu.memory_space<vmem>>, vector<16xi32>,
    %jit3A_158 = arith.constant 10000 : i32
    %broadcast_in_dim3A_159 = vector.broadcast %jit3A_158 : i32 to vector<16xi32>
    %select_n3A_160 = arith.select %eq3A_150, %broadcast_in_dim3A_159, %get3A_149 : vector<16xi1>, vector<16xi32>
    %swap3A_161 = arith.constant 64 : index
    %swap3A_162 = tpu.vector_load %arg9[%swap3A_161] {strides = array<i32>} : memref<80xi32, #tpu.memory_space<vmem>>, vector<16xi32>,
    %swap3A_163 = vector.shape_cast %swap3A_162 : vector<16xi32> to vector<16xi32>
    %swap3A_164 = vector.shape_cast %select_n3A_160 : vector<16xi32> to vector<16xi32>
    tpu.vector_store %arg9[%swap3A_161], %swap3A_164 {strides = array<i32>} : memref<80xi32, #tpu.memory_space<vmem>>, vector<16xi32>,
    %swap3A_165 = arith.constant 64 : index
    %swap3A_166 = tpu.vector_load %arg12[%swap3A_165] {strides = array<i32>} : memref<80xi32, #tpu.memory_space<vmem>>, vector<16xi32>,
    %swap3A_167 = vector.shape_cast %swap3A_166 : vector<16xi32> to vector<16xi32>
    %swap3A_168 = vector.shape_cast %select_n3A_160 : vector<16xi32> to vector<16xi32>
    tpu.vector_store %arg12[%swap3A_165], %swap3A_168 {strides = array<i32>} : memref<80xi32, #tpu.memory_space<vmem>>, vector<16xi32>,
    %dma_start3A_169 = arith.constant 0 : i32
    %dma_start3A_170 = arith.constant 0 : i32
    %dma_start3A_171 = tpu.memref_slice %arg2[%dma_start3A_169, %dma_start3A_170] : memref<10016x144xf32, #tpu.memory_space<hbm>> -> memref<10016x144xf32, #tpu.memory_space<hbm>>
    tpu.enqueue_indirect_dma source(%dma_start3A_171 : memref<10016x144xf32, #tpu.memory_space<hbm>>) target(%arg18 : memref<80x144xf32, #tpu.memory_space<vmem>>) offsets(%arg6 : memref<80xi32, #tpu.memory_space<vmem>>) semaphore(%arg31 : memref<!tpu.dma_semaphore, #tpu.memory_space<semaphore_mem>>)
    %dma_start3A_172 = arith.constant 0 : i32
    %dma_start3A_173 = arith.constant 0 : i32
    %dma_start3A_174 = tpu.memref_slice %arg3[%dma_start3A_172, %dma_start3A_173] : memref<10016x16xf32, #tpu.memory_space<hbm>> -> memref<10016x16xf32, #tpu.memory_space<hbm>>
    tpu.enqueue_indirect_dma source(%dma_start3A_174 : memref<10016x16xf32, #tpu.memory_space<hbm>>) target(%arg15 : memref<80x16xf32, #tpu.memory_space<vmem>>) offsets(%arg9 : memref<80xi32, #tpu.memory_space<vmem>>) semaphore(%arg28 : memref<!tpu.dma_semaphore, #tpu.memory_space<semaphore_mem>>)
    %add3A_175 = arith.constant 1 : i32
    %add3A_176 = arith.addi %mul3A_4, %add3A_175 : i32
    %mul3A_177 = arith.constant 80 : i32
    %mul3A_178 = arith.muli %add3A_176, %mul3A_177 : i32
    %multiple_of3A_179 = tpu.assume_multiple %mul3A_178, 80 : i32
    %dma_start3A_180 = tpu.memref_slice %arg4[%multiple_of3A_179] : memref<645120xi32, #tpu.memory_space<hbm>> -> memref<80xi32, #tpu.memory_space<hbm>>
    %dma_start3A_181 = tpu.memref_slice %arg4[%multiple_of3A_179] : memref<645120xi32, #tpu.memory_space<hbm>> -> memref<80xi32, #tpu.memory_space<hbm>>
    tpu.enqueue_dma source(%dma_start3A_181 : memref<80xi32, #tpu.memory_space<hbm>>) target(%arg7 : memref<80xi32, #tpu.memory_space<vmem>>) target_semaphore(%arg23 : memref<!tpu.dma_semaphore, #tpu.memory_space<semaphore_mem>>)
    %add3A_182 = arith.constant 1 : i32
    %add3A_183 = arith.addi %mul3A_4, %add3A_182 : i32
    %mul3A_184 = arith.constant 80 : i32
    %mul3A_185 = arith.muli %add3A_183, %mul3A_184 : i32
    %add3A_186 = arith.constant 322560 : i32
    %add3A_187 = arith.addi %add3A_186, %mul3A_185 : i32
    %multiple_of3A_188 = tpu.assume_multiple %add3A_187, 80 : i32
    %dma_start3A_189 = tpu.memref_slice %arg4[%multiple_of3A_188] : memref<645120xi32, #tpu.memory_space<hbm>> -> memref<80xi32, #tpu.memory_space<hbm>>
    %dma_start3A_190 = tpu.memref_slice %arg4[%multiple_of3A_188] : memref<645120xi32, #tpu.memory_space<hbm>> -> memref<80xi32, #tpu.memory_space<hbm>>
    tpu.enqueue_dma source(%dma_start3A_190 : memref<80xi32, #tpu.memory_space<hbm>>) target(%arg10 : memref<80xi32, #tpu.memory_space<vmem>>) target_semaphore(%arg26 : memref<!tpu.dma_semaphore, #tpu.memory_space<semaphore_mem>>)
    %dma_wait3A_191 = arith.constant 0 : i32
    %dma_wait3A_192 = tpu.memref_slice %arg4[%dma_wait3A_191] : memref<645120xi32, #tpu.memory_space<hbm>> -> memref<80xi32, #tpu.memory_space<hbm>>
    %dma_wait3A_193 = arith.constant 0 : i32
    %dma_wait3A_194 = tpu.memref_slice %arg4[%dma_wait3A_193] : memref<645120xi32, #tpu.memory_space<hbm>> -> memref<80xi32, #tpu.memory_space<hbm>>
    tpu.wait_dma2 semaphore(%arg23 : memref<!tpu.dma_semaphore, #tpu.memory_space<semaphore_mem>>) src(%dma_wait3A_194 : memref<80xi32, #tpu.memory_space<hbm>>) dst(%arg7 : memref<80xi32, #tpu.memory_space<vmem>>)
    %dma_wait3A_195 = arith.constant 0 : i32
    %dma_wait3A_196 = tpu.memref_slice %arg4[%dma_wait3A_195] : memref<645120xi32, #tpu.memory_space<hbm>> -> memref<80xi32, #tpu.memory_space<hbm>>
    %dma_wait3A_197 = arith.constant 0 : i32
    %dma_wait3A_198 = tpu.memref_slice %arg4[%dma_wait3A_197] : memref<645120xi32, #tpu.memory_space<hbm>> -> memref<80xi32, #tpu.memory_space<hbm>>
    tpu.wait_dma2 semaphore(%arg26 : memref<!tpu.dma_semaphore, #tpu.memory_space<semaphore_mem>>) src(%dma_wait3A_198 : memref<80xi32, #tpu.memory_space<hbm>>) dst(%arg10 : memref<80xi32, #tpu.memory_space<vmem>>)
    %get3A_199 = arith.constant 0 : index
    %get3A_200 = tpu.vector_load %arg7[%get3A_199] {strides = array<i32>} : memref<80xi32, #tpu.memory_space<vmem>>, vector<16xi32>,
    %get3A_201 = vector.shape_cast %get3A_200 : vector<16xi32> to vector<16xi32>
    %get3A_202 = arith.constant 0 : index
    %get3A_203 = tpu.vector_load %arg10[%get3A_202] {strides = array<i32>} : memref<80xi32, #tpu.memory_space<vmem>>, vector<16xi32>,
    %get3A_204 = vector.shape_cast %get3A_203 : vector<16xi32> to vector<16xi32>
    %eq3A_205 = arith.cmpi eq, %get3A_201, %get3A_204 : vector<16xi32>
    %jit3A_206 = arith.constant 10000 : i32
    %broadcast_in_dim3A_207 = vector.broadcast %jit3A_206 : i32 to vector<16xi32>
    %select_n3A_208 = arith.select %eq3A_205, %broadcast_in_dim3A_207, %get3A_201 : vector<16xi1>, vector<16xi32>
    %swap3A_209 = arith.constant 0 : index
    %swap3A_210 = tpu.vector_load %arg7[%swap3A_209] {strides = array<i32>} : memref<80xi32, #tpu.memory_space<vmem>>, vector<16xi32>,
    %swap3A_211 = vector.shape_cast %swap3A_210 : vector<16xi32> to vector<16xi32>
    %swap3A_212 = vector.shape_cast %select_n3A_208 : vector<16xi32> to vector<16xi32>
    tpu.vector_store %arg7[%swap3A_209], %swap3A_212 {strides = array<i32>} : memref<80xi32, #tpu.memory_space<vmem>>, vector<16xi32>,
    %jit3A_213 = arith.constant 10000 : i32
    %broadcast_in_dim3A_214 = vector.broadcast %jit3A_213 : i32 to vector<16xi32>
    %select_n3A_215 = arith.select %eq3A_205, %broadcast_in_dim3A_214, %get3A_204 : vector<16xi1>, vector<16xi32>
    %swap3A_216 = arith.constant 0 : index
    %swap3A_217 = tpu.vector_load %arg10[%swap3A_216] {strides = array<i32>} : memref<80xi32, #tpu.memory_space<vmem>>, vector<16xi32>,
    %swap3A_218 = vector.shape_cast %swap3A_217 : vector<16xi32> to vector<16xi32>
    %swap3A_219 = vector.shape_cast %select_n3A_215 : vector<16xi32> to vector<16xi32>
    tpu.vector_store %arg10[%swap3A_216], %swap3A_219 {strides = array<i32>} : memref<80xi32, #tpu.memory_space<vmem>>, vector<16xi32>,
    %swap3A_220 = arith.constant 0 : index
    %swap3A_221 = tpu.vector_load %arg13[%swap3A_220] {strides = array<i32>} : memref<80xi32, #tpu.memory_space<vmem>>, vector<16xi32>,
    %swap3A_222 = vector.shape_cast %swap3A_221 : vector<16xi32> to vector<16xi32>
    %swap3A_223 = vector.shape_cast %select_n3A_215 : vector<16xi32> to vector<16xi32>
    tpu.vector_store %arg13[%swap3A_220], %swap3A_223 {strides = array<i32>} : memref<80xi32, #tpu.memory_space<vmem>>, vector<16xi32>,
    %get3A_224 = arith.constant 16 : index
    %get3A_225 = tpu.vector_load %arg7[%get3A_224] {strides = array<i32>} : memref<80xi32, #tpu.memory_space<vmem>>, vector<16xi32>,
    %get3A_226 = vector.shape_cast %get3A_225 : vector<16xi32> to vector<16xi32>
    %get3A_227 = arith.constant 16 : index
    %get3A_228 = tpu.vector_load %arg10[%get3A_227] {strides = array<i32>} : memref<80xi32, #tpu.memory_space<vmem>>, vector<16xi32>,
    %get3A_229 = vector.shape_cast %get3A_228 : vector<16xi32> to vector<16xi32>
    %eq3A_230 = arith.cmpi eq, %get3A_226, %get3A_229 : vector<16xi32>
    %jit3A_231 = arith.constant 10000 : i32
    %broadcast_in_dim3A_232 = vector.broadcast %jit3A_231 : i32 to vector<16xi32>
    %select_n3A_233 = arith.select %eq3A_230, %broadcast_in_dim3A_232, %get3A_226 : vector<16xi1>, vector<16xi32>
    %swap3A_234 = arith.constant 16 : index
    %swap3A_235 = tpu.vector_load %arg7[%swap3A_234] {strides = array<i32>} : memref<80xi32, #tpu.memory_space<vmem>>, vector<16xi32>,
    %swap3A_236 = vector.shape_cast %swap3A_235 : vector<16xi32> to vector<16xi32>
    %swap3A_237 = vector.shape_cast %select_n3A_233 : vector<16xi32> to vector<16xi32>
    tpu.vector_store %arg7[%swap3A_234], %swap3A_237 {strides = array<i32>} : memref<80xi32, #tpu.memory_space<vmem>>, vector<16xi32>,
    %jit3A_238 = arith.constant 10000 : i32
    %broadcast_in_dim3A_239 = vector.broadcast %jit3A_238 : i32 to vector<16xi32>
    %select_n3A_240 = arith.select %eq3A_230, %broadcast_in_dim3A_239, %get3A_229 : vector<16xi1>, vector<16xi32>
    %swap3A_241 = arith.constant 16 : index
    %swap3A_242 = tpu.vector_load %arg10[%swap3A_241] {strides = array<i32>} : memref<80xi32, #tpu.memory_space<vmem>>, vector<16xi32>,
    %swap3A_243 = vector.shape_cast %swap3A_242 : vector<16xi32> to vector<16xi32>
    %swap3A_244 = vector.shape_cast %select_n3A_240 : vector<16xi32> to vector<16xi32>
    tpu.vector_store %arg10[%swap3A_241], %swap3A_244 {strides = array<i32>} : memref<80xi32, #tpu.memory_space<vmem>>, vector<16xi32>,
    %swap3A_245 = arith.constant 16 : index
    %swap3A_246 = tpu.vector_load %arg13[%swap3A_245] {strides = array<i32>} : memref<80xi32, #tpu.memory_space<vmem>>, vector<16xi32>,
    %swap3A_247 = vector.shape_cast %swap3A_246 : vector<16xi32> to vector<16xi32>
    %swap3A_248 = vector.shape_cast %select_n3A_240 : vector<16xi32> to vector<16xi32>
    tpu.vector_store %arg13[%swap3A_245], %swap3A_248 {strides = array<i32>} : memref<80xi32, #tpu.memory_space<vmem>>, vector<16xi32>,
    %get3A_249 = arith.constant 32 : index
    %get3A_250 = tpu.vector_load %arg7[%get3A_249] {strides = array<i32>} : memref<80xi32, #tpu.memory_space<vmem>>, vector<16xi32>,
    %get3A_251 = vector.shape_cast %get3A_250 : vector<16xi32> to vector<16xi32>
    %get3A_252 = arith.constant 32 : index
    %get3A_253 = tpu.vector_load %arg10[%get3A_252] {strides = array<i32>} : memref<80xi32, #tpu.memory_space<vmem>>, vector<16xi32>,
    %get3A_254 = vector.shape_cast %get3A_253 : vector<16xi32> to vector<16xi32>
    %eq3A_255 = arith.cmpi eq, %get3A_251, %get3A_254 : vector<16xi32>
    %jit3A_256 = arith.constant 10000 : i32
    %broadcast_in_dim3A_257 = vector.broadcast %jit3A_256 : i32 to vector<16xi32>
    %select_n3A_258 = arith.select %eq3A_255, %broadcast_in_dim3A_257, %get3A_251 : vector<16xi1>, vector<16xi32>
    %swap3A_259 = arith.constant 32 : index
    %swap3A_260 = tpu.vector_load %arg7[%swap3A_259] {strides = array<i32>} : memref<80xi32, #tpu.memory_space<vmem>>, vector<16xi32>,
    %swap3A_261 = vector.shape_cast %swap3A_260 : vector<16xi32> to vector<16xi32>
    %swap3A_262 = vector.shape_cast %select_n3A_258 : vector<16xi32> to vector<16xi32>
    tpu.vector_store %arg7[%swap3A_259], %swap3A_262 {strides = array<i32>} : memref<80xi32, #tpu.memory_space<vmem>>, vector<16xi32>,
    %jit3A_263 = arith.constant 10000 : i32
    %broadcast_in_dim3A_264 = vector.broadcast %jit3A_263 : i32 to vector<16xi32>
    %select_n3A_265 = arith.select %eq3A_255, %broadcast_in_dim3A_264, %get3A_254 : vector<16xi1>, vector<16xi32>
    %swap3A_266 = arith.constant 32 : index
    %swap3A_267 = tpu.vector_load %arg10[%swap3A_266] {strides = array<i32>} : memref<80xi32, #tpu.memory_space<vmem>>, vector<16xi32>,
    %swap3A_268 = vector.shape_cast %swap3A_267 : vector<16xi32> to vector<16xi32>
    %swap3A_269 = vector.shape_cast %select_n3A_265 : vector<16xi32> to vector<16xi32>
    tpu.vector_store %arg10[%swap3A_266], %swap3A_269 {strides = array<i32>} : memref<80xi32, #tpu.memory_space<vmem>>, vector<16xi32>,
    %swap3A_270 = arith.constant 32 : index
    %swap3A_271 = tpu.vector_load %arg13[%swap3A_270] {strides = array<i32>} : memref<80xi32, #tpu.memory_space<vmem>>, vector<16xi32>,
    %swap3A_272 = vector.shape_cast %swap3A_271 : vector<16xi32> to vector<16xi32>
    %swap3A_273 = vector.shape_cast %select_n3A_265 : vector<16xi32> to vector<16xi32>
    tpu.vector_store %arg13[%swap3A_270], %swap3A_273 {strides = array<i32>} : memref<80xi32, #tpu.memory_space<vmem>>, vector<16xi32>,
    %get3A_274 = arith.constant 48 : index
    %get3A_275 = tpu.vector_load %arg7[%get3A_274] {strides = array<i32>} : memref<80xi32, #tpu.memory_space<vmem>>, vector<16xi32>,
    %get3A_276 = vector.shape_cast %get3A_275 : vector<16xi32> to vector<16xi32>
    %get3A_277 = arith.constant 48 : index
    %get3A_278 = tpu.vector_load %arg10[%get3A_277] {strides = array<i32>} : memref<80xi32, #tpu.memory_space<vmem>>, vector<16xi32>,
    %get3A_279 = vector.shape_cast %get3A_278 : vector<16xi32> to vector<16xi32>
    %eq3A_280 = arith.cmpi eq, %get3A_276, %get3A_279 : vector<16xi32>
    %jit3A_281 = arith.constant 10000 : i32
    %broadcast_in_dim3A_282 = vector.broadcast %jit3A_281 : i32 to vector<16xi32>
    %select_n3A_283 = arith.select %eq3A_280, %broadcast_in_dim3A_282, %get3A_276 : vector<16xi1>, vector<16xi32>
    %swap3A_284 = arith.constant 48 : index
    %swap3A_285 = tpu.vector_load %arg7[%swap3A_284] {strides = array<i32>} : memref<80xi32, #tpu.memory_space<vmem>>, vector<16xi32>,
    %swap3A_286 = vector.shape_cast %swap3A_285 : vector<16xi32> to vector<16xi32>
    %swap3A_287 = vector.shape_cast %select_n3A_283 : vector<16xi32> to vector<16xi32>
    tpu.vector_store %arg7[%swap3A_284], %swap3A_287 {strides = array<i32>} : memref<80xi32, #tpu.memory_space<vmem>>, vector<16xi32>,
    %jit3A_288 = arith.constant 10000 : i32
    %broadcast_in_dim3A_289 = vector.broadcast %jit3A_288 : i32 to vector<16xi32>
    %select_n3A_290 = arith.select %eq3A_280, %broadcast_in_dim3A_289, %get3A_279 : vector<16xi1>, vector<16xi32>
    %swap3A_291 = arith.constant 48 : index
    %swap3A_292 = tpu.vector_load %arg10[%swap3A_291] {strides = array<i32>} : memref<80xi32, #tpu.memory_space<vmem>>, vector<16xi32>,
    %swap3A_293 = vector.shape_cast %swap3A_292 : vector<16xi32> to vector<16xi32>
    %swap3A_294 = vector.shape_cast %select_n3A_290 : vector<16xi32> to vector<16xi32>
    tpu.vector_store %arg10[%swap3A_291], %swap3A_294 {strides = array<i32>} : memref<80xi32, #tpu.memory_space<vmem>>, vector<16xi32>,
    %swap3A_295 = arith.constant 48 : index
    %swap3A_296 = tpu.vector_load %arg13[%swap3A_295] {strides = array<i32>} : memref<80xi32, #tpu.memory_space<vmem>>, vector<16xi32>,
    %swap3A_297 = vector.shape_cast %swap3A_296 : vector<16xi32> to vector<16xi32>
    %swap3A_298 = vector.shape_cast %select_n3A_290 : vector<16xi32> to vector<16xi32>
    tpu.vector_store %arg13[%swap3A_295], %swap3A_298 {strides = array<i32>} : memref<80xi32, #tpu.memory_space<vmem>>, vector<16xi32>,
    %get3A_299 = arith.constant 64 : index
    %get3A_300 = tpu.vector_load %arg7[%get3A_299] {strides = array<i32>} : memref<80xi32, #tpu.memory_space<vmem>>, vector<16xi32>,
    %get3A_301 = vector.shape_cast %get3A_300 : vector<16xi32> to vector<16xi32>
    %get3A_302 = arith.constant 64 : index
    %get3A_303 = tpu.vector_load %arg10[%get3A_302] {strides = array<i32>} : memref<80xi32, #tpu.memory_space<vmem>>, vector<16xi32>,
    %get3A_304 = vector.shape_cast %get3A_303 : vector<16xi32> to vector<16xi32>
    %eq3A_305 = arith.cmpi eq, %get3A_301, %get3A_304 : vector<16xi32>
    %jit3A_306 = arith.constant 10000 : i32
    %broadcast_in_dim3A_307 = vector.broadcast %jit3A_306 : i32 to vector<16xi32>
    %select_n3A_308 = arith.select %eq3A_305, %broadcast_in_dim3A_307, %get3A_301 : vector<16xi1>, vector<16xi32>
    %swap3A_309 = arith.constant 64 : index
    %swap3A_310 = tpu.vector_load %arg7[%swap3A_309] {strides = array<i32>} : memref<80xi32, #tpu.memory_space<vmem>>, vector<16xi32>,
    %swap3A_311 = vector.shape_cast %swap3A_310 : vector<16xi32> to vector<16xi32>
    %swap3A_312 = vector.shape_cast %select_n3A_308 : vector<16xi32> to vector<16xi32>
    tpu.vector_store %arg7[%swap3A_309], %swap3A_312 {strides = array<i32>} : memref<80xi32, #tpu.memory_space<vmem>>, vector<16xi32>,
    %jit3A_313 = arith.constant 10000 : i32
    %broadcast_in_dim3A_314 = vector.broadcast %jit3A_313 : i32 to vector<16xi32>
    %select_n3A_315 = arith.select %eq3A_305, %broadcast_in_dim3A_314, %get3A_304 : vector<16xi1>, vector<16xi32>
    %swap3A_316 = arith.constant 64 : index
    %swap3A_317 = tpu.vector_load %arg10[%swap3A_316] {strides = array<i32>} : memref<80xi32, #tpu.memory_space<vmem>>, vector<16xi32>,
    %swap3A_318 = vector.shape_cast %swap3A_317 : vector<16xi32> to vector<16xi32>
    %swap3A_319 = vector.shape_cast %select_n3A_315 : vector<16xi32> to vector<16xi32>
    tpu.vector_store %arg10[%swap3A_316], %swap3A_319 {strides = array<i32>} : memref<80xi32, #tpu.memory_space<vmem>>, vector<16xi32>,
    %swap3A_320 = arith.constant 64 : index
    %swap3A_321 = tpu.vector_load %arg13[%swap3A_320] {strides = array<i32>} : memref<80xi32, #tpu.memory_space<vmem>>, vector<16xi32>,
    %swap3A_322 = vector.shape_cast %swap3A_321 : vector<16xi32> to vector<16xi32>
    %swap3A_323 = vector.shape_cast %select_n3A_315 : vector<16xi32> to vector<16xi32>
    tpu.vector_store %arg13[%swap3A_320], %swap3A_323 {strides = array<i32>} : memref<80xi32, #tpu.memory_space<vmem>>, vector<16xi32>,
    %dma_start3A_324 = arith.constant 0 : i32
    %dma_start3A_325 = arith.constant 0 : i32
    %dma_start3A_326 = tpu.memref_slice %arg2[%dma_start3A_324, %dma_start3A_325] : memref<10016x144xf32, #tpu.memory_space<hbm>> -> memref<10016x144xf32, #tpu.memory_space<hbm>>
    tpu.enqueue_indirect_dma source(%dma_start3A_326 : memref<10016x144xf32, #tpu.memory_space<hbm>>) target(%arg19 : memref<80x144xf32, #tpu.memory_space<vmem>>) offsets(%arg7 : memref<80xi32, #tpu.memory_space<vmem>>) semaphore(%arg32 : memref<!tpu.dma_semaphore, #tpu.memory_space<semaphore_mem>>)
    %dma_start3A_327 = arith.constant 0 : i32
    %dma_start3A_328 = arith.constant 0 : i32
    %dma_start3A_329 = tpu.memref_slice %arg3[%dma_start3A_327, %dma_start3A_328] : memref<10016x16xf32, #tpu.memory_space<hbm>> -> memref<10016x16xf32, #tpu.memory_space<hbm>>
    tpu.enqueue_indirect_dma source(%dma_start3A_329 : memref<10016x16xf32, #tpu.memory_space<hbm>>) target(%arg16 : memref<80x16xf32, #tpu.memory_space<vmem>>) offsets(%arg10 : memref<80xi32, #tpu.memory_space<vmem>>) semaphore(%arg29 : memref<!tpu.dma_semaphore, #tpu.memory_space<semaphore_mem>>)
    %dma_wait3A_330 = arith.constant 0 : i32
    %dma_wait3A_331 = arith.constant 0 : i32
    %dma_wait3A_332 = tpu.memref_slice %arg2[%dma_wait3A_330, %dma_wait3A_331] : memref<10016x144xf32, #tpu.memory_space<hbm>> -> memref<10016x144xf32, #tpu.memory_space<hbm>>
    tpu.wait_indirect_dma semaphore(%arg31 : memref<!tpu.dma_semaphore, #tpu.memory_space<semaphore_mem>>) src(%dma_wait3A_332 : memref<10016x144xf32, #tpu.memory_space<hbm>>) dst(%arg18 : memref<80x144xf32, #tpu.memory_space<vmem>>)
    %dma_wait3A_333 = arith.constant 0 : i32
    %dma_wait3A_334 = arith.constant 0 : i32
    %dma_wait3A_335 = tpu.memref_slice %arg3[%dma_wait3A_333, %dma_wait3A_334] : memref<10016x16xf32, #tpu.memory_space<hbm>> -> memref<10016x16xf32, #tpu.memory_space<hbm>>
    tpu.wait_indirect_dma semaphore(%arg28 : memref<!tpu.dma_semaphore, #tpu.memory_space<semaphore_mem>>) src(%dma_wait3A_335 : memref<10016x16xf32, #tpu.memory_space<hbm>>) dst(%arg15 : memref<80x16xf32, #tpu.memory_space<vmem>>)
    %add3A_336 = arith.constant 2 : i32
    %add3A_337 = arith.addi %mul3A_4, %add3A_336 : i32
    %mul3A_338 = arith.constant 80 : i32
    %mul3A_339 = arith.muli %add3A_337, %mul3A_338 : i32
    %multiple_of3A_340 = tpu.assume_multiple %mul3A_339, 80 : i32
    %dma_start3A_341 = tpu.memref_slice %arg4[%multiple_of3A_340] : memref<645120xi32, #tpu.memory_space<hbm>> -> memref<80xi32, #tpu.memory_space<hbm>>
    %dma_start3A_342 = tpu.memref_slice %arg4[%multiple_of3A_340] : memref<645120xi32, #tpu.memory_space<hbm>> -> memref<80xi32, #tpu.memory_space<hbm>>
    tpu.enqueue_dma source(%dma_start3A_342 : memref<80xi32, #tpu.memory_space<hbm>>) target(%arg8 : memref<80xi32, #tpu.memory_space<vmem>>) target_semaphore(%arg24 : memref<!tpu.dma_semaphore, #tpu.memory_space<semaphore_mem>>)
    %add3A_343 = arith.constant 2 : i32
    %add3A_344 = arith.addi %mul3A_4, %add3A_343 : i32
    %mul3A_345 = arith.constant 80 : i32
    %mul3A_346 = arith.muli %add3A_344, %mul3A_345 : i32
    %add3A_347 = arith.constant 322560 : i32
    %add3A_348 = arith.addi %add3A_347, %mul3A_346 : i32
    %multiple_of3A_349 = tpu.assume_multiple %add3A_348, 80 : i32
    %dma_start3A_350 = tpu.memref_slice %arg4[%multiple_of3A_349] : memref<645120xi32, #tpu.memory_space<hbm>> -> memref<80xi32, #tpu.memory_space<hbm>>
    %dma_start3A_351 = tpu.memref_slice %arg4[%multiple_of3A_349] : memref<645120xi32, #tpu.memory_space<hbm>> -> memref<80xi32, #tpu.memory_space<hbm>>
    tpu.enqueue_dma source(%dma_start3A_351 : memref<80xi32, #tpu.memory_space<hbm>>) target(%arg11 : memref<80xi32, #tpu.memory_space<vmem>>) target_semaphore(%arg27 : memref<!tpu.dma_semaphore, #tpu.memory_space<semaphore_mem>>)
    %scan3A_352 = arith.constant 0 : i32
    %scan3A_353 = arith.constant 0 : i32
    %scan3A_354 = arith.constant 80 : i32
    %scan3A_355 = arith.addi %scan3A_353, %scan3A_354 : i32
    %scan3A_356 = arith.constant 4 : i32
    %scan3A_357 = scf.for %scan3A_550 = %scan3A_353 to %scan3A_355 step %scan3A_356 iter_args(%scan3A_551 = %scan3A_352) -> (i32)  : i32 {
      %get3A_552 = arith.index_cast %scan3A_550 : i32 to index
      %get3A_553 = arith.constant 128 : index
      %get3A_554 = tpu.vector_load %arg18[%get3A_552, %get3A_553] {strides = array<i32>} : memref<80x144xf32, #tpu.memory_space<vmem>>, vector<1x16xf32>,
      %get3A_555 = vector.shape_cast %get3A_554 : vector<1x16xf32> to vector<16xf32>
      %get3A_556 = arith.index_cast %scan3A_550 : i32 to index
      %get3A_557 = arith.constant 0 : index
      %get3A_558 = tpu.vector_load %arg15[%get3A_556, %get3A_557] {strides = array<i32>} : memref<80x16xf32, #tpu.memory_space<vmem>>, vector<1x16xf32>,
      %get3A_559 = vector.shape_cast %get3A_558 : vector<1x16xf32> to vector<16xf32>
      %add3A_560 = arith.addf %get3A_555, %get3A_559 : vector<16xf32>
      %mul3A_561 = arith.constant 2.000000e-01 : f32
      %mul3A_562 = vector.broadcast %mul3A_561 : f32 to vector<16xf32>
      %mul3A_563 = arith.mulf %mul3A_562, %add3A_560 : vector<16xf32>
      %max3A = arith.maximumf %add3A_560, %mul3A_563 : vector<16xf32>
      %exp3A = math.exp %max3A : vector<16xf32>
      %swap3A_564 = arith.index_cast %scan3A_550 : i32 to index
      %swap3A_565 = arith.constant 128 : index
      %swap3A_566 = tpu.vector_load %arg18[%swap3A_564, %swap3A_565] {strides = array<i32>} : memref<80x144xf32, #tpu.memory_space<vmem>>, vector<1x16xf32>,
      %swap3A_567 = vector.shape_cast %swap3A_566 : vector<1x16xf32> to vector<16xf32>
      %swap3A_568 = vector.shape_cast %exp3A : vector<16xf32> to vector<1x16xf32>
      tpu.vector_store %arg18[%swap3A_564, %swap3A_565], %swap3A_568 {strides = array<i32>} : memref<80x144xf32, #tpu.memory_space<vmem>>, vector<1x16xf32>,
      %get3A_569 = arith.index_cast %scan3A_550 : i32 to index
      %get3A_570 = arith.constant 0 : index
      %get3A_571 = tpu.vector_load %arg18[%get3A_569, %get3A_570] {strides = array<i32>} : memref<80x144xf32, #tpu.memory_space<vmem>>, vector<1x16xf32>,
      %get3A_572 = vector.shape_cast %get3A_571 : vector<1x16xf32> to vector<16xf32>
      %mul3A_573 = arith.mulf %get3A_572, %exp3A : vector<16xf32>
      %swap3A_574 = arith.index_cast %scan3A_550 : i32 to index
      %swap3A_575 = arith.constant 0 : index
      %swap3A_576 = tpu.vector_load %arg18[%swap3A_574, %swap3A_575] {strides = array<i32>} : memref<80x144xf32, #tpu.memory_space<vmem>>, vector<1x16xf32>,
      %swap3A_577 = vector.shape_cast %swap3A_576 : vector<1x16xf32> to vector<16xf32>
      %swap3A_578 = vector.shape_cast %mul3A_573 : vector<16xf32> to vector<1x16xf32>
      tpu.vector_store %arg18[%swap3A_574, %swap3A_575], %swap3A_578 {strides = array<i32>} : memref<80x144xf32, #tpu.memory_space<vmem>>, vector<1x16xf32>,
      %get3A_579 = arith.index_cast %scan3A_550 : i32 to index
      %get3A_580 = arith.constant 16 : index
      %get3A_581 = tpu.vector_load %arg18[%get3A_579, %get3A_580] {strides = array<i32>} : memref<80x144xf32, #tpu.memory_space<vmem>>, vector<1x16xf32>,
      %get3A_582 = vector.shape_cast %get3A_581 : vector<1x16xf32> to vector<16xf32>
      %mul3A_583 = arith.mulf %get3A_582, %exp3A : vector<16xf32>
      %swap3A_584 = arith.index_cast %scan3A_550 : i32 to index
      %swap3A_585 = arith.constant 16 : index
      %swap3A_586 = tpu.vector_load %arg18[%swap3A_584, %swap3A_585] {strides = array<i32>} : memref<80x144xf32, #tpu.memory_space<vmem>>, vector<1x16xf32>,
      %swap3A_587 = vector.shape_cast %swap3A_586 : vector<1x16xf32> to vector<16xf32>
      %swap3A_588 = vector.shape_cast %mul3A_583 : vector<16xf32> to vector<1x16xf32>
      tpu.vector_store %arg18[%swap3A_584, %swap3A_585], %swap3A_588 {strides = array<i32>} : memref<80x144xf32, #tpu.memory_space<vmem>>, vector<1x16xf32>,
      %get3A_589 = arith.index_cast %scan3A_550 : i32 to index
      %get3A_590 = arith.constant 32 : index
      %get3A_591 = tpu.vector_load %arg18[%get3A_589, %get3A_590] {strides = array<i32>} : memref<80x144xf32, #tpu.memory_space<vmem>>, vector<1x16xf32>,
      %get3A_592 = vector.shape_cast %get3A_591 : vector<1x16xf32> to vector<16xf32>
      %mul3A_593 = arith.mulf %get3A_592, %exp3A : vector<16xf32>
      %swap3A_594 = arith.index_cast %scan3A_550 : i32 to index
      %swap3A_595 = arith.constant 32 : index
      %swap3A_596 = tpu.vector_load %arg18[%swap3A_594, %swap3A_595] {strides = array<i32>} : memref<80x144xf32, #tpu.memory_space<vmem>>, vector<1x16xf32>,
      %swap3A_597 = vector.shape_cast %swap3A_596 : vector<1x16xf32> to vector<16xf32>
      %swap3A_598 = vector.shape_cast %mul3A_593 : vector<16xf32> to vector<1x16xf32>
      tpu.vector_store %arg18[%swap3A_594, %swap3A_595], %swap3A_598 {strides = array<i32>} : memref<80x144xf32, #tpu.memory_space<vmem>>, vector<1x16xf32>,
      %get3A_599 = arith.index_cast %scan3A_550 : i32 to index
      %get3A_600 = arith.constant 48 : index
      %get3A_601 = tpu.vector_load %arg18[%get3A_599, %get3A_600] {strides = array<i32>} : memref<80x144xf32, #tpu.memory_space<vmem>>, vector<1x16xf32>,
      %get3A_602 = vector.shape_cast %get3A_601 : vector<1x16xf32> to vector<16xf32>
      %mul3A_603 = arith.mulf %get3A_602, %exp3A : vector<16xf32>
      %swap3A_604 = arith.index_cast %scan3A_550 : i32 to index
      %swap3A_605 = arith.constant 48 : index
      %swap3A_606 = tpu.vector_load %arg18[%swap3A_604, %swap3A_605] {strides = array<i32>} : memref<80x144xf32, #tpu.memory_space<vmem>>, vector<1x16xf32>,
      %swap3A_607 = vector.shape_cast %swap3A_606 : vector<1x16xf32> to vector<16xf32>
      %swap3A_608 = vector.shape_cast %mul3A_603 : vector<16xf32> to vector<1x16xf32>
      tpu.vector_store %arg18[%swap3A_604, %swap3A_605], %swap3A_608 {strides = array<i32>} : memref<80x144xf32, #tpu.memory_space<vmem>>, vector<1x16xf32>,
      %get3A_609 = arith.index_cast %scan3A_550 : i32 to index
      %get3A_610 = arith.constant 64 : index
      %get3A_611 = tpu.vector_load %arg18[%get3A_609, %get3A_610] {strides = array<i32>} : memref<80x144xf32, #tpu.memory_space<vmem>>, vector<1x16xf32>,
      %get3A_612 = vector.shape_cast %get3A_611 : vector<1x16xf32> to vector<16xf32>
      %mul3A_613 = arith.mulf %get3A_612, %exp3A : vector<16xf32>
      %swap3A_614 = arith.index_cast %scan3A_550 : i32 to index
      %swap3A_615 = arith.constant 64 : index
      %swap3A_616 = tpu.vector_load %arg18[%swap3A_614, %swap3A_615] {strides = array<i32>} : memref<80x144xf32, #tpu.memory_space<vmem>>, vector<1x16xf32>,
      %swap3A_617 = vector.shape_cast %swap3A_616 : vector<1x16xf32> to vector<16xf32>
      %swap3A_618 = vector.shape_cast %mul3A_613 : vector<16xf32> to vector<1x16xf32>
      tpu.vector_store %arg18[%swap3A_614, %swap3A_615], %swap3A_618 {strides = array<i32>} : memref<80x144xf32, #tpu.memory_space<vmem>>, vector<1x16xf32>,
      %get3A_619 = arith.index_cast %scan3A_550 : i32 to index
      %get3A_620 = arith.constant 80 : index
      %get3A_621 = tpu.vector_load %arg18[%get3A_619, %get3A_620] {strides = array<i32>} : memref<80x144xf32, #tpu.memory_space<vmem>>, vector<1x16xf32>,
      %get3A_622 = vector.shape_cast %get3A_621 : vector<1x16xf32> to vector<16xf32>
      %mul3A_623 = arith.mulf %get3A_622, %exp3A : vector<16xf32>
      %swap3A_624 = arith.index_cast %scan3A_550 : i32 to index
      %swap3A_625 = arith.constant 80 : index
      %swap3A_626 = tpu.vector_load %arg18[%swap3A_624, %swap3A_625] {strides = array<i32>} : memref<80x144xf32, #tpu.memory_space<vmem>>, vector<1x16xf32>,
      %swap3A_627 = vector.shape_cast %swap3A_626 : vector<1x16xf32> to vector<16xf32>
      %swap3A_628 = vector.shape_cast %mul3A_623 : vector<16xf32> to vector<1x16xf32>
      tpu.vector_store %arg18[%swap3A_624, %swap3A_625], %swap3A_628 {strides = array<i32>} : memref<80x144xf32, #tpu.memory_space<vmem>>, vector<1x16xf32>,
      %get3A_629 = arith.index_cast %scan3A_550 : i32 to index
      %get3A_630 = arith.constant 96 : index
      %get3A_631 = tpu.vector_load %arg18[%get3A_629, %get3A_630] {strides = array<i32>} : memref<80x144xf32, #tpu.memory_space<vmem>>, vector<1x16xf32>,
      %get3A_632 = vector.shape_cast %get3A_631 : vector<1x16xf32> to vector<16xf32>
      %mul3A_633 = arith.mulf %get3A_632, %exp3A : vector<16xf32>
      %swap3A_634 = arith.index_cast %scan3A_550 : i32 to index
      %swap3A_635 = arith.constant 96 : index
      %swap3A_636 = tpu.vector_load %arg18[%swap3A_634, %swap3A_635] {strides = array<i32>} : memref<80x144xf32, #tpu.memory_space<vmem>>, vector<1x16xf32>,
      %swap3A_637 = vector.shape_cast %swap3A_636 : vector<1x16xf32> to vector<16xf32>
      %swap3A_638 = vector.shape_cast %mul3A_633 : vector<16xf32> to vector<1x16xf32>
      tpu.vector_store %arg18[%swap3A_634, %swap3A_635], %swap3A_638 {strides = array<i32>} : memref<80x144xf32, #tpu.memory_space<vmem>>, vector<1x16xf32>,
      %get3A_639 = arith.index_cast %scan3A_550 : i32 to index
      %get3A_640 = arith.constant 112 : index
      %get3A_641 = tpu.vector_load %arg18[%get3A_639, %get3A_640] {strides = array<i32>} : memref<80x144xf32, #tpu.memory_space<vmem>>, vector<1x16xf32>,
      %get3A_642 = vector.shape_cast %get3A_641 : vector<1x16xf32> to vector<16xf32>
      %mul3A_643 = arith.mulf %get3A_642, %exp3A : vector<16xf32>
      %swap3A_644 = arith.index_cast %scan3A_550 : i32 to index
      %swap3A_645 = arith.constant 112 : index
      %swap3A_646 = tpu.vector_load %arg18[%swap3A_644, %swap3A_645] {strides = array<i32>} : memref<80x144xf32, #tpu.memory_space<vmem>>, vector<1x16xf32>,
      %swap3A_647 = vector.shape_cast %swap3A_646 : vector<1x16xf32> to vector<16xf32>
      %swap3A_648 = vector.shape_cast %mul3A_643 : vector<16xf32> to vector<1x16xf32>
      tpu.vector_store %arg18[%swap3A_644, %swap3A_645], %swap3A_648 {strides = array<i32>} : memref<80x144xf32, #tpu.memory_space<vmem>>, vector<1x16xf32>,
      %scan3A_649 = arith.constant 0 : i32
      %scan3A_650 = arith.constant 1 : i32
      %scan3A_651 = arith.addi %scan3A_550, %scan3A_650 : i32
      %get3A_652 = arith.index_cast %scan3A_651 : i32 to index
      %get3A_653 = arith.constant 128 : index
      %get3A_654 = tpu.vector_load %arg18[%get3A_652, %get3A_653] {strides = array<i32>} : memref<80x144xf32, #tpu.memory_space<vmem>>, vector<1x16xf32>,
      %get3A_655 = vector.shape_cast %get3A_654 : vector<1x16xf32> to vector<16xf32>
      %get3A_656 = arith.index_cast %scan3A_651 : i32 to index
      %get3A_657 = arith.constant 0 : index
      %get3A_658 = tpu.vector_load %arg15[%get3A_656, %get3A_657] {strides = array<i32>} : memref<80x16xf32, #tpu.memory_space<vmem>>, vector<1x16xf32>,
      %get3A_659 = vector.shape_cast %get3A_658 : vector<1x16xf32> to vector<16xf32>
      %add3A_660 = arith.addf %get3A_655, %get3A_659 : vector<16xf32>
      %mul3A_661 = arith.constant 2.000000e-01 : f32
      %mul3A_662 = vector.broadcast %mul3A_661 : f32 to vector<16xf32>
      %mul3A_663 = arith.mulf %mul3A_662, %add3A_660 : vector<16xf32>
      %max3A_664 = arith.maximumf %add3A_660, %mul3A_663 : vector<16xf32>
      %exp3A_665 = math.exp %max3A_664 : vector<16xf32>
      %swap3A_666 = arith.index_cast %scan3A_651 : i32 to index
      %swap3A_667 = arith.constant 128 : index
      %swap3A_668 = tpu.vector_load %arg18[%swap3A_666, %swap3A_667] {strides = array<i32>} : memref<80x144xf32, #tpu.memory_space<vmem>>, vector<1x16xf32>,
      %swap3A_669 = vector.shape_cast %swap3A_668 : vector<1x16xf32> to vector<16xf32>
      %swap3A_670 = vector.shape_cast %exp3A_665 : vector<16xf32> to vector<1x16xf32>
      tpu.vector_store %arg18[%swap3A_666, %swap3A_667], %swap3A_670 {strides = array<i32>} : memref<80x144xf32, #tpu.memory_space<vmem>>, vector<1x16xf32>,
      %get3A_671 = arith.index_cast %scan3A_651 : i32 to index
      %get3A_672 = arith.constant 0 : index
      %get3A_673 = tpu.vector_load %arg18[%get3A_671, %get3A_672] {strides = array<i32>} : memref<80x144xf32, #tpu.memory_space<vmem>>, vector<1x16xf32>,
      %get3A_674 = vector.shape_cast %get3A_673 : vector<1x16xf32> to vector<16xf32>
      %mul3A_675 = arith.mulf %get3A_674, %exp3A_665 : vector<16xf32>
      %swap3A_676 = arith.index_cast %scan3A_651 : i32 to index
      %swap3A_677 = arith.constant 0 : index
      %swap3A_678 = tpu.vector_load %arg18[%swap3A_676, %swap3A_677] {strides = array<i32>} : memref<80x144xf32, #tpu.memory_space<vmem>>, vector<1x16xf32>,
      %swap3A_679 = vector.shape_cast %swap3A_678 : vector<1x16xf32> to vector<16xf32>
      %swap3A_680 = vector.shape_cast %mul3A_675 : vector<16xf32> to vector<1x16xf32>
      tpu.vector_store %arg18[%swap3A_676, %swap3A_677], %swap3A_680 {strides = array<i32>} : memref<80x144xf32, #tpu.memory_space<vmem>>, vector<1x16xf32>,
      %get3A_681 = arith.index_cast %scan3A_651 : i32 to index
      %get3A_682 = arith.constant 16 : index
      %get3A_683 = tpu.vector_load %arg18[%get3A_681, %get3A_682] {strides = array<i32>} : memref<80x144xf32, #tpu.memory_space<vmem>>, vector<1x16xf32>,
      %get3A_684 = vector.shape_cast %get3A_683 : vector<1x16xf32> to vector<16xf32>
      %mul3A_685 = arith.mulf %get3A_684, %exp3A_665 : vector<16xf32>
      %swap3A_686 = arith.index_cast %scan3A_651 : i32 to index
      %swap3A_687 = arith.constant 16 : index
      %swap3A_688 = tpu.vector_load %arg18[%swap3A_686, %swap3A_687] {strides = array<i32>} : memref<80x144xf32, #tpu.memory_space<vmem>>, vector<1x16xf32>,
      %swap3A_689 = vector.shape_cast %swap3A_688 : vector<1x16xf32> to vector<16xf32>
      %swap3A_690 = vector.shape_cast %mul3A_685 : vector<16xf32> to vector<1x16xf32>
      tpu.vector_store %arg18[%swap3A_686, %swap3A_687], %swap3A_690 {strides = array<i32>} : memref<80x144xf32, #tpu.memory_space<vmem>>, vector<1x16xf32>,
      %get3A_691 = arith.index_cast %scan3A_651 : i32 to index
      %get3A_692 = arith.constant 32 : index
      %get3A_693 = tpu.vector_load %arg18[%get3A_691, %get3A_692] {strides = array<i32>} : memref<80x144xf32, #tpu.memory_space<vmem>>, vector<1x16xf32>,
      %get3A_694 = vector.shape_cast %get3A_693 : vector<1x16xf32> to vector<16xf32>
      %mul3A_695 = arith.mulf %get3A_694, %exp3A_665 : vector<16xf32>
      %swap3A_696 = arith.index_cast %scan3A_651 : i32 to index
      %swap3A_697 = arith.constant 32 : index
      %swap3A_698 = tpu.vector_load %arg18[%swap3A_696, %swap3A_697] {strides = array<i32>} : memref<80x144xf32, #tpu.memory_space<vmem>>, vector<1x16xf32>,
      %swap3A_699 = vector.shape_cast %swap3A_698 : vector<1x16xf32> to vector<16xf32>
      %swap3A_700 = vector.shape_cast %mul3A_695 : vector<16xf32> to vector<1x16xf32>
      tpu.vector_store %arg18[%swap3A_696, %swap3A_697], %swap3A_700 {strides = array<i32>} : memref<80x144xf32, #tpu.memory_space<vmem>>, vector<1x16xf32>,
      %get3A_701 = arith.index_cast %scan3A_651 : i32 to index
      %get3A_702 = arith.constant 48 : index
      %get3A_703 = tpu.vector_load %arg18[%get3A_701, %get3A_702] {strides = array<i32>} : memref<80x144xf32, #tpu.memory_space<vmem>>, vector<1x16xf32>,
      %get3A_704 = vector.shape_cast %get3A_703 : vector<1x16xf32> to vector<16xf32>
      %mul3A_705 = arith.mulf %get3A_704, %exp3A_665 : vector<16xf32>
      %swap3A_706 = arith.index_cast %scan3A_651 : i32 to index
      %swap3A_707 = arith.constant 48 : index
      %swap3A_708 = tpu.vector_load %arg18[%swap3A_706, %swap3A_707] {strides = array<i32>} : memref<80x144xf32, #tpu.memory_space<vmem>>, vector<1x16xf32>,
      %swap3A_709 = vector.shape_cast %swap3A_708 : vector<1x16xf32> to vector<16xf32>
      %swap3A_710 = vector.shape_cast %mul3A_705 : vector<16xf32> to vector<1x16xf32>
      tpu.vector_store %arg18[%swap3A_706, %swap3A_707], %swap3A_710 {strides = array<i32>} : memref<80x144xf32, #tpu.memory_space<vmem>>, vector<1x16xf32>,
      %get3A_711 = arith.index_cast %scan3A_651 : i32 to index
      %get3A_712 = arith.constant 64 : index
      %get3A_713 = tpu.vector_load %arg18[%get3A_711, %get3A_712] {strides = array<i32>} : memref<80x144xf32, #tpu.memory_space<vmem>>, vector<1x16xf32>,
      %get3A_714 = vector.shape_cast %get3A_713 : vector<1x16xf32> to vector<16xf32>
      %mul3A_715 = arith.mulf %get3A_714, %exp3A_665 : vector<16xf32>
      %swap3A_716 = arith.index_cast %scan3A_651 : i32 to index
      %swap3A_717 = arith.constant 64 : index
      %swap3A_718 = tpu.vector_load %arg18[%swap3A_716, %swap3A_717] {strides = array<i32>} : memref<80x144xf32, #tpu.memory_space<vmem>>, vector<1x16xf32>,
      %swap3A_719 = vector.shape_cast %swap3A_718 : vector<1x16xf32> to vector<16xf32>
      %swap3A_720 = vector.shape_cast %mul3A_715 : vector<16xf32> to vector<1x16xf32>
      tpu.vector_store %arg18[%swap3A_716, %swap3A_717], %swap3A_720 {strides = array<i32>} : memref<80x144xf32, #tpu.memory_space<vmem>>, vector<1x16xf32>,
      %get3A_721 = arith.index_cast %scan3A_651 : i32 to index
      %get3A_722 = arith.constant 80 : index
      %get3A_723 = tpu.vector_load %arg18[%get3A_721, %get3A_722] {strides = array<i32>} : memref<80x144xf32, #tpu.memory_space<vmem>>, vector<1x16xf32>,
      %get3A_724 = vector.shape_cast %get3A_723 : vector<1x16xf32> to vector<16xf32>
      %mul3A_725 = arith.mulf %get3A_724, %exp3A_665 : vector<16xf32>
      %swap3A_726 = arith.index_cast %scan3A_651 : i32 to index
      %swap3A_727 = arith.constant 80 : index
      %swap3A_728 = tpu.vector_load %arg18[%swap3A_726, %swap3A_727] {strides = array<i32>} : memref<80x144xf32, #tpu.memory_space<vmem>>, vector<1x16xf32>,
      %swap3A_729 = vector.shape_cast %swap3A_728 : vector<1x16xf32> to vector<16xf32>
      %swap3A_730 = vector.shape_cast %mul3A_725 : vector<16xf32> to vector<1x16xf32>
      tpu.vector_store %arg18[%swap3A_726, %swap3A_727], %swap3A_730 {strides = array<i32>} : memref<80x144xf32, #tpu.memory_space<vmem>>, vector<1x16xf32>,
      %get3A_731 = arith.index_cast %scan3A_651 : i32 to index
      %get3A_732 = arith.constant 96 : index
      %get3A_733 = tpu.vector_load %arg18[%get3A_731, %get3A_732] {strides = array<i32>} : memref<80x144xf32, #tpu.memory_space<vmem>>, vector<1x16xf32>,
      %get3A_734 = vector.shape_cast %get3A_733 : vector<1x16xf32> to vector<16xf32>
      %mul3A_735 = arith.mulf %get3A_734, %exp3A_665 : vector<16xf32>
      %swap3A_736 = arith.index_cast %scan3A_651 : i32 to index
      %swap3A_737 = arith.constant 96 : index
      %swap3A_738 = tpu.vector_load %arg18[%swap3A_736, %swap3A_737] {strides = array<i32>} : memref<80x144xf32, #tpu.memory_space<vmem>>, vector<1x16xf32>,
      %swap3A_739 = vector.shape_cast %swap3A_738 : vector<1x16xf32> to vector<16xf32>
      %swap3A_740 = vector.shape_cast %mul3A_735 : vector<16xf32> to vector<1x16xf32>
      tpu.vector_store %arg18[%swap3A_736, %swap3A_737], %swap3A_740 {strides = array<i32>} : memref<80x144xf32, #tpu.memory_space<vmem>>, vector<1x16xf32>,
      %get3A_741 = arith.index_cast %scan3A_651 : i32 to index
      %get3A_742 = arith.constant 112 : index
      %get3A_743 = tpu.vector_load %arg18[%get3A_741, %get3A_742] {strides = array<i32>} : memref<80x144xf32, #tpu.memory_space<vmem>>, vector<1x16xf32>,
      %get3A_744 = vector.shape_cast %get3A_743 : vector<1x16xf32> to vector<16xf32>
      %mul3A_745 = arith.mulf %get3A_744, %exp3A_665 : vector<16xf32>
      %swap3A_746 = arith.index_cast %scan3A_651 : i32 to index
      %swap3A_747 = arith.constant 112 : index
      %swap3A_748 = tpu.vector_load %arg18[%swap3A_746, %swap3A_747] {strides = array<i32>} : memref<80x144xf32, #tpu.memory_space<vmem>>, vector<1x16xf32>,
      %swap3A_749 = vector.shape_cast %swap3A_748 : vector<1x16xf32> to vector<16xf32>
      %swap3A_750 = vector.shape_cast %mul3A_745 : vector<16xf32> to vector<1x16xf32>
      tpu.vector_store %arg18[%swap3A_746, %swap3A_747], %swap3A_750 {strides = array<i32>} : memref<80x144xf32, #tpu.memory_space<vmem>>, vector<1x16xf32>,
      %scan3A_751 = arith.constant 0 : i32
      %scan3A_752 = arith.constant 2 : i32
      %scan3A_753 = arith.addi %scan3A_550, %scan3A_752 : i32
      %get3A_754 = arith.index_cast %scan3A_753 : i32 to index
      %get3A_755 = arith.constant 128 : index
      %get3A_756 = tpu.vector_load %arg18[%get3A_754, %get3A_755] {strides = array<i32>} : memref<80x144xf32, #tpu.memory_space<vmem>>, vector<1x16xf32>,
      %get3A_757 = vector.shape_cast %get3A_756 : vector<1x16xf32> to vector<16xf32>
      %get3A_758 = arith.index_cast %scan3A_753 : i32 to index
      %get3A_759 = arith.constant 0 : index
      %get3A_760 = tpu.vector_load %arg15[%get3A_758, %get3A_759] {strides = array<i32>} : memref<80x16xf32, #tpu.memory_space<vmem>>, vector<1x16xf32>,
      %get3A_761 = vector.shape_cast %get3A_760 : vector<1x16xf32> to vector<16xf32>
      %add3A_762 = arith.addf %get3A_757, %get3A_761 : vector<16xf32>
      %mul3A_763 = arith.constant 2.000000e-01 : f32
      %mul3A_764 = vector.broadcast %mul3A_763 : f32 to vector<16xf32>
      %mul3A_765 = arith.mulf %mul3A_764, %add3A_762 : vector<16xf32>
      %max3A_766 = arith.maximumf %add3A_762, %mul3A_765 : vector<16xf32>
      %exp3A_767 = math.exp %max3A_766 : vector<16xf32>
      %swap3A_768 = arith.index_cast %scan3A_753 : i32 to index
      %swap3A_769 = arith.constant 128 : index
      %swap3A_770 = tpu.vector_load %arg18[%swap3A_768, %swap3A_769] {strides = array<i32>} : memref<80x144xf32, #tpu.memory_space<vmem>>, vector<1x16xf32>,
      %swap3A_771 = vector.shape_cast %swap3A_770 : vector<1x16xf32> to vector<16xf32>
      %swap3A_772 = vector.shape_cast %exp3A_767 : vector<16xf32> to vector<1x16xf32>
      tpu.vector_store %arg18[%swap3A_768, %swap3A_769], %swap3A_772 {strides = array<i32>} : memref<80x144xf32, #tpu.memory_space<vmem>>, vector<1x16xf32>,
      %get3A_773 = arith.index_cast %scan3A_753 : i32 to index
      %get3A_774 = arith.constant 0 : index
      %get3A_775 = tpu.vector_load %arg18[%get3A_773, %get3A_774] {strides = array<i32>} : memref<80x144xf32, #tpu.memory_space<vmem>>, vector<1x16xf32>,
      %get3A_776 = vector.shape_cast %get3A_775 : vector<1x16xf32> to vector<16xf32>
      %mul3A_777 = arith.mulf %get3A_776, %exp3A_767 : vector<16xf32>
      %swap3A_778 = arith.index_cast %scan3A_753 : i32 to index
      %swap3A_779 = arith.constant 0 : index
      %swap3A_780 = tpu.vector_load %arg18[%swap3A_778, %swap3A_779] {strides = array<i32>} : memref<80x144xf32, #tpu.memory_space<vmem>>, vector<1x16xf32>,
      %swap3A_781 = vector.shape_cast %swap3A_780 : vector<1x16xf32> to vector<16xf32>
      %swap3A_782 = vector.shape_cast %mul3A_777 : vector<16xf32> to vector<1x16xf32>
      tpu.vector_store %arg18[%swap3A_778, %swap3A_779], %swap3A_782 {strides = array<i32>} : memref<80x144xf32, #tpu.memory_space<vmem>>, vector<1x16xf32>,
      %get3A_783 = arith.index_cast %scan3A_753 : i32 to index
      %get3A_784 = arith.constant 16 : index
      %get3A_785 = tpu.vector_load %arg18[%get3A_783, %get3A_784] {strides = array<i32>} : memref<80x144xf32, #tpu.memory_space<vmem>>, vector<1x16xf32>,
      %get3A_786 = vector.shape_cast %get3A_785 : vector<1x16xf32> to vector<16xf32>
      %mul3A_787 = arith.mulf %get3A_786, %exp3A_767 : vector<16xf32>
      %swap3A_788 = arith.index_cast %scan3A_753 : i32 to index
      %swap3A_789 = arith.constant 16 : index
      %swap3A_790 = tpu.vector_load %arg18[%swap3A_788, %swap3A_789] {strides = array<i32>} : memref<80x144xf32, #tpu.memory_space<vmem>>, vector<1x16xf32>,
      %swap3A_791 = vector.shape_cast %swap3A_790 : vector<1x16xf32> to vector<16xf32>
      %swap3A_792 = vector.shape_cast %mul3A_787 : vector<16xf32> to vector<1x16xf32>
      tpu.vector_store %arg18[%swap3A_788, %swap3A_789], %swap3A_792 {strides = array<i32>} : memref<80x144xf32, #tpu.memory_space<vmem>>, vector<1x16xf32>,
      %get3A_793 = arith.index_cast %scan3A_753 : i32 to index
      %get3A_794 = arith.constant 32 : index
      %get3A_795 = tpu.vector_load %arg18[%get3A_793, %get3A_794] {strides = array<i32>} : memref<80x144xf32, #tpu.memory_space<vmem>>, vector<1x16xf32>,
      %get3A_796 = vector.shape_cast %get3A_795 : vector<1x16xf32> to vector<16xf32>
      %mul3A_797 = arith.mulf %get3A_796, %exp3A_767 : vector<16xf32>
      %swap3A_798 = arith.index_cast %scan3A_753 : i32 to index
      %swap3A_799 = arith.constant 32 : index
      %swap3A_800 = tpu.vector_load %arg18[%swap3A_798, %swap3A_799] {strides = array<i32>} : memref<80x144xf32, #tpu.memory_space<vmem>>, vector<1x16xf32>,
      %swap3A_801 = vector.shape_cast %swap3A_800 : vector<1x16xf32> to vector<16xf32>
      %swap3A_802 = vector.shape_cast %mul3A_797 : vector<16xf32> to vector<1x16xf32>
      tpu.vector_store %arg18[%swap3A_798, %swap3A_799], %swap3A_802 {strides = array<i32>} : memref<80x144xf32, #tpu.memory_space<vmem>>, vector<1x16xf32>,
      %get3A_803 = arith.index_cast %scan3A_753 : i32 to index
      %get3A_804 = arith.constant 48 : index
      %get3A_805 = tpu.vector_load %arg18[%get3A_803, %get3A_804] {strides = array<i32>} : memref<80x144xf32, #tpu.memory_space<vmem>>, vector<1x16xf32>,
      %get3A_806 = vector.shape_cast %get3A_805 : vector<1x16xf32> to vector<16xf32>
      %mul3A_807 = arith.mulf %get3A_806, %exp3A_767 : vector<16xf32>
      %swap3A_808 = arith.index_cast %scan3A_753 : i32 to index
      %swap3A_809 = arith.constant 48 : index
      %swap3A_810 = tpu.vector_load %arg18[%swap3A_808, %swap3A_809] {strides = array<i32>} : memref<80x144xf32, #tpu.memory_space<vmem>>, vector<1x16xf32>,
      %swap3A_811 = vector.shape_cast %swap3A_810 : vector<1x16xf32> to vector<16xf32>
      %swap3A_812 = vector.shape_cast %mul3A_807 : vector<16xf32> to vector<1x16xf32>
      tpu.vector_store %arg18[%swap3A_808, %swap3A_809], %swap3A_812 {strides = array<i32>} : memref<80x144xf32, #tpu.memory_space<vmem>>, vector<1x16xf32>,
      %get3A_813 = arith.index_cast %scan3A_753 : i32 to index
      %get3A_814 = arith.constant 64 : index
      %get3A_815 = tpu.vector_load %arg18[%get3A_813, %get3A_814] {strides = array<i32>} : memref<80x144xf32, #tpu.memory_space<vmem>>, vector<1x16xf32>,
      %get3A_816 = vector.shape_cast %get3A_815 : vector<1x16xf32> to vector<16xf32>
      %mul3A_817 = arith.mulf %get3A_816, %exp3A_767 : vector<16xf32>
      %swap3A_818 = arith.index_cast %scan3A_753 : i32 to index
      %swap3A_819 = arith.constant 64 : index
      %swap3A_820 = tpu.vector_load %arg18[%swap3A_818, %swap3A_819] {strides = array<i32>} : memref<80x144xf32, #tpu.memory_space<vmem>>, vector<1x16xf32>,
      %swap3A_821 = vector.shape_cast %swap3A_820 : vector<1x16xf32> to vector<16xf32>
      %swap3A_822 = vector.shape_cast %mul3A_817 : vector<16xf32> to vector<1x16xf32>
      tpu.vector_store %arg18[%swap3A_818, %swap3A_819], %swap3A_822 {strides = array<i32>} : memref<80x144xf32, #tpu.memory_space<vmem>>, vector<1x16xf32>,
      %get3A_823 = arith.index_cast %scan3A_753 : i32 to index
      %get3A_824 = arith.constant 80 : index
      %get3A_825 = tpu.vector_load %arg18[%get3A_823, %get3A_824] {strides = array<i32>} : memref<80x144xf32, #tpu.memory_space<vmem>>, vector<1x16xf32>,
      %get3A_826 = vector.shape_cast %get3A_825 : vector<1x16xf32> to vector<16xf32>
      %mul3A_827 = arith.mulf %get3A_826, %exp3A_767 : vector<16xf32>
      %swap3A_828 = arith.index_cast %scan3A_753 : i32 to index
      %swap3A_829 = arith.constant 80 : index
      %swap3A_830 = tpu.vector_load %arg18[%swap3A_828, %swap3A_829] {strides = array<i32>} : memref<80x144xf32, #tpu.memory_space<vmem>>, vector<1x16xf32>,
      %swap3A_831 = vector.shape_cast %swap3A_830 : vector<1x16xf32> to vector<16xf32>
      %swap3A_832 = vector.shape_cast %mul3A_827 : vector<16xf32> to vector<1x16xf32>
      tpu.vector_store %arg18[%swap3A_828, %swap3A_829], %swap3A_832 {strides = array<i32>} : memref<80x144xf32, #tpu.memory_space<vmem>>, vector<1x16xf32>,
      %get3A_833 = arith.index_cast %scan3A_753 : i32 to index
      %get3A_834 = arith.constant 96 : index
      %get3A_835 = tpu.vector_load %arg18[%get3A_833, %get3A_834] {strides = array<i32>} : memref<80x144xf32, #tpu.memory_space<vmem>>, vector<1x16xf32>,
      %get3A_836 = vector.shape_cast %get3A_835 : vector<1x16xf32> to vector<16xf32>
      %mul3A_837 = arith.mulf %get3A_836, %exp3A_767 : vector<16xf32>
      %swap3A_838 = arith.index_cast %scan3A_753 : i32 to index
      %swap3A_839 = arith.constant 96 : index
      %swap3A_840 = tpu.vector_load %arg18[%swap3A_838, %swap3A_839] {strides = array<i32>} : memref<80x144xf32, #tpu.memory_space<vmem>>, vector<1x16xf32>,
      %swap3A_841 = vector.shape_cast %swap3A_840 : vector<1x16xf32> to vector<16xf32>
      %swap3A_842 = vector.shape_cast %mul3A_837 : vector<16xf32> to vector<1x16xf32>
      tpu.vector_store %arg18[%swap3A_838, %swap3A_839], %swap3A_842 {strides = array<i32>} : memref<80x144xf32, #tpu.memory_space<vmem>>, vector<1x16xf32>,
      %get3A_843 = arith.index_cast %scan3A_753 : i32 to index
      %get3A_844 = arith.constant 112 : index
      %get3A_845 = tpu.vector_load %arg18[%get3A_843, %get3A_844] {strides = array<i32>} : memref<80x144xf32, #tpu.memory_space<vmem>>, vector<1x16xf32>,
      %get3A_846 = vector.shape_cast %get3A_845 : vector<1x16xf32> to vector<16xf32>
      %mul3A_847 = arith.mulf %get3A_846, %exp3A_767 : vector<16xf32>
      %swap3A_848 = arith.index_cast %scan3A_753 : i32 to index
      %swap3A_849 = arith.constant 112 : index
      %swap3A_850 = tpu.vector_load %arg18[%swap3A_848, %swap3A_849] {strides = array<i32>} : memref<80x144xf32, #tpu.memory_space<vmem>>, vector<1x16xf32>,
      %swap3A_851 = vector.shape_cast %swap3A_850 : vector<1x16xf32> to vector<16xf32>
      %swap3A_852 = vector.shape_cast %mul3A_847 : vector<16xf32> to vector<1x16xf32>
      tpu.vector_store %arg18[%swap3A_848, %swap3A_849], %swap3A_852 {strides = array<i32>} : memref<80x144xf32, #tpu.memory_space<vmem>>, vector<1x16xf32>,
      %scan3A_853 = arith.constant 0 : i32
      %scan3A_854 = arith.constant 3 : i32
      %scan3A_855 = arith.addi %scan3A_550, %scan3A_854 : i32
      %get3A_856 = arith.index_cast %scan3A_855 : i32 to index
      %get3A_857 = arith.constant 128 : index
      %get3A_858 = tpu.vector_load %arg18[%get3A_856, %get3A_857] {strides = array<i32>} : memref<80x144xf32, #tpu.memory_space<vmem>>, vector<1x16xf32>,
      %get3A_859 = vector.shape_cast %get3A_858 : vector<1x16xf32> to vector<16xf32>
      %get3A_860 = arith.index_cast %scan3A_855 : i32 to index
      %get3A_861 = arith.constant 0 : index
      %get3A_862 = tpu.vector_load %arg15[%get3A_860, %get3A_861] {strides = array<i32>} : memref<80x16xf32, #tpu.memory_space<vmem>>, vector<1x16xf32>,
      %get3A_863 = vector.shape_cast %get3A_862 : vector<1x16xf32> to vector<16xf32>
      %add3A_864 = arith.addf %get3A_859, %get3A_863 : vector<16xf32>
      %mul3A_865 = arith.constant 2.000000e-01 : f32
      %mul3A_866 = vector.broadcast %mul3A_865 : f32 to vector<16xf32>
      %mul3A_867 = arith.mulf %mul3A_866, %add3A_864 : vector<16xf32>
      %max3A_868 = arith.maximumf %add3A_864, %mul3A_867 : vector<16xf32>
      %exp3A_869 = math.exp %max3A_868 : vector<16xf32>
      %swap3A_870 = arith.index_cast %scan3A_855 : i32 to index
      %swap3A_871 = arith.constant 128 : index
      %swap3A_872 = tpu.vector_load %arg18[%swap3A_870, %swap3A_871] {strides = array<i32>} : memref<80x144xf32, #tpu.memory_space<vmem>>, vector<1x16xf32>,
      %swap3A_873 = vector.shape_cast %swap3A_872 : vector<1x16xf32> to vector<16xf32>
      %swap3A_874 = vector.shape_cast %exp3A_869 : vector<16xf32> to vector<1x16xf32>
      tpu.vector_store %arg18[%swap3A_870, %swap3A_871], %swap3A_874 {strides = array<i32>} : memref<80x144xf32, #tpu.memory_space<vmem>>, vector<1x16xf32>,
      %get3A_875 = arith.index_cast %scan3A_855 : i32 to index
      %get3A_876 = arith.constant 0 : index
      %get3A_877 = tpu.vector_load %arg18[%get3A_875, %get3A_876] {strides = array<i32>} : memref<80x144xf32, #tpu.memory_space<vmem>>, vector<1x16xf32>,
      %get3A_878 = vector.shape_cast %get3A_877 : vector<1x16xf32> to vector<16xf32>
      %mul3A_879 = arith.mulf %get3A_878, %exp3A_869 : vector<16xf32>
      %swap3A_880 = arith.index_cast %scan3A_855 : i32 to index
      %swap3A_881 = arith.constant 0 : index
      %swap3A_882 = tpu.vector_load %arg18[%swap3A_880, %swap3A_881] {strides = array<i32>} : memref<80x144xf32, #tpu.memory_space<vmem>>, vector<1x16xf32>,
      %swap3A_883 = vector.shape_cast %swap3A_882 : vector<1x16xf32> to vector<16xf32>
      %swap3A_884 = vector.shape_cast %mul3A_879 : vector<16xf32> to vector<1x16xf32>
      tpu.vector_store %arg18[%swap3A_880, %swap3A_881], %swap3A_884 {strides = array<i32>} : memref<80x144xf32, #tpu.memory_space<vmem>>, vector<1x16xf32>,
      %get3A_885 = arith.index_cast %scan3A_855 : i32 to index
      %get3A_886 = arith.constant 16 : index
      %get3A_887 = tpu.vector_load %arg18[%get3A_885, %get3A_886] {strides = array<i32>} : memref<80x144xf32, #tpu.memory_space<vmem>>, vector<1x16xf32>,
      %get3A_888 = vector.shape_cast %get3A_887 : vector<1x16xf32> to vector<16xf32>
      %mul3A_889 = arith.mulf %get3A_888, %exp3A_869 : vector<16xf32>
      %swap3A_890 = arith.index_cast %scan3A_855 : i32 to index
      %swap3A_891 = arith.constant 16 : index
      %swap3A_892 = tpu.vector_load %arg18[%swap3A_890, %swap3A_891] {strides = array<i32>} : memref<80x144xf32, #tpu.memory_space<vmem>>, vector<1x16xf32>,
      %swap3A_893 = vector.shape_cast %swap3A_892 : vector<1x16xf32> to vector<16xf32>
      %swap3A_894 = vector.shape_cast %mul3A_889 : vector<16xf32> to vector<1x16xf32>
      tpu.vector_store %arg18[%swap3A_890, %swap3A_891], %swap3A_894 {strides = array<i32>} : memref<80x144xf32, #tpu.memory_space<vmem>>, vector<1x16xf32>,
      %get3A_895 = arith.index_cast %scan3A_855 : i32 to index
      %get3A_896 = arith.constant 32 : index
      %get3A_897 = tpu.vector_load %arg18[%get3A_895, %get3A_896] {strides = array<i32>} : memref<80x144xf32, #tpu.memory_space<vmem>>, vector<1x16xf32>,
      %get3A_898 = vector.shape_cast %get3A_897 : vector<1x16xf32> to vector<16xf32>
      %mul3A_899 = arith.mulf %get3A_898, %exp3A_869 : vector<16xf32>
      %swap3A_900 = arith.index_cast %scan3A_855 : i32 to index
      %swap3A_901 = arith.constant 32 : index
      %swap3A_902 = tpu.vector_load %arg18[%swap3A_900, %swap3A_901] {strides = array<i32>} : memref<80x144xf32, #tpu.memory_space<vmem>>, vector<1x16xf32>,
      %swap3A_903 = vector.shape_cast %swap3A_902 : vector<1x16xf32> to vector<16xf32>
      %swap3A_904 = vector.shape_cast %mul3A_899 : vector<16xf32> to vector<1x16xf32>
      tpu.vector_store %arg18[%swap3A_900, %swap3A_901], %swap3A_904 {strides = array<i32>} : memref<80x144xf32, #tpu.memory_space<vmem>>, vector<1x16xf32>,
      %get3A_905 = arith.index_cast %scan3A_855 : i32 to index
      %get3A_906 = arith.constant 48 : index
      %get3A_907 = tpu.vector_load %arg18[%get3A_905, %get3A_906] {strides = array<i32>} : memref<80x144xf32, #tpu.memory_space<vmem>>, vector<1x16xf32>,
      %get3A_908 = vector.shape_cast %get3A_907 : vector<1x16xf32> to vector<16xf32>
      %mul3A_909 = arith.mulf %get3A_908, %exp3A_869 : vector<16xf32>
      %swap3A_910 = arith.index_cast %scan3A_855 : i32 to index
      %swap3A_911 = arith.constant 48 : index
      %swap3A_912 = tpu.vector_load %arg18[%swap3A_910, %swap3A_911] {strides = array<i32>} : memref<80x144xf32, #tpu.memory_space<vmem>>, vector<1x16xf32>,
      %swap3A_913 = vector.shape_cast %swap3A_912 : vector<1x16xf32> to vector<16xf32>
      %swap3A_914 = vector.shape_cast %mul3A_909 : vector<16xf32> to vector<1x16xf32>
      tpu.vector_store %arg18[%swap3A_910, %swap3A_911], %swap3A_914 {strides = array<i32>} : memref<80x144xf32, #tpu.memory_space<vmem>>, vector<1x16xf32>,
      %get3A_915 = arith.index_cast %scan3A_855 : i32 to index
      %get3A_916 = arith.constant 64 : index
      %get3A_917 = tpu.vector_load %arg18[%get3A_915, %get3A_916] {strides = array<i32>} : memref<80x144xf32, #tpu.memory_space<vmem>>, vector<1x16xf32>,
      %get3A_918 = vector.shape_cast %get3A_917 : vector<1x16xf32> to vector<16xf32>
      %mul3A_919 = arith.mulf %get3A_918, %exp3A_869 : vector<16xf32>
      %swap3A_920 = arith.index_cast %scan3A_855 : i32 to index
      %swap3A_921 = arith.constant 64 : index
      %swap3A_922 = tpu.vector_load %arg18[%swap3A_920, %swap3A_921] {strides = array<i32>} : memref<80x144xf32, #tpu.memory_space<vmem>>, vector<1x16xf32>,
      %swap3A_923 = vector.shape_cast %swap3A_922 : vector<1x16xf32> to vector<16xf32>
      %swap3A_924 = vector.shape_cast %mul3A_919 : vector<16xf32> to vector<1x16xf32>
      tpu.vector_store %arg18[%swap3A_920, %swap3A_921], %swap3A_924 {strides = array<i32>} : memref<80x144xf32, #tpu.memory_space<vmem>>, vector<1x16xf32>,
      %get3A_925 = arith.index_cast %scan3A_855 : i32 to index
      %get3A_926 = arith.constant 80 : index
      %get3A_927 = tpu.vector_load %arg18[%get3A_925, %get3A_926] {strides = array<i32>} : memref<80x144xf32, #tpu.memory_space<vmem>>, vector<1x16xf32>,
      %get3A_928 = vector.shape_cast %get3A_927 : vector<1x16xf32> to vector<16xf32>
      %mul3A_929 = arith.mulf %get3A_928, %exp3A_869 : vector<16xf32>
      %swap3A_930 = arith.index_cast %scan3A_855 : i32 to index
      %swap3A_931 = arith.constant 80 : index
      %swap3A_932 = tpu.vector_load %arg18[%swap3A_930, %swap3A_931] {strides = array<i32>} : memref<80x144xf32, #tpu.memory_space<vmem>>, vector<1x16xf32>,
      %swap3A_933 = vector.shape_cast %swap3A_932 : vector<1x16xf32> to vector<16xf32>
      %swap3A_934 = vector.shape_cast %mul3A_929 : vector<16xf32> to vector<1x16xf32>
      tpu.vector_store %arg18[%swap3A_930, %swap3A_931], %swap3A_934 {strides = array<i32>} : memref<80x144xf32, #tpu.memory_space<vmem>>, vector<1x16xf32>,
      %get3A_935 = arith.index_cast %scan3A_855 : i32 to index
      %get3A_936 = arith.constant 96 : index
      %get3A_937 = tpu.vector_load %arg18[%get3A_935, %get3A_936] {strides = array<i32>} : memref<80x144xf32, #tpu.memory_space<vmem>>, vector<1x16xf32>,
      %get3A_938 = vector.shape_cast %get3A_937 : vector<1x16xf32> to vector<16xf32>
      %mul3A_939 = arith.mulf %get3A_938, %exp3A_869 : vector<16xf32>
      %swap3A_940 = arith.index_cast %scan3A_855 : i32 to index
      %swap3A_941 = arith.constant 96 : index
      %swap3A_942 = tpu.vector_load %arg18[%swap3A_940, %swap3A_941] {strides = array<i32>} : memref<80x144xf32, #tpu.memory_space<vmem>>, vector<1x16xf32>,
      %swap3A_943 = vector.shape_cast %swap3A_942 : vector<1x16xf32> to vector<16xf32>
      %swap3A_944 = vector.shape_cast %mul3A_939 : vector<16xf32> to vector<1x16xf32>
      tpu.vector_store %arg18[%swap3A_940, %swap3A_941], %swap3A_944 {strides = array<i32>} : memref<80x144xf32, #tpu.memory_space<vmem>>, vector<1x16xf32>,
      %get3A_945 = arith.index_cast %scan3A_855 : i32 to index
      %get3A_946 = arith.constant 112 : index
      %get3A_947 = tpu.vector_load %arg18[%get3A_945, %get3A_946] {strides = array<i32>} : memref<80x144xf32, #tpu.memory_space<vmem>>, vector<1x16xf32>,
      %get3A_948 = vector.shape_cast %get3A_947 : vector<1x16xf32> to vector<16xf32>
      %mul3A_949 = arith.mulf %get3A_948, %exp3A_869 : vector<16xf32>
      %swap3A_950 = arith.index_cast %scan3A_855 : i32 to index
      %swap3A_951 = arith.constant 112 : index
      %swap3A_952 = tpu.vector_load %arg18[%swap3A_950, %swap3A_951] {strides = array<i32>} : memref<80x144xf32, #tpu.memory_space<vmem>>, vector<1x16xf32>,
      %swap3A_953 = vector.shape_cast %swap3A_952 : vector<1x16xf32> to vector<16xf32>
      %swap3A_954 = vector.shape_cast %mul3A_949 : vector<16xf32> to vector<1x16xf32>
      tpu.vector_store %arg18[%swap3A_950, %swap3A_951], %swap3A_954 {strides = array<i32>} : memref<80x144xf32, #tpu.memory_space<vmem>>, vector<1x16xf32>,
      %scan3A_955 = arith.constant 0 : i32
      scf.yield %scan3A_955 : i32
    }
    %scan3A_358 = arith.constant 80 : i32
    %dma_start3A_359 = arith.constant 0 : i32
    %dma_start3A_360 = arith.constant 0 : i32
    %dma_start3A_361 = tpu.memref_slice %arg21[%dma_start3A_359, %dma_start3A_360] : memref<10016x144xf32, #tpu.memory_space<vmem_shared>> -> memref<10016x144xf32, #tpu.memory_space<vmem_shared>>
    tpu.enqueue_indirect_dma source(%arg18 : memref<80x144xf32, #tpu.memory_space<vmem>>) target(%dma_start3A_361 : memref<10016x144xf32, #tpu.memory_space<vmem_shared>>) offsets(%arg12 : memref<80xi32, #tpu.memory_space<vmem>>) semaphore(%arg34 : memref<!tpu.dma_semaphore, #tpu.memory_space<semaphore_mem>>) {add = true}
    %scan3A_362 = arith.constant 0 : i32
    %scan3A_363 = arith.constant 0 : i32
    %scan3A_364 = arith.constant 41 : i32
    %scan3A_365 = arith.addi %scan3A_363, %scan3A_364 : i32
    %scan3A_366 = arith.constant 1 : i32
    %scan3A_367 = scf.for %scan3A_550 = %scan3A_363 to %scan3A_365 step %scan3A_366 iter_args(%scan3A_551 = %scan3A_362) -> (i32)  : i32 {
      %mul3A_552 = arith.constant 3 : i32
      %mul3A_553 = arith.muli %mul3A_552, %scan3A_550 : i32
      %add3A_554 = arith.constant 1 : i32
      %add3A_555 = arith.addi %mul3A_553, %add3A_554 : i32
      %dma_wait3A_556 = arith.constant 0 : i32
      %dma_wait3A_557 = tpu.memref_slice %arg4[%dma_wait3A_556] : memref<645120xi32, #tpu.memory_space<hbm>> -> memref<80xi32, #tpu.memory_space<hbm>>
      %dma_wait3A_558 = arith.constant 0 : i32
      %dma_wait3A_559 = tpu.memref_slice %arg4[%dma_wait3A_558] : memref<645120xi32, #tpu.memory_space<hbm>> -> memref<80xi32, #tpu.memory_space<hbm>>
      tpu.wait_dma2 semaphore(%arg24 : memref<!tpu.dma_semaphore, #tpu.memory_space<semaphore_mem>>) src(%dma_wait3A_559 : memref<80xi32, #tpu.memory_space<hbm>>) dst(%arg8 : memref<80xi32, #tpu.memory_space<vmem>>)
      %dma_wait3A_560 = arith.constant 0 : i32
      %dma_wait3A_561 = tpu.memref_slice %arg4[%dma_wait3A_560] : memref<645120xi32, #tpu.memory_space<hbm>> -> memref<80xi32, #tpu.memory_space<hbm>>
      %dma_wait3A_562 = arith.constant 0 : i32
      %dma_wait3A_563 = tpu.memref_slice %arg4[%dma_wait3A_562] : memref<645120xi32, #tpu.memory_space<hbm>> -> memref<80xi32, #tpu.memory_space<hbm>>
      tpu.wait_dma2 semaphore(%arg27 : memref<!tpu.dma_semaphore, #tpu.memory_space<semaphore_mem>>) src(%dma_wait3A_563 : memref<80xi32, #tpu.memory_space<hbm>>) dst(%arg11 : memref<80xi32, #tpu.memory_space<vmem>>)
      %get3A_564 = arith.constant 0 : index
      %get3A_565 = tpu.vector_load %arg8[%get3A_564] {strides = array<i32>} : memref<80xi32, #tpu.memory_space<vmem>>, vector<16xi32>,
      %get3A_566 = vector.shape_cast %get3A_565 : vector<16xi32> to vector<16xi32>
      %get3A_567 = arith.constant 0 : index
      %get3A_568 = tpu.vector_load %arg11[%get3A_567] {strides = array<i32>} : memref<80xi32, #tpu.memory_space<vmem>>, vector<16xi32>,
      %get3A_569 = vector.shape_cast %get3A_568 : vector<16xi32> to vector<16xi32>
      %eq3A_570 = arith.cmpi eq, %get3A_566, %get3A_569 : vector<16xi32>
      %jit3A_571 = arith.constant 10000 : i32
      %broadcast_in_dim3A_572 = vector.broadcast %jit3A_571 : i32 to vector<16xi32>
      %select_n3A_573 = arith.select %eq3A_570, %broadcast_in_dim3A_572, %get3A_566 : vector<16xi1>, vector<16xi32>
      %swap3A_574 = arith.constant 0 : index
      %swap3A_575 = tpu.vector_load %arg8[%swap3A_574] {strides = array<i32>} : memref<80xi32, #tpu.memory_space<vmem>>, vector<16xi32>,
      %swap3A_576 = vector.shape_cast %swap3A_575 : vector<16xi32> to vector<16xi32>
      %swap3A_577 = vector.shape_cast %select_n3A_573 : vector<16xi32> to vector<16xi32>
      tpu.vector_store %arg8[%swap3A_574], %swap3A_577 {strides = array<i32>} : memref<80xi32, #tpu.memory_space<vmem>>, vector<16xi32>,
      %jit3A_578 = arith.constant 10000 : i32
      %broadcast_in_dim3A_579 = vector.broadcast %jit3A_578 : i32 to vector<16xi32>
      %select_n3A_580 = arith.select %eq3A_570, %broadcast_in_dim3A_579, %get3A_569 : vector<16xi1>, vector<16xi32>
      %swap3A_581 = arith.constant 0 : index
      %swap3A_582 = tpu.vector_load %arg11[%swap3A_581] {strides = array<i32>} : memref<80xi32, #tpu.memory_space<vmem>>, vector<16xi32>,
      %swap3A_583 = vector.shape_cast %swap3A_582 : vector<16xi32> to vector<16xi32>
      %swap3A_584 = vector.shape_cast %select_n3A_580 : vector<16xi32> to vector<16xi32>
      tpu.vector_store %arg11[%swap3A_581], %swap3A_584 {strides = array<i32>} : memref<80xi32, #tpu.memory_space<vmem>>, vector<16xi32>,
      %swap3A_585 = arith.constant 0 : index
      %swap3A_586 = tpu.vector_load %arg14[%swap3A_585] {strides = array<i32>} : memref<80xi32, #tpu.memory_space<vmem>>, vector<16xi32>,
      %swap3A_587 = vector.shape_cast %swap3A_586 : vector<16xi32> to vector<16xi32>
      %swap3A_588 = vector.shape_cast %select_n3A_580 : vector<16xi32> to vector<16xi32>
      tpu.vector_store %arg14[%swap3A_585], %swap3A_588 {strides = array<i32>} : memref<80xi32, #tpu.memory_space<vmem>>, vector<16xi32>,
      %get3A_589 = arith.constant 16 : index
      %get3A_590 = tpu.vector_load %arg8[%get3A_589] {strides = array<i32>} : memref<80xi32, #tpu.memory_space<vmem>>, vector<16xi32>,
      %get3A_591 = vector.shape_cast %get3A_590 : vector<16xi32> to vector<16xi32>
      %get3A_592 = arith.constant 16 : index
      %get3A_593 = tpu.vector_load %arg11[%get3A_592] {strides = array<i32>} : memref<80xi32, #tpu.memory_space<vmem>>, vector<16xi32>,
      %get3A_594 = vector.shape_cast %get3A_593 : vector<16xi32> to vector<16xi32>
      %eq3A_595 = arith.cmpi eq, %get3A_591, %get3A_594 : vector<16xi32>
      %jit3A_596 = arith.constant 10000 : i32
      %broadcast_in_dim3A_597 = vector.broadcast %jit3A_596 : i32 to vector<16xi32>
      %select_n3A_598 = arith.select %eq3A_595, %broadcast_in_dim3A_597, %get3A_591 : vector<16xi1>, vector<16xi32>
      %swap3A_599 = arith.constant 16 : index
      %swap3A_600 = tpu.vector_load %arg8[%swap3A_599] {strides = array<i32>} : memref<80xi32, #tpu.memory_space<vmem>>, vector<16xi32>,
      %swap3A_601 = vector.shape_cast %swap3A_600 : vector<16xi32> to vector<16xi32>
      %swap3A_602 = vector.shape_cast %select_n3A_598 : vector<16xi32> to vector<16xi32>
      tpu.vector_store %arg8[%swap3A_599], %swap3A_602 {strides = array<i32>} : memref<80xi32, #tpu.memory_space<vmem>>, vector<16xi32>,
      %jit3A_603 = arith.constant 10000 : i32
      %broadcast_in_dim3A_604 = vector.broadcast %jit3A_603 : i32 to vector<16xi32>
      %select_n3A_605 = arith.select %eq3A_595, %broadcast_in_dim3A_604, %get3A_594 : vector<16xi1>, vector<16xi32>
      %swap3A_606 = arith.constant 16 : index
      %swap3A_607 = tpu.vector_load %arg11[%swap3A_606] {strides = array<i32>} : memref<80xi32, #tpu.memory_space<vmem>>, vector<16xi32>,
      %swap3A_608 = vector.shape_cast %swap3A_607 : vector<16xi32> to vector<16xi32>
      %swap3A_609 = vector.shape_cast %select_n3A_605 : vector<16xi32> to vector<16xi32>
      tpu.vector_store %arg11[%swap3A_606], %swap3A_609 {strides = array<i32>} : memref<80xi32, #tpu.memory_space<vmem>>, vector<16xi32>,
      %swap3A_610 = arith.constant 16 : index
      %swap3A_611 = tpu.vector_load %arg14[%swap3A_610] {strides = array<i32>} : memref<80xi32, #tpu.memory_space<vmem>>, vector<16xi32>,
      %swap3A_612 = vector.shape_cast %swap3A_611 : vector<16xi32> to vector<16xi32>
      %swap3A_613 = vector.shape_cast %select_n3A_605 : vector<16xi32> to vector<16xi32>
      tpu.vector_store %arg14[%swap3A_610], %swap3A_613 {strides = array<i32>} : memref<80xi32, #tpu.memory_space<vmem>>, vector<16xi32>,
      %get3A_614 = arith.constant 32 : index
      %get3A_615 = tpu.vector_load %arg8[%get3A_614] {strides = array<i32>} : memref<80xi32, #tpu.memory_space<vmem>>, vector<16xi32>,
      %get3A_616 = vector.shape_cast %get3A_615 : vector<16xi32> to vector<16xi32>
      %get3A_617 = arith.constant 32 : index
      %get3A_618 = tpu.vector_load %arg11[%get3A_617] {strides = array<i32>} : memref<80xi32, #tpu.memory_space<vmem>>, vector<16xi32>,
      %get3A_619 = vector.shape_cast %get3A_618 : vector<16xi32> to vector<16xi32>
      %eq3A_620 = arith.cmpi eq, %get3A_616, %get3A_619 : vector<16xi32>
      %jit3A_621 = arith.constant 10000 : i32
      %broadcast_in_dim3A_622 = vector.broadcast %jit3A_621 : i32 to vector<16xi32>
      %select_n3A_623 = arith.select %eq3A_620, %broadcast_in_dim3A_622, %get3A_616 : vector<16xi1>, vector<16xi32>
      %swap3A_624 = arith.constant 32 : index
      %swap3A_625 = tpu.vector_load %arg8[%swap3A_624] {strides = array<i32>} : memref<80xi32, #tpu.memory_space<vmem>>, vector<16xi32>,
      %swap3A_626 = vector.shape_cast %swap3A_625 : vector<16xi32> to vector<16xi32>
      %swap3A_627 = vector.shape_cast %select_n3A_623 : vector<16xi32> to vector<16xi32>
      tpu.vector_store %arg8[%swap3A_624], %swap3A_627 {strides = array<i32>} : memref<80xi32, #tpu.memory_space<vmem>>, vector<16xi32>,
      %jit3A_628 = arith.constant 10000 : i32
      %broadcast_in_dim3A_629 = vector.broadcast %jit3A_628 : i32 to vector<16xi32>
      %select_n3A_630 = arith.select %eq3A_620, %broadcast_in_dim3A_629, %get3A_619 : vector<16xi1>, vector<16xi32>
      %swap3A_631 = arith.constant 32 : index
      %swap3A_632 = tpu.vector_load %arg11[%swap3A_631] {strides = array<i32>} : memref<80xi32, #tpu.memory_space<vmem>>, vector<16xi32>,
      %swap3A_633 = vector.shape_cast %swap3A_632 : vector<16xi32> to vector<16xi32>
      %swap3A_634 = vector.shape_cast %select_n3A_630 : vector<16xi32> to vector<16xi32>
      tpu.vector_store %arg11[%swap3A_631], %swap3A_634 {strides = array<i32>} : memref<80xi32, #tpu.memory_space<vmem>>, vector<16xi32>,
      %swap3A_635 = arith.constant 32 : index
      %swap3A_636 = tpu.vector_load %arg14[%swap3A_635] {strides = array<i32>} : memref<80xi32, #tpu.memory_space<vmem>>, vector<16xi32>,
      %swap3A_637 = vector.shape_cast %swap3A_636 : vector<16xi32> to vector<16xi32>
      %swap3A_638 = vector.shape_cast %select_n3A_630 : vector<16xi32> to vector<16xi32>
      tpu.vector_store %arg14[%swap3A_635], %swap3A_638 {strides = array<i32>} : memref<80xi32, #tpu.memory_space<vmem>>, vector<16xi32>,
      %get3A_639 = arith.constant 48 : index
      %get3A_640 = tpu.vector_load %arg8[%get3A_639] {strides = array<i32>} : memref<80xi32, #tpu.memory_space<vmem>>, vector<16xi32>,
      %get3A_641 = vector.shape_cast %get3A_640 : vector<16xi32> to vector<16xi32>
      %get3A_642 = arith.constant 48 : index
      %get3A_643 = tpu.vector_load %arg11[%get3A_642] {strides = array<i32>} : memref<80xi32, #tpu.memory_space<vmem>>, vector<16xi32>,
      %get3A_644 = vector.shape_cast %get3A_643 : vector<16xi32> to vector<16xi32>
      %eq3A_645 = arith.cmpi eq, %get3A_641, %get3A_644 : vector<16xi32>
      %jit3A_646 = arith.constant 10000 : i32
      %broadcast_in_dim3A_647 = vector.broadcast %jit3A_646 : i32 to vector<16xi32>
      %select_n3A_648 = arith.select %eq3A_645, %broadcast_in_dim3A_647, %get3A_641 : vector<16xi1>, vector<16xi32>
      %swap3A_649 = arith.constant 48 : index
      %swap3A_650 = tpu.vector_load %arg8[%swap3A_649] {strides = array<i32>} : memref<80xi32, #tpu.memory_space<vmem>>, vector<16xi32>,
      %swap3A_651 = vector.shape_cast %swap3A_650 : vector<16xi32> to vector<16xi32>
      %swap3A_652 = vector.shape_cast %select_n3A_648 : vector<16xi32> to vector<16xi32>
      tpu.vector_store %arg8[%swap3A_649], %swap3A_652 {strides = array<i32>} : memref<80xi32, #tpu.memory_space<vmem>>, vector<16xi32>,
      %jit3A_653 = arith.constant 10000 : i32
      %broadcast_in_dim3A_654 = vector.broadcast %jit3A_653 : i32 to vector<16xi32>
      %select_n3A_655 = arith.select %eq3A_645, %broadcast_in_dim3A_654, %get3A_644 : vector<16xi1>, vector<16xi32>
      %swap3A_656 = arith.constant 48 : index
      %swap3A_657 = tpu.vector_load %arg11[%swap3A_656] {strides = array<i32>} : memref<80xi32, #tpu.memory_space<vmem>>, vector<16xi32>,
      %swap3A_658 = vector.shape_cast %swap3A_657 : vector<16xi32> to vector<16xi32>
      %swap3A_659 = vector.shape_cast %select_n3A_655 : vector<16xi32> to vector<16xi32>
      tpu.vector_store %arg11[%swap3A_656], %swap3A_659 {strides = array<i32>} : memref<80xi32, #tpu.memory_space<vmem>>, vector<16xi32>,
      %swap3A_660 = arith.constant 48 : index
      %swap3A_661 = tpu.vector_load %arg14[%swap3A_660] {strides = array<i32>} : memref<80xi32, #tpu.memory_space<vmem>>, vector<16xi32>,
      %swap3A_662 = vector.shape_cast %swap3A_661 : vector<16xi32> to vector<16xi32>
      %swap3A_663 = vector.shape_cast %select_n3A_655 : vector<16xi32> to vector<16xi32>
      tpu.vector_store %arg14[%swap3A_660], %swap3A_663 {strides = array<i32>} : memref<80xi32, #tpu.memory_space<vmem>>, vector<16xi32>,
      %get3A_664 = arith.constant 64 : index
      %get3A_665 = tpu.vector_load %arg8[%get3A_664] {strides = array<i32>} : memref<80xi32, #tpu.memory_space<vmem>>, vector<16xi32>,
      %get3A_666 = vector.shape_cast %get3A_665 : vector<16xi32> to vector<16xi32>
      %get3A_667 = arith.constant 64 : index
      %get3A_668 = tpu.vector_load %arg11[%get3A_667] {strides = array<i32>} : memref<80xi32, #tpu.memory_space<vmem>>, vector<16xi32>,
      %get3A_669 = vector.shape_cast %get3A_668 : vector<16xi32> to vector<16xi32>
      %eq3A_670 = arith.cmpi eq, %get3A_666, %get3A_669 : vector<16xi32>
      %jit3A_671 = arith.constant 10000 : i32
      %broadcast_in_dim3A_672 = vector.broadcast %jit3A_671 : i32 to vector<16xi32>
      %select_n3A_673 = arith.select %eq3A_670, %broadcast_in_dim3A_672, %get3A_666 : vector<16xi1>, vector<16xi32>
      %swap3A_674 = arith.constant 64 : index
      %swap3A_675 = tpu.vector_load %arg8[%swap3A_674] {strides = array<i32>} : memref<80xi32, #tpu.memory_space<vmem>>, vector<16xi32>,
      %swap3A_676 = vector.shape_cast %swap3A_675 : vector<16xi32> to vector<16xi32>
      %swap3A_677 = vector.shape_cast %select_n3A_673 : vector<16xi32> to vector<16xi32>
      tpu.vector_store %arg8[%swap3A_674], %swap3A_677 {strides = array<i32>} : memref<80xi32, #tpu.memory_space<vmem>>, vector<16xi32>,
      %jit3A_678 = arith.constant 10000 : i32
      %broadcast_in_dim3A_679 = vector.broadcast %jit3A_678 : i32 to vector<16xi32>
      %select_n3A_680 = arith.select %eq3A_670, %broadcast_in_dim3A_679, %get3A_669 : vector<16xi1>, vector<16xi32>
      %swap3A_681 = arith.constant 64 : index
      %swap3A_682 = tpu.vector_load %arg11[%swap3A_681] {strides = array<i32>} : memref<80xi32, #tpu.memory_space<vmem>>, vector<16xi32>,
      %swap3A_683 = vector.shape_cast %swap3A_682 : vector<16xi32> to vector<16xi32>
      %swap3A_684 = vector.shape_cast %select_n3A_680 : vector<16xi32> to vector<16xi32>
      tpu.vector_store %arg11[%swap3A_681], %swap3A_684 {strides = array<i32>} : memref<80xi32, #tpu.memory_space<vmem>>, vector<16xi32>,
      %swap3A_685 = arith.constant 64 : index
      %swap3A_686 = tpu.vector_load %arg14[%swap3A_685] {strides = array<i32>} : memref<80xi32, #tpu.memory_space<vmem>>, vector<16xi32>,
      %swap3A_687 = vector.shape_cast %swap3A_686 : vector<16xi32> to vector<16xi32>
      %swap3A_688 = vector.shape_cast %select_n3A_680 : vector<16xi32> to vector<16xi32>
      tpu.vector_store %arg14[%swap3A_685], %swap3A_688 {strides = array<i32>} : memref<80xi32, #tpu.memory_space<vmem>>, vector<16xi32>,
      %dma_start3A_689 = arith.constant 0 : i32
      %dma_start3A_690 = arith.constant 0 : i32
      %dma_start3A_691 = tpu.memref_slice %arg2[%dma_start3A_689, %dma_start3A_690] : memref<10016x144xf32, #tpu.memory_space<hbm>> -> memref<10016x144xf32, #tpu.memory_space<hbm>>
      tpu.enqueue_indirect_dma source(%dma_start3A_691 : memref<10016x144xf32, #tpu.memory_space<hbm>>) target(%arg20 : memref<80x144xf32, #tpu.memory_space<vmem>>) offsets(%arg8 : memref<80xi32, #tpu.memory_space<vmem>>) semaphore(%arg33 : memref<!tpu.dma_semaphore, #tpu.memory_space<semaphore_mem>>)
      %dma_start3A_692 = arith.constant 0 : i32
      %dma_start3A_693 = arith.constant 0 : i32
      %dma_start3A_694 = tpu.memref_slice %arg3[%dma_start3A_692, %dma_start3A_693] : memref<10016x16xf32, #tpu.memory_space<hbm>> -> memref<10016x16xf32, #tpu.memory_space<hbm>>
      tpu.enqueue_indirect_dma source(%dma_start3A_694 : memref<10016x16xf32, #tpu.memory_space<hbm>>) target(%arg17 : memref<80x16xf32, #tpu.memory_space<vmem>>) offsets(%arg11 : memref<80xi32, #tpu.memory_space<vmem>>) semaphore(%arg30 : memref<!tpu.dma_semaphore, #tpu.memory_space<semaphore_mem>>)
      %dma_wait3A_695 = arith.constant 0 : i32
      %dma_wait3A_696 = arith.constant 0 : i32
      %dma_wait3A_697 = tpu.memref_slice %arg2[%dma_wait3A_695, %dma_wait3A_696] : memref<10016x144xf32, #tpu.memory_space<hbm>> -> memref<10016x144xf32, #tpu.memory_space<hbm>>
      tpu.wait_indirect_dma semaphore(%arg32 : memref<!tpu.dma_semaphore, #tpu.memory_space<semaphore_mem>>) src(%dma_wait3A_697 : memref<10016x144xf32, #tpu.memory_space<hbm>>) dst(%arg19 : memref<80x144xf32, #tpu.memory_space<vmem>>)
      %dma_wait3A_698 = arith.constant 0 : i32
      %dma_wait3A_699 = arith.constant 0 : i32
      %dma_wait3A_700 = tpu.memref_slice %arg3[%dma_wait3A_698, %dma_wait3A_699] : memref<10016x16xf32, #tpu.memory_space<hbm>> -> memref<10016x16xf32, #tpu.memory_space<hbm>>
      tpu.wait_indirect_dma semaphore(%arg29 : memref<!tpu.dma_semaphore, #tpu.memory_space<semaphore_mem>>) src(%dma_wait3A_700 : memref<10016x16xf32, #tpu.memory_space<hbm>>) dst(%arg16 : memref<80x16xf32, #tpu.memory_space<vmem>>)
      %add3A_701 = arith.constant 2 : i32
      %add3A_702 = arith.addi %add3A_555, %add3A_701 : i32
      %add3A_703 = arith.addi %mul3A_4, %add3A_702 : i32
      %mul3A_704 = arith.constant 80 : i32
      %mul3A_705 = arith.muli %add3A_703, %mul3A_704 : i32
      %multiple_of3A_706 = tpu.assume_multiple %mul3A_705, 80 : i32
      %dma_start3A_707 = tpu.memref_slice %arg4[%multiple_of3A_706] : memref<645120xi32, #tpu.memory_space<hbm>> -> memref<80xi32, #tpu.memory_space<hbm>>
      %dma_start3A_708 = tpu.memref_slice %arg4[%multiple_of3A_706] : memref<645120xi32, #tpu.memory_space<hbm>> -> memref<80xi32, #tpu.memory_space<hbm>>
      tpu.enqueue_dma source(%dma_start3A_708 : memref<80xi32, #tpu.memory_space<hbm>>) target(%arg6 : memref<80xi32, #tpu.memory_space<vmem>>) target_semaphore(%arg22 : memref<!tpu.dma_semaphore, #tpu.memory_space<semaphore_mem>>)
      %add3A_709 = arith.addi %mul3A_4, %add3A_702 : i32
      %mul3A_710 = arith.constant 80 : i32
      %mul3A_711 = arith.muli %add3A_709, %mul3A_710 : i32
      %add3A_712 = arith.constant 322560 : i32
      %add3A_713 = arith.addi %add3A_712, %mul3A_711 : i32
      %multiple_of3A_714 = tpu.assume_multiple %add3A_713, 80 : i32
      %dma_start3A_715 = tpu.memref_slice %arg4[%multiple_of3A_714] : memref<645120xi32, #tpu.memory_space<hbm>> -> memref<80xi32, #tpu.memory_space<hbm>>
      %dma_start3A_716 = tpu.memref_slice %arg4[%multiple_of3A_714] : memref<645120xi32, #tpu.memory_space<hbm>> -> memref<80xi32, #tpu.memory_space<hbm>>
      tpu.enqueue_dma source(%dma_start3A_716 : memref<80xi32, #tpu.memory_space<hbm>>) target(%arg9 : memref<80xi32, #tpu.memory_space<vmem>>) target_semaphore(%arg25 : memref<!tpu.dma_semaphore, #tpu.memory_space<semaphore_mem>>)
      %scan3A_717 = arith.constant 0 : i32
      %scan3A_718 = arith.constant 0 : i32
      %scan3A_719 = arith.constant 80 : i32
      %scan3A_720 = arith.addi %scan3A_718, %scan3A_719 : i32
      %scan3A_721 = arith.constant 4 : i32
      %scan3A_722 = scf.for %scan3A_1083 = %scan3A_718 to %scan3A_720 step %scan3A_721 iter_args(%scan3A_1084 = %scan3A_717) -> (i32)  : i32 {
        %get3A_1085 = arith.index_cast %scan3A_1083 : i32 to index
        %get3A_1086 = arith.constant 128 : index
        %get3A_1087 = tpu.vector_load %arg19[%get3A_1085, %get3A_1086] {strides = array<i32>} : memref<80x144xf32, #tpu.memory_space<vmem>>, vector<1x16xf32>,
        %get3A_1088 = vector.shape_cast %get3A_1087 : vector<1x16xf32> to vector<16xf32>
        %get3A_1089 = arith.index_cast %scan3A_1083 : i32 to index
        %get3A_1090 = arith.constant 0 : index
        %get3A_1091 = tpu.vector_load %arg16[%get3A_1089, %get3A_1090] {strides = array<i32>} : memref<80x16xf32, #tpu.memory_space<vmem>>, vector<1x16xf32>,
        %get3A_1092 = vector.shape_cast %get3A_1091 : vector<1x16xf32> to vector<16xf32>
        %add3A_1093 = arith.addf %get3A_1088, %get3A_1092 : vector<16xf32>
        %mul3A_1094 = arith.constant 2.000000e-01 : f32
        %mul3A_1095 = vector.broadcast %mul3A_1094 : f32 to vector<16xf32>
        %mul3A_1096 = arith.mulf %mul3A_1095, %add3A_1093 : vector<16xf32>
        %max3A = arith.maximumf %add3A_1093, %mul3A_1096 : vector<16xf32>
        %exp3A = math.exp %max3A : vector<16xf32>
        %swap3A_1097 = arith.index_cast %scan3A_1083 : i32 to index
        %swap3A_1098 = arith.constant 128 : index
        %swap3A_1099 = tpu.vector_load %arg19[%swap3A_1097, %swap3A_1098] {strides = array<i32>} : memref<80x144xf32, #tpu.memory_space<vmem>>, vector<1x16xf32>,
        %swap3A_1100 = vector.shape_cast %swap3A_1099 : vector<1x16xf32> to vector<16xf32>
        %swap3A_1101 = vector.shape_cast %exp3A : vector<16xf32> to vector<1x16xf32>
        tpu.vector_store %arg19[%swap3A_1097, %swap3A_1098], %swap3A_1101 {strides = array<i32>} : memref<80x144xf32, #tpu.memory_space<vmem>>, vector<1x16xf32>,
        %get3A_1102 = arith.index_cast %scan3A_1083 : i32 to index
        %get3A_1103 = arith.constant 0 : index
        %get3A_1104 = tpu.vector_load %arg19[%get3A_1102, %get3A_1103] {strides = array<i32>} : memref<80x144xf32, #tpu.memory_space<vmem>>, vector<1x16xf32>,
        %get3A_1105 = vector.shape_cast %get3A_1104 : vector<1x16xf32> to vector<16xf32>
        %mul3A_1106 = arith.mulf %get3A_1105, %exp3A : vector<16xf32>
        %swap3A_1107 = arith.index_cast %scan3A_1083 : i32 to index
        %swap3A_1108 = arith.constant 0 : index
        %swap3A_1109 = tpu.vector_load %arg19[%swap3A_1107, %swap3A_1108] {strides = array<i32>} : memref<80x144xf32, #tpu.memory_space<vmem>>, vector<1x16xf32>,
        %swap3A_1110 = vector.shape_cast %swap3A_1109 : vector<1x16xf32> to vector<16xf32>
        %swap3A_1111 = vector.shape_cast %mul3A_1106 : vector<16xf32> to vector<1x16xf32>
        tpu.vector_store %arg19[%swap3A_1107, %swap3A_1108], %swap3A_1111 {strides = array<i32>} : memref<80x144xf32, #tpu.memory_space<vmem>>, vector<1x16xf32>,
        %get3A_1112 = arith.index_cast %scan3A_1083 : i32 to index
        %get3A_1113 = arith.constant 16 : index
        %get3A_1114 = tpu.vector_load %arg19[%get3A_1112, %get3A_1113] {strides = array<i32>} : memref<80x144xf32, #tpu.memory_space<vmem>>, vector<1x16xf32>,
        %get3A_1115 = vector.shape_cast %get3A_1114 : vector<1x16xf32> to vector<16xf32>
        %mul3A_1116 = arith.mulf %get3A_1115, %exp3A : vector<16xf32>
        %swap3A_1117 = arith.index_cast %scan3A_1083 : i32 to index
        %swap3A_1118 = arith.constant 16 : index
        %swap3A_1119 = tpu.vector_load %arg19[%swap3A_1117, %swap3A_1118] {strides = array<i32>} : memref<80x144xf32, #tpu.memory_space<vmem>>, vector<1x16xf32>,
        %swap3A_1120 = vector.shape_cast %swap3A_1119 : vector<1x16xf32> to vector<16xf32>
        %swap3A_1121 = vector.shape_cast %mul3A_1116 : vector<16xf32> to vector<1x16xf32>
        tpu.vector_store %arg19[%swap3A_1117, %swap3A_1118], %swap3A_1121 {strides = array<i32>} : memref<80x144xf32, #tpu.memory_space<vmem>>, vector<1x16xf32>,
        %get3A_1122 = arith.index_cast %scan3A_1083 : i32 to index
        %get3A_1123 = arith.constant 32 : index
        %get3A_1124 = tpu.vector_load %arg19[%get3A_1122, %get3A_1123] {strides = array<i32>} : memref<80x144xf32, #tpu.memory_space<vmem>>, vector<1x16xf32>,
        %get3A_1125 = vector.shape_cast %get3A_1124 : vector<1x16xf32> to vector<16xf32>
        %mul3A_1126 = arith.mulf %get3A_1125, %exp3A : vector<16xf32>
        %swap3A_1127 = arith.index_cast %scan3A_1083 : i32 to index
        %swap3A_1128 = arith.constant 32 : index
        %swap3A_1129 = tpu.vector_load %arg19[%swap3A_1127, %swap3A_1128] {strides = array<i32>} : memref<80x144xf32, #tpu.memory_space<vmem>>, vector<1x16xf32>,
        %swap3A_1130 = vector.shape_cast %swap3A_1129 : vector<1x16xf32> to vector<16xf32>
        %swap3A_1131 = vector.shape_cast %mul3A_1126 : vector<16xf32> to vector<1x16xf32>
        tpu.vector_store %arg19[%swap3A_1127, %swap3A_1128], %swap3A_1131 {strides = array<i32>} : memref<80x144xf32, #tpu.memory_space<vmem>>, vector<1x16xf32>,
        %get3A_1132 = arith.index_cast %scan3A_1083 : i32 to index
        %get3A_1133 = arith.constant 48 : index
        %get3A_1134 = tpu.vector_load %arg19[%get3A_1132, %get3A_1133] {strides = array<i32>} : memref<80x144xf32, #tpu.memory_space<vmem>>, vector<1x16xf32>,
        %get3A_1135 = vector.shape_cast %get3A_1134 : vector<1x16xf32> to vector<16xf32>
        %mul3A_1136 = arith.mulf %get3A_1135, %exp3A : vector<16xf32>
        %swap3A_1137 = arith.index_cast %scan3A_1083 : i32 to index
        %swap3A_1138 = arith.constant 48 : index
        %swap3A_1139 = tpu.vector_load %arg19[%swap3A_1137, %swap3A_1138] {strides = array<i32>} : memref<80x144xf32, #tpu.memory_space<vmem>>, vector<1x16xf32>,
        %swap3A_1140 = vector.shape_cast %swap3A_1139 : vector<1x16xf32> to vector<16xf32>
        %swap3A_1141 = vector.shape_cast %mul3A_1136 : vector<16xf32> to vector<1x16xf32>
        tpu.vector_store %arg19[%swap3A_1137, %swap3A_1138], %swap3A_1141 {strides = array<i32>} : memref<80x144xf32, #tpu.memory_space<vmem>>, vector<1x16xf32>,
        %get3A_1142 = arith.index_cast %scan3A_1083 : i32 to index
        %get3A_1143 = arith.constant 64 : index
        %get3A_1144 = tpu.vector_load %arg19[%get3A_1142, %get3A_1143] {strides = array<i32>} : memref<80x144xf32, #tpu.memory_space<vmem>>, vector<1x16xf32>,
        %get3A_1145 = vector.shape_cast %get3A_1144 : vector<1x16xf32> to vector<16xf32>
        %mul3A_1146 = arith.mulf %get3A_1145, %exp3A : vector<16xf32>
        %swap3A_1147 = arith.index_cast %scan3A_1083 : i32 to index
        %swap3A_1148 = arith.constant 64 : index
        %swap3A_1149 = tpu.vector_load %arg19[%swap3A_1147, %swap3A_1148] {strides = array<i32>} : memref<80x144xf32, #tpu.memory_space<vmem>>, vector<1x16xf32>,
        %swap3A_1150 = vector.shape_cast %swap3A_1149 : vector<1x16xf32> to vector<16xf32>
        %swap3A_1151 = vector.shape_cast %mul3A_1146 : vector<16xf32> to vector<1x16xf32>
        tpu.vector_store %arg19[%swap3A_1147, %swap3A_1148], %swap3A_1151 {strides = array<i32>} : memref<80x144xf32, #tpu.memory_space<vmem>>, vector<1x16xf32>,
        %get3A_1152 = arith.index_cast %scan3A_1083 : i32 to index
        %get3A_1153 = arith.constant 80 : index
        %get3A_1154 = tpu.vector_load %arg19[%get3A_1152, %get3A_1153] {strides = array<i32>} : memref<80x144xf32, #tpu.memory_space<vmem>>, vector<1x16xf32>,
        %get3A_1155 = vector.shape_cast %get3A_1154 : vector<1x16xf32> to vector<16xf32>
        %mul3A_1156 = arith.mulf %get3A_1155, %exp3A : vector<16xf32>
        %swap3A_1157 = arith.index_cast %scan3A_1083 : i32 to index
        %swap3A_1158 = arith.constant 80 : index
        %swap3A_1159 = tpu.vector_load %arg19[%swap3A_1157, %swap3A_1158] {strides = array<i32>} : memref<80x144xf32, #tpu.memory_space<vmem>>, vector<1x16xf32>,
        %swap3A_1160 = vector.shape_cast %swap3A_1159 : vector<1x16xf32> to vector<16xf32>
        %swap3A_1161 = vector.shape_cast %mul3A_1156 : vector<16xf32> to vector<1x16xf32>
        tpu.vector_store %arg19[%swap3A_1157, %swap3A_1158], %swap3A_1161 {strides = array<i32>} : memref<80x144xf32, #tpu.memory_space<vmem>>, vector<1x16xf32>,
        %get3A_1162 = arith.index_cast %scan3A_1083 : i32 to index
        %get3A_1163 = arith.constant 96 : index
        %get3A_1164 = tpu.vector_load %arg19[%get3A_1162, %get3A_1163] {strides = array<i32>} : memref<80x144xf32, #tpu.memory_space<vmem>>, vector<1x16xf32>,
        %get3A_1165 = vector.shape_cast %get3A_1164 : vector<1x16xf32> to vector<16xf32>
        %mul3A_1166 = arith.mulf %get3A_1165, %exp3A : vector<16xf32>
        %swap3A_1167 = arith.index_cast %scan3A_1083 : i32 to index
        %swap3A_1168 = arith.constant 96 : index
        %swap3A_1169 = tpu.vector_load %arg19[%swap3A_1167, %swap3A_1168] {strides = array<i32>} : memref<80x144xf32, #tpu.memory_space<vmem>>, vector<1x16xf32>,
        %swap3A_1170 = vector.shape_cast %swap3A_1169 : vector<1x16xf32> to vector<16xf32>
        %swap3A_1171 = vector.shape_cast %mul3A_1166 : vector<16xf32> to vector<1x16xf32>
        tpu.vector_store %arg19[%swap3A_1167, %swap3A_1168], %swap3A_1171 {strides = array<i32>} : memref<80x144xf32, #tpu.memory_space<vmem>>, vector<1x16xf32>,
        %get3A_1172 = arith.index_cast %scan3A_1083 : i32 to index
        %get3A_1173 = arith.constant 112 : index
        %get3A_1174 = tpu.vector_load %arg19[%get3A_1172, %get3A_1173] {strides = array<i32>} : memref<80x144xf32, #tpu.memory_space<vmem>>, vector<1x16xf32>,
        %get3A_1175 = vector.shape_cast %get3A_1174 : vector<1x16xf32> to vector<16xf32>
        %mul3A_1176 = arith.mulf %get3A_1175, %exp3A : vector<16xf32>
        %swap3A_1177 = arith.index_cast %scan3A_1083 : i32 to index
        %swap3A_1178 = arith.constant 112 : index
        %swap3A_1179 = tpu.vector_load %arg19[%swap3A_1177, %swap3A_1178] {strides = array<i32>} : memref<80x144xf32, #tpu.memory_space<vmem>>, vector<1x16xf32>,
        %swap3A_1180 = vector.shape_cast %swap3A_1179 : vector<1x16xf32> to vector<16xf32>
        %swap3A_1181 = vector.shape_cast %mul3A_1176 : vector<16xf32> to vector<1x16xf32>
        tpu.vector_store %arg19[%swap3A_1177, %swap3A_1178], %swap3A_1181 {strides = array<i32>} : memref<80x144xf32, #tpu.memory_space<vmem>>, vector<1x16xf32>,
        %scan3A_1182 = arith.constant 0 : i32
        %scan3A_1183 = arith.constant 1 : i32
        %scan3A_1184 = arith.addi %scan3A_1083, %scan3A_1183 : i32
        %get3A_1185 = arith.index_cast %scan3A_1184 : i32 to index
        %get3A_1186 = arith.constant 128 : index
        %get3A_1187 = tpu.vector_load %arg19[%get3A_1185, %get3A_1186] {strides = array<i32>} : memref<80x144xf32, #tpu.memory_space<vmem>>, vector<1x16xf32>,
        %get3A_1188 = vector.shape_cast %get3A_1187 : vector<1x16xf32> to vector<16xf32>
        %get3A_1189 = arith.index_cast %scan3A_1184 : i32 to index
        %get3A_1190 = arith.constant 0 : index
        %get3A_1191 = tpu.vector_load %arg16[%get3A_1189, %get3A_1190] {strides = array<i32>} : memref<80x16xf32, #tpu.memory_space<vmem>>, vector<1x16xf32>,
        %get3A_1192 = vector.shape_cast %get3A_1191 : vector<1x16xf32> to vector<16xf32>
        %add3A_1193 = arith.addf %get3A_1188, %get3A_1192 : vector<16xf32>
        %mul3A_1194 = arith.constant 2.000000e-01 : f32
        %mul3A_1195 = vector.broadcast %mul3A_1194 : f32 to vector<16xf32>
        %mul3A_1196 = arith.mulf %mul3A_1195, %add3A_1193 : vector<16xf32>
        %max3A_1197 = arith.maximumf %add3A_1193, %mul3A_1196 : vector<16xf32>
        %exp3A_1198 = math.exp %max3A_1197 : vector<16xf32>
        %swap3A_1199 = arith.index_cast %scan3A_1184 : i32 to index
        %swap3A_1200 = arith.constant 128 : index
        %swap3A_1201 = tpu.vector_load %arg19[%swap3A_1199, %swap3A_1200] {strides = array<i32>} : memref<80x144xf32, #tpu.memory_space<vmem>>, vector<1x16xf32>,
        %swap3A_1202 = vector.shape_cast %swap3A_1201 : vector<1x16xf32> to vector<16xf32>
        %swap3A_1203 = vector.shape_cast %exp3A_1198 : vector<16xf32> to vector<1x16xf32>
        tpu.vector_store %arg19[%swap3A_1199, %swap3A_1200], %swap3A_1203 {strides = array<i32>} : memref<80x144xf32, #tpu.memory_space<vmem>>, vector<1x16xf32>,
        %get3A_1204 = arith.index_cast %scan3A_1184 : i32 to index
        %get3A_1205 = arith.constant 0 : index
        %get3A_1206 = tpu.vector_load %arg19[%get3A_1204, %get3A_1205] {strides = array<i32>} : memref<80x144xf32, #tpu.memory_space<vmem>>, vector<1x16xf32>,
        %get3A_1207 = vector.shape_cast %get3A_1206 : vector<1x16xf32> to vector<16xf32>
        %mul3A_1208 = arith.mulf %get3A_1207, %exp3A_1198 : vector<16xf32>
        %swap3A_1209 = arith.index_cast %scan3A_1184 : i32 to index
        %swap3A_1210 = arith.constant 0 : index
        %swap3A_1211 = tpu.vector_load %arg19[%swap3A_1209, %swap3A_1210] {strides = array<i32>} : memref<80x144xf32, #tpu.memory_space<vmem>>, vector<1x16xf32>,
        %swap3A_1212 = vector.shape_cast %swap3A_1211 : vector<1x16xf32> to vector<16xf32>
        %swap3A_1213 = vector.shape_cast %mul3A_1208 : vector<16xf32> to vector<1x16xf32>
        tpu.vector_store %arg19[%swap3A_1209, %swap3A_1210], %swap3A_1213 {strides = array<i32>} : memref<80x144xf32, #tpu.memory_space<vmem>>, vector<1x16xf32>,
        %get3A_1214 = arith.index_cast %scan3A_1184 : i32 to index
        %get3A_1215 = arith.constant 16 : index
        %get3A_1216 = tpu.vector_load %arg19[%get3A_1214, %get3A_1215] {strides = array<i32>} : memref<80x144xf32, #tpu.memory_space<vmem>>, vector<1x16xf32>,
        %get3A_1217 = vector.shape_cast %get3A_1216 : vector<1x16xf32> to vector<16xf32>
        %mul3A_1218 = arith.mulf %get3A_1217, %exp3A_1198 : vector<16xf32>
        %swap3A_1219 = arith.index_cast %scan3A_1184 : i32 to index
        %swap3A_1220 = arith.constant 16 : index
        %swap3A_1221 = tpu.vector_load %arg19[%swap3A_1219, %swap3A_1220] {strides = array<i32>} : memref<80x144xf32, #tpu.memory_space<vmem>>, vector<1x16xf32>,
        %swap3A_1222 = vector.shape_cast %swap3A_1221 : vector<1x16xf32> to vector<16xf32>
        %swap3A_1223 = vector.shape_cast %mul3A_1218 : vector<16xf32> to vector<1x16xf32>
        tpu.vector_store %arg19[%swap3A_1219, %swap3A_1220], %swap3A_1223 {strides = array<i32>} : memref<80x144xf32, #tpu.memory_space<vmem>>, vector<1x16xf32>,
        %get3A_1224 = arith.index_cast %scan3A_1184 : i32 to index
        %get3A_1225 = arith.constant 32 : index
        %get3A_1226 = tpu.vector_load %arg19[%get3A_1224, %get3A_1225] {strides = array<i32>} : memref<80x144xf32, #tpu.memory_space<vmem>>, vector<1x16xf32>,
        %get3A_1227 = vector.shape_cast %get3A_1226 : vector<1x16xf32> to vector<16xf32>
        %mul3A_1228 = arith.mulf %get3A_1227, %exp3A_1198 : vector<16xf32>
        %swap3A_1229 = arith.index_cast %scan3A_1184 : i32 to index
        %swap3A_1230 = arith.constant 32 : index
        %swap3A_1231 = tpu.vector_load %arg19[%swap3A_1229, %swap3A_1230] {strides = array<i32>} : memref<80x144xf32, #tpu.memory_space<vmem>>, vector<1x16xf32>,
        %swap3A_1232 = vector.shape_cast %swap3A_1231 : vector<1x16xf32> to vector<16xf32>
        %swap3A_1233 = vector.shape_cast %mul3A_1228 : vector<16xf32> to vector<1x16xf32>
        tpu.vector_store %arg19[%swap3A_1229, %swap3A_1230], %swap3A_1233 {strides = array<i32>} : memref<80x144xf32, #tpu.memory_space<vmem>>, vector<1x16xf32>,
        %get3A_1234 = arith.index_cast %scan3A_1184 : i32 to index
        %get3A_1235 = arith.constant 48 : index
        %get3A_1236 = tpu.vector_load %arg19[%get3A_1234, %get3A_1235] {strides = array<i32>} : memref<80x144xf32, #tpu.memory_space<vmem>>, vector<1x16xf32>,
        %get3A_1237 = vector.shape_cast %get3A_1236 : vector<1x16xf32> to vector<16xf32>
        %mul3A_1238 = arith.mulf %get3A_1237, %exp3A_1198 : vector<16xf32>
        %swap3A_1239 = arith.index_cast %scan3A_1184 : i32 to index
        %swap3A_1240 = arith.constant 48 : index
        %swap3A_1241 = tpu.vector_load %arg19[%swap3A_1239, %swap3A_1240] {strides = array<i32>} : memref<80x144xf32, #tpu.memory_space<vmem>>, vector<1x16xf32>,
        %swap3A_1242 = vector.shape_cast %swap3A_1241 : vector<1x16xf32> to vector<16xf32>
        %swap3A_1243 = vector.shape_cast %mul3A_1238 : vector<16xf32> to vector<1x16xf32>
        tpu.vector_store %arg19[%swap3A_1239, %swap3A_1240], %swap3A_1243 {strides = array<i32>} : memref<80x144xf32, #tpu.memory_space<vmem>>, vector<1x16xf32>,
        %get3A_1244 = arith.index_cast %scan3A_1184 : i32 to index
        %get3A_1245 = arith.constant 64 : index
        %get3A_1246 = tpu.vector_load %arg19[%get3A_1244, %get3A_1245] {strides = array<i32>} : memref<80x144xf32, #tpu.memory_space<vmem>>, vector<1x16xf32>,
        %get3A_1247 = vector.shape_cast %get3A_1246 : vector<1x16xf32> to vector<16xf32>
        %mul3A_1248 = arith.mulf %get3A_1247, %exp3A_1198 : vector<16xf32>
        %swap3A_1249 = arith.index_cast %scan3A_1184 : i32 to index
        %swap3A_1250 = arith.constant 64 : index
        %swap3A_1251 = tpu.vector_load %arg19[%swap3A_1249, %swap3A_1250] {strides = array<i32>} : memref<80x144xf32, #tpu.memory_space<vmem>>, vector<1x16xf32>,
        %swap3A_1252 = vector.shape_cast %swap3A_1251 : vector<1x16xf32> to vector<16xf32>
        %swap3A_1253 = vector.shape_cast %mul3A_1248 : vector<16xf32> to vector<1x16xf32>
        tpu.vector_store %arg19[%swap3A_1249, %swap3A_1250], %swap3A_1253 {strides = array<i32>} : memref<80x144xf32, #tpu.memory_space<vmem>>, vector<1x16xf32>,
        %get3A_1254 = arith.index_cast %scan3A_1184 : i32 to index
        %get3A_1255 = arith.constant 80 : index
        %get3A_1256 = tpu.vector_load %arg19[%get3A_1254, %get3A_1255] {strides = array<i32>} : memref<80x144xf32, #tpu.memory_space<vmem>>, vector<1x16xf32>,
        %get3A_1257 = vector.shape_cast %get3A_1256 : vector<1x16xf32> to vector<16xf32>
        %mul3A_1258 = arith.mulf %get3A_1257, %exp3A_1198 : vector<16xf32>
        %swap3A_1259 = arith.index_cast %scan3A_1184 : i32 to index
        %swap3A_1260 = arith.constant 80 : index
        %swap3A_1261 = tpu.vector_load %arg19[%swap3A_1259, %swap3A_1260] {strides = array<i32>} : memref<80x144xf32, #tpu.memory_space<vmem>>, vector<1x16xf32>,
        %swap3A_1262 = vector.shape_cast %swap3A_1261 : vector<1x16xf32> to vector<16xf32>
        %swap3A_1263 = vector.shape_cast %mul3A_1258 : vector<16xf32> to vector<1x16xf32>
        tpu.vector_store %arg19[%swap3A_1259, %swap3A_1260], %swap3A_1263 {strides = array<i32>} : memref<80x144xf32, #tpu.memory_space<vmem>>, vector<1x16xf32>,
        %get3A_1264 = arith.index_cast %scan3A_1184 : i32 to index
        %get3A_1265 = arith.constant 96 : index
        %get3A_1266 = tpu.vector_load %arg19[%get3A_1264, %get3A_1265] {strides = array<i32>} : memref<80x144xf32, #tpu.memory_space<vmem>>, vector<1x16xf32>,
        %get3A_1267 = vector.shape_cast %get3A_1266 : vector<1x16xf32> to vector<16xf32>
        %mul3A_1268 = arith.mulf %get3A_1267, %exp3A_1198 : vector<16xf32>
        %swap3A_1269 = arith.index_cast %scan3A_1184 : i32 to index
        %swap3A_1270 = arith.constant 96 : index
        %swap3A_1271 = tpu.vector_load %arg19[%swap3A_1269, %swap3A_1270] {strides = array<i32>} : memref<80x144xf32, #tpu.memory_space<vmem>>, vector<1x16xf32>,
        %swap3A_1272 = vector.shape_cast %swap3A_1271 : vector<1x16xf32> to vector<16xf32>
        %swap3A_1273 = vector.shape_cast %mul3A_1268 : vector<16xf32> to vector<1x16xf32>
        tpu.vector_store %arg19[%swap3A_1269, %swap3A_1270], %swap3A_1273 {strides = array<i32>} : memref<80x144xf32, #tpu.memory_space<vmem>>, vector<1x16xf32>,
        %get3A_1274 = arith.index_cast %scan3A_1184 : i32 to index
        %get3A_1275 = arith.constant 112 : index
        %get3A_1276 = tpu.vector_load %arg19[%get3A_1274, %get3A_1275] {strides = array<i32>} : memref<80x144xf32, #tpu.memory_space<vmem>>, vector<1x16xf32>,
        %get3A_1277 = vector.shape_cast %get3A_1276 : vector<1x16xf32> to vector<16xf32>
        %mul3A_1278 = arith.mulf %get3A_1277, %exp3A_1198 : vector<16xf32>
        %swap3A_1279 = arith.index_cast %scan3A_1184 : i32 to index
        %swap3A_1280 = arith.constant 112 : index
        %swap3A_1281 = tpu.vector_load %arg19[%swap3A_1279, %swap3A_1280] {strides = array<i32>} : memref<80x144xf32, #tpu.memory_space<vmem>>, vector<1x16xf32>,
        %swap3A_1282 = vector.shape_cast %swap3A_1281 : vector<1x16xf32> to vector<16xf32>
        %swap3A_1283 = vector.shape_cast %mul3A_1278 : vector<16xf32> to vector<1x16xf32>
        tpu.vector_store %arg19[%swap3A_1279, %swap3A_1280], %swap3A_1283 {strides = array<i32>} : memref<80x144xf32, #tpu.memory_space<vmem>>, vector<1x16xf32>,
        %scan3A_1284 = arith.constant 0 : i32
        %scan3A_1285 = arith.constant 2 : i32
        %scan3A_1286 = arith.addi %scan3A_1083, %scan3A_1285 : i32
        %get3A_1287 = arith.index_cast %scan3A_1286 : i32 to index
        %get3A_1288 = arith.constant 128 : index
        %get3A_1289 = tpu.vector_load %arg19[%get3A_1287, %get3A_1288] {strides = array<i32>} : memref<80x144xf32, #tpu.memory_space<vmem>>, vector<1x16xf32>,
        %get3A_1290 = vector.shape_cast %get3A_1289 : vector<1x16xf32> to vector<16xf32>
        %get3A_1291 = arith.index_cast %scan3A_1286 : i32 to index
        %get3A_1292 = arith.constant 0 : index
        %get3A_1293 = tpu.vector_load %arg16[%get3A_1291, %get3A_1292] {strides = array<i32>} : memref<80x16xf32, #tpu.memory_space<vmem>>, vector<1x16xf32>,
        %get3A_1294 = vector.shape_cast %get3A_1293 : vector<1x16xf32> to vector<16xf32>
        %add3A_1295 = arith.addf %get3A_1290, %get3A_1294 : vector<16xf32>
        %mul3A_1296 = arith.constant 2.000000e-01 : f32
        %mul3A_1297 = vector.broadcast %mul3A_1296 : f32 to vector<16xf32>
        %mul3A_1298 = arith.mulf %mul3A_1297, %add3A_1295 : vector<16xf32>
        %max3A_1299 = arith.maximumf %add3A_1295, %mul3A_1298 : vector<16xf32>
        %exp3A_1300 = math.exp %max3A_1299 : vector<16xf32>
        %swap3A_1301 = arith.index_cast %scan3A_1286 : i32 to index
        %swap3A_1302 = arith.constant 128 : index
        %swap3A_1303 = tpu.vector_load %arg19[%swap3A_1301, %swap3A_1302] {strides = array<i32>} : memref<80x144xf32, #tpu.memory_space<vmem>>, vector<1x16xf32>,
        %swap3A_1304 = vector.shape_cast %swap3A_1303 : vector<1x16xf32> to vector<16xf32>
        %swap3A_1305 = vector.shape_cast %exp3A_1300 : vector<16xf32> to vector<1x16xf32>
        tpu.vector_store %arg19[%swap3A_1301, %swap3A_1302], %swap3A_1305 {strides = array<i32>} : memref<80x144xf32, #tpu.memory_space<vmem>>, vector<1x16xf32>,
        %get3A_1306 = arith.index_cast %scan3A_1286 : i32 to index
        %get3A_1307 = arith.constant 0 : index
        %get3A_1308 = tpu.vector_load %arg19[%get3A_1306, %get3A_1307] {strides = array<i32>} : memref<80x144xf32, #tpu.memory_space<vmem>>, vector<1x16xf32>,
        %get3A_1309 = vector.shape_cast %get3A_1308 : vector<1x16xf32> to vector<16xf32>
        %mul3A_1310 = arith.mulf %get3A_1309, %exp3A_1300 : vector<16xf32>
        %swap3A_1311 = arith.index_cast %scan3A_1286 : i32 to index
        %swap3A_1312 = arith.constant 0 : index
        %swap3A_1313 = tpu.vector_load %arg19[%swap3A_1311, %swap3A_1312] {strides = array<i32>} : memref<80x144xf32, #tpu.memory_space<vmem>>, vector<1x16xf32>,
        %swap3A_1314 = vector.shape_cast %swap3A_1313 : vector<1x16xf32> to vector<16xf32>
        %swap3A_1315 = vector.shape_cast %mul3A_1310 : vector<16xf32> to vector<1x16xf32>
        tpu.vector_store %arg19[%swap3A_1311, %swap3A_1312], %swap3A_1315 {strides = array<i32>} : memref<80x144xf32, #tpu.memory_space<vmem>>, vector<1x16xf32>,
        %get3A_1316 = arith.index_cast %scan3A_1286 : i32 to index
        %get3A_1317 = arith.constant 16 : index
        %get3A_1318 = tpu.vector_load %arg19[%get3A_1316, %get3A_1317] {strides = array<i32>} : memref<80x144xf32, #tpu.memory_space<vmem>>, vector<1x16xf32>,
        %get3A_1319 = vector.shape_cast %get3A_1318 : vector<1x16xf32> to vector<16xf32>
        %mul3A_1320 = arith.mulf %get3A_1319, %exp3A_1300 : vector<16xf32>
        %swap3A_1321 = arith.index_cast %scan3A_1286 : i32 to index
        %swap3A_1322 = arith.constant 16 : index
        %swap3A_1323 = tpu.vector_load %arg19[%swap3A_1321, %swap3A_1322] {strides = array<i32>} : memref<80x144xf32, #tpu.memory_space<vmem>>, vector<1x16xf32>,
        %swap3A_1324 = vector.shape_cast %swap3A_1323 : vector<1x16xf32> to vector<16xf32>
        %swap3A_1325 = vector.shape_cast %mul3A_1320 : vector<16xf32> to vector<1x16xf32>
        tpu.vector_store %arg19[%swap3A_1321, %swap3A_1322], %swap3A_1325 {strides = array<i32>} : memref<80x144xf32, #tpu.memory_space<vmem>>, vector<1x16xf32>,
        %get3A_1326 = arith.index_cast %scan3A_1286 : i32 to index
        %get3A_1327 = arith.constant 32 : index
        %get3A_1328 = tpu.vector_load %arg19[%get3A_1326, %get3A_1327] {strides = array<i32>} : memref<80x144xf32, #tpu.memory_space<vmem>>, vector<1x16xf32>,
        %get3A_1329 = vector.shape_cast %get3A_1328 : vector<1x16xf32> to vector<16xf32>
        %mul3A_1330 = arith.mulf %get3A_1329, %exp3A_1300 : vector<16xf32>
        %swap3A_1331 = arith.index_cast %scan3A_1286 : i32 to index
        %swap3A_1332 = arith.constant 32 : index
        %swap3A_1333 = tpu.vector_load %arg19[%swap3A_1331, %swap3A_1332] {strides = array<i32>} : memref<80x144xf32, #tpu.memory_space<vmem>>, vector<1x16xf32>,
        %swap3A_1334 = vector.shape_cast %swap3A_1333 : vector<1x16xf32> to vector<16xf32>
        %swap3A_1335 = vector.shape_cast %mul3A_1330 : vector<16xf32> to vector<1x16xf32>
        tpu.vector_store %arg19[%swap3A_1331, %swap3A_1332], %swap3A_1335 {strides = array<i32>} : memref<80x144xf32, #tpu.memory_space<vmem>>, vector<1x16xf32>,
        %get3A_1336 = arith.index_cast %scan3A_1286 : i32 to index
        %get3A_1337 = arith.constant 48 : index
        %get3A_1338 = tpu.vector_load %arg19[%get3A_1336, %get3A_1337] {strides = array<i32>} : memref<80x144xf32, #tpu.memory_space<vmem>>, vector<1x16xf32>,
        %get3A_1339 = vector.shape_cast %get3A_1338 : vector<1x16xf32> to vector<16xf32>
        %mul3A_1340 = arith.mulf %get3A_1339, %exp3A_1300 : vector<16xf32>
        %swap3A_1341 = arith.index_cast %scan3A_1286 : i32 to index
        %swap3A_1342 = arith.constant 48 : index
        %swap3A_1343 = tpu.vector_load %arg19[%swap3A_1341, %swap3A_1342] {strides = array<i32>} : memref<80x144xf32, #tpu.memory_space<vmem>>, vector<1x16xf32>,
        %swap3A_1344 = vector.shape_cast %swap3A_1343 : vector<1x16xf32> to vector<16xf32>
        %swap3A_1345 = vector.shape_cast %mul3A_1340 : vector<16xf32> to vector<1x16xf32>
        tpu.vector_store %arg19[%swap3A_1341, %swap3A_1342], %swap3A_1345 {strides = array<i32>} : memref<80x144xf32, #tpu.memory_space<vmem>>, vector<1x16xf32>,
        %get3A_1346 = arith.index_cast %scan3A_1286 : i32 to index
        %get3A_1347 = arith.constant 64 : index
        %get3A_1348 = tpu.vector_load %arg19[%get3A_1346, %get3A_1347] {strides = array<i32>} : memref<80x144xf32, #tpu.memory_space<vmem>>, vector<1x16xf32>,
        %get3A_1349 = vector.shape_cast %get3A_1348 : vector<1x16xf32> to vector<16xf32>
        %mul3A_1350 = arith.mulf %get3A_1349, %exp3A_1300 : vector<16xf32>
        %swap3A_1351 = arith.index_cast %scan3A_1286 : i32 to index
        %swap3A_1352 = arith.constant 64 : index
        %swap3A_1353 = tpu.vector_load %arg19[%swap3A_1351, %swap3A_1352] {strides = array<i32>} : memref<80x144xf32, #tpu.memory_space<vmem>>, vector<1x16xf32>,
        %swap3A_1354 = vector.shape_cast %swap3A_1353 : vector<1x16xf32> to vector<16xf32>
        %swap3A_1355 = vector.shape_cast %mul3A_1350 : vector<16xf32> to vector<1x16xf32>
        tpu.vector_store %arg19[%swap3A_1351, %swap3A_1352], %swap3A_1355 {strides = array<i32>} : memref<80x144xf32, #tpu.memory_space<vmem>>, vector<1x16xf32>,
        %get3A_1356 = arith.index_cast %scan3A_1286 : i32 to index
        %get3A_1357 = arith.constant 80 : index
        %get3A_1358 = tpu.vector_load %arg19[%get3A_1356, %get3A_1357] {strides = array<i32>} : memref<80x144xf32, #tpu.memory_space<vmem>>, vector<1x16xf32>,
        %get3A_1359 = vector.shape_cast %get3A_1358 : vector<1x16xf32> to vector<16xf32>
        %mul3A_1360 = arith.mulf %get3A_1359, %exp3A_1300 : vector<16xf32>
        %swap3A_1361 = arith.index_cast %scan3A_1286 : i32 to index
        %swap3A_1362 = arith.constant 80 : index
        %swap3A_1363 = tpu.vector_load %arg19[%swap3A_1361, %swap3A_1362] {strides = array<i32>} : memref<80x144xf32, #tpu.memory_space<vmem>>, vector<1x16xf32>,
        %swap3A_1364 = vector.shape_cast %swap3A_1363 : vector<1x16xf32> to vector<16xf32>
        %swap3A_1365 = vector.shape_cast %mul3A_1360 : vector<16xf32> to vector<1x16xf32>
        tpu.vector_store %arg19[%swap3A_1361, %swap3A_1362], %swap3A_1365 {strides = array<i32>} : memref<80x144xf32, #tpu.memory_space<vmem>>, vector<1x16xf32>,
        %get3A_1366 = arith.index_cast %scan3A_1286 : i32 to index
        %get3A_1367 = arith.constant 96 : index
        %get3A_1368 = tpu.vector_load %arg19[%get3A_1366, %get3A_1367] {strides = array<i32>} : memref<80x144xf32, #tpu.memory_space<vmem>>, vector<1x16xf32>,
        %get3A_1369 = vector.shape_cast %get3A_1368 : vector<1x16xf32> to vector<16xf32>
        %mul3A_1370 = arith.mulf %get3A_1369, %exp3A_1300 : vector<16xf32>
        %swap3A_1371 = arith.index_cast %scan3A_1286 : i32 to index
        %swap3A_1372 = arith.constant 96 : index
        %swap3A_1373 = tpu.vector_load %arg19[%swap3A_1371, %swap3A_1372] {strides = array<i32>} : memref<80x144xf32, #tpu.memory_space<vmem>>, vector<1x16xf32>,
        %swap3A_1374 = vector.shape_cast %swap3A_1373 : vector<1x16xf32> to vector<16xf32>
        %swap3A_1375 = vector.shape_cast %mul3A_1370 : vector<16xf32> to vector<1x16xf32>
        tpu.vector_store %arg19[%swap3A_1371, %swap3A_1372], %swap3A_1375 {strides = array<i32>} : memref<80x144xf32, #tpu.memory_space<vmem>>, vector<1x16xf32>,
        %get3A_1376 = arith.index_cast %scan3A_1286 : i32 to index
        %get3A_1377 = arith.constant 112 : index
        %get3A_1378 = tpu.vector_load %arg19[%get3A_1376, %get3A_1377] {strides = array<i32>} : memref<80x144xf32, #tpu.memory_space<vmem>>, vector<1x16xf32>,
        %get3A_1379 = vector.shape_cast %get3A_1378 : vector<1x16xf32> to vector<16xf32>
        %mul3A_1380 = arith.mulf %get3A_1379, %exp3A_1300 : vector<16xf32>
        %swap3A_1381 = arith.index_cast %scan3A_1286 : i32 to index
        %swap3A_1382 = arith.constant 112 : index
        %swap3A_1383 = tpu.vector_load %arg19[%swap3A_1381, %swap3A_1382] {strides = array<i32>} : memref<80x144xf32, #tpu.memory_space<vmem>>, vector<1x16xf32>,
        %swap3A_1384 = vector.shape_cast %swap3A_1383 : vector<1x16xf32> to vector<16xf32>
        %swap3A_1385 = vector.shape_cast %mul3A_1380 : vector<16xf32> to vector<1x16xf32>
        tpu.vector_store %arg19[%swap3A_1381, %swap3A_1382], %swap3A_1385 {strides = array<i32>} : memref<80x144xf32, #tpu.memory_space<vmem>>, vector<1x16xf32>,
        %scan3A_1386 = arith.constant 0 : i32
        %scan3A_1387 = arith.constant 3 : i32
        %scan3A_1388 = arith.addi %scan3A_1083, %scan3A_1387 : i32
        %get3A_1389 = arith.index_cast %scan3A_1388 : i32 to index
        %get3A_1390 = arith.constant 128 : index
        %get3A_1391 = tpu.vector_load %arg19[%get3A_1389, %get3A_1390] {strides = array<i32>} : memref<80x144xf32, #tpu.memory_space<vmem>>, vector<1x16xf32>,
        %get3A_1392 = vector.shape_cast %get3A_1391 : vector<1x16xf32> to vector<16xf32>
        %get3A_1393 = arith.index_cast %scan3A_1388 : i32 to index
        %get3A_1394 = arith.constant 0 : index
        %get3A_1395 = tpu.vector_load %arg16[%get3A_1393, %get3A_1394] {strides = array<i32>} : memref<80x16xf32, #tpu.memory_space<vmem>>, vector<1x16xf32>,
        %get3A_1396 = vector.shape_cast %get3A_1395 : vector<1x16xf32> to vector<16xf32>
        %add3A_1397 = arith.addf %get3A_1392, %get3A_1396 : vector<16xf32>
        %mul3A_1398 = arith.constant 2.000000e-01 : f32
        %mul3A_1399 = vector.broadcast %mul3A_1398 : f32 to vector<16xf32>
        %mul3A_1400 = arith.mulf %mul3A_1399, %add3A_1397 : vector<16xf32>
        %max3A_1401 = arith.maximumf %add3A_1397, %mul3A_1400 : vector<16xf32>
        %exp3A_1402 = math.exp %max3A_1401 : vector<16xf32>
        %swap3A_1403 = arith.index_cast %scan3A_1388 : i32 to index
        %swap3A_1404 = arith.constant 128 : index
        %swap3A_1405 = tpu.vector_load %arg19[%swap3A_1403, %swap3A_1404] {strides = array<i32>} : memref<80x144xf32, #tpu.memory_space<vmem>>, vector<1x16xf32>,
        %swap3A_1406 = vector.shape_cast %swap3A_1405 : vector<1x16xf32> to vector<16xf32>
        %swap3A_1407 = vector.shape_cast %exp3A_1402 : vector<16xf32> to vector<1x16xf32>
        tpu.vector_store %arg19[%swap3A_1403, %swap3A_1404], %swap3A_1407 {strides = array<i32>} : memref<80x144xf32, #tpu.memory_space<vmem>>, vector<1x16xf32>,
        %get3A_1408 = arith.index_cast %scan3A_1388 : i32 to index
        %get3A_1409 = arith.constant 0 : index
        %get3A_1410 = tpu.vector_load %arg19[%get3A_1408, %get3A_1409] {strides = array<i32>} : memref<80x144xf32, #tpu.memory_space<vmem>>, vector<1x16xf32>,
        %get3A_1411 = vector.shape_cast %get3A_1410 : vector<1x16xf32> to vector<16xf32>
        %mul3A_1412 = arith.mulf %get3A_1411, %exp3A_1402 : vector<16xf32>
        %swap3A_1413 = arith.index_cast %scan3A_1388 : i32 to index
        %swap3A_1414 = arith.constant 0 : index
        %swap3A_1415 = tpu.vector_load %arg19[%swap3A_1413, %swap3A_1414] {strides = array<i32>} : memref<80x144xf32, #tpu.memory_space<vmem>>, vector<1x16xf32>,
        %swap3A_1416 = vector.shape_cast %swap3A_1415 : vector<1x16xf32> to vector<16xf32>
        %swap3A_1417 = vector.shape_cast %mul3A_1412 : vector<16xf32> to vector<1x16xf32>
        tpu.vector_store %arg19[%swap3A_1413, %swap3A_1414], %swap3A_1417 {strides = array<i32>} : memref<80x144xf32, #tpu.memory_space<vmem>>, vector<1x16xf32>,
        %get3A_1418 = arith.index_cast %scan3A_1388 : i32 to index
        %get3A_1419 = arith.constant 16 : index
        %get3A_1420 = tpu.vector_load %arg19[%get3A_1418, %get3A_1419] {strides = array<i32>} : memref<80x144xf32, #tpu.memory_space<vmem>>, vector<1x16xf32>,
        %get3A_1421 = vector.shape_cast %get3A_1420 : vector<1x16xf32> to vector<16xf32>
        %mul3A_1422 = arith.mulf %get3A_1421, %exp3A_1402 : vector<16xf32>
        %swap3A_1423 = arith.index_cast %scan3A_1388 : i32 to index
        %swap3A_1424 = arith.constant 16 : index
        %swap3A_1425 = tpu.vector_load %arg19[%swap3A_1423, %swap3A_1424] {strides = array<i32>} : memref<80x144xf32, #tpu.memory_space<vmem>>, vector<1x16xf32>,
        %swap3A_1426 = vector.shape_cast %swap3A_1425 : vector<1x16xf32> to vector<16xf32>
        %swap3A_1427 = vector.shape_cast %mul3A_1422 : vector<16xf32> to vector<1x16xf32>
        tpu.vector_store %arg19[%swap3A_1423, %swap3A_1424], %swap3A_1427 {strides = array<i32>} : memref<80x144xf32, #tpu.memory_space<vmem>>, vector<1x16xf32>,
        %get3A_1428 = arith.index_cast %scan3A_1388 : i32 to index
        %get3A_1429 = arith.constant 32 : index
        %get3A_1430 = tpu.vector_load %arg19[%get3A_1428, %get3A_1429] {strides = array<i32>} : memref<80x144xf32, #tpu.memory_space<vmem>>, vector<1x16xf32>,
        %get3A_1431 = vector.shape_cast %get3A_1430 : vector<1x16xf32> to vector<16xf32>
        %mul3A_1432 = arith.mulf %get3A_1431, %exp3A_1402 : vector<16xf32>
        %swap3A_1433 = arith.index_cast %scan3A_1388 : i32 to index
        %swap3A_1434 = arith.constant 32 : index
        %swap3A_1435 = tpu.vector_load %arg19[%swap3A_1433, %swap3A_1434] {strides = array<i32>} : memref<80x144xf32, #tpu.memory_space<vmem>>, vector<1x16xf32>,
        %swap3A_1436 = vector.shape_cast %swap3A_1435 : vector<1x16xf32> to vector<16xf32>
        %swap3A_1437 = vector.shape_cast %mul3A_1432 : vector<16xf32> to vector<1x16xf32>
        tpu.vector_store %arg19[%swap3A_1433, %swap3A_1434], %swap3A_1437 {strides = array<i32>} : memref<80x144xf32, #tpu.memory_space<vmem>>, vector<1x16xf32>,
        %get3A_1438 = arith.index_cast %scan3A_1388 : i32 to index
        %get3A_1439 = arith.constant 48 : index
        %get3A_1440 = tpu.vector_load %arg19[%get3A_1438, %get3A_1439] {strides = array<i32>} : memref<80x144xf32, #tpu.memory_space<vmem>>, vector<1x16xf32>,
        %get3A_1441 = vector.shape_cast %get3A_1440 : vector<1x16xf32> to vector<16xf32>
        %mul3A_1442 = arith.mulf %get3A_1441, %exp3A_1402 : vector<16xf32>
        %swap3A_1443 = arith.index_cast %scan3A_1388 : i32 to index
        %swap3A_1444 = arith.constant 48 : index
        %swap3A_1445 = tpu.vector_load %arg19[%swap3A_1443, %swap3A_1444] {strides = array<i32>} : memref<80x144xf32, #tpu.memory_space<vmem>>, vector<1x16xf32>,
        %swap3A_1446 = vector.shape_cast %swap3A_1445 : vector<1x16xf32> to vector<16xf32>
        %swap3A_1447 = vector.shape_cast %mul3A_1442 : vector<16xf32> to vector<1x16xf32>
        tpu.vector_store %arg19[%swap3A_1443, %swap3A_1444], %swap3A_1447 {strides = array<i32>} : memref<80x144xf32, #tpu.memory_space<vmem>>, vector<1x16xf32>,
        %get3A_1448 = arith.index_cast %scan3A_1388 : i32 to index
        %get3A_1449 = arith.constant 64 : index
        %get3A_1450 = tpu.vector_load %arg19[%get3A_1448, %get3A_1449] {strides = array<i32>} : memref<80x144xf32, #tpu.memory_space<vmem>>, vector<1x16xf32>,
        %get3A_1451 = vector.shape_cast %get3A_1450 : vector<1x16xf32> to vector<16xf32>
        %mul3A_1452 = arith.mulf %get3A_1451, %exp3A_1402 : vector<16xf32>
        %swap3A_1453 = arith.index_cast %scan3A_1388 : i32 to index
        %swap3A_1454 = arith.constant 64 : index
        %swap3A_1455 = tpu.vector_load %arg19[%swap3A_1453, %swap3A_1454] {strides = array<i32>} : memref<80x144xf32, #tpu.memory_space<vmem>>, vector<1x16xf32>,
        %swap3A_1456 = vector.shape_cast %swap3A_1455 : vector<1x16xf32> to vector<16xf32>
        %swap3A_1457 = vector.shape_cast %mul3A_1452 : vector<16xf32> to vector<1x16xf32>
        tpu.vector_store %arg19[%swap3A_1453, %swap3A_1454], %swap3A_1457 {strides = array<i32>} : memref<80x144xf32, #tpu.memory_space<vmem>>, vector<1x16xf32>,
        %get3A_1458 = arith.index_cast %scan3A_1388 : i32 to index
        %get3A_1459 = arith.constant 80 : index
        %get3A_1460 = tpu.vector_load %arg19[%get3A_1458, %get3A_1459] {strides = array<i32>} : memref<80x144xf32, #tpu.memory_space<vmem>>, vector<1x16xf32>,
        %get3A_1461 = vector.shape_cast %get3A_1460 : vector<1x16xf32> to vector<16xf32>
        %mul3A_1462 = arith.mulf %get3A_1461, %exp3A_1402 : vector<16xf32>
        %swap3A_1463 = arith.index_cast %scan3A_1388 : i32 to index
        %swap3A_1464 = arith.constant 80 : index
        %swap3A_1465 = tpu.vector_load %arg19[%swap3A_1463, %swap3A_1464] {strides = array<i32>} : memref<80x144xf32, #tpu.memory_space<vmem>>, vector<1x16xf32>,
        %swap3A_1466 = vector.shape_cast %swap3A_1465 : vector<1x16xf32> to vector<16xf32>
        %swap3A_1467 = vector.shape_cast %mul3A_1462 : vector<16xf32> to vector<1x16xf32>
        tpu.vector_store %arg19[%swap3A_1463, %swap3A_1464], %swap3A_1467 {strides = array<i32>} : memref<80x144xf32, #tpu.memory_space<vmem>>, vector<1x16xf32>,
        %get3A_1468 = arith.index_cast %scan3A_1388 : i32 to index
        %get3A_1469 = arith.constant 96 : index
        %get3A_1470 = tpu.vector_load %arg19[%get3A_1468, %get3A_1469] {strides = array<i32>} : memref<80x144xf32, #tpu.memory_space<vmem>>, vector<1x16xf32>,
        %get3A_1471 = vector.shape_cast %get3A_1470 : vector<1x16xf32> to vector<16xf32>
        %mul3A_1472 = arith.mulf %get3A_1471, %exp3A_1402 : vector<16xf32>
        %swap3A_1473 = arith.index_cast %scan3A_1388 : i32 to index
        %swap3A_1474 = arith.constant 96 : index
        %swap3A_1475 = tpu.vector_load %arg19[%swap3A_1473, %swap3A_1474] {strides = array<i32>} : memref<80x144xf32, #tpu.memory_space<vmem>>, vector<1x16xf32>,
        %swap3A_1476 = vector.shape_cast %swap3A_1475 : vector<1x16xf32> to vector<16xf32>
        %swap3A_1477 = vector.shape_cast %mul3A_1472 : vector<16xf32> to vector<1x16xf32>
        tpu.vector_store %arg19[%swap3A_1473, %swap3A_1474], %swap3A_1477 {strides = array<i32>} : memref<80x144xf32, #tpu.memory_space<vmem>>, vector<1x16xf32>,
        %get3A_1478 = arith.index_cast %scan3A_1388 : i32 to index
        %get3A_1479 = arith.constant 112 : index
        %get3A_1480 = tpu.vector_load %arg19[%get3A_1478, %get3A_1479] {strides = array<i32>} : memref<80x144xf32, #tpu.memory_space<vmem>>, vector<1x16xf32>,
        %get3A_1481 = vector.shape_cast %get3A_1480 : vector<1x16xf32> to vector<16xf32>
        %mul3A_1482 = arith.mulf %get3A_1481, %exp3A_1402 : vector<16xf32>
        %swap3A_1483 = arith.index_cast %scan3A_1388 : i32 to index
        %swap3A_1484 = arith.constant 112 : index
        %swap3A_1485 = tpu.vector_load %arg19[%swap3A_1483, %swap3A_1484] {strides = array<i32>} : memref<80x144xf32, #tpu.memory_space<vmem>>, vector<1x16xf32>,
        %swap3A_1486 = vector.shape_cast %swap3A_1485 : vector<1x16xf32> to vector<16xf32>
        %swap3A_1487 = vector.shape_cast %mul3A_1482 : vector<16xf32> to vector<1x16xf32>
        tpu.vector_store %arg19[%swap3A_1483, %swap3A_1484], %swap3A_1487 {strides = array<i32>} : memref<80x144xf32, #tpu.memory_space<vmem>>, vector<1x16xf32>,
        %scan3A_1488 = arith.constant 0 : i32
        scf.yield %scan3A_1488 : i32
      }
      %scan3A_723 = arith.constant 80 : i32
      %dma_wait3A_724 = arith.constant 0 : i32
      %dma_wait3A_725 = arith.constant 0 : i32
      %dma_wait3A_726 = tpu.memref_slice %arg21[%dma_wait3A_724, %dma_wait3A_725] : memref<10016x144xf32, #tpu.memory_space<vmem_shared>> -> memref<10016x144xf32, #tpu.memory_space<vmem_shared>>
      tpu.wait_indirect_dma semaphore(%arg34 : memref<!tpu.dma_semaphore, #tpu.memory_space<semaphore_mem>>) src(%arg18 : memref<80x144xf32, #tpu.memory_space<vmem>>) dst(%dma_wait3A_726 : memref<10016x144xf32, #tpu.memory_space<vmem_shared>>)
      %dma_start3A_727 = arith.constant 0 : i32
      %dma_start3A_728 = arith.constant 0 : i32
      %dma_start3A_729 = tpu.memref_slice %arg21[%dma_start3A_727, %dma_start3A_728] : memref<10016x144xf32, #tpu.memory_space<vmem_shared>> -> memref<10016x144xf32, #tpu.memory_space<vmem_shared>>
      tpu.enqueue_indirect_dma source(%arg19 : memref<80x144xf32, #tpu.memory_space<vmem>>) target(%dma_start3A_729 : memref<10016x144xf32, #tpu.memory_space<vmem_shared>>) offsets(%arg13 : memref<80xi32, #tpu.memory_space<vmem>>) semaphore(%arg35 : memref<!tpu.dma_semaphore, #tpu.memory_space<semaphore_mem>>) {add = true}
      %add3A_730 = arith.constant 1 : i32
      %add3A_731 = arith.addi %add3A_555, %add3A_730 : i32
      %dma_wait3A_732 = arith.constant 0 : i32
      %dma_wait3A_733 = tpu.memref_slice %arg4[%dma_wait3A_732] : memref<645120xi32, #tpu.memory_space<hbm>> -> memref<80xi32, #tpu.memory_space<hbm>>
      %dma_wait3A_734 = arith.constant 0 : i32
      %dma_wait3A_735 = tpu.memref_slice %arg4[%dma_wait3A_734] : memref<645120xi32, #tpu.memory_space<hbm>> -> memref<80xi32, #tpu.memory_space<hbm>>
      tpu.wait_dma2 semaphore(%arg22 : memref<!tpu.dma_semaphore, #tpu.memory_space<semaphore_mem>>) src(%dma_wait3A_735 : memref<80xi32, #tpu.memory_space<hbm>>) dst(%arg6 : memref<80xi32, #tpu.memory_space<vmem>>)
      %dma_wait3A_736 = arith.constant 0 : i32
      %dma_wait3A_737 = tpu.memref_slice %arg4[%dma_wait3A_736] : memref<645120xi32, #tpu.memory_space<hbm>> -> memref<80xi32, #tpu.memory_space<hbm>>
      %dma_wait3A_738 = arith.constant 0 : i32
      %dma_wait3A_739 = tpu.memref_slice %arg4[%dma_wait3A_738] : memref<645120xi32, #tpu.memory_space<hbm>> -> memref<80xi32, #tpu.memory_space<hbm>>
      tpu.wait_dma2 semaphore(%arg25 : memref<!tpu.dma_semaphore, #tpu.memory_space<semaphore_mem>>) src(%dma_wait3A_739 : memref<80xi32, #tpu.memory_space<hbm>>) dst(%arg9 : memref<80xi32, #tpu.memory_space<vmem>>)
      %get3A_740 = arith.constant 0 : index
      %get3A_741 = tpu.vector_load %arg6[%get3A_740] {strides = array<i32>} : memref<80xi32, #tpu.memory_space<vmem>>, vector<16xi32>,
      %get3A_742 = vector.shape_cast %get3A_741 : vector<16xi32> to vector<16xi32>
      %get3A_743 = arith.constant 0 : index
      %get3A_744 = tpu.vector_load %arg9[%get3A_743] {strides = array<i32>} : memref<80xi32, #tpu.memory_space<vmem>>, vector<16xi32>,
      %get3A_745 = vector.shape_cast %get3A_744 : vector<16xi32> to vector<16xi32>
      %eq3A_746 = arith.cmpi eq, %get3A_742, %get3A_745 : vector<16xi32>
      %jit3A_747 = arith.constant 10000 : i32
      %broadcast_in_dim3A_748 = vector.broadcast %jit3A_747 : i32 to vector<16xi32>
      %select_n3A_749 = arith.select %eq3A_746, %broadcast_in_dim3A_748, %get3A_742 : vector<16xi1>, vector<16xi32>
      %swap3A_750 = arith.constant 0 : index
      %swap3A_751 = tpu.vector_load %arg6[%swap3A_750] {strides = array<i32>} : memref<80xi32, #tpu.memory_space<vmem>>, vector<16xi32>,
      %swap3A_752 = vector.shape_cast %swap3A_751 : vector<16xi32> to vector<16xi32>
      %swap3A_753 = vector.shape_cast %select_n3A_749 : vector<16xi32> to vector<16xi32>
      tpu.vector_store %arg6[%swap3A_750], %swap3A_753 {strides = array<i32>} : memref<80xi32, #tpu.memory_space<vmem>>, vector<16xi32>,
      %jit3A_754 = arith.constant 10000 : i32
      %broadcast_in_dim3A_755 = vector.broadcast %jit3A_754 : i32 to vector<16xi32>
      %select_n3A_756 = arith.select %eq3A_746, %broadcast_in_dim3A_755, %get3A_745 : vector<16xi1>, vector<16xi32>
      %swap3A_757 = arith.constant 0 : index
      %swap3A_758 = tpu.vector_load %arg9[%swap3A_757] {strides = array<i32>} : memref<80xi32, #tpu.memory_space<vmem>>, vector<16xi32>,
      %swap3A_759 = vector.shape_cast %swap3A_758 : vector<16xi32> to vector<16xi32>
      %swap3A_760 = vector.shape_cast %select_n3A_756 : vector<16xi32> to vector<16xi32>
      tpu.vector_store %arg9[%swap3A_757], %swap3A_760 {strides = array<i32>} : memref<80xi32, #tpu.memory_space<vmem>>, vector<16xi32>,
      %swap3A_761 = arith.constant 0 : index
      %swap3A_762 = tpu.vector_load %arg12[%swap3A_761] {strides = array<i32>} : memref<80xi32, #tpu.memory_space<vmem>>, vector<16xi32>,
      %swap3A_763 = vector.shape_cast %swap3A_762 : vector<16xi32> to vector<16xi32>
      %swap3A_764 = vector.shape_cast %select_n3A_756 : vector<16xi32> to vector<16xi32>
      tpu.vector_store %arg12[%swap3A_761], %swap3A_764 {strides = array<i32>} : memref<80xi32, #tpu.memory_space<vmem>>, vector<16xi32>,
      %get3A_765 = arith.constant 16 : index
      %get3A_766 = tpu.vector_load %arg6[%get3A_765] {strides = array<i32>} : memref<80xi32, #tpu.memory_space<vmem>>, vector<16xi32>,
      %get3A_767 = vector.shape_cast %get3A_766 : vector<16xi32> to vector<16xi32>
      %get3A_768 = arith.constant 16 : index
      %get3A_769 = tpu.vector_load %arg9[%get3A_768] {strides = array<i32>} : memref<80xi32, #tpu.memory_space<vmem>>, vector<16xi32>,
      %get3A_770 = vector.shape_cast %get3A_769 : vector<16xi32> to vector<16xi32>
      %eq3A_771 = arith.cmpi eq, %get3A_767, %get3A_770 : vector<16xi32>
      %jit3A_772 = arith.constant 10000 : i32
      %broadcast_in_dim3A_773 = vector.broadcast %jit3A_772 : i32 to vector<16xi32>
      %select_n3A_774 = arith.select %eq3A_771, %broadcast_in_dim3A_773, %get3A_767 : vector<16xi1>, vector<16xi32>
      %swap3A_775 = arith.constant 16 : index
      %swap3A_776 = tpu.vector_load %arg6[%swap3A_775] {strides = array<i32>} : memref<80xi32, #tpu.memory_space<vmem>>, vector<16xi32>,
      %swap3A_777 = vector.shape_cast %swap3A_776 : vector<16xi32> to vector<16xi32>
      %swap3A_778 = vector.shape_cast %select_n3A_774 : vector<16xi32> to vector<16xi32>
      tpu.vector_store %arg6[%swap3A_775], %swap3A_778 {strides = array<i32>} : memref<80xi32, #tpu.memory_space<vmem>>, vector<16xi32>,
      %jit3A_779 = arith.constant 10000 : i32
      %broadcast_in_dim3A_780 = vector.broadcast %jit3A_779 : i32 to vector<16xi32>
      %select_n3A_781 = arith.select %eq3A_771, %broadcast_in_dim3A_780, %get3A_770 : vector<16xi1>, vector<16xi32>
      %swap3A_782 = arith.constant 16 : index
      %swap3A_783 = tpu.vector_load %arg9[%swap3A_782] {strides = array<i32>} : memref<80xi32, #tpu.memory_space<vmem>>, vector<16xi32>,
      %swap3A_784 = vector.shape_cast %swap3A_783 : vector<16xi32> to vector<16xi32>
      %swap3A_785 = vector.shape_cast %select_n3A_781 : vector<16xi32> to vector<16xi32>
      tpu.vector_store %arg9[%swap3A_782], %swap3A_785 {strides = array<i32>} : memref<80xi32, #tpu.memory_space<vmem>>, vector<16xi32>,
      %swap3A_786 = arith.constant 16 : index
      %swap3A_787 = tpu.vector_load %arg12[%swap3A_786] {strides = array<i32>} : memref<80xi32, #tpu.memory_space<vmem>>, vector<16xi32>,
      %swap3A_788 = vector.shape_cast %swap3A_787 : vector<16xi32> to vector<16xi32>
      %swap3A_789 = vector.shape_cast %select_n3A_781 : vector<16xi32> to vector<16xi32>
      tpu.vector_store %arg12[%swap3A_786], %swap3A_789 {strides = array<i32>} : memref<80xi32, #tpu.memory_space<vmem>>, vector<16xi32>,
      %get3A_790 = arith.constant 32 : index
      %get3A_791 = tpu.vector_load %arg6[%get3A_790] {strides = array<i32>} : memref<80xi32, #tpu.memory_space<vmem>>, vector<16xi32>,
      %get3A_792 = vector.shape_cast %get3A_791 : vector<16xi32> to vector<16xi32>
      %get3A_793 = arith.constant 32 : index
      %get3A_794 = tpu.vector_load %arg9[%get3A_793] {strides = array<i32>} : memref<80xi32, #tpu.memory_space<vmem>>, vector<16xi32>,
      %get3A_795 = vector.shape_cast %get3A_794 : vector<16xi32> to vector<16xi32>
      %eq3A_796 = arith.cmpi eq, %get3A_792, %get3A_795 : vector<16xi32>
      %jit3A_797 = arith.constant 10000 : i32
      %broadcast_in_dim3A_798 = vector.broadcast %jit3A_797 : i32 to vector<16xi32>
      %select_n3A_799 = arith.select %eq3A_796, %broadcast_in_dim3A_798, %get3A_792 : vector<16xi1>, vector<16xi32>
      %swap3A_800 = arith.constant 32 : index
      %swap3A_801 = tpu.vector_load %arg6[%swap3A_800] {strides = array<i32>} : memref<80xi32, #tpu.memory_space<vmem>>, vector<16xi32>,
      %swap3A_802 = vector.shape_cast %swap3A_801 : vector<16xi32> to vector<16xi32>
      %swap3A_803 = vector.shape_cast %select_n3A_799 : vector<16xi32> to vector<16xi32>
      tpu.vector_store %arg6[%swap3A_800], %swap3A_803 {strides = array<i32>} : memref<80xi32, #tpu.memory_space<vmem>>, vector<16xi32>,
      %jit3A_804 = arith.constant 10000 : i32
      %broadcast_in_dim3A_805 = vector.broadcast %jit3A_804 : i32 to vector<16xi32>
      %select_n3A_806 = arith.select %eq3A_796, %broadcast_in_dim3A_805, %get3A_795 : vector<16xi1>, vector<16xi32>
      %swap3A_807 = arith.constant 32 : index
      %swap3A_808 = tpu.vector_load %arg9[%swap3A_807] {strides = array<i32>} : memref<80xi32, #tpu.memory_space<vmem>>, vector<16xi32>,
      %swap3A_809 = vector.shape_cast %swap3A_808 : vector<16xi32> to vector<16xi32>
      %swap3A_810 = vector.shape_cast %select_n3A_806 : vector<16xi32> to vector<16xi32>
      tpu.vector_store %arg9[%swap3A_807], %swap3A_810 {strides = array<i32>} : memref<80xi32, #tpu.memory_space<vmem>>, vector<16xi32>,
      %swap3A_811 = arith.constant 32 : index
      %swap3A_812 = tpu.vector_load %arg12[%swap3A_811] {strides = array<i32>} : memref<80xi32, #tpu.memory_space<vmem>>, vector<16xi32>,
      %swap3A_813 = vector.shape_cast %swap3A_812 : vector<16xi32> to vector<16xi32>
      %swap3A_814 = vector.shape_cast %select_n3A_806 : vector<16xi32> to vector<16xi32>
      tpu.vector_store %arg12[%swap3A_811], %swap3A_814 {strides = array<i32>} : memref<80xi32, #tpu.memory_space<vmem>>, vector<16xi32>,
      %get3A_815 = arith.constant 48 : index
      %get3A_816 = tpu.vector_load %arg6[%get3A_815] {strides = array<i32>} : memref<80xi32, #tpu.memory_space<vmem>>, vector<16xi32>,
      %get3A_817 = vector.shape_cast %get3A_816 : vector<16xi32> to vector<16xi32>
      %get3A_818 = arith.constant 48 : index
      %get3A_819 = tpu.vector_load %arg9[%get3A_818] {strides = array<i32>} : memref<80xi32, #tpu.memory_space<vmem>>, vector<16xi32>,
      %get3A_820 = vector.shape_cast %get3A_819 : vector<16xi32> to vector<16xi32>
      %eq3A_821 = arith.cmpi eq, %get3A_817, %get3A_820 : vector<16xi32>
      %jit3A_822 = arith.constant 10000 : i32
      %broadcast_in_dim3A_823 = vector.broadcast %jit3A_822 : i32 to vector<16xi32>
      %select_n3A_824 = arith.select %eq3A_821, %broadcast_in_dim3A_823, %get3A_817 : vector<16xi1>, vector<16xi32>
      %swap3A_825 = arith.constant 48 : index
      %swap3A_826 = tpu.vector_load %arg6[%swap3A_825] {strides = array<i32>} : memref<80xi32, #tpu.memory_space<vmem>>, vector<16xi32>,
      %swap3A_827 = vector.shape_cast %swap3A_826 : vector<16xi32> to vector<16xi32>
      %swap3A_828 = vector.shape_cast %select_n3A_824 : vector<16xi32> to vector<16xi32>
      tpu.vector_store %arg6[%swap3A_825], %swap3A_828 {strides = array<i32>} : memref<80xi32, #tpu.memory_space<vmem>>, vector<16xi32>,
      %jit3A_829 = arith.constant 10000 : i32
      %broadcast_in_dim3A_830 = vector.broadcast %jit3A_829 : i32 to vector<16xi32>
      %select_n3A_831 = arith.select %eq3A_821, %broadcast_in_dim3A_830, %get3A_820 : vector<16xi1>, vector<16xi32>
      %swap3A_832 = arith.constant 48 : index
      %swap3A_833 = tpu.vector_load %arg9[%swap3A_832] {strides = array<i32>} : memref<80xi32, #tpu.memory_space<vmem>>, vector<16xi32>,
      %swap3A_834 = vector.shape_cast %swap3A_833 : vector<16xi32> to vector<16xi32>
      %swap3A_835 = vector.shape_cast %select_n3A_831 : vector<16xi32> to vector<16xi32>
      tpu.vector_store %arg9[%swap3A_832], %swap3A_835 {strides = array<i32>} : memref<80xi32, #tpu.memory_space<vmem>>, vector<16xi32>,
      %swap3A_836 = arith.constant 48 : index
      %swap3A_837 = tpu.vector_load %arg12[%swap3A_836] {strides = array<i32>} : memref<80xi32, #tpu.memory_space<vmem>>, vector<16xi32>,
      %swap3A_838 = vector.shape_cast %swap3A_837 : vector<16xi32> to vector<16xi32>
      %swap3A_839 = vector.shape_cast %select_n3A_831 : vector<16xi32> to vector<16xi32>
      tpu.vector_store %arg12[%swap3A_836], %swap3A_839 {strides = array<i32>} : memref<80xi32, #tpu.memory_space<vmem>>, vector<16xi32>,
      %get3A_840 = arith.constant 64 : index
      %get3A_841 = tpu.vector_load %arg6[%get3A_840] {strides = array<i32>} : memref<80xi32, #tpu.memory_space<vmem>>, vector<16xi32>,
      %get3A_842 = vector.shape_cast %get3A_841 : vector<16xi32> to vector<16xi32>
      %get3A_843 = arith.constant 64 : index
      %get3A_844 = tpu.vector_load %arg9[%get3A_843] {strides = array<i32>} : memref<80xi32, #tpu.memory_space<vmem>>, vector<16xi32>,
      %get3A_845 = vector.shape_cast %get3A_844 : vector<16xi32> to vector<16xi32>
      %eq3A_846 = arith.cmpi eq, %get3A_842, %get3A_845 : vector<16xi32>
      %jit3A_847 = arith.constant 10000 : i32
      %broadcast_in_dim3A_848 = vector.broadcast %jit3A_847 : i32 to vector<16xi32>
      %select_n3A_849 = arith.select %eq3A_846, %broadcast_in_dim3A_848, %get3A_842 : vector<16xi1>, vector<16xi32>
      %swap3A_850 = arith.constant 64 : index
      %swap3A_851 = tpu.vector_load %arg6[%swap3A_850] {strides = array<i32>} : memref<80xi32, #tpu.memory_space<vmem>>, vector<16xi32>,
      %swap3A_852 = vector.shape_cast %swap3A_851 : vector<16xi32> to vector<16xi32>
      %swap3A_853 = vector.shape_cast %select_n3A_849 : vector<16xi32> to vector<16xi32>
      tpu.vector_store %arg6[%swap3A_850], %swap3A_853 {strides = array<i32>} : memref<80xi32, #tpu.memory_space<vmem>>, vector<16xi32>,
      %jit3A_854 = arith.constant 10000 : i32
      %broadcast_in_dim3A_855 = vector.broadcast %jit3A_854 : i32 to vector<16xi32>
      %select_n3A_856 = arith.select %eq3A_846, %broadcast_in_dim3A_855, %get3A_845 : vector<16xi1>, vector<16xi32>
      %swap3A_857 = arith.constant 64 : index
      %swap3A_858 = tpu.vector_load %arg9[%swap3A_857] {strides = array<i32>} : memref<80xi32, #tpu.memory_space<vmem>>, vector<16xi32>,
      %swap3A_859 = vector.shape_cast %swap3A_858 : vector<16xi32> to vector<16xi32>
      %swap3A_860 = vector.shape_cast %select_n3A_856 : vector<16xi32> to vector<16xi32>
      tpu.vector_store %arg9[%swap3A_857], %swap3A_860 {strides = array<i32>} : memref<80xi32, #tpu.memory_space<vmem>>, vector<16xi32>,
      %swap3A_861 = arith.constant 64 : index
      %swap3A_862 = tpu.vector_load %arg12[%swap3A_861] {strides = array<i32>} : memref<80xi32, #tpu.memory_space<vmem>>, vector<16xi32>,
      %swap3A_863 = vector.shape_cast %swap3A_862 : vector<16xi32> to vector<16xi32>
      %swap3A_864 = vector.shape_cast %select_n3A_856 : vector<16xi32> to vector<16xi32>
      tpu.vector_store %arg12[%swap3A_861], %swap3A_864 {strides = array<i32>} : memref<80xi32, #tpu.memory_space<vmem>>, vector<16xi32>,
      %dma_start3A_865 = arith.constant 0 : i32
      %dma_start3A_866 = arith.constant 0 : i32
      %dma_start3A_867 = tpu.memref_slice %arg2[%dma_start3A_865, %dma_start3A_866] : memref<10016x144xf32, #tpu.memory_space<hbm>> -> memref<10016x144xf32, #tpu.memory_space<hbm>>
      tpu.enqueue_indirect_dma source(%dma_start3A_867 : memref<10016x144xf32, #tpu.memory_space<hbm>>) target(%arg18 : memref<80x144xf32, #tpu.memory_space<vmem>>) offsets(%arg6 : memref<80xi32, #tpu.memory_space<vmem>>) semaphore(%arg31 : memref<!tpu.dma_semaphore, #tpu.memory_space<semaphore_mem>>)
      %dma_start3A_868 = arith.constant 0 : i32
      %dma_start3A_869 = arith.constant 0 : i32
      %dma_start3A_870 = tpu.memref_slice %arg3[%dma_start3A_868, %dma_start3A_869] : memref<10016x16xf32, #tpu.memory_space<hbm>> -> memref<10016x16xf32, #tpu.memory_space<hbm>>
      tpu.enqueue_indirect_dma source(%dma_start3A_870 : memref<10016x16xf32, #tpu.memory_space<hbm>>) target(%arg15 : memref<80x16xf32, #tpu.memory_space<vmem>>) offsets(%arg9 : memref<80xi32, #tpu.memory_space<vmem>>) semaphore(%arg28 : memref<!tpu.dma_semaphore, #tpu.memory_space<semaphore_mem>>)
      %dma_wait3A_871 = arith.constant 0 : i32
      %dma_wait3A_872 = arith.constant 0 : i32
      %dma_wait3A_873 = tpu.memref_slice %arg2[%dma_wait3A_871, %dma_wait3A_872] : memref<10016x144xf32, #tpu.memory_space<hbm>> -> memref<10016x144xf32, #tpu.memory_space<hbm>>
      tpu.wait_indirect_dma semaphore(%arg33 : memref<!tpu.dma_semaphore, #tpu.memory_space<semaphore_mem>>) src(%dma_wait3A_873 : memref<10016x144xf32, #tpu.memory_space<hbm>>) dst(%arg20 : memref<80x144xf32, #tpu.memory_space<vmem>>)
      %dma_wait3A_874 = arith.constant 0 : i32
      %dma_wait3A_875 = arith.constant 0 : i32
      %dma_wait3A_876 = tpu.memref_slice %arg3[%dma_wait3A_874, %dma_wait3A_875] : memref<10016x16xf32, #tpu.memory_space<hbm>> -> memref<10016x16xf32, #tpu.memory_space<hbm>>
      tpu.wait_indirect_dma semaphore(%arg30 : memref<!tpu.dma_semaphore, #tpu.memory_space<semaphore_mem>>) src(%dma_wait3A_876 : memref<10016x16xf32, #tpu.memory_space<hbm>>) dst(%arg17 : memref<80x16xf32, #tpu.memory_space<vmem>>)
      %add3A_877 = arith.constant 2 : i32
      %add3A_878 = arith.addi %add3A_731, %add3A_877 : i32
      %add3A_879 = arith.addi %mul3A_4, %add3A_878 : i32
      %mul3A_880 = arith.constant 80 : i32
      %mul3A_881 = arith.muli %add3A_879, %mul3A_880 : i32
      %multiple_of3A_882 = tpu.assume_multiple %mul3A_881, 80 : i32
      %dma_start3A_883 = tpu.memref_slice %arg4[%multiple_of3A_882] : memref<645120xi32, #tpu.memory_space<hbm>> -> memref<80xi32, #tpu.memory_space<hbm>>
      %dma_start3A_884 = tpu.memref_slice %arg4[%multiple_of3A_882] : memref<645120xi32, #tpu.memory_space<hbm>> -> memref<80xi32, #tpu.memory_space<hbm>>
      tpu.enqueue_dma source(%dma_start3A_884 : memref<80xi32, #tpu.memory_space<hbm>>) target(%arg7 : memref<80xi32, #tpu.memory_space<vmem>>) target_semaphore(%arg23 : memref<!tpu.dma_semaphore, #tpu.memory_space<semaphore_mem>>)
      %add3A_885 = arith.addi %mul3A_4, %add3A_878 : i32
      %mul3A_886 = arith.constant 80 : i32
      %mul3A_887 = arith.muli %add3A_885, %mul3A_886 : i32
      %add3A_888 = arith.constant 322560 : i32
      %add3A_889 = arith.addi %add3A_888, %mul3A_887 : i32
      %multiple_of3A_890 = tpu.assume_multiple %add3A_889, 80 : i32
      %dma_start3A_891 = tpu.memref_slice %arg4[%multiple_of3A_890] : memref<645120xi32, #tpu.memory_space<hbm>> -> memref<80xi32, #tpu.memory_space<hbm>>
      %dma_start3A_892 = tpu.memref_slice %arg4[%multiple_of3A_890] : memref<645120xi32, #tpu.memory_space<hbm>> -> memref<80xi32, #tpu.memory_space<hbm>>
      tpu.enqueue_dma source(%dma_start3A_892 : memref<80xi32, #tpu.memory_space<hbm>>) target(%arg10 : memref<80xi32, #tpu.memory_space<vmem>>) target_semaphore(%arg26 : memref<!tpu.dma_semaphore, #tpu.memory_space<semaphore_mem>>)
      %scan3A_893 = arith.constant 0 : i32
      %scan3A_894 = arith.constant 0 : i32
      %scan3A_895 = arith.constant 80 : i32
      %scan3A_896 = arith.addi %scan3A_894, %scan3A_895 : i32
      %scan3A_897 = arith.constant 4 : i32
      %scan3A_898 = scf.for %scan3A_1083 = %scan3A_894 to %scan3A_896 step %scan3A_897 iter_args(%scan3A_1084 = %scan3A_893) -> (i32)  : i32 {
        %get3A_1085 = arith.index_cast %scan3A_1083 : i32 to index
        %get3A_1086 = arith.constant 128 : index
        %get3A_1087 = tpu.vector_load %arg20[%get3A_1085, %get3A_1086] {strides = array<i32>} : memref<80x144xf32, #tpu.memory_space<vmem>>, vector<1x16xf32>,
        %get3A_1088 = vector.shape_cast %get3A_1087 : vector<1x16xf32> to vector<16xf32>
        %get3A_1089 = arith.index_cast %scan3A_1083 : i32 to index
        %get3A_1090 = arith.constant 0 : index
        %get3A_1091 = tpu.vector_load %arg17[%get3A_1089, %get3A_1090] {strides = array<i32>} : memref<80x16xf32, #tpu.memory_space<vmem>>, vector<1x16xf32>,
        %get3A_1092 = vector.shape_cast %get3A_1091 : vector<1x16xf32> to vector<16xf32>
        %add3A_1093 = arith.addf %get3A_1088, %get3A_1092 : vector<16xf32>
        %mul3A_1094 = arith.constant 2.000000e-01 : f32
        %mul3A_1095 = vector.broadcast %mul3A_1094 : f32 to vector<16xf32>
        %mul3A_1096 = arith.mulf %mul3A_1095, %add3A_1093 : vector<16xf32>
        %max3A = arith.maximumf %add3A_1093, %mul3A_1096 : vector<16xf32>
        %exp3A = math.exp %max3A : vector<16xf32>
        %swap3A_1097 = arith.index_cast %scan3A_1083 : i32 to index
        %swap3A_1098 = arith.constant 128 : index
        %swap3A_1099 = tpu.vector_load %arg20[%swap3A_1097, %swap3A_1098] {strides = array<i32>} : memref<80x144xf32, #tpu.memory_space<vmem>>, vector<1x16xf32>,
        %swap3A_1100 = vector.shape_cast %swap3A_1099 : vector<1x16xf32> to vector<16xf32>
        %swap3A_1101 = vector.shape_cast %exp3A : vector<16xf32> to vector<1x16xf32>
        tpu.vector_store %arg20[%swap3A_1097, %swap3A_1098], %swap3A_1101 {strides = array<i32>} : memref<80x144xf32, #tpu.memory_space<vmem>>, vector<1x16xf32>,
        %get3A_1102 = arith.index_cast %scan3A_1083 : i32 to index
        %get3A_1103 = arith.constant 0 : index
        %get3A_1104 = tpu.vector_load %arg20[%get3A_1102, %get3A_1103] {strides = array<i32>} : memref<80x144xf32, #tpu.memory_space<vmem>>, vector<1x16xf32>,
        %get3A_1105 = vector.shape_cast %get3A_1104 : vector<1x16xf32> to vector<16xf32>
        %mul3A_1106 = arith.mulf %get3A_1105, %exp3A : vector<16xf32>
        %swap3A_1107 = arith.index_cast %scan3A_1083 : i32 to index
        %swap3A_1108 = arith.constant 0 : index
        %swap3A_1109 = tpu.vector_load %arg20[%swap3A_1107, %swap3A_1108] {strides = array<i32>} : memref<80x144xf32, #tpu.memory_space<vmem>>, vector<1x16xf32>,
        %swap3A_1110 = vector.shape_cast %swap3A_1109 : vector<1x16xf32> to vector<16xf32>
        %swap3A_1111 = vector.shape_cast %mul3A_1106 : vector<16xf32> to vector<1x16xf32>
        tpu.vector_store %arg20[%swap3A_1107, %swap3A_1108], %swap3A_1111 {strides = array<i32>} : memref<80x144xf32, #tpu.memory_space<vmem>>, vector<1x16xf32>,
        %get3A_1112 = arith.index_cast %scan3A_1083 : i32 to index
        %get3A_1113 = arith.constant 16 : index
        %get3A_1114 = tpu.vector_load %arg20[%get3A_1112, %get3A_1113] {strides = array<i32>} : memref<80x144xf32, #tpu.memory_space<vmem>>, vector<1x16xf32>,
        %get3A_1115 = vector.shape_cast %get3A_1114 : vector<1x16xf32> to vector<16xf32>
        %mul3A_1116 = arith.mulf %get3A_1115, %exp3A : vector<16xf32>
        %swap3A_1117 = arith.index_cast %scan3A_1083 : i32 to index
        %swap3A_1118 = arith.constant 16 : index
        %swap3A_1119 = tpu.vector_load %arg20[%swap3A_1117, %swap3A_1118] {strides = array<i32>} : memref<80x144xf32, #tpu.memory_space<vmem>>, vector<1x16xf32>,
        %swap3A_1120 = vector.shape_cast %swap3A_1119 : vector<1x16xf32> to vector<16xf32>
        %swap3A_1121 = vector.shape_cast %mul3A_1116 : vector<16xf32> to vector<1x16xf32>
        tpu.vector_store %arg20[%swap3A_1117, %swap3A_1118], %swap3A_1121 {strides = array<i32>} : memref<80x144xf32, #tpu.memory_space<vmem>>, vector<1x16xf32>,
        %get3A_1122 = arith.index_cast %scan3A_1083 : i32 to index
        %get3A_1123 = arith.constant 32 : index
        %get3A_1124 = tpu.vector_load %arg20[%get3A_1122, %get3A_1123] {strides = array<i32>} : memref<80x144xf32, #tpu.memory_space<vmem>>, vector<1x16xf32>,
        %get3A_1125 = vector.shape_cast %get3A_1124 : vector<1x16xf32> to vector<16xf32>
        %mul3A_1126 = arith.mulf %get3A_1125, %exp3A : vector<16xf32>
        %swap3A_1127 = arith.index_cast %scan3A_1083 : i32 to index
        %swap3A_1128 = arith.constant 32 : index
        %swap3A_1129 = tpu.vector_load %arg20[%swap3A_1127, %swap3A_1128] {strides = array<i32>} : memref<80x144xf32, #tpu.memory_space<vmem>>, vector<1x16xf32>,
        %swap3A_1130 = vector.shape_cast %swap3A_1129 : vector<1x16xf32> to vector<16xf32>
        %swap3A_1131 = vector.shape_cast %mul3A_1126 : vector<16xf32> to vector<1x16xf32>
        tpu.vector_store %arg20[%swap3A_1127, %swap3A_1128], %swap3A_1131 {strides = array<i32>} : memref<80x144xf32, #tpu.memory_space<vmem>>, vector<1x16xf32>,
        %get3A_1132 = arith.index_cast %scan3A_1083 : i32 to index
        %get3A_1133 = arith.constant 48 : index
        %get3A_1134 = tpu.vector_load %arg20[%get3A_1132, %get3A_1133] {strides = array<i32>} : memref<80x144xf32, #tpu.memory_space<vmem>>, vector<1x16xf32>,
        %get3A_1135 = vector.shape_cast %get3A_1134 : vector<1x16xf32> to vector<16xf32>
        %mul3A_1136 = arith.mulf %get3A_1135, %exp3A : vector<16xf32>
        %swap3A_1137 = arith.index_cast %scan3A_1083 : i32 to index
        %swap3A_1138 = arith.constant 48 : index
        %swap3A_1139 = tpu.vector_load %arg20[%swap3A_1137, %swap3A_1138] {strides = array<i32>} : memref<80x144xf32, #tpu.memory_space<vmem>>, vector<1x16xf32>,
        %swap3A_1140 = vector.shape_cast %swap3A_1139 : vector<1x16xf32> to vector<16xf32>
        %swap3A_1141 = vector.shape_cast %mul3A_1136 : vector<16xf32> to vector<1x16xf32>
        tpu.vector_store %arg20[%swap3A_1137, %swap3A_1138], %swap3A_1141 {strides = array<i32>} : memref<80x144xf32, #tpu.memory_space<vmem>>, vector<1x16xf32>,
        %get3A_1142 = arith.index_cast %scan3A_1083 : i32 to index
        %get3A_1143 = arith.constant 64 : index
        %get3A_1144 = tpu.vector_load %arg20[%get3A_1142, %get3A_1143] {strides = array<i32>} : memref<80x144xf32, #tpu.memory_space<vmem>>, vector<1x16xf32>,
        %get3A_1145 = vector.shape_cast %get3A_1144 : vector<1x16xf32> to vector<16xf32>
        %mul3A_1146 = arith.mulf %get3A_1145, %exp3A : vector<16xf32>
        %swap3A_1147 = arith.index_cast %scan3A_1083 : i32 to index
        %swap3A_1148 = arith.constant 64 : index
        %swap3A_1149 = tpu.vector_load %arg20[%swap3A_1147, %swap3A_1148] {strides = array<i32>} : memref<80x144xf32, #tpu.memory_space<vmem>>, vector<1x16xf32>,
        %swap3A_1150 = vector.shape_cast %swap3A_1149 : vector<1x16xf32> to vector<16xf32>
        %swap3A_1151 = vector.shape_cast %mul3A_1146 : vector<16xf32> to vector<1x16xf32>
        tpu.vector_store %arg20[%swap3A_1147, %swap3A_1148], %swap3A_1151 {strides = array<i32>} : memref<80x144xf32, #tpu.memory_space<vmem>>, vector<1x16xf32>,
        %get3A_1152 = arith.index_cast %scan3A_1083 : i32 to index
        %get3A_1153 = arith.constant 80 : index
        %get3A_1154 = tpu.vector_load %arg20[%get3A_1152, %get3A_1153] {strides = array<i32>} : memref<80x144xf32, #tpu.memory_space<vmem>>, vector<1x16xf32>,
        %get3A_1155 = vector.shape_cast %get3A_1154 : vector<1x16xf32> to vector<16xf32>
        %mul3A_1156 = arith.mulf %get3A_1155, %exp3A : vector<16xf32>
        %swap3A_1157 = arith.index_cast %scan3A_1083 : i32 to index
        %swap3A_1158 = arith.constant 80 : index
        %swap3A_1159 = tpu.vector_load %arg20[%swap3A_1157, %swap3A_1158] {strides = array<i32>} : memref<80x144xf32, #tpu.memory_space<vmem>>, vector<1x16xf32>,
        %swap3A_1160 = vector.shape_cast %swap3A_1159 : vector<1x16xf32> to vector<16xf32>
        %swap3A_1161 = vector.shape_cast %mul3A_1156 : vector<16xf32> to vector<1x16xf32>
        tpu.vector_store %arg20[%swap3A_1157, %swap3A_1158], %swap3A_1161 {strides = array<i32>} : memref<80x144xf32, #tpu.memory_space<vmem>>, vector<1x16xf32>,
        %get3A_1162 = arith.index_cast %scan3A_1083 : i32 to index
        %get3A_1163 = arith.constant 96 : index
        %get3A_1164 = tpu.vector_load %arg20[%get3A_1162, %get3A_1163] {strides = array<i32>} : memref<80x144xf32, #tpu.memory_space<vmem>>, vector<1x16xf32>,
        %get3A_1165 = vector.shape_cast %get3A_1164 : vector<1x16xf32> to vector<16xf32>
        %mul3A_1166 = arith.mulf %get3A_1165, %exp3A : vector<16xf32>
        %swap3A_1167 = arith.index_cast %scan3A_1083 : i32 to index
        %swap3A_1168 = arith.constant 96 : index
        %swap3A_1169 = tpu.vector_load %arg20[%swap3A_1167, %swap3A_1168] {strides = array<i32>} : memref<80x144xf32, #tpu.memory_space<vmem>>, vector<1x16xf32>,
        %swap3A_1170 = vector.shape_cast %swap3A_1169 : vector<1x16xf32> to vector<16xf32>
        %swap3A_1171 = vector.shape_cast %mul3A_1166 : vector<16xf32> to vector<1x16xf32>
        tpu.vector_store %arg20[%swap3A_1167, %swap3A_1168], %swap3A_1171 {strides = array<i32>} : memref<80x144xf32, #tpu.memory_space<vmem>>, vector<1x16xf32>,
        %get3A_1172 = arith.index_cast %scan3A_1083 : i32 to index
        %get3A_1173 = arith.constant 112 : index
        %get3A_1174 = tpu.vector_load %arg20[%get3A_1172, %get3A_1173] {strides = array<i32>} : memref<80x144xf32, #tpu.memory_space<vmem>>, vector<1x16xf32>,
        %get3A_1175 = vector.shape_cast %get3A_1174 : vector<1x16xf32> to vector<16xf32>
        %mul3A_1176 = arith.mulf %get3A_1175, %exp3A : vector<16xf32>
        %swap3A_1177 = arith.index_cast %scan3A_1083 : i32 to index
        %swap3A_1178 = arith.constant 112 : index
        %swap3A_1179 = tpu.vector_load %arg20[%swap3A_1177, %swap3A_1178] {strides = array<i32>} : memref<80x144xf32, #tpu.memory_space<vmem>>, vector<1x16xf32>,
        %swap3A_1180 = vector.shape_cast %swap3A_1179 : vector<1x16xf32> to vector<16xf32>
        %swap3A_1181 = vector.shape_cast %mul3A_1176 : vector<16xf32> to vector<1x16xf32>
        tpu.vector_store %arg20[%swap3A_1177, %swap3A_1178], %swap3A_1181 {strides = array<i32>} : memref<80x144xf32, #tpu.memory_space<vmem>>, vector<1x16xf32>,
        %scan3A_1182 = arith.constant 0 : i32
        %scan3A_1183 = arith.constant 1 : i32
        %scan3A_1184 = arith.addi %scan3A_1083, %scan3A_1183 : i32
        %get3A_1185 = arith.index_cast %scan3A_1184 : i32 to index
        %get3A_1186 = arith.constant 128 : index
        %get3A_1187 = tpu.vector_load %arg20[%get3A_1185, %get3A_1186] {strides = array<i32>} : memref<80x144xf32, #tpu.memory_space<vmem>>, vector<1x16xf32>,
        %get3A_1188 = vector.shape_cast %get3A_1187 : vector<1x16xf32> to vector<16xf32>
        %get3A_1189 = arith.index_cast %scan3A_1184 : i32 to index
        %get3A_1190 = arith.constant 0 : index
        %get3A_1191 = tpu.vector_load %arg17[%get3A_1189, %get3A_1190] {strides = array<i32>} : memref<80x16xf32, #tpu.memory_space<vmem>>, vector<1x16xf32>,
        %get3A_1192 = vector.shape_cast %get3A_1191 : vector<1x16xf32> to vector<16xf32>
        %add3A_1193 = arith.addf %get3A_1188, %get3A_1192 : vector<16xf32>
        %mul3A_1194 = arith.constant 2.000000e-01 : f32
        %mul3A_1195 = vector.broadcast %mul3A_1194 : f32 to vector<16xf32>
        %mul3A_1196 = arith.mulf %mul3A_1195, %add3A_1193 : vector<16xf32>
        %max3A_1197 = arith.maximumf %add3A_1193, %mul3A_1196 : vector<16xf32>
        %exp3A_1198 = math.exp %max3A_1197 : vector<16xf32>
        %swap3A_1199 = arith.index_cast %scan3A_1184 : i32 to index
        %swap3A_1200 = arith.constant 128 : index
        %swap3A_1201 = tpu.vector_load %arg20[%swap3A_1199, %swap3A_1200] {strides = array<i32>} : memref<80x144xf32, #tpu.memory_space<vmem>>, vector<1x16xf32>,
        %swap3A_1202 = vector.shape_cast %swap3A_1201 : vector<1x16xf32> to vector<16xf32>
        %swap3A_1203 = vector.shape_cast %exp3A_1198 : vector<16xf32> to vector<1x16xf32>
        tpu.vector_store %arg20[%swap3A_1199, %swap3A_1200], %swap3A_1203 {strides = array<i32>} : memref<80x144xf32, #tpu.memory_space<vmem>>, vector<1x16xf32>,
        %get3A_1204 = arith.index_cast %scan3A_1184 : i32 to index
        %get3A_1205 = arith.constant 0 : index
        %get3A_1206 = tpu.vector_load %arg20[%get3A_1204, %get3A_1205] {strides = array<i32>} : memref<80x144xf32, #tpu.memory_space<vmem>>, vector<1x16xf32>,
        %get3A_1207 = vector.shape_cast %get3A_1206 : vector<1x16xf32> to vector<16xf32>
        %mul3A_1208 = arith.mulf %get3A_1207, %exp3A_1198 : vector<16xf32>
        %swap3A_1209 = arith.index_cast %scan3A_1184 : i32 to index
        %swap3A_1210 = arith.constant 0 : index
        %swap3A_1211 = tpu.vector_load %arg20[%swap3A_1209, %swap3A_1210] {strides = array<i32>} : memref<80x144xf32, #tpu.memory_space<vmem>>, vector<1x16xf32>,
        %swap3A_1212 = vector.shape_cast %swap3A_1211 : vector<1x16xf32> to vector<16xf32>
        %swap3A_1213 = vector.shape_cast %mul3A_1208 : vector<16xf32> to vector<1x16xf32>
        tpu.vector_store %arg20[%swap3A_1209, %swap3A_1210], %swap3A_1213 {strides = array<i32>} : memref<80x144xf32, #tpu.memory_space<vmem>>, vector<1x16xf32>,
        %get3A_1214 = arith.index_cast %scan3A_1184 : i32 to index
        %get3A_1215 = arith.constant 16 : index
        %get3A_1216 = tpu.vector_load %arg20[%get3A_1214, %get3A_1215] {strides = array<i32>} : memref<80x144xf32, #tpu.memory_space<vmem>>, vector<1x16xf32>,
        %get3A_1217 = vector.shape_cast %get3A_1216 : vector<1x16xf32> to vector<16xf32>
        %mul3A_1218 = arith.mulf %get3A_1217, %exp3A_1198 : vector<16xf32>
        %swap3A_1219 = arith.index_cast %scan3A_1184 : i32 to index
        %swap3A_1220 = arith.constant 16 : index
        %swap3A_1221 = tpu.vector_load %arg20[%swap3A_1219, %swap3A_1220] {strides = array<i32>} : memref<80x144xf32, #tpu.memory_space<vmem>>, vector<1x16xf32>,
        %swap3A_1222 = vector.shape_cast %swap3A_1221 : vector<1x16xf32> to vector<16xf32>
        %swap3A_1223 = vector.shape_cast %mul3A_1218 : vector<16xf32> to vector<1x16xf32>
        tpu.vector_store %arg20[%swap3A_1219, %swap3A_1220], %swap3A_1223 {strides = array<i32>} : memref<80x144xf32, #tpu.memory_space<vmem>>, vector<1x16xf32>,
        %get3A_1224 = arith.index_cast %scan3A_1184 : i32 to index
        %get3A_1225 = arith.constant 32 : index
        %get3A_1226 = tpu.vector_load %arg20[%get3A_1224, %get3A_1225] {strides = array<i32>} : memref<80x144xf32, #tpu.memory_space<vmem>>, vector<1x16xf32>,
        %get3A_1227 = vector.shape_cast %get3A_1226 : vector<1x16xf32> to vector<16xf32>
        %mul3A_1228 = arith.mulf %get3A_1227, %exp3A_1198 : vector<16xf32>
        %swap3A_1229 = arith.index_cast %scan3A_1184 : i32 to index
        %swap3A_1230 = arith.constant 32 : index
        %swap3A_1231 = tpu.vector_load %arg20[%swap3A_1229, %swap3A_1230] {strides = array<i32>} : memref<80x144xf32, #tpu.memory_space<vmem>>, vector<1x16xf32>,
        %swap3A_1232 = vector.shape_cast %swap3A_1231 : vector<1x16xf32> to vector<16xf32>
        %swap3A_1233 = vector.shape_cast %mul3A_1228 : vector<16xf32> to vector<1x16xf32>
        tpu.vector_store %arg20[%swap3A_1229, %swap3A_1230], %swap3A_1233 {strides = array<i32>} : memref<80x144xf32, #tpu.memory_space<vmem>>, vector<1x16xf32>,
        %get3A_1234 = arith.index_cast %scan3A_1184 : i32 to index
        %get3A_1235 = arith.constant 48 : index
        %get3A_1236 = tpu.vector_load %arg20[%get3A_1234, %get3A_1235] {strides = array<i32>} : memref<80x144xf32, #tpu.memory_space<vmem>>, vector<1x16xf32>,
        %get3A_1237 = vector.shape_cast %get3A_1236 : vector<1x16xf32> to vector<16xf32>
        %mul3A_1238 = arith.mulf %get3A_1237, %exp3A_1198 : vector<16xf32>
        %swap3A_1239 = arith.index_cast %scan3A_1184 : i32 to index
        %swap3A_1240 = arith.constant 48 : index
        %swap3A_1241 = tpu.vector_load %arg20[%swap3A_1239, %swap3A_1240] {strides = array<i32>} : memref<80x144xf32, #tpu.memory_space<vmem>>, vector<1x16xf32>,
        %swap3A_1242 = vector.shape_cast %swap3A_1241 : vector<1x16xf32> to vector<16xf32>
        %swap3A_1243 = vector.shape_cast %mul3A_1238 : vector<16xf32> to vector<1x16xf32>
        tpu.vector_store %arg20[%swap3A_1239, %swap3A_1240], %swap3A_1243 {strides = array<i32>} : memref<80x144xf32, #tpu.memory_space<vmem>>, vector<1x16xf32>,
        %get3A_1244 = arith.index_cast %scan3A_1184 : i32 to index
        %get3A_1245 = arith.constant 64 : index
        %get3A_1246 = tpu.vector_load %arg20[%get3A_1244, %get3A_1245] {strides = array<i32>} : memref<80x144xf32, #tpu.memory_space<vmem>>, vector<1x16xf32>,
        %get3A_1247 = vector.shape_cast %get3A_1246 : vector<1x16xf32> to vector<16xf32>
        %mul3A_1248 = arith.mulf %get3A_1247, %exp3A_1198 : vector<16xf32>
        %swap3A_1249 = arith.index_cast %scan3A_1184 : i32 to index
        %swap3A_1250 = arith.constant 64 : index
        %swap3A_1251 = tpu.vector_load %arg20[%swap3A_1249, %swap3A_1250] {strides = array<i32>} : memref<80x144xf32, #tpu.memory_space<vmem>>, vector<1x16xf32>,
        %swap3A_1252 = vector.shape_cast %swap3A_1251 : vector<1x16xf32> to vector<16xf32>
        %swap3A_1253 = vector.shape_cast %mul3A_1248 : vector<16xf32> to vector<1x16xf32>
        tpu.vector_store %arg20[%swap3A_1249, %swap3A_1250], %swap3A_1253 {strides = array<i32>} : memref<80x144xf32, #tpu.memory_space<vmem>>, vector<1x16xf32>,
        %get3A_1254 = arith.index_cast %scan3A_1184 : i32 to index
        %get3A_1255 = arith.constant 80 : index
        %get3A_1256 = tpu.vector_load %arg20[%get3A_1254, %get3A_1255] {strides = array<i32>} : memref<80x144xf32, #tpu.memory_space<vmem>>, vector<1x16xf32>,
        %get3A_1257 = vector.shape_cast %get3A_1256 : vector<1x16xf32> to vector<16xf32>
        %mul3A_1258 = arith.mulf %get3A_1257, %exp3A_1198 : vector<16xf32>
        %swap3A_1259 = arith.index_cast %scan3A_1184 : i32 to index
        %swap3A_1260 = arith.constant 80 : index
        %swap3A_1261 = tpu.vector_load %arg20[%swap3A_1259, %swap3A_1260] {strides = array<i32>} : memref<80x144xf32, #tpu.memory_space<vmem>>, vector<1x16xf32>,
        %swap3A_1262 = vector.shape_cast %swap3A_1261 : vector<1x16xf32> to vector<16xf32>
        %swap3A_1263 = vector.shape_cast %mul3A_1258 : vector<16xf32> to vector<1x16xf32>
        tpu.vector_store %arg20[%swap3A_1259, %swap3A_1260], %swap3A_1263 {strides = array<i32>} : memref<80x144xf32, #tpu.memory_space<vmem>>, vector<1x16xf32>,
        %get3A_1264 = arith.index_cast %scan3A_1184 : i32 to index
        %get3A_1265 = arith.constant 96 : index
        %get3A_1266 = tpu.vector_load %arg20[%get3A_1264, %get3A_1265] {strides = array<i32>} : memref<80x144xf32, #tpu.memory_space<vmem>>, vector<1x16xf32>,
        %get3A_1267 = vector.shape_cast %get3A_1266 : vector<1x16xf32> to vector<16xf32>
        %mul3A_1268 = arith.mulf %get3A_1267, %exp3A_1198 : vector<16xf32>
        %swap3A_1269 = arith.index_cast %scan3A_1184 : i32 to index
        %swap3A_1270 = arith.constant 96 : index
        %swap3A_1271 = tpu.vector_load %arg20[%swap3A_1269, %swap3A_1270] {strides = array<i32>} : memref<80x144xf32, #tpu.memory_space<vmem>>, vector<1x16xf32>,
        %swap3A_1272 = vector.shape_cast %swap3A_1271 : vector<1x16xf32> to vector<16xf32>
        %swap3A_1273 = vector.shape_cast %mul3A_1268 : vector<16xf32> to vector<1x16xf32>
        tpu.vector_store %arg20[%swap3A_1269, %swap3A_1270], %swap3A_1273 {strides = array<i32>} : memref<80x144xf32, #tpu.memory_space<vmem>>, vector<1x16xf32>,
        %get3A_1274 = arith.index_cast %scan3A_1184 : i32 to index
        %get3A_1275 = arith.constant 112 : index
        %get3A_1276 = tpu.vector_load %arg20[%get3A_1274, %get3A_1275] {strides = array<i32>} : memref<80x144xf32, #tpu.memory_space<vmem>>, vector<1x16xf32>,
        %get3A_1277 = vector.shape_cast %get3A_1276 : vector<1x16xf32> to vector<16xf32>
        %mul3A_1278 = arith.mulf %get3A_1277, %exp3A_1198 : vector<16xf32>
        %swap3A_1279 = arith.index_cast %scan3A_1184 : i32 to index
        %swap3A_1280 = arith.constant 112 : index
        %swap3A_1281 = tpu.vector_load %arg20[%swap3A_1279, %swap3A_1280] {strides = array<i32>} : memref<80x144xf32, #tpu.memory_space<vmem>>, vector<1x16xf32>,
        %swap3A_1282 = vector.shape_cast %swap3A_1281 : vector<1x16xf32> to vector<16xf32>
        %swap3A_1283 = vector.shape_cast %mul3A_1278 : vector<16xf32> to vector<1x16xf32>
        tpu.vector_store %arg20[%swap3A_1279, %swap3A_1280], %swap3A_1283 {strides = array<i32>} : memref<80x144xf32, #tpu.memory_space<vmem>>, vector<1x16xf32>,
        %scan3A_1284 = arith.constant 0 : i32
        %scan3A_1285 = arith.constant 2 : i32
        %scan3A_1286 = arith.addi %scan3A_1083, %scan3A_1285 : i32
        %get3A_1287 = arith.index_cast %scan3A_1286 : i32 to index
        %get3A_1288 = arith.constant 128 : index
        %get3A_1289 = tpu.vector_load %arg20[%get3A_1287, %get3A_1288] {strides = array<i32>} : memref<80x144xf32, #tpu.memory_space<vmem>>, vector<1x16xf32>,
        %get3A_1290 = vector.shape_cast %get3A_1289 : vector<1x16xf32> to vector<16xf32>
        %get3A_1291 = arith.index_cast %scan3A_1286 : i32 to index
        %get3A_1292 = arith.constant 0 : index
        %get3A_1293 = tpu.vector_load %arg17[%get3A_1291, %get3A_1292] {strides = array<i32>} : memref<80x16xf32, #tpu.memory_space<vmem>>, vector<1x16xf32>,
        %get3A_1294 = vector.shape_cast %get3A_1293 : vector<1x16xf32> to vector<16xf32>
        %add3A_1295 = arith.addf %get3A_1290, %get3A_1294 : vector<16xf32>
        %mul3A_1296 = arith.constant 2.000000e-01 : f32
        %mul3A_1297 = vector.broadcast %mul3A_1296 : f32 to vector<16xf32>
        %mul3A_1298 = arith.mulf %mul3A_1297, %add3A_1295 : vector<16xf32>
        %max3A_1299 = arith.maximumf %add3A_1295, %mul3A_1298 : vector<16xf32>
        %exp3A_1300 = math.exp %max3A_1299 : vector<16xf32>
        %swap3A_1301 = arith.index_cast %scan3A_1286 : i32 to index
        %swap3A_1302 = arith.constant 128 : index
        %swap3A_1303 = tpu.vector_load %arg20[%swap3A_1301, %swap3A_1302] {strides = array<i32>} : memref<80x144xf32, #tpu.memory_space<vmem>>, vector<1x16xf32>,
        %swap3A_1304 = vector.shape_cast %swap3A_1303 : vector<1x16xf32> to vector<16xf32>
        %swap3A_1305 = vector.shape_cast %exp3A_1300 : vector<16xf32> to vector<1x16xf32>
        tpu.vector_store %arg20[%swap3A_1301, %swap3A_1302], %swap3A_1305 {strides = array<i32>} : memref<80x144xf32, #tpu.memory_space<vmem>>, vector<1x16xf32>,
        %get3A_1306 = arith.index_cast %scan3A_1286 : i32 to index
        %get3A_1307 = arith.constant 0 : index
        %get3A_1308 = tpu.vector_load %arg20[%get3A_1306, %get3A_1307] {strides = array<i32>} : memref<80x144xf32, #tpu.memory_space<vmem>>, vector<1x16xf32>,
        %get3A_1309 = vector.shape_cast %get3A_1308 : vector<1x16xf32> to vector<16xf32>
        %mul3A_1310 = arith.mulf %get3A_1309, %exp3A_1300 : vector<16xf32>
        %swap3A_1311 = arith.index_cast %scan3A_1286 : i32 to index
        %swap3A_1312 = arith.constant 0 : index
        %swap3A_1313 = tpu.vector_load %arg20[%swap3A_1311, %swap3A_1312] {strides = array<i32>} : memref<80x144xf32, #tpu.memory_space<vmem>>, vector<1x16xf32>,
        %swap3A_1314 = vector.shape_cast %swap3A_1313 : vector<1x16xf32> to vector<16xf32>
        %swap3A_1315 = vector.shape_cast %mul3A_1310 : vector<16xf32> to vector<1x16xf32>
        tpu.vector_store %arg20[%swap3A_1311, %swap3A_1312], %swap3A_1315 {strides = array<i32>} : memref<80x144xf32, #tpu.memory_space<vmem>>, vector<1x16xf32>,
        %get3A_1316 = arith.index_cast %scan3A_1286 : i32 to index
        %get3A_1317 = arith.constant 16 : index
        %get3A_1318 = tpu.vector_load %arg20[%get3A_1316, %get3A_1317] {strides = array<i32>} : memref<80x144xf32, #tpu.memory_space<vmem>>, vector<1x16xf32>,
        %get3A_1319 = vector.shape_cast %get3A_1318 : vector<1x16xf32> to vector<16xf32>
        %mul3A_1320 = arith.mulf %get3A_1319, %exp3A_1300 : vector<16xf32>
        %swap3A_1321 = arith.index_cast %scan3A_1286 : i32 to index
        %swap3A_1322 = arith.constant 16 : index
        %swap3A_1323 = tpu.vector_load %arg20[%swap3A_1321, %swap3A_1322] {strides = array<i32>} : memref<80x144xf32, #tpu.memory_space<vmem>>, vector<1x16xf32>,
        %swap3A_1324 = vector.shape_cast %swap3A_1323 : vector<1x16xf32> to vector<16xf32>
        %swap3A_1325 = vector.shape_cast %mul3A_1320 : vector<16xf32> to vector<1x16xf32>
        tpu.vector_store %arg20[%swap3A_1321, %swap3A_1322], %swap3A_1325 {strides = array<i32>} : memref<80x144xf32, #tpu.memory_space<vmem>>, vector<1x16xf32>,
        %get3A_1326 = arith.index_cast %scan3A_1286 : i32 to index
        %get3A_1327 = arith.constant 32 : index
        %get3A_1328 = tpu.vector_load %arg20[%get3A_1326, %get3A_1327] {strides = array<i32>} : memref<80x144xf32, #tpu.memory_space<vmem>>, vector<1x16xf32>,
        %get3A_1329 = vector.shape_cast %get3A_1328 : vector<1x16xf32> to vector<16xf32>
        %mul3A_1330 = arith.mulf %get3A_1329, %exp3A_1300 : vector<16xf32>
        %swap3A_1331 = arith.index_cast %scan3A_1286 : i32 to index
        %swap3A_1332 = arith.constant 32 : index
        %swap3A_1333 = tpu.vector_load %arg20[%swap3A_1331, %swap3A_1332] {strides = array<i32>} : memref<80x144xf32, #tpu.memory_space<vmem>>, vector<1x16xf32>,
        %swap3A_1334 = vector.shape_cast %swap3A_1333 : vector<1x16xf32> to vector<16xf32>
        %swap3A_1335 = vector.shape_cast %mul3A_1330 : vector<16xf32> to vector<1x16xf32>
        tpu.vector_store %arg20[%swap3A_1331, %swap3A_1332], %swap3A_1335 {strides = array<i32>} : memref<80x144xf32, #tpu.memory_space<vmem>>, vector<1x16xf32>,
        %get3A_1336 = arith.index_cast %scan3A_1286 : i32 to index
        %get3A_1337 = arith.constant 48 : index
        %get3A_1338 = tpu.vector_load %arg20[%get3A_1336, %get3A_1337] {strides = array<i32>} : memref<80x144xf32, #tpu.memory_space<vmem>>, vector<1x16xf32>,
        %get3A_1339 = vector.shape_cast %get3A_1338 : vector<1x16xf32> to vector<16xf32>
        %mul3A_1340 = arith.mulf %get3A_1339, %exp3A_1300 : vector<16xf32>
        %swap3A_1341 = arith.index_cast %scan3A_1286 : i32 to index
        %swap3A_1342 = arith.constant 48 : index
        %swap3A_1343 = tpu.vector_load %arg20[%swap3A_1341, %swap3A_1342] {strides = array<i32>} : memref<80x144xf32, #tpu.memory_space<vmem>>, vector<1x16xf32>,
        %swap3A_1344 = vector.shape_cast %swap3A_1343 : vector<1x16xf32> to vector<16xf32>
        %swap3A_1345 = vector.shape_cast %mul3A_1340 : vector<16xf32> to vector<1x16xf32>
        tpu.vector_store %arg20[%swap3A_1341, %swap3A_1342], %swap3A_1345 {strides = array<i32>} : memref<80x144xf32, #tpu.memory_space<vmem>>, vector<1x16xf32>,
        %get3A_1346 = arith.index_cast %scan3A_1286 : i32 to index
        %get3A_1347 = arith.constant 64 : index
        %get3A_1348 = tpu.vector_load %arg20[%get3A_1346, %get3A_1347] {strides = array<i32>} : memref<80x144xf32, #tpu.memory_space<vmem>>, vector<1x16xf32>,
        %get3A_1349 = vector.shape_cast %get3A_1348 : vector<1x16xf32> to vector<16xf32>
        %mul3A_1350 = arith.mulf %get3A_1349, %exp3A_1300 : vector<16xf32>
        %swap3A_1351 = arith.index_cast %scan3A_1286 : i32 to index
        %swap3A_1352 = arith.constant 64 : index
        %swap3A_1353 = tpu.vector_load %arg20[%swap3A_1351, %swap3A_1352] {strides = array<i32>} : memref<80x144xf32, #tpu.memory_space<vmem>>, vector<1x16xf32>,
        %swap3A_1354 = vector.shape_cast %swap3A_1353 : vector<1x16xf32> to vector<16xf32>
        %swap3A_1355 = vector.shape_cast %mul3A_1350 : vector<16xf32> to vector<1x16xf32>
        tpu.vector_store %arg20[%swap3A_1351, %swap3A_1352], %swap3A_1355 {strides = array<i32>} : memref<80x144xf32, #tpu.memory_space<vmem>>, vector<1x16xf32>,
        %get3A_1356 = arith.index_cast %scan3A_1286 : i32 to index
        %get3A_1357 = arith.constant 80 : index
        %get3A_1358 = tpu.vector_load %arg20[%get3A_1356, %get3A_1357] {strides = array<i32>} : memref<80x144xf32, #tpu.memory_space<vmem>>, vector<1x16xf32>,
        %get3A_1359 = vector.shape_cast %get3A_1358 : vector<1x16xf32> to vector<16xf32>
        %mul3A_1360 = arith.mulf %get3A_1359, %exp3A_1300 : vector<16xf32>
        %swap3A_1361 = arith.index_cast %scan3A_1286 : i32 to index
        %swap3A_1362 = arith.constant 80 : index
        %swap3A_1363 = tpu.vector_load %arg20[%swap3A_1361, %swap3A_1362] {strides = array<i32>} : memref<80x144xf32, #tpu.memory_space<vmem>>, vector<1x16xf32>,
        %swap3A_1364 = vector.shape_cast %swap3A_1363 : vector<1x16xf32> to vector<16xf32>
        %swap3A_1365 = vector.shape_cast %mul3A_1360 : vector<16xf32> to vector<1x16xf32>
        tpu.vector_store %arg20[%swap3A_1361, %swap3A_1362], %swap3A_1365 {strides = array<i32>} : memref<80x144xf32, #tpu.memory_space<vmem>>, vector<1x16xf32>,
        %get3A_1366 = arith.index_cast %scan3A_1286 : i32 to index
        %get3A_1367 = arith.constant 96 : index
        %get3A_1368 = tpu.vector_load %arg20[%get3A_1366, %get3A_1367] {strides = array<i32>} : memref<80x144xf32, #tpu.memory_space<vmem>>, vector<1x16xf32>,
        %get3A_1369 = vector.shape_cast %get3A_1368 : vector<1x16xf32> to vector<16xf32>
        %mul3A_1370 = arith.mulf %get3A_1369, %exp3A_1300 : vector<16xf32>
        %swap3A_1371 = arith.index_cast %scan3A_1286 : i32 to index
        %swap3A_1372 = arith.constant 96 : index
        %swap3A_1373 = tpu.vector_load %arg20[%swap3A_1371, %swap3A_1372] {strides = array<i32>} : memref<80x144xf32, #tpu.memory_space<vmem>>, vector<1x16xf32>,
        %swap3A_1374 = vector.shape_cast %swap3A_1373 : vector<1x16xf32> to vector<16xf32>
        %swap3A_1375 = vector.shape_cast %mul3A_1370 : vector<16xf32> to vector<1x16xf32>
        tpu.vector_store %arg20[%swap3A_1371, %swap3A_1372], %swap3A_1375 {strides = array<i32>} : memref<80x144xf32, #tpu.memory_space<vmem>>, vector<1x16xf32>,
        %get3A_1376 = arith.index_cast %scan3A_1286 : i32 to index
        %get3A_1377 = arith.constant 112 : index
        %get3A_1378 = tpu.vector_load %arg20[%get3A_1376, %get3A_1377] {strides = array<i32>} : memref<80x144xf32, #tpu.memory_space<vmem>>, vector<1x16xf32>,
        %get3A_1379 = vector.shape_cast %get3A_1378 : vector<1x16xf32> to vector<16xf32>
        %mul3A_1380 = arith.mulf %get3A_1379, %exp3A_1300 : vector<16xf32>
        %swap3A_1381 = arith.index_cast %scan3A_1286 : i32 to index
        %swap3A_1382 = arith.constant 112 : index
        %swap3A_1383 = tpu.vector_load %arg20[%swap3A_1381, %swap3A_1382] {strides = array<i32>} : memref<80x144xf32, #tpu.memory_space<vmem>>, vector<1x16xf32>,
        %swap3A_1384 = vector.shape_cast %swap3A_1383 : vector<1x16xf32> to vector<16xf32>
        %swap3A_1385 = vector.shape_cast %mul3A_1380 : vector<16xf32> to vector<1x16xf32>
        tpu.vector_store %arg20[%swap3A_1381, %swap3A_1382], %swap3A_1385 {strides = array<i32>} : memref<80x144xf32, #tpu.memory_space<vmem>>, vector<1x16xf32>,
        %scan3A_1386 = arith.constant 0 : i32
        %scan3A_1387 = arith.constant 3 : i32
        %scan3A_1388 = arith.addi %scan3A_1083, %scan3A_1387 : i32
        %get3A_1389 = arith.index_cast %scan3A_1388 : i32 to index
        %get3A_1390 = arith.constant 128 : index
        %get3A_1391 = tpu.vector_load %arg20[%get3A_1389, %get3A_1390] {strides = array<i32>} : memref<80x144xf32, #tpu.memory_space<vmem>>, vector<1x16xf32>,
        %get3A_1392 = vector.shape_cast %get3A_1391 : vector<1x16xf32> to vector<16xf32>
        %get3A_1393 = arith.index_cast %scan3A_1388 : i32 to index
        %get3A_1394 = arith.constant 0 : index
        %get3A_1395 = tpu.vector_load %arg17[%get3A_1393, %get3A_1394] {strides = array<i32>} : memref<80x16xf32, #tpu.memory_space<vmem>>, vector<1x16xf32>,
        %get3A_1396 = vector.shape_cast %get3A_1395 : vector<1x16xf32> to vector<16xf32>
        %add3A_1397 = arith.addf %get3A_1392, %get3A_1396 : vector<16xf32>
        %mul3A_1398 = arith.constant 2.000000e-01 : f32
        %mul3A_1399 = vector.broadcast %mul3A_1398 : f32 to vector<16xf32>
        %mul3A_1400 = arith.mulf %mul3A_1399, %add3A_1397 : vector<16xf32>
        %max3A_1401 = arith.maximumf %add3A_1397, %mul3A_1400 : vector<16xf32>
        %exp3A_1402 = math.exp %max3A_1401 : vector<16xf32>
        %swap3A_1403 = arith.index_cast %scan3A_1388 : i32 to index
        %swap3A_1404 = arith.constant 128 : index
        %swap3A_1405 = tpu.vector_load %arg20[%swap3A_1403, %swap3A_1404] {strides = array<i32>} : memref<80x144xf32, #tpu.memory_space<vmem>>, vector<1x16xf32>,
        %swap3A_1406 = vector.shape_cast %swap3A_1405 : vector<1x16xf32> to vector<16xf32>
        %swap3A_1407 = vector.shape_cast %exp3A_1402 : vector<16xf32> to vector<1x16xf32>
        tpu.vector_store %arg20[%swap3A_1403, %swap3A_1404], %swap3A_1407 {strides = array<i32>} : memref<80x144xf32, #tpu.memory_space<vmem>>, vector<1x16xf32>,
        %get3A_1408 = arith.index_cast %scan3A_1388 : i32 to index
        %get3A_1409 = arith.constant 0 : index
        %get3A_1410 = tpu.vector_load %arg20[%get3A_1408, %get3A_1409] {strides = array<i32>} : memref<80x144xf32, #tpu.memory_space<vmem>>, vector<1x16xf32>,
        %get3A_1411 = vector.shape_cast %get3A_1410 : vector<1x16xf32> to vector<16xf32>
        %mul3A_1412 = arith.mulf %get3A_1411, %exp3A_1402 : vector<16xf32>
        %swap3A_1413 = arith.index_cast %scan3A_1388 : i32 to index
        %swap3A_1414 = arith.constant 0 : index
        %swap3A_1415 = tpu.vector_load %arg20[%swap3A_1413, %swap3A_1414] {strides = array<i32>} : memref<80x144xf32, #tpu.memory_space<vmem>>, vector<1x16xf32>,
        %swap3A_1416 = vector.shape_cast %swap3A_1415 : vector<1x16xf32> to vector<16xf32>
        %swap3A_1417 = vector.shape_cast %mul3A_1412 : vector<16xf32> to vector<1x16xf32>
        tpu.vector_store %arg20[%swap3A_1413, %swap3A_1414], %swap3A_1417 {strides = array<i32>} : memref<80x144xf32, #tpu.memory_space<vmem>>, vector<1x16xf32>,
        %get3A_1418 = arith.index_cast %scan3A_1388 : i32 to index
        %get3A_1419 = arith.constant 16 : index
        %get3A_1420 = tpu.vector_load %arg20[%get3A_1418, %get3A_1419] {strides = array<i32>} : memref<80x144xf32, #tpu.memory_space<vmem>>, vector<1x16xf32>,
        %get3A_1421 = vector.shape_cast %get3A_1420 : vector<1x16xf32> to vector<16xf32>
        %mul3A_1422 = arith.mulf %get3A_1421, %exp3A_1402 : vector<16xf32>
        %swap3A_1423 = arith.index_cast %scan3A_1388 : i32 to index
        %swap3A_1424 = arith.constant 16 : index
        %swap3A_1425 = tpu.vector_load %arg20[%swap3A_1423, %swap3A_1424] {strides = array<i32>} : memref<80x144xf32, #tpu.memory_space<vmem>>, vector<1x16xf32>,
        %swap3A_1426 = vector.shape_cast %swap3A_1425 : vector<1x16xf32> to vector<16xf32>
        %swap3A_1427 = vector.shape_cast %mul3A_1422 : vector<16xf32> to vector<1x16xf32>
        tpu.vector_store %arg20[%swap3A_1423, %swap3A_1424], %swap3A_1427 {strides = array<i32>} : memref<80x144xf32, #tpu.memory_space<vmem>>, vector<1x16xf32>,
        %get3A_1428 = arith.index_cast %scan3A_1388 : i32 to index
        %get3A_1429 = arith.constant 32 : index
        %get3A_1430 = tpu.vector_load %arg20[%get3A_1428, %get3A_1429] {strides = array<i32>} : memref<80x144xf32, #tpu.memory_space<vmem>>, vector<1x16xf32>,
        %get3A_1431 = vector.shape_cast %get3A_1430 : vector<1x16xf32> to vector<16xf32>
        %mul3A_1432 = arith.mulf %get3A_1431, %exp3A_1402 : vector<16xf32>
        %swap3A_1433 = arith.index_cast %scan3A_1388 : i32 to index
        %swap3A_1434 = arith.constant 32 : index
        %swap3A_1435 = tpu.vector_load %arg20[%swap3A_1433, %swap3A_1434] {strides = array<i32>} : memref<80x144xf32, #tpu.memory_space<vmem>>, vector<1x16xf32>,
        %swap3A_1436 = vector.shape_cast %swap3A_1435 : vector<1x16xf32> to vector<16xf32>
        %swap3A_1437 = vector.shape_cast %mul3A_1432 : vector<16xf32> to vector<1x16xf32>
        tpu.vector_store %arg20[%swap3A_1433, %swap3A_1434], %swap3A_1437 {strides = array<i32>} : memref<80x144xf32, #tpu.memory_space<vmem>>, vector<1x16xf32>,
        %get3A_1438 = arith.index_cast %scan3A_1388 : i32 to index
        %get3A_1439 = arith.constant 48 : index
        %get3A_1440 = tpu.vector_load %arg20[%get3A_1438, %get3A_1439] {strides = array<i32>} : memref<80x144xf32, #tpu.memory_space<vmem>>, vector<1x16xf32>,
        %get3A_1441 = vector.shape_cast %get3A_1440 : vector<1x16xf32> to vector<16xf32>
        %mul3A_1442 = arith.mulf %get3A_1441, %exp3A_1402 : vector<16xf32>
        %swap3A_1443 = arith.index_cast %scan3A_1388 : i32 to index
        %swap3A_1444 = arith.constant 48 : index
        %swap3A_1445 = tpu.vector_load %arg20[%swap3A_1443, %swap3A_1444] {strides = array<i32>} : memref<80x144xf32, #tpu.memory_space<vmem>>, vector<1x16xf32>,
        %swap3A_1446 = vector.shape_cast %swap3A_1445 : vector<1x16xf32> to vector<16xf32>
        %swap3A_1447 = vector.shape_cast %mul3A_1442 : vector<16xf32> to vector<1x16xf32>
        tpu.vector_store %arg20[%swap3A_1443, %swap3A_1444], %swap3A_1447 {strides = array<i32>} : memref<80x144xf32, #tpu.memory_space<vmem>>, vector<1x16xf32>,
        %get3A_1448 = arith.index_cast %scan3A_1388 : i32 to index
        %get3A_1449 = arith.constant 64 : index
        %get3A_1450 = tpu.vector_load %arg20[%get3A_1448, %get3A_1449] {strides = array<i32>} : memref<80x144xf32, #tpu.memory_space<vmem>>, vector<1x16xf32>,
        %get3A_1451 = vector.shape_cast %get3A_1450 : vector<1x16xf32> to vector<16xf32>
        %mul3A_1452 = arith.mulf %get3A_1451, %exp3A_1402 : vector<16xf32>
        %swap3A_1453 = arith.index_cast %scan3A_1388 : i32 to index
        %swap3A_1454 = arith.constant 64 : index
        %swap3A_1455 = tpu.vector_load %arg20[%swap3A_1453, %swap3A_1454] {strides = array<i32>} : memref<80x144xf32, #tpu.memory_space<vmem>>, vector<1x16xf32>,
        %swap3A_1456 = vector.shape_cast %swap3A_1455 : vector<1x16xf32> to vector<16xf32>
        %swap3A_1457 = vector.shape_cast %mul3A_1452 : vector<16xf32> to vector<1x16xf32>
        tpu.vector_store %arg20[%swap3A_1453, %swap3A_1454], %swap3A_1457 {strides = array<i32>} : memref<80x144xf32, #tpu.memory_space<vmem>>, vector<1x16xf32>,
        %get3A_1458 = arith.index_cast %scan3A_1388 : i32 to index
        %get3A_1459 = arith.constant 80 : index
        %get3A_1460 = tpu.vector_load %arg20[%get3A_1458, %get3A_1459] {strides = array<i32>} : memref<80x144xf32, #tpu.memory_space<vmem>>, vector<1x16xf32>,
        %get3A_1461 = vector.shape_cast %get3A_1460 : vector<1x16xf32> to vector<16xf32>
        %mul3A_1462 = arith.mulf %get3A_1461, %exp3A_1402 : vector<16xf32>
        %swap3A_1463 = arith.index_cast %scan3A_1388 : i32 to index
        %swap3A_1464 = arith.constant 80 : index
        %swap3A_1465 = tpu.vector_load %arg20[%swap3A_1463, %swap3A_1464] {strides = array<i32>} : memref<80x144xf32, #tpu.memory_space<vmem>>, vector<1x16xf32>,
        %swap3A_1466 = vector.shape_cast %swap3A_1465 : vector<1x16xf32> to vector<16xf32>
        %swap3A_1467 = vector.shape_cast %mul3A_1462 : vector<16xf32> to vector<1x16xf32>
        tpu.vector_store %arg20[%swap3A_1463, %swap3A_1464], %swap3A_1467 {strides = array<i32>} : memref<80x144xf32, #tpu.memory_space<vmem>>, vector<1x16xf32>,
        %get3A_1468 = arith.index_cast %scan3A_1388 : i32 to index
        %get3A_1469 = arith.constant 96 : index
        %get3A_1470 = tpu.vector_load %arg20[%get3A_1468, %get3A_1469] {strides = array<i32>} : memref<80x144xf32, #tpu.memory_space<vmem>>, vector<1x16xf32>,
        %get3A_1471 = vector.shape_cast %get3A_1470 : vector<1x16xf32> to vector<16xf32>
        %mul3A_1472 = arith.mulf %get3A_1471, %exp3A_1402 : vector<16xf32>
        %swap3A_1473 = arith.index_cast %scan3A_1388 : i32 to index
        %swap3A_1474 = arith.constant 96 : index
        %swap3A_1475 = tpu.vector_load %arg20[%swap3A_1473, %swap3A_1474] {strides = array<i32>} : memref<80x144xf32, #tpu.memory_space<vmem>>, vector<1x16xf32>,
        %swap3A_1476 = vector.shape_cast %swap3A_1475 : vector<1x16xf32> to vector<16xf32>
        %swap3A_1477 = vector.shape_cast %mul3A_1472 : vector<16xf32> to vector<1x16xf32>
        tpu.vector_store %arg20[%swap3A_1473, %swap3A_1474], %swap3A_1477 {strides = array<i32>} : memref<80x144xf32, #tpu.memory_space<vmem>>, vector<1x16xf32>,
        %get3A_1478 = arith.index_cast %scan3A_1388 : i32 to index
        %get3A_1479 = arith.constant 112 : index
        %get3A_1480 = tpu.vector_load %arg20[%get3A_1478, %get3A_1479] {strides = array<i32>} : memref<80x144xf32, #tpu.memory_space<vmem>>, vector<1x16xf32>,
        %get3A_1481 = vector.shape_cast %get3A_1480 : vector<1x16xf32> to vector<16xf32>
        %mul3A_1482 = arith.mulf %get3A_1481, %exp3A_1402 : vector<16xf32>
        %swap3A_1483 = arith.index_cast %scan3A_1388 : i32 to index
        %swap3A_1484 = arith.constant 112 : index
        %swap3A_1485 = tpu.vector_load %arg20[%swap3A_1483, %swap3A_1484] {strides = array<i32>} : memref<80x144xf32, #tpu.memory_space<vmem>>, vector<1x16xf32>,
        %swap3A_1486 = vector.shape_cast %swap3A_1485 : vector<1x16xf32> to vector<16xf32>
        %swap3A_1487 = vector.shape_cast %mul3A_1482 : vector<16xf32> to vector<1x16xf32>
        tpu.vector_store %arg20[%swap3A_1483, %swap3A_1484], %swap3A_1487 {strides = array<i32>} : memref<80x144xf32, #tpu.memory_space<vmem>>, vector<1x16xf32>,
        %scan3A_1488 = arith.constant 0 : i32
        scf.yield %scan3A_1488 : i32
      }
      %scan3A_899 = arith.constant 80 : i32
      %dma_wait3A_900 = arith.constant 0 : i32
      %dma_wait3A_901 = arith.constant 0 : i32
      %dma_wait3A_902 = tpu.memref_slice %arg21[%dma_wait3A_900, %dma_wait3A_901] : memref<10016x144xf32, #tpu.memory_space<vmem_shared>> -> memref<10016x144xf32, #tpu.memory_space<vmem_shared>>
      tpu.wait_indirect_dma semaphore(%arg35 : memref<!tpu.dma_semaphore, #tpu.memory_space<semaphore_mem>>) src(%arg19 : memref<80x144xf32, #tpu.memory_space<vmem>>) dst(%dma_wait3A_902 : memref<10016x144xf32, #tpu.memory_space<vmem_shared>>)
      %dma_start3A_903 = arith.constant 0 : i32
      %dma_start3A_904 = arith.constant 0 : i32
      %dma_start3A_905 = tpu.memref_slice %arg21[%dma_start3A_903, %dma_start3A_904] : memref<10016x144xf32, #tpu.memory_space<vmem_shared>> -> memref<10016x144xf32, #tpu.memory_space<vmem_shared>>
      tpu.enqueue_indirect_dma source(%arg20 : memref<80x144xf32, #tpu.memory_space<vmem>>) target(%dma_start3A_905 : memref<10016x144xf32, #tpu.memory_space<vmem_shared>>) offsets(%arg14 : memref<80xi32, #tpu.memory_space<vmem>>) semaphore(%arg36 : memref<!tpu.dma_semaphore, #tpu.memory_space<semaphore_mem>>) {add = true}
      %add3A_906 = arith.constant 2 : i32
      %add3A_907 = arith.addi %add3A_555, %add3A_906 : i32
      %dma_wait3A_908 = arith.constant 0 : i32
      %dma_wait3A_909 = tpu.memref_slice %arg4[%dma_wait3A_908] : memref<645120xi32, #tpu.memory_space<hbm>> -> memref<80xi32, #tpu.memory_space<hbm>>
      %dma_wait3A_910 = arith.constant 0 : i32
      %dma_wait3A_911 = tpu.memref_slice %arg4[%dma_wait3A_910] : memref<645120xi32, #tpu.memory_space<hbm>> -> memref<80xi32, #tpu.memory_space<hbm>>
      tpu.wait_dma2 semaphore(%arg23 : memref<!tpu.dma_semaphore, #tpu.memory_space<semaphore_mem>>) src(%dma_wait3A_911 : memref<80xi32, #tpu.memory_space<hbm>>) dst(%arg7 : memref<80xi32, #tpu.memory_space<vmem>>)
      %dma_wait3A_912 = arith.constant 0 : i32
      %dma_wait3A_913 = tpu.memref_slice %arg4[%dma_wait3A_912] : memref<645120xi32, #tpu.memory_space<hbm>> -> memref<80xi32, #tpu.memory_space<hbm>>
      %dma_wait3A_914 = arith.constant 0 : i32
      %dma_wait3A_915 = tpu.memref_slice %arg4[%dma_wait3A_914] : memref<645120xi32, #tpu.memory_space<hbm>> -> memref<80xi32, #tpu.memory_space<hbm>>
      tpu.wait_dma2 semaphore(%arg26 : memref<!tpu.dma_semaphore, #tpu.memory_space<semaphore_mem>>) src(%dma_wait3A_915 : memref<80xi32, #tpu.memory_space<hbm>>) dst(%arg10 : memref<80xi32, #tpu.memory_space<vmem>>)
      %get3A_916 = arith.constant 0 : index
      %get3A_917 = tpu.vector_load %arg7[%get3A_916] {strides = array<i32>} : memref<80xi32, #tpu.memory_space<vmem>>, vector<16xi32>,
      %get3A_918 = vector.shape_cast %get3A_917 : vector<16xi32> to vector<16xi32>
      %get3A_919 = arith.constant 0 : index
      %get3A_920 = tpu.vector_load %arg10[%get3A_919] {strides = array<i32>} : memref<80xi32, #tpu.memory_space<vmem>>, vector<16xi32>,
      %get3A_921 = vector.shape_cast %get3A_920 : vector<16xi32> to vector<16xi32>
      %eq3A_922 = arith.cmpi eq, %get3A_918, %get3A_921 : vector<16xi32>
      %jit3A_923 = arith.constant 10000 : i32
      %broadcast_in_dim3A_924 = vector.broadcast %jit3A_923 : i32 to vector<16xi32>
      %select_n3A_925 = arith.select %eq3A_922, %broadcast_in_dim3A_924, %get3A_918 : vector<16xi1>, vector<16xi32>
      %swap3A_926 = arith.constant 0 : index
      %swap3A_927 = tpu.vector_load %arg7[%swap3A_926] {strides = array<i32>} : memref<80xi32, #tpu.memory_space<vmem>>, vector<16xi32>,
      %swap3A_928 = vector.shape_cast %swap3A_927 : vector<16xi32> to vector<16xi32>
      %swap3A_929 = vector.shape_cast %select_n3A_925 : vector<16xi32> to vector<16xi32>
      tpu.vector_store %arg7[%swap3A_926], %swap3A_929 {strides = array<i32>} : memref<80xi32, #tpu.memory_space<vmem>>, vector<16xi32>,
      %jit3A_930 = arith.constant 10000 : i32
      %broadcast_in_dim3A_931 = vector.broadcast %jit3A_930 : i32 to vector<16xi32>
      %select_n3A_932 = arith.select %eq3A_922, %broadcast_in_dim3A_931, %get3A_921 : vector<16xi1>, vector<16xi32>
      %swap3A_933 = arith.constant 0 : index
      %swap3A_934 = tpu.vector_load %arg10[%swap3A_933] {strides = array<i32>} : memref<80xi32, #tpu.memory_space<vmem>>, vector<16xi32>,
      %swap3A_935 = vector.shape_cast %swap3A_934 : vector<16xi32> to vector<16xi32>
      %swap3A_936 = vector.shape_cast %select_n3A_932 : vector<16xi32> to vector<16xi32>
      tpu.vector_store %arg10[%swap3A_933], %swap3A_936 {strides = array<i32>} : memref<80xi32, #tpu.memory_space<vmem>>, vector<16xi32>,
      %swap3A_937 = arith.constant 0 : index
      %swap3A_938 = tpu.vector_load %arg13[%swap3A_937] {strides = array<i32>} : memref<80xi32, #tpu.memory_space<vmem>>, vector<16xi32>,
      %swap3A_939 = vector.shape_cast %swap3A_938 : vector<16xi32> to vector<16xi32>
      %swap3A_940 = vector.shape_cast %select_n3A_932 : vector<16xi32> to vector<16xi32>
      tpu.vector_store %arg13[%swap3A_937], %swap3A_940 {strides = array<i32>} : memref<80xi32, #tpu.memory_space<vmem>>, vector<16xi32>,
      %get3A_941 = arith.constant 16 : index
      %get3A_942 = tpu.vector_load %arg7[%get3A_941] {strides = array<i32>} : memref<80xi32, #tpu.memory_space<vmem>>, vector<16xi32>,
      %get3A_943 = vector.shape_cast %get3A_942 : vector<16xi32> to vector<16xi32>
      %get3A_944 = arith.constant 16 : index
      %get3A_945 = tpu.vector_load %arg10[%get3A_944] {strides = array<i32>} : memref<80xi32, #tpu.memory_space<vmem>>, vector<16xi32>,
      %get3A_946 = vector.shape_cast %get3A_945 : vector<16xi32> to vector<16xi32>
      %eq3A_947 = arith.cmpi eq, %get3A_943, %get3A_946 : vector<16xi32>
      %jit3A_948 = arith.constant 10000 : i32
      %broadcast_in_dim3A_949 = vector.broadcast %jit3A_948 : i32 to vector<16xi32>
      %select_n3A_950 = arith.select %eq3A_947, %broadcast_in_dim3A_949, %get3A_943 : vector<16xi1>, vector<16xi32>
      %swap3A_951 = arith.constant 16 : index
      %swap3A_952 = tpu.vector_load %arg7[%swap3A_951] {strides = array<i32>} : memref<80xi32, #tpu.memory_space<vmem>>, vector<16xi32>,
      %swap3A_953 = vector.shape_cast %swap3A_952 : vector<16xi32> to vector<16xi32>
      %swap3A_954 = vector.shape_cast %select_n3A_950 : vector<16xi32> to vector<16xi32>
      tpu.vector_store %arg7[%swap3A_951], %swap3A_954 {strides = array<i32>} : memref<80xi32, #tpu.memory_space<vmem>>, vector<16xi32>,
      %jit3A_955 = arith.constant 10000 : i32
      %broadcast_in_dim3A_956 = vector.broadcast %jit3A_955 : i32 to vector<16xi32>
      %select_n3A_957 = arith.select %eq3A_947, %broadcast_in_dim3A_956, %get3A_946 : vector<16xi1>, vector<16xi32>
      %swap3A_958 = arith.constant 16 : index
      %swap3A_959 = tpu.vector_load %arg10[%swap3A_958] {strides = array<i32>} : memref<80xi32, #tpu.memory_space<vmem>>, vector<16xi32>,
      %swap3A_960 = vector.shape_cast %swap3A_959 : vector<16xi32> to vector<16xi32>
      %swap3A_961 = vector.shape_cast %select_n3A_957 : vector<16xi32> to vector<16xi32>
      tpu.vector_store %arg10[%swap3A_958], %swap3A_961 {strides = array<i32>} : memref<80xi32, #tpu.memory_space<vmem>>, vector<16xi32>,
      %swap3A_962 = arith.constant 16 : index
      %swap3A_963 = tpu.vector_load %arg13[%swap3A_962] {strides = array<i32>} : memref<80xi32, #tpu.memory_space<vmem>>, vector<16xi32>,
      %swap3A_964 = vector.shape_cast %swap3A_963 : vector<16xi32> to vector<16xi32>
      %swap3A_965 = vector.shape_cast %select_n3A_957 : vector<16xi32> to vector<16xi32>
      tpu.vector_store %arg13[%swap3A_962], %swap3A_965 {strides = array<i32>} : memref<80xi32, #tpu.memory_space<vmem>>, vector<16xi32>,
      %get3A_966 = arith.constant 32 : index
      %get3A_967 = tpu.vector_load %arg7[%get3A_966] {strides = array<i32>} : memref<80xi32, #tpu.memory_space<vmem>>, vector<16xi32>,
      %get3A_968 = vector.shape_cast %get3A_967 : vector<16xi32> to vector<16xi32>
      %get3A_969 = arith.constant 32 : index
      %get3A_970 = tpu.vector_load %arg10[%get3A_969] {strides = array<i32>} : memref<80xi32, #tpu.memory_space<vmem>>, vector<16xi32>,
      %get3A_971 = vector.shape_cast %get3A_970 : vector<16xi32> to vector<16xi32>
      %eq3A_972 = arith.cmpi eq, %get3A_968, %get3A_971 : vector<16xi32>
      %jit3A_973 = arith.constant 10000 : i32
      %broadcast_in_dim3A_974 = vector.broadcast %jit3A_973 : i32 to vector<16xi32>
      %select_n3A_975 = arith.select %eq3A_972, %broadcast_in_dim3A_974, %get3A_968 : vector<16xi1>, vector<16xi32>
      %swap3A_976 = arith.constant 32 : index
      %swap3A_977 = tpu.vector_load %arg7[%swap3A_976] {strides = array<i32>} : memref<80xi32, #tpu.memory_space<vmem>>, vector<16xi32>,
      %swap3A_978 = vector.shape_cast %swap3A_977 : vector<16xi32> to vector<16xi32>
      %swap3A_979 = vector.shape_cast %select_n3A_975 : vector<16xi32> to vector<16xi32>
      tpu.vector_store %arg7[%swap3A_976], %swap3A_979 {strides = array<i32>} : memref<80xi32, #tpu.memory_space<vmem>>, vector<16xi32>,
      %jit3A_980 = arith.constant 10000 : i32
      %broadcast_in_dim3A_981 = vector.broadcast %jit3A_980 : i32 to vector<16xi32>
      %select_n3A_982 = arith.select %eq3A_972, %broadcast_in_dim3A_981, %get3A_971 : vector<16xi1>, vector<16xi32>
      %swap3A_983 = arith.constant 32 : index
      %swap3A_984 = tpu.vector_load %arg10[%swap3A_983] {strides = array<i32>} : memref<80xi32, #tpu.memory_space<vmem>>, vector<16xi32>,
      %swap3A_985 = vector.shape_cast %swap3A_984 : vector<16xi32> to vector<16xi32>
      %swap3A_986 = vector.shape_cast %select_n3A_982 : vector<16xi32> to vector<16xi32>
      tpu.vector_store %arg10[%swap3A_983], %swap3A_986 {strides = array<i32>} : memref<80xi32, #tpu.memory_space<vmem>>, vector<16xi32>,
      %swap3A_987 = arith.constant 32 : index
      %swap3A_988 = tpu.vector_load %arg13[%swap3A_987] {strides = array<i32>} : memref<80xi32, #tpu.memory_space<vmem>>, vector<16xi32>,
      %swap3A_989 = vector.shape_cast %swap3A_988 : vector<16xi32> to vector<16xi32>
      %swap3A_990 = vector.shape_cast %select_n3A_982 : vector<16xi32> to vector<16xi32>
      tpu.vector_store %arg13[%swap3A_987], %swap3A_990 {strides = array<i32>} : memref<80xi32, #tpu.memory_space<vmem>>, vector<16xi32>,
      %get3A_991 = arith.constant 48 : index
      %get3A_992 = tpu.vector_load %arg7[%get3A_991] {strides = array<i32>} : memref<80xi32, #tpu.memory_space<vmem>>, vector<16xi32>,
      %get3A_993 = vector.shape_cast %get3A_992 : vector<16xi32> to vector<16xi32>
      %get3A_994 = arith.constant 48 : index
      %get3A_995 = tpu.vector_load %arg10[%get3A_994] {strides = array<i32>} : memref<80xi32, #tpu.memory_space<vmem>>, vector<16xi32>,
      %get3A_996 = vector.shape_cast %get3A_995 : vector<16xi32> to vector<16xi32>
      %eq3A_997 = arith.cmpi eq, %get3A_993, %get3A_996 : vector<16xi32>
      %jit3A_998 = arith.constant 10000 : i32
      %broadcast_in_dim3A_999 = vector.broadcast %jit3A_998 : i32 to vector<16xi32>
      %select_n3A_1000 = arith.select %eq3A_997, %broadcast_in_dim3A_999, %get3A_993 : vector<16xi1>, vector<16xi32>
      %swap3A_1001 = arith.constant 48 : index
      %swap3A_1002 = tpu.vector_load %arg7[%swap3A_1001] {strides = array<i32>} : memref<80xi32, #tpu.memory_space<vmem>>, vector<16xi32>,
      %swap3A_1003 = vector.shape_cast %swap3A_1002 : vector<16xi32> to vector<16xi32>
      %swap3A_1004 = vector.shape_cast %select_n3A_1000 : vector<16xi32> to vector<16xi32>
      tpu.vector_store %arg7[%swap3A_1001], %swap3A_1004 {strides = array<i32>} : memref<80xi32, #tpu.memory_space<vmem>>, vector<16xi32>,
      %jit3A_1005 = arith.constant 10000 : i32
      %broadcast_in_dim3A_1006 = vector.broadcast %jit3A_1005 : i32 to vector<16xi32>
      %select_n3A_1007 = arith.select %eq3A_997, %broadcast_in_dim3A_1006, %get3A_996 : vector<16xi1>, vector<16xi32>
      %swap3A_1008 = arith.constant 48 : index
      %swap3A_1009 = tpu.vector_load %arg10[%swap3A_1008] {strides = array<i32>} : memref<80xi32, #tpu.memory_space<vmem>>, vector<16xi32>,
      %swap3A_1010 = vector.shape_cast %swap3A_1009 : vector<16xi32> to vector<16xi32>
      %swap3A_1011 = vector.shape_cast %select_n3A_1007 : vector<16xi32> to vector<16xi32>
      tpu.vector_store %arg10[%swap3A_1008], %swap3A_1011 {strides = array<i32>} : memref<80xi32, #tpu.memory_space<vmem>>, vector<16xi32>,
      %swap3A_1012 = arith.constant 48 : index
      %swap3A_1013 = tpu.vector_load %arg13[%swap3A_1012] {strides = array<i32>} : memref<80xi32, #tpu.memory_space<vmem>>, vector<16xi32>,
      %swap3A_1014 = vector.shape_cast %swap3A_1013 : vector<16xi32> to vector<16xi32>
      %swap3A_1015 = vector.shape_cast %select_n3A_1007 : vector<16xi32> to vector<16xi32>
      tpu.vector_store %arg13[%swap3A_1012], %swap3A_1015 {strides = array<i32>} : memref<80xi32, #tpu.memory_space<vmem>>, vector<16xi32>,
      %get3A_1016 = arith.constant 64 : index
      %get3A_1017 = tpu.vector_load %arg7[%get3A_1016] {strides = array<i32>} : memref<80xi32, #tpu.memory_space<vmem>>, vector<16xi32>,
      %get3A_1018 = vector.shape_cast %get3A_1017 : vector<16xi32> to vector<16xi32>
      %get3A_1019 = arith.constant 64 : index
      %get3A_1020 = tpu.vector_load %arg10[%get3A_1019] {strides = array<i32>} : memref<80xi32, #tpu.memory_space<vmem>>, vector<16xi32>,
      %get3A_1021 = vector.shape_cast %get3A_1020 : vector<16xi32> to vector<16xi32>
      %eq3A_1022 = arith.cmpi eq, %get3A_1018, %get3A_1021 : vector<16xi32>
      %jit3A_1023 = arith.constant 10000 : i32
      %broadcast_in_dim3A_1024 = vector.broadcast %jit3A_1023 : i32 to vector<16xi32>
      %select_n3A_1025 = arith.select %eq3A_1022, %broadcast_in_dim3A_1024, %get3A_1018 : vector<16xi1>, vector<16xi32>
      %swap3A_1026 = arith.constant 64 : index
      %swap3A_1027 = tpu.vector_load %arg7[%swap3A_1026] {strides = array<i32>} : memref<80xi32, #tpu.memory_space<vmem>>, vector<16xi32>,
      %swap3A_1028 = vector.shape_cast %swap3A_1027 : vector<16xi32> to vector<16xi32>
      %swap3A_1029 = vector.shape_cast %select_n3A_1025 : vector<16xi32> to vector<16xi32>
      tpu.vector_store %arg7[%swap3A_1026], %swap3A_1029 {strides = array<i32>} : memref<80xi32, #tpu.memory_space<vmem>>, vector<16xi32>,
      %jit3A_1030 = arith.constant 10000 : i32
      %broadcast_in_dim3A_1031 = vector.broadcast %jit3A_1030 : i32 to vector<16xi32>
      %select_n3A_1032 = arith.select %eq3A_1022, %broadcast_in_dim3A_1031, %get3A_1021 : vector<16xi1>, vector<16xi32>
      %swap3A_1033 = arith.constant 64 : index
      %swap3A_1034 = tpu.vector_load %arg10[%swap3A_1033] {strides = array<i32>} : memref<80xi32, #tpu.memory_space<vmem>>, vector<16xi32>,
      %swap3A_1035 = vector.shape_cast %swap3A_1034 : vector<16xi32> to vector<16xi32>
      %swap3A_1036 = vector.shape_cast %select_n3A_1032 : vector<16xi32> to vector<16xi32>
      tpu.vector_store %arg10[%swap3A_1033], %swap3A_1036 {strides = array<i32>} : memref<80xi32, #tpu.memory_space<vmem>>, vector<16xi32>,
      %swap3A_1037 = arith.constant 64 : index
      %swap3A_1038 = tpu.vector_load %arg13[%swap3A_1037] {strides = array<i32>} : memref<80xi32, #tpu.memory_space<vmem>>, vector<16xi32>,
      %swap3A_1039 = vector.shape_cast %swap3A_1038 : vector<16xi32> to vector<16xi32>
      %swap3A_1040 = vector.shape_cast %select_n3A_1032 : vector<16xi32> to vector<16xi32>
      tpu.vector_store %arg13[%swap3A_1037], %swap3A_1040 {strides = array<i32>} : memref<80xi32, #tpu.memory_space<vmem>>, vector<16xi32>,
      %dma_start3A_1041 = arith.constant 0 : i32
      %dma_start3A_1042 = arith.constant 0 : i32
      %dma_start3A_1043 = tpu.memref_slice %arg2[%dma_start3A_1041, %dma_start3A_1042] : memref<10016x144xf32, #tpu.memory_space<hbm>> -> memref<10016x144xf32, #tpu.memory_space<hbm>>
      tpu.enqueue_indirect_dma source(%dma_start3A_1043 : memref<10016x144xf32, #tpu.memory_space<hbm>>) target(%arg19 : memref<80x144xf32, #tpu.memory_space<vmem>>) offsets(%arg7 : memref<80xi32, #tpu.memory_space<vmem>>) semaphore(%arg32 : memref<!tpu.dma_semaphore, #tpu.memory_space<semaphore_mem>>)
      %dma_start3A_1044 = arith.constant 0 : i32
      %dma_start3A_1045 = arith.constant 0 : i32
      %dma_start3A_1046 = tpu.memref_slice %arg3[%dma_start3A_1044, %dma_start3A_1045] : memref<10016x16xf32, #tpu.memory_space<hbm>> -> memref<10016x16xf32, #tpu.memory_space<hbm>>
      tpu.enqueue_indirect_dma source(%dma_start3A_1046 : memref<10016x16xf32, #tpu.memory_space<hbm>>) target(%arg16 : memref<80x16xf32, #tpu.memory_space<vmem>>) offsets(%arg10 : memref<80xi32, #tpu.memory_space<vmem>>) semaphore(%arg29 : memref<!tpu.dma_semaphore, #tpu.memory_space<semaphore_mem>>)
      %dma_wait3A_1047 = arith.constant 0 : i32
      %dma_wait3A_1048 = arith.constant 0 : i32
      %dma_wait3A_1049 = tpu.memref_slice %arg2[%dma_wait3A_1047, %dma_wait3A_1048] : memref<10016x144xf32, #tpu.memory_space<hbm>> -> memref<10016x144xf32, #tpu.memory_space<hbm>>
      tpu.wait_indirect_dma semaphore(%arg31 : memref<!tpu.dma_semaphore, #tpu.memory_space<semaphore_mem>>) src(%dma_wait3A_1049 : memref<10016x144xf32, #tpu.memory_space<hbm>>) dst(%arg18 : memref<80x144xf32, #tpu.memory_space<vmem>>)
      %dma_wait3A_1050 = arith.constant 0 : i32
      %dma_wait3A_1051 = arith.constant 0 : i32
      %dma_wait3A_1052 = tpu.memref_slice %arg3[%dma_wait3A_1050, %dma_wait3A_1051] : memref<10016x16xf32, #tpu.memory_space<hbm>> -> memref<10016x16xf32, #tpu.memory_space<hbm>>
      tpu.wait_indirect_dma semaphore(%arg28 : memref<!tpu.dma_semaphore, #tpu.memory_space<semaphore_mem>>) src(%dma_wait3A_1052 : memref<10016x16xf32, #tpu.memory_space<hbm>>) dst(%arg15 : memref<80x16xf32, #tpu.memory_space<vmem>>)
      %add3A_1053 = arith.constant 2 : i32
      %add3A_1054 = arith.addi %add3A_907, %add3A_1053 : i32
      %add3A_1055 = arith.addi %mul3A_4, %add3A_1054 : i32
      %mul3A_1056 = arith.constant 80 : i32
      %mul3A_1057 = arith.muli %add3A_1055, %mul3A_1056 : i32
      %multiple_of3A_1058 = tpu.assume_multiple %mul3A_1057, 80 : i32
      %dma_start3A_1059 = tpu.memref_slice %arg4[%multiple_of3A_1058] : memref<645120xi32, #tpu.memory_space<hbm>> -> memref<80xi32, #tpu.memory_space<hbm>>
      %dma_start3A_1060 = tpu.memref_slice %arg4[%multiple_of3A_1058] : memref<645120xi32, #tpu.memory_space<hbm>> -> memref<80xi32, #tpu.memory_space<hbm>>
      tpu.enqueue_dma source(%dma_start3A_1060 : memref<80xi32, #tpu.memory_space<hbm>>) target(%arg8 : memref<80xi32, #tpu.memory_space<vmem>>) target_semaphore(%arg24 : memref<!tpu.dma_semaphore, #tpu.memory_space<semaphore_mem>>)
      %add3A_1061 = arith.addi %mul3A_4, %add3A_1054 : i32
      %mul3A_1062 = arith.constant 80 : i32
      %mul3A_1063 = arith.muli %add3A_1061, %mul3A_1062 : i32
      %add3A_1064 = arith.constant 322560 : i32
      %add3A_1065 = arith.addi %add3A_1064, %mul3A_1063 : i32
      %multiple_of3A_1066 = tpu.assume_multiple %add3A_1065, 80 : i32
      %dma_start3A_1067 = tpu.memref_slice %arg4[%multiple_of3A_1066] : memref<645120xi32, #tpu.memory_space<hbm>> -> memref<80xi32, #tpu.memory_space<hbm>>
      %dma_start3A_1068 = tpu.memref_slice %arg4[%multiple_of3A_1066] : memref<645120xi32, #tpu.memory_space<hbm>> -> memref<80xi32, #tpu.memory_space<hbm>>
      tpu.enqueue_dma source(%dma_start3A_1068 : memref<80xi32, #tpu.memory_space<hbm>>) target(%arg11 : memref<80xi32, #tpu.memory_space<vmem>>) target_semaphore(%arg27 : memref<!tpu.dma_semaphore, #tpu.memory_space<semaphore_mem>>)
      %scan3A_1069 = arith.constant 0 : i32
      %scan3A_1070 = arith.constant 0 : i32
      %scan3A_1071 = arith.constant 80 : i32
      %scan3A_1072 = arith.addi %scan3A_1070, %scan3A_1071 : i32
      %scan3A_1073 = arith.constant 4 : i32
      %scan3A_1074 = scf.for %scan3A_1083 = %scan3A_1070 to %scan3A_1072 step %scan3A_1073 iter_args(%scan3A_1084 = %scan3A_1069) -> (i32)  : i32 {
        %get3A_1085 = arith.index_cast %scan3A_1083 : i32 to index
        %get3A_1086 = arith.constant 128 : index
        %get3A_1087 = tpu.vector_load %arg18[%get3A_1085, %get3A_1086] {strides = array<i32>} : memref<80x144xf32, #tpu.memory_space<vmem>>, vector<1x16xf32>,
        %get3A_1088 = vector.shape_cast %get3A_1087 : vector<1x16xf32> to vector<16xf32>
        %get3A_1089 = arith.index_cast %scan3A_1083 : i32 to index
        %get3A_1090 = arith.constant 0 : index
        %get3A_1091 = tpu.vector_load %arg15[%get3A_1089, %get3A_1090] {strides = array<i32>} : memref<80x16xf32, #tpu.memory_space<vmem>>, vector<1x16xf32>,
        %get3A_1092 = vector.shape_cast %get3A_1091 : vector<1x16xf32> to vector<16xf32>
        %add3A_1093 = arith.addf %get3A_1088, %get3A_1092 : vector<16xf32>
        %mul3A_1094 = arith.constant 2.000000e-01 : f32
        %mul3A_1095 = vector.broadcast %mul3A_1094 : f32 to vector<16xf32>
        %mul3A_1096 = arith.mulf %mul3A_1095, %add3A_1093 : vector<16xf32>
        %max3A = arith.maximumf %add3A_1093, %mul3A_1096 : vector<16xf32>
        %exp3A = math.exp %max3A : vector<16xf32>
        %swap3A_1097 = arith.index_cast %scan3A_1083 : i32 to index
        %swap3A_1098 = arith.constant 128 : index
        %swap3A_1099 = tpu.vector_load %arg18[%swap3A_1097, %swap3A_1098] {strides = array<i32>} : memref<80x144xf32, #tpu.memory_space<vmem>>, vector<1x16xf32>,
        %swap3A_1100 = vector.shape_cast %swap3A_1099 : vector<1x16xf32> to vector<16xf32>
        %swap3A_1101 = vector.shape_cast %exp3A : vector<16xf32> to vector<1x16xf32>
        tpu.vector_store %arg18[%swap3A_1097, %swap3A_1098], %swap3A_1101 {strides = array<i32>} : memref<80x144xf32, #tpu.memory_space<vmem>>, vector<1x16xf32>,
        %get3A_1102 = arith.index_cast %scan3A_1083 : i32 to index
        %get3A_1103 = arith.constant 0 : index
        %get3A_1104 = tpu.vector_load %arg18[%get3A_1102, %get3A_1103] {strides = array<i32>} : memref<80x144xf32, #tpu.memory_space<vmem>>, vector<1x16xf32>,
        %get3A_1105 = vector.shape_cast %get3A_1104 : vector<1x16xf32> to vector<16xf32>
        %mul3A_1106 = arith.mulf %get3A_1105, %exp3A : vector<16xf32>
        %swap3A_1107 = arith.index_cast %scan3A_1083 : i32 to index
        %swap3A_1108 = arith.constant 0 : index
        %swap3A_1109 = tpu.vector_load %arg18[%swap3A_1107, %swap3A_1108] {strides = array<i32>} : memref<80x144xf32, #tpu.memory_space<vmem>>, vector<1x16xf32>,
        %swap3A_1110 = vector.shape_cast %swap3A_1109 : vector<1x16xf32> to vector<16xf32>
        %swap3A_1111 = vector.shape_cast %mul3A_1106 : vector<16xf32> to vector<1x16xf32>
        tpu.vector_store %arg18[%swap3A_1107, %swap3A_1108], %swap3A_1111 {strides = array<i32>} : memref<80x144xf32, #tpu.memory_space<vmem>>, vector<1x16xf32>,
        %get3A_1112 = arith.index_cast %scan3A_1083 : i32 to index
        %get3A_1113 = arith.constant 16 : index
        %get3A_1114 = tpu.vector_load %arg18[%get3A_1112, %get3A_1113] {strides = array<i32>} : memref<80x144xf32, #tpu.memory_space<vmem>>, vector<1x16xf32>,
        %get3A_1115 = vector.shape_cast %get3A_1114 : vector<1x16xf32> to vector<16xf32>
        %mul3A_1116 = arith.mulf %get3A_1115, %exp3A : vector<16xf32>
        %swap3A_1117 = arith.index_cast %scan3A_1083 : i32 to index
        %swap3A_1118 = arith.constant 16 : index
        %swap3A_1119 = tpu.vector_load %arg18[%swap3A_1117, %swap3A_1118] {strides = array<i32>} : memref<80x144xf32, #tpu.memory_space<vmem>>, vector<1x16xf32>,
        %swap3A_1120 = vector.shape_cast %swap3A_1119 : vector<1x16xf32> to vector<16xf32>
        %swap3A_1121 = vector.shape_cast %mul3A_1116 : vector<16xf32> to vector<1x16xf32>
        tpu.vector_store %arg18[%swap3A_1117, %swap3A_1118], %swap3A_1121 {strides = array<i32>} : memref<80x144xf32, #tpu.memory_space<vmem>>, vector<1x16xf32>,
        %get3A_1122 = arith.index_cast %scan3A_1083 : i32 to index
        %get3A_1123 = arith.constant 32 : index
        %get3A_1124 = tpu.vector_load %arg18[%get3A_1122, %get3A_1123] {strides = array<i32>} : memref<80x144xf32, #tpu.memory_space<vmem>>, vector<1x16xf32>,
        %get3A_1125 = vector.shape_cast %get3A_1124 : vector<1x16xf32> to vector<16xf32>
        %mul3A_1126 = arith.mulf %get3A_1125, %exp3A : vector<16xf32>
        %swap3A_1127 = arith.index_cast %scan3A_1083 : i32 to index
        %swap3A_1128 = arith.constant 32 : index
        %swap3A_1129 = tpu.vector_load %arg18[%swap3A_1127, %swap3A_1128] {strides = array<i32>} : memref<80x144xf32, #tpu.memory_space<vmem>>, vector<1x16xf32>,
        %swap3A_1130 = vector.shape_cast %swap3A_1129 : vector<1x16xf32> to vector<16xf32>
        %swap3A_1131 = vector.shape_cast %mul3A_1126 : vector<16xf32> to vector<1x16xf32>
        tpu.vector_store %arg18[%swap3A_1127, %swap3A_1128], %swap3A_1131 {strides = array<i32>} : memref<80x144xf32, #tpu.memory_space<vmem>>, vector<1x16xf32>,
        %get3A_1132 = arith.index_cast %scan3A_1083 : i32 to index
        %get3A_1133 = arith.constant 48 : index
        %get3A_1134 = tpu.vector_load %arg18[%get3A_1132, %get3A_1133] {strides = array<i32>} : memref<80x144xf32, #tpu.memory_space<vmem>>, vector<1x16xf32>,
        %get3A_1135 = vector.shape_cast %get3A_1134 : vector<1x16xf32> to vector<16xf32>
        %mul3A_1136 = arith.mulf %get3A_1135, %exp3A : vector<16xf32>
        %swap3A_1137 = arith.index_cast %scan3A_1083 : i32 to index
        %swap3A_1138 = arith.constant 48 : index
        %swap3A_1139 = tpu.vector_load %arg18[%swap3A_1137, %swap3A_1138] {strides = array<i32>} : memref<80x144xf32, #tpu.memory_space<vmem>>, vector<1x16xf32>,
        %swap3A_1140 = vector.shape_cast %swap3A_1139 : vector<1x16xf32> to vector<16xf32>
        %swap3A_1141 = vector.shape_cast %mul3A_1136 : vector<16xf32> to vector<1x16xf32>
        tpu.vector_store %arg18[%swap3A_1137, %swap3A_1138], %swap3A_1141 {strides = array<i32>} : memref<80x144xf32, #tpu.memory_space<vmem>>, vector<1x16xf32>,
        %get3A_1142 = arith.index_cast %scan3A_1083 : i32 to index
        %get3A_1143 = arith.constant 64 : index
        %get3A_1144 = tpu.vector_load %arg18[%get3A_1142, %get3A_1143] {strides = array<i32>} : memref<80x144xf32, #tpu.memory_space<vmem>>, vector<1x16xf32>,
        %get3A_1145 = vector.shape_cast %get3A_1144 : vector<1x16xf32> to vector<16xf32>
        %mul3A_1146 = arith.mulf %get3A_1145, %exp3A : vector<16xf32>
        %swap3A_1147 = arith.index_cast %scan3A_1083 : i32 to index
        %swap3A_1148 = arith.constant 64 : index
        %swap3A_1149 = tpu.vector_load %arg18[%swap3A_1147, %swap3A_1148] {strides = array<i32>} : memref<80x144xf32, #tpu.memory_space<vmem>>, vector<1x16xf32>,
        %swap3A_1150 = vector.shape_cast %swap3A_1149 : vector<1x16xf32> to vector<16xf32>
        %swap3A_1151 = vector.shape_cast %mul3A_1146 : vector<16xf32> to vector<1x16xf32>
        tpu.vector_store %arg18[%swap3A_1147, %swap3A_1148], %swap3A_1151 {strides = array<i32>} : memref<80x144xf32, #tpu.memory_space<vmem>>, vector<1x16xf32>,
        %get3A_1152 = arith.index_cast %scan3A_1083 : i32 to index
        %get3A_1153 = arith.constant 80 : index
        %get3A_1154 = tpu.vector_load %arg18[%get3A_1152, %get3A_1153] {strides = array<i32>} : memref<80x144xf32, #tpu.memory_space<vmem>>, vector<1x16xf32>,
        %get3A_1155 = vector.shape_cast %get3A_1154 : vector<1x16xf32> to vector<16xf32>
        %mul3A_1156 = arith.mulf %get3A_1155, %exp3A : vector<16xf32>
        %swap3A_1157 = arith.index_cast %scan3A_1083 : i32 to index
        %swap3A_1158 = arith.constant 80 : index
        %swap3A_1159 = tpu.vector_load %arg18[%swap3A_1157, %swap3A_1158] {strides = array<i32>} : memref<80x144xf32, #tpu.memory_space<vmem>>, vector<1x16xf32>,
        %swap3A_1160 = vector.shape_cast %swap3A_1159 : vector<1x16xf32> to vector<16xf32>
        %swap3A_1161 = vector.shape_cast %mul3A_1156 : vector<16xf32> to vector<1x16xf32>
        tpu.vector_store %arg18[%swap3A_1157, %swap3A_1158], %swap3A_1161 {strides = array<i32>} : memref<80x144xf32, #tpu.memory_space<vmem>>, vector<1x16xf32>,
        %get3A_1162 = arith.index_cast %scan3A_1083 : i32 to index
        %get3A_1163 = arith.constant 96 : index
        %get3A_1164 = tpu.vector_load %arg18[%get3A_1162, %get3A_1163] {strides = array<i32>} : memref<80x144xf32, #tpu.memory_space<vmem>>, vector<1x16xf32>,
        %get3A_1165 = vector.shape_cast %get3A_1164 : vector<1x16xf32> to vector<16xf32>
        %mul3A_1166 = arith.mulf %get3A_1165, %exp3A : vector<16xf32>
        %swap3A_1167 = arith.index_cast %scan3A_1083 : i32 to index
        %swap3A_1168 = arith.constant 96 : index
        %swap3A_1169 = tpu.vector_load %arg18[%swap3A_1167, %swap3A_1168] {strides = array<i32>} : memref<80x144xf32, #tpu.memory_space<vmem>>, vector<1x16xf32>,
        %swap3A_1170 = vector.shape_cast %swap3A_1169 : vector<1x16xf32> to vector<16xf32>
        %swap3A_1171 = vector.shape_cast %mul3A_1166 : vector<16xf32> to vector<1x16xf32>
        tpu.vector_store %arg18[%swap3A_1167, %swap3A_1168], %swap3A_1171 {strides = array<i32>} : memref<80x144xf32, #tpu.memory_space<vmem>>, vector<1x16xf32>,
        %get3A_1172 = arith.index_cast %scan3A_1083 : i32 to index
        %get3A_1173 = arith.constant 112 : index
        %get3A_1174 = tpu.vector_load %arg18[%get3A_1172, %get3A_1173] {strides = array<i32>} : memref<80x144xf32, #tpu.memory_space<vmem>>, vector<1x16xf32>,
        %get3A_1175 = vector.shape_cast %get3A_1174 : vector<1x16xf32> to vector<16xf32>
        %mul3A_1176 = arith.mulf %get3A_1175, %exp3A : vector<16xf32>
        %swap3A_1177 = arith.index_cast %scan3A_1083 : i32 to index
        %swap3A_1178 = arith.constant 112 : index
        %swap3A_1179 = tpu.vector_load %arg18[%swap3A_1177, %swap3A_1178] {strides = array<i32>} : memref<80x144xf32, #tpu.memory_space<vmem>>, vector<1x16xf32>,
        %swap3A_1180 = vector.shape_cast %swap3A_1179 : vector<1x16xf32> to vector<16xf32>
        %swap3A_1181 = vector.shape_cast %mul3A_1176 : vector<16xf32> to vector<1x16xf32>
        tpu.vector_store %arg18[%swap3A_1177, %swap3A_1178], %swap3A_1181 {strides = array<i32>} : memref<80x144xf32, #tpu.memory_space<vmem>>, vector<1x16xf32>,
        %scan3A_1182 = arith.constant 0 : i32
        %scan3A_1183 = arith.constant 1 : i32
        %scan3A_1184 = arith.addi %scan3A_1083, %scan3A_1183 : i32
        %get3A_1185 = arith.index_cast %scan3A_1184 : i32 to index
        %get3A_1186 = arith.constant 128 : index
        %get3A_1187 = tpu.vector_load %arg18[%get3A_1185, %get3A_1186] {strides = array<i32>} : memref<80x144xf32, #tpu.memory_space<vmem>>, vector<1x16xf32>,
        %get3A_1188 = vector.shape_cast %get3A_1187 : vector<1x16xf32> to vector<16xf32>
        %get3A_1189 = arith.index_cast %scan3A_1184 : i32 to index
        %get3A_1190 = arith.constant 0 : index
        %get3A_1191 = tpu.vector_load %arg15[%get3A_1189, %get3A_1190] {strides = array<i32>} : memref<80x16xf32, #tpu.memory_space<vmem>>, vector<1x16xf32>,
        %get3A_1192 = vector.shape_cast %get3A_1191 : vector<1x16xf32> to vector<16xf32>
        %add3A_1193 = arith.addf %get3A_1188, %get3A_1192 : vector<16xf32>
        %mul3A_1194 = arith.constant 2.000000e-01 : f32
        %mul3A_1195 = vector.broadcast %mul3A_1194 : f32 to vector<16xf32>
        %mul3A_1196 = arith.mulf %mul3A_1195, %add3A_1193 : vector<16xf32>
        %max3A_1197 = arith.maximumf %add3A_1193, %mul3A_1196 : vector<16xf32>
        %exp3A_1198 = math.exp %max3A_1197 : vector<16xf32>
        %swap3A_1199 = arith.index_cast %scan3A_1184 : i32 to index
        %swap3A_1200 = arith.constant 128 : index
        %swap3A_1201 = tpu.vector_load %arg18[%swap3A_1199, %swap3A_1200] {strides = array<i32>} : memref<80x144xf32, #tpu.memory_space<vmem>>, vector<1x16xf32>,
        %swap3A_1202 = vector.shape_cast %swap3A_1201 : vector<1x16xf32> to vector<16xf32>
        %swap3A_1203 = vector.shape_cast %exp3A_1198 : vector<16xf32> to vector<1x16xf32>
        tpu.vector_store %arg18[%swap3A_1199, %swap3A_1200], %swap3A_1203 {strides = array<i32>} : memref<80x144xf32, #tpu.memory_space<vmem>>, vector<1x16xf32>,
        %get3A_1204 = arith.index_cast %scan3A_1184 : i32 to index
        %get3A_1205 = arith.constant 0 : index
        %get3A_1206 = tpu.vector_load %arg18[%get3A_1204, %get3A_1205] {strides = array<i32>} : memref<80x144xf32, #tpu.memory_space<vmem>>, vector<1x16xf32>,
        %get3A_1207 = vector.shape_cast %get3A_1206 : vector<1x16xf32> to vector<16xf32>
        %mul3A_1208 = arith.mulf %get3A_1207, %exp3A_1198 : vector<16xf32>
        %swap3A_1209 = arith.index_cast %scan3A_1184 : i32 to index
        %swap3A_1210 = arith.constant 0 : index
        %swap3A_1211 = tpu.vector_load %arg18[%swap3A_1209, %swap3A_1210] {strides = array<i32>} : memref<80x144xf32, #tpu.memory_space<vmem>>, vector<1x16xf32>,
        %swap3A_1212 = vector.shape_cast %swap3A_1211 : vector<1x16xf32> to vector<16xf32>
        %swap3A_1213 = vector.shape_cast %mul3A_1208 : vector<16xf32> to vector<1x16xf32>
        tpu.vector_store %arg18[%swap3A_1209, %swap3A_1210], %swap3A_1213 {strides = array<i32>} : memref<80x144xf32, #tpu.memory_space<vmem>>, vector<1x16xf32>,
        %get3A_1214 = arith.index_cast %scan3A_1184 : i32 to index
        %get3A_1215 = arith.constant 16 : index
        %get3A_1216 = tpu.vector_load %arg18[%get3A_1214, %get3A_1215] {strides = array<i32>} : memref<80x144xf32, #tpu.memory_space<vmem>>, vector<1x16xf32>,
        %get3A_1217 = vector.shape_cast %get3A_1216 : vector<1x16xf32> to vector<16xf32>
        %mul3A_1218 = arith.mulf %get3A_1217, %exp3A_1198 : vector<16xf32>
        %swap3A_1219 = arith.index_cast %scan3A_1184 : i32 to index
        %swap3A_1220 = arith.constant 16 : index
        %swap3A_1221 = tpu.vector_load %arg18[%swap3A_1219, %swap3A_1220] {strides = array<i32>} : memref<80x144xf32, #tpu.memory_space<vmem>>, vector<1x16xf32>,
        %swap3A_1222 = vector.shape_cast %swap3A_1221 : vector<1x16xf32> to vector<16xf32>
        %swap3A_1223 = vector.shape_cast %mul3A_1218 : vector<16xf32> to vector<1x16xf32>
        tpu.vector_store %arg18[%swap3A_1219, %swap3A_1220], %swap3A_1223 {strides = array<i32>} : memref<80x144xf32, #tpu.memory_space<vmem>>, vector<1x16xf32>,
        %get3A_1224 = arith.index_cast %scan3A_1184 : i32 to index
        %get3A_1225 = arith.constant 32 : index
        %get3A_1226 = tpu.vector_load %arg18[%get3A_1224, %get3A_1225] {strides = array<i32>} : memref<80x144xf32, #tpu.memory_space<vmem>>, vector<1x16xf32>,
        %get3A_1227 = vector.shape_cast %get3A_1226 : vector<1x16xf32> to vector<16xf32>
        %mul3A_1228 = arith.mulf %get3A_1227, %exp3A_1198 : vector<16xf32>
        %swap3A_1229 = arith.index_cast %scan3A_1184 : i32 to index
        %swap3A_1230 = arith.constant 32 : index
        %swap3A_1231 = tpu.vector_load %arg18[%swap3A_1229, %swap3A_1230] {strides = array<i32>} : memref<80x144xf32, #tpu.memory_space<vmem>>, vector<1x16xf32>,
        %swap3A_1232 = vector.shape_cast %swap3A_1231 : vector<1x16xf32> to vector<16xf32>
        %swap3A_1233 = vector.shape_cast %mul3A_1228 : vector<16xf32> to vector<1x16xf32>
        tpu.vector_store %arg18[%swap3A_1229, %swap3A_1230], %swap3A_1233 {strides = array<i32>} : memref<80x144xf32, #tpu.memory_space<vmem>>, vector<1x16xf32>,
        %get3A_1234 = arith.index_cast %scan3A_1184 : i32 to index
        %get3A_1235 = arith.constant 48 : index
        %get3A_1236 = tpu.vector_load %arg18[%get3A_1234, %get3A_1235] {strides = array<i32>} : memref<80x144xf32, #tpu.memory_space<vmem>>, vector<1x16xf32>,
        %get3A_1237 = vector.shape_cast %get3A_1236 : vector<1x16xf32> to vector<16xf32>
        %mul3A_1238 = arith.mulf %get3A_1237, %exp3A_1198 : vector<16xf32>
        %swap3A_1239 = arith.index_cast %scan3A_1184 : i32 to index
        %swap3A_1240 = arith.constant 48 : index
        %swap3A_1241 = tpu.vector_load %arg18[%swap3A_1239, %swap3A_1240] {strides = array<i32>} : memref<80x144xf32, #tpu.memory_space<vmem>>, vector<1x16xf32>,
        %swap3A_1242 = vector.shape_cast %swap3A_1241 : vector<1x16xf32> to vector<16xf32>
        %swap3A_1243 = vector.shape_cast %mul3A_1238 : vector<16xf32> to vector<1x16xf32>
        tpu.vector_store %arg18[%swap3A_1239, %swap3A_1240], %swap3A_1243 {strides = array<i32>} : memref<80x144xf32, #tpu.memory_space<vmem>>, vector<1x16xf32>,
        %get3A_1244 = arith.index_cast %scan3A_1184 : i32 to index
        %get3A_1245 = arith.constant 64 : index
        %get3A_1246 = tpu.vector_load %arg18[%get3A_1244, %get3A_1245] {strides = array<i32>} : memref<80x144xf32, #tpu.memory_space<vmem>>, vector<1x16xf32>,
        %get3A_1247 = vector.shape_cast %get3A_1246 : vector<1x16xf32> to vector<16xf32>
        %mul3A_1248 = arith.mulf %get3A_1247, %exp3A_1198 : vector<16xf32>
        %swap3A_1249 = arith.index_cast %scan3A_1184 : i32 to index
        %swap3A_1250 = arith.constant 64 : index
        %swap3A_1251 = tpu.vector_load %arg18[%swap3A_1249, %swap3A_1250] {strides = array<i32>} : memref<80x144xf32, #tpu.memory_space<vmem>>, vector<1x16xf32>,
        %swap3A_1252 = vector.shape_cast %swap3A_1251 : vector<1x16xf32> to vector<16xf32>
        %swap3A_1253 = vector.shape_cast %mul3A_1248 : vector<16xf32> to vector<1x16xf32>
        tpu.vector_store %arg18[%swap3A_1249, %swap3A_1250], %swap3A_1253 {strides = array<i32>} : memref<80x144xf32, #tpu.memory_space<vmem>>, vector<1x16xf32>,
        %get3A_1254 = arith.index_cast %scan3A_1184 : i32 to index
        %get3A_1255 = arith.constant 80 : index
        %get3A_1256 = tpu.vector_load %arg18[%get3A_1254, %get3A_1255] {strides = array<i32>} : memref<80x144xf32, #tpu.memory_space<vmem>>, vector<1x16xf32>,
        %get3A_1257 = vector.shape_cast %get3A_1256 : vector<1x16xf32> to vector<16xf32>
        %mul3A_1258 = arith.mulf %get3A_1257, %exp3A_1198 : vector<16xf32>
        %swap3A_1259 = arith.index_cast %scan3A_1184 : i32 to index
        %swap3A_1260 = arith.constant 80 : index
        %swap3A_1261 = tpu.vector_load %arg18[%swap3A_1259, %swap3A_1260] {strides = array<i32>} : memref<80x144xf32, #tpu.memory_space<vmem>>, vector<1x16xf32>,
        %swap3A_1262 = vector.shape_cast %swap3A_1261 : vector<1x16xf32> to vector<16xf32>
        %swap3A_1263 = vector.shape_cast %mul3A_1258 : vector<16xf32> to vector<1x16xf32>
        tpu.vector_store %arg18[%swap3A_1259, %swap3A_1260], %swap3A_1263 {strides = array<i32>} : memref<80x144xf32, #tpu.memory_space<vmem>>, vector<1x16xf32>,
        %get3A_1264 = arith.index_cast %scan3A_1184 : i32 to index
        %get3A_1265 = arith.constant 96 : index
        %get3A_1266 = tpu.vector_load %arg18[%get3A_1264, %get3A_1265] {strides = array<i32>} : memref<80x144xf32, #tpu.memory_space<vmem>>, vector<1x16xf32>,
        %get3A_1267 = vector.shape_cast %get3A_1266 : vector<1x16xf32> to vector<16xf32>
        %mul3A_1268 = arith.mulf %get3A_1267, %exp3A_1198 : vector<16xf32>
        %swap3A_1269 = arith.index_cast %scan3A_1184 : i32 to index
        %swap3A_1270 = arith.constant 96 : index
        %swap3A_1271 = tpu.vector_load %arg18[%swap3A_1269, %swap3A_1270] {strides = array<i32>} : memref<80x144xf32, #tpu.memory_space<vmem>>, vector<1x16xf32>,
        %swap3A_1272 = vector.shape_cast %swap3A_1271 : vector<1x16xf32> to vector<16xf32>
        %swap3A_1273 = vector.shape_cast %mul3A_1268 : vector<16xf32> to vector<1x16xf32>
        tpu.vector_store %arg18[%swap3A_1269, %swap3A_1270], %swap3A_1273 {strides = array<i32>} : memref<80x144xf32, #tpu.memory_space<vmem>>, vector<1x16xf32>,
        %get3A_1274 = arith.index_cast %scan3A_1184 : i32 to index
        %get3A_1275 = arith.constant 112 : index
        %get3A_1276 = tpu.vector_load %arg18[%get3A_1274, %get3A_1275] {strides = array<i32>} : memref<80x144xf32, #tpu.memory_space<vmem>>, vector<1x16xf32>,
        %get3A_1277 = vector.shape_cast %get3A_1276 : vector<1x16xf32> to vector<16xf32>
        %mul3A_1278 = arith.mulf %get3A_1277, %exp3A_1198 : vector<16xf32>
        %swap3A_1279 = arith.index_cast %scan3A_1184 : i32 to index
        %swap3A_1280 = arith.constant 112 : index
        %swap3A_1281 = tpu.vector_load %arg18[%swap3A_1279, %swap3A_1280] {strides = array<i32>} : memref<80x144xf32, #tpu.memory_space<vmem>>, vector<1x16xf32>,
        %swap3A_1282 = vector.shape_cast %swap3A_1281 : vector<1x16xf32> to vector<16xf32>
        %swap3A_1283 = vector.shape_cast %mul3A_1278 : vector<16xf32> to vector<1x16xf32>
        tpu.vector_store %arg18[%swap3A_1279, %swap3A_1280], %swap3A_1283 {strides = array<i32>} : memref<80x144xf32, #tpu.memory_space<vmem>>, vector<1x16xf32>,
        %scan3A_1284 = arith.constant 0 : i32
        %scan3A_1285 = arith.constant 2 : i32
        %scan3A_1286 = arith.addi %scan3A_1083, %scan3A_1285 : i32
        %get3A_1287 = arith.index_cast %scan3A_1286 : i32 to index
        %get3A_1288 = arith.constant 128 : index
        %get3A_1289 = tpu.vector_load %arg18[%get3A_1287, %get3A_1288] {strides = array<i32>} : memref<80x144xf32, #tpu.memory_space<vmem>>, vector<1x16xf32>,
        %get3A_1290 = vector.shape_cast %get3A_1289 : vector<1x16xf32> to vector<16xf32>
        %get3A_1291 = arith.index_cast %scan3A_1286 : i32 to index
        %get3A_1292 = arith.constant 0 : index
        %get3A_1293 = tpu.vector_load %arg15[%get3A_1291, %get3A_1292] {strides = array<i32>} : memref<80x16xf32, #tpu.memory_space<vmem>>, vector<1x16xf32>,
        %get3A_1294 = vector.shape_cast %get3A_1293 : vector<1x16xf32> to vector<16xf32>
        %add3A_1295 = arith.addf %get3A_1290, %get3A_1294 : vector<16xf32>
        %mul3A_1296 = arith.constant 2.000000e-01 : f32
        %mul3A_1297 = vector.broadcast %mul3A_1296 : f32 to vector<16xf32>
        %mul3A_1298 = arith.mulf %mul3A_1297, %add3A_1295 : vector<16xf32>
        %max3A_1299 = arith.maximumf %add3A_1295, %mul3A_1298 : vector<16xf32>
        %exp3A_1300 = math.exp %max3A_1299 : vector<16xf32>
        %swap3A_1301 = arith.index_cast %scan3A_1286 : i32 to index
        %swap3A_1302 = arith.constant 128 : index
        %swap3A_1303 = tpu.vector_load %arg18[%swap3A_1301, %swap3A_1302] {strides = array<i32>} : memref<80x144xf32, #tpu.memory_space<vmem>>, vector<1x16xf32>,
        %swap3A_1304 = vector.shape_cast %swap3A_1303 : vector<1x16xf32> to vector<16xf32>
        %swap3A_1305 = vector.shape_cast %exp3A_1300 : vector<16xf32> to vector<1x16xf32>
        tpu.vector_store %arg18[%swap3A_1301, %swap3A_1302], %swap3A_1305 {strides = array<i32>} : memref<80x144xf32, #tpu.memory_space<vmem>>, vector<1x16xf32>,
        %get3A_1306 = arith.index_cast %scan3A_1286 : i32 to index
        %get3A_1307 = arith.constant 0 : index
        %get3A_1308 = tpu.vector_load %arg18[%get3A_1306, %get3A_1307] {strides = array<i32>} : memref<80x144xf32, #tpu.memory_space<vmem>>, vector<1x16xf32>,
        %get3A_1309 = vector.shape_cast %get3A_1308 : vector<1x16xf32> to vector<16xf32>
        %mul3A_1310 = arith.mulf %get3A_1309, %exp3A_1300 : vector<16xf32>
        %swap3A_1311 = arith.index_cast %scan3A_1286 : i32 to index
        %swap3A_1312 = arith.constant 0 : index
        %swap3A_1313 = tpu.vector_load %arg18[%swap3A_1311, %swap3A_1312] {strides = array<i32>} : memref<80x144xf32, #tpu.memory_space<vmem>>, vector<1x16xf32>,
        %swap3A_1314 = vector.shape_cast %swap3A_1313 : vector<1x16xf32> to vector<16xf32>
        %swap3A_1315 = vector.shape_cast %mul3A_1310 : vector<16xf32> to vector<1x16xf32>
        tpu.vector_store %arg18[%swap3A_1311, %swap3A_1312], %swap3A_1315 {strides = array<i32>} : memref<80x144xf32, #tpu.memory_space<vmem>>, vector<1x16xf32>,
        %get3A_1316 = arith.index_cast %scan3A_1286 : i32 to index
        %get3A_1317 = arith.constant 16 : index
        %get3A_1318 = tpu.vector_load %arg18[%get3A_1316, %get3A_1317] {strides = array<i32>} : memref<80x144xf32, #tpu.memory_space<vmem>>, vector<1x16xf32>,
        %get3A_1319 = vector.shape_cast %get3A_1318 : vector<1x16xf32> to vector<16xf32>
        %mul3A_1320 = arith.mulf %get3A_1319, %exp3A_1300 : vector<16xf32>
        %swap3A_1321 = arith.index_cast %scan3A_1286 : i32 to index
        %swap3A_1322 = arith.constant 16 : index
        %swap3A_1323 = tpu.vector_load %arg18[%swap3A_1321, %swap3A_1322] {strides = array<i32>} : memref<80x144xf32, #tpu.memory_space<vmem>>, vector<1x16xf32>,
        %swap3A_1324 = vector.shape_cast %swap3A_1323 : vector<1x16xf32> to vector<16xf32>
        %swap3A_1325 = vector.shape_cast %mul3A_1320 : vector<16xf32> to vector<1x16xf32>
        tpu.vector_store %arg18[%swap3A_1321, %swap3A_1322], %swap3A_1325 {strides = array<i32>} : memref<80x144xf32, #tpu.memory_space<vmem>>, vector<1x16xf32>,
        %get3A_1326 = arith.index_cast %scan3A_1286 : i32 to index
        %get3A_1327 = arith.constant 32 : index
        %get3A_1328 = tpu.vector_load %arg18[%get3A_1326, %get3A_1327] {strides = array<i32>} : memref<80x144xf32, #tpu.memory_space<vmem>>, vector<1x16xf32>,
        %get3A_1329 = vector.shape_cast %get3A_1328 : vector<1x16xf32> to vector<16xf32>
        %mul3A_1330 = arith.mulf %get3A_1329, %exp3A_1300 : vector<16xf32>
        %swap3A_1331 = arith.index_cast %scan3A_1286 : i32 to index
        %swap3A_1332 = arith.constant 32 : index
        %swap3A_1333 = tpu.vector_load %arg18[%swap3A_1331, %swap3A_1332] {strides = array<i32>} : memref<80x144xf32, #tpu.memory_space<vmem>>, vector<1x16xf32>,
        %swap3A_1334 = vector.shape_cast %swap3A_1333 : vector<1x16xf32> to vector<16xf32>
        %swap3A_1335 = vector.shape_cast %mul3A_1330 : vector<16xf32> to vector<1x16xf32>
        tpu.vector_store %arg18[%swap3A_1331, %swap3A_1332], %swap3A_1335 {strides = array<i32>} : memref<80x144xf32, #tpu.memory_space<vmem>>, vector<1x16xf32>,
        %get3A_1336 = arith.index_cast %scan3A_1286 : i32 to index
        %get3A_1337 = arith.constant 48 : index
        %get3A_1338 = tpu.vector_load %arg18[%get3A_1336, %get3A_1337] {strides = array<i32>} : memref<80x144xf32, #tpu.memory_space<vmem>>, vector<1x16xf32>,
        %get3A_1339 = vector.shape_cast %get3A_1338 : vector<1x16xf32> to vector<16xf32>
        %mul3A_1340 = arith.mulf %get3A_1339, %exp3A_1300 : vector<16xf32>
        %swap3A_1341 = arith.index_cast %scan3A_1286 : i32 to index
        %swap3A_1342 = arith.constant 48 : index
        %swap3A_1343 = tpu.vector_load %arg18[%swap3A_1341, %swap3A_1342] {strides = array<i32>} : memref<80x144xf32, #tpu.memory_space<vmem>>, vector<1x16xf32>,
        %swap3A_1344 = vector.shape_cast %swap3A_1343 : vector<1x16xf32> to vector<16xf32>
        %swap3A_1345 = vector.shape_cast %mul3A_1340 : vector<16xf32> to vector<1x16xf32>
        tpu.vector_store %arg18[%swap3A_1341, %swap3A_1342], %swap3A_1345 {strides = array<i32>} : memref<80x144xf32, #tpu.memory_space<vmem>>, vector<1x16xf32>,
        %get3A_1346 = arith.index_cast %scan3A_1286 : i32 to index
        %get3A_1347 = arith.constant 64 : index
        %get3A_1348 = tpu.vector_load %arg18[%get3A_1346, %get3A_1347] {strides = array<i32>} : memref<80x144xf32, #tpu.memory_space<vmem>>, vector<1x16xf32>,
        %get3A_1349 = vector.shape_cast %get3A_1348 : vector<1x16xf32> to vector<16xf32>
        %mul3A_1350 = arith.mulf %get3A_1349, %exp3A_1300 : vector<16xf32>
        %swap3A_1351 = arith.index_cast %scan3A_1286 : i32 to index
        %swap3A_1352 = arith.constant 64 : index
        %swap3A_1353 = tpu.vector_load %arg18[%swap3A_1351, %swap3A_1352] {strides = array<i32>} : memref<80x144xf32, #tpu.memory_space<vmem>>, vector<1x16xf32>,
        %swap3A_1354 = vector.shape_cast %swap3A_1353 : vector<1x16xf32> to vector<16xf32>
        %swap3A_1355 = vector.shape_cast %mul3A_1350 : vector<16xf32> to vector<1x16xf32>
        tpu.vector_store %arg18[%swap3A_1351, %swap3A_1352], %swap3A_1355 {strides = array<i32>} : memref<80x144xf32, #tpu.memory_space<vmem>>, vector<1x16xf32>,
        %get3A_1356 = arith.index_cast %scan3A_1286 : i32 to index
        %get3A_1357 = arith.constant 80 : index
        %get3A_1358 = tpu.vector_load %arg18[%get3A_1356, %get3A_1357] {strides = array<i32>} : memref<80x144xf32, #tpu.memory_space<vmem>>, vector<1x16xf32>,
        %get3A_1359 = vector.shape_cast %get3A_1358 : vector<1x16xf32> to vector<16xf32>
        %mul3A_1360 = arith.mulf %get3A_1359, %exp3A_1300 : vector<16xf32>
        %swap3A_1361 = arith.index_cast %scan3A_1286 : i32 to index
        %swap3A_1362 = arith.constant 80 : index
        %swap3A_1363 = tpu.vector_load %arg18[%swap3A_1361, %swap3A_1362] {strides = array<i32>} : memref<80x144xf32, #tpu.memory_space<vmem>>, vector<1x16xf32>,
        %swap3A_1364 = vector.shape_cast %swap3A_1363 : vector<1x16xf32> to vector<16xf32>
        %swap3A_1365 = vector.shape_cast %mul3A_1360 : vector<16xf32> to vector<1x16xf32>
        tpu.vector_store %arg18[%swap3A_1361, %swap3A_1362], %swap3A_1365 {strides = array<i32>} : memref<80x144xf32, #tpu.memory_space<vmem>>, vector<1x16xf32>,
        %get3A_1366 = arith.index_cast %scan3A_1286 : i32 to index
        %get3A_1367 = arith.constant 96 : index
        %get3A_1368 = tpu.vector_load %arg18[%get3A_1366, %get3A_1367] {strides = array<i32>} : memref<80x144xf32, #tpu.memory_space<vmem>>, vector<1x16xf32>,
        %get3A_1369 = vector.shape_cast %get3A_1368 : vector<1x16xf32> to vector<16xf32>
        %mul3A_1370 = arith.mulf %get3A_1369, %exp3A_1300 : vector<16xf32>
        %swap3A_1371 = arith.index_cast %scan3A_1286 : i32 to index
        %swap3A_1372 = arith.constant 96 : index
        %swap3A_1373 = tpu.vector_load %arg18[%swap3A_1371, %swap3A_1372] {strides = array<i32>} : memref<80x144xf32, #tpu.memory_space<vmem>>, vector<1x16xf32>,
        %swap3A_1374 = vector.shape_cast %swap3A_1373 : vector<1x16xf32> to vector<16xf32>
        %swap3A_1375 = vector.shape_cast %mul3A_1370 : vector<16xf32> to vector<1x16xf32>
        tpu.vector_store %arg18[%swap3A_1371, %swap3A_1372], %swap3A_1375 {strides = array<i32>} : memref<80x144xf32, #tpu.memory_space<vmem>>, vector<1x16xf32>,
        %get3A_1376 = arith.index_cast %scan3A_1286 : i32 to index
        %get3A_1377 = arith.constant 112 : index
        %get3A_1378 = tpu.vector_load %arg18[%get3A_1376, %get3A_1377] {strides = array<i32>} : memref<80x144xf32, #tpu.memory_space<vmem>>, vector<1x16xf32>,
        %get3A_1379 = vector.shape_cast %get3A_1378 : vector<1x16xf32> to vector<16xf32>
        %mul3A_1380 = arith.mulf %get3A_1379, %exp3A_1300 : vector<16xf32>
        %swap3A_1381 = arith.index_cast %scan3A_1286 : i32 to index
        %swap3A_1382 = arith.constant 112 : index
        %swap3A_1383 = tpu.vector_load %arg18[%swap3A_1381, %swap3A_1382] {strides = array<i32>} : memref<80x144xf32, #tpu.memory_space<vmem>>, vector<1x16xf32>,
        %swap3A_1384 = vector.shape_cast %swap3A_1383 : vector<1x16xf32> to vector<16xf32>
        %swap3A_1385 = vector.shape_cast %mul3A_1380 : vector<16xf32> to vector<1x16xf32>
        tpu.vector_store %arg18[%swap3A_1381, %swap3A_1382], %swap3A_1385 {strides = array<i32>} : memref<80x144xf32, #tpu.memory_space<vmem>>, vector<1x16xf32>,
        %scan3A_1386 = arith.constant 0 : i32
        %scan3A_1387 = arith.constant 3 : i32
        %scan3A_1388 = arith.addi %scan3A_1083, %scan3A_1387 : i32
        %get3A_1389 = arith.index_cast %scan3A_1388 : i32 to index
        %get3A_1390 = arith.constant 128 : index
        %get3A_1391 = tpu.vector_load %arg18[%get3A_1389, %get3A_1390] {strides = array<i32>} : memref<80x144xf32, #tpu.memory_space<vmem>>, vector<1x16xf32>,
        %get3A_1392 = vector.shape_cast %get3A_1391 : vector<1x16xf32> to vector<16xf32>
        %get3A_1393 = arith.index_cast %scan3A_1388 : i32 to index
        %get3A_1394 = arith.constant 0 : index
        %get3A_1395 = tpu.vector_load %arg15[%get3A_1393, %get3A_1394] {strides = array<i32>} : memref<80x16xf32, #tpu.memory_space<vmem>>, vector<1x16xf32>,
        %get3A_1396 = vector.shape_cast %get3A_1395 : vector<1x16xf32> to vector<16xf32>
        %add3A_1397 = arith.addf %get3A_1392, %get3A_1396 : vector<16xf32>
        %mul3A_1398 = arith.constant 2.000000e-01 : f32
        %mul3A_1399 = vector.broadcast %mul3A_1398 : f32 to vector<16xf32>
        %mul3A_1400 = arith.mulf %mul3A_1399, %add3A_1397 : vector<16xf32>
        %max3A_1401 = arith.maximumf %add3A_1397, %mul3A_1400 : vector<16xf32>
        %exp3A_1402 = math.exp %max3A_1401 : vector<16xf32>
        %swap3A_1403 = arith.index_cast %scan3A_1388 : i32 to index
        %swap3A_1404 = arith.constant 128 : index
        %swap3A_1405 = tpu.vector_load %arg18[%swap3A_1403, %swap3A_1404] {strides = array<i32>} : memref<80x144xf32, #tpu.memory_space<vmem>>, vector<1x16xf32>,
        %swap3A_1406 = vector.shape_cast %swap3A_1405 : vector<1x16xf32> to vector<16xf32>
        %swap3A_1407 = vector.shape_cast %exp3A_1402 : vector<16xf32> to vector<1x16xf32>
        tpu.vector_store %arg18[%swap3A_1403, %swap3A_1404], %swap3A_1407 {strides = array<i32>} : memref<80x144xf32, #tpu.memory_space<vmem>>, vector<1x16xf32>,
        %get3A_1408 = arith.index_cast %scan3A_1388 : i32 to index
        %get3A_1409 = arith.constant 0 : index
        %get3A_1410 = tpu.vector_load %arg18[%get3A_1408, %get3A_1409] {strides = array<i32>} : memref<80x144xf32, #tpu.memory_space<vmem>>, vector<1x16xf32>,
        %get3A_1411 = vector.shape_cast %get3A_1410 : vector<1x16xf32> to vector<16xf32>
        %mul3A_1412 = arith.mulf %get3A_1411, %exp3A_1402 : vector<16xf32>
        %swap3A_1413 = arith.index_cast %scan3A_1388 : i32 to index
        %swap3A_1414 = arith.constant 0 : index
        %swap3A_1415 = tpu.vector_load %arg18[%swap3A_1413, %swap3A_1414] {strides = array<i32>} : memref<80x144xf32, #tpu.memory_space<vmem>>, vector<1x16xf32>,
        %swap3A_1416 = vector.shape_cast %swap3A_1415 : vector<1x16xf32> to vector<16xf32>
        %swap3A_1417 = vector.shape_cast %mul3A_1412 : vector<16xf32> to vector<1x16xf32>
        tpu.vector_store %arg18[%swap3A_1413, %swap3A_1414], %swap3A_1417 {strides = array<i32>} : memref<80x144xf32, #tpu.memory_space<vmem>>, vector<1x16xf32>,
        %get3A_1418 = arith.index_cast %scan3A_1388 : i32 to index
        %get3A_1419 = arith.constant 16 : index
        %get3A_1420 = tpu.vector_load %arg18[%get3A_1418, %get3A_1419] {strides = array<i32>} : memref<80x144xf32, #tpu.memory_space<vmem>>, vector<1x16xf32>,
        %get3A_1421 = vector.shape_cast %get3A_1420 : vector<1x16xf32> to vector<16xf32>
        %mul3A_1422 = arith.mulf %get3A_1421, %exp3A_1402 : vector<16xf32>
        %swap3A_1423 = arith.index_cast %scan3A_1388 : i32 to index
        %swap3A_1424 = arith.constant 16 : index
        %swap3A_1425 = tpu.vector_load %arg18[%swap3A_1423, %swap3A_1424] {strides = array<i32>} : memref<80x144xf32, #tpu.memory_space<vmem>>, vector<1x16xf32>,
        %swap3A_1426 = vector.shape_cast %swap3A_1425 : vector<1x16xf32> to vector<16xf32>
        %swap3A_1427 = vector.shape_cast %mul3A_1422 : vector<16xf32> to vector<1x16xf32>
        tpu.vector_store %arg18[%swap3A_1423, %swap3A_1424], %swap3A_1427 {strides = array<i32>} : memref<80x144xf32, #tpu.memory_space<vmem>>, vector<1x16xf32>,
        %get3A_1428 = arith.index_cast %scan3A_1388 : i32 to index
        %get3A_1429 = arith.constant 32 : index
        %get3A_1430 = tpu.vector_load %arg18[%get3A_1428, %get3A_1429] {strides = array<i32>} : memref<80x144xf32, #tpu.memory_space<vmem>>, vector<1x16xf32>,
        %get3A_1431 = vector.shape_cast %get3A_1430 : vector<1x16xf32> to vector<16xf32>
        %mul3A_1432 = arith.mulf %get3A_1431, %exp3A_1402 : vector<16xf32>
        %swap3A_1433 = arith.index_cast %scan3A_1388 : i32 to index
        %swap3A_1434 = arith.constant 32 : index
        %swap3A_1435 = tpu.vector_load %arg18[%swap3A_1433, %swap3A_1434] {strides = array<i32>} : memref<80x144xf32, #tpu.memory_space<vmem>>, vector<1x16xf32>,
        %swap3A_1436 = vector.shape_cast %swap3A_1435 : vector<1x16xf32> to vector<16xf32>
        %swap3A_1437 = vector.shape_cast %mul3A_1432 : vector<16xf32> to vector<1x16xf32>
        tpu.vector_store %arg18[%swap3A_1433, %swap3A_1434], %swap3A_1437 {strides = array<i32>} : memref<80x144xf32, #tpu.memory_space<vmem>>, vector<1x16xf32>,
        %get3A_1438 = arith.index_cast %scan3A_1388 : i32 to index
        %get3A_1439 = arith.constant 48 : index
        %get3A_1440 = tpu.vector_load %arg18[%get3A_1438, %get3A_1439] {strides = array<i32>} : memref<80x144xf32, #tpu.memory_space<vmem>>, vector<1x16xf32>,
        %get3A_1441 = vector.shape_cast %get3A_1440 : vector<1x16xf32> to vector<16xf32>
        %mul3A_1442 = arith.mulf %get3A_1441, %exp3A_1402 : vector<16xf32>
        %swap3A_1443 = arith.index_cast %scan3A_1388 : i32 to index
        %swap3A_1444 = arith.constant 48 : index
        %swap3A_1445 = tpu.vector_load %arg18[%swap3A_1443, %swap3A_1444] {strides = array<i32>} : memref<80x144xf32, #tpu.memory_space<vmem>>, vector<1x16xf32>,
        %swap3A_1446 = vector.shape_cast %swap3A_1445 : vector<1x16xf32> to vector<16xf32>
        %swap3A_1447 = vector.shape_cast %mul3A_1442 : vector<16xf32> to vector<1x16xf32>
        tpu.vector_store %arg18[%swap3A_1443, %swap3A_1444], %swap3A_1447 {strides = array<i32>} : memref<80x144xf32, #tpu.memory_space<vmem>>, vector<1x16xf32>,
        %get3A_1448 = arith.index_cast %scan3A_1388 : i32 to index
        %get3A_1449 = arith.constant 64 : index
        %get3A_1450 = tpu.vector_load %arg18[%get3A_1448, %get3A_1449] {strides = array<i32>} : memref<80x144xf32, #tpu.memory_space<vmem>>, vector<1x16xf32>,
        %get3A_1451 = vector.shape_cast %get3A_1450 : vector<1x16xf32> to vector<16xf32>
        %mul3A_1452 = arith.mulf %get3A_1451, %exp3A_1402 : vector<16xf32>
        %swap3A_1453 = arith.index_cast %scan3A_1388 : i32 to index
        %swap3A_1454 = arith.constant 64 : index
        %swap3A_1455 = tpu.vector_load %arg18[%swap3A_1453, %swap3A_1454] {strides = array<i32>} : memref<80x144xf32, #tpu.memory_space<vmem>>, vector<1x16xf32>,
        %swap3A_1456 = vector.shape_cast %swap3A_1455 : vector<1x16xf32> to vector<16xf32>
        %swap3A_1457 = vector.shape_cast %mul3A_1452 : vector<16xf32> to vector<1x16xf32>
        tpu.vector_store %arg18[%swap3A_1453, %swap3A_1454], %swap3A_1457 {strides = array<i32>} : memref<80x144xf32, #tpu.memory_space<vmem>>, vector<1x16xf32>,
        %get3A_1458 = arith.index_cast %scan3A_1388 : i32 to index
        %get3A_1459 = arith.constant 80 : index
        %get3A_1460 = tpu.vector_load %arg18[%get3A_1458, %get3A_1459] {strides = array<i32>} : memref<80x144xf32, #tpu.memory_space<vmem>>, vector<1x16xf32>,
        %get3A_1461 = vector.shape_cast %get3A_1460 : vector<1x16xf32> to vector<16xf32>
        %mul3A_1462 = arith.mulf %get3A_1461, %exp3A_1402 : vector<16xf32>
        %swap3A_1463 = arith.index_cast %scan3A_1388 : i32 to index
        %swap3A_1464 = arith.constant 80 : index
        %swap3A_1465 = tpu.vector_load %arg18[%swap3A_1463, %swap3A_1464] {strides = array<i32>} : memref<80x144xf32, #tpu.memory_space<vmem>>, vector<1x16xf32>,
        %swap3A_1466 = vector.shape_cast %swap3A_1465 : vector<1x16xf32> to vector<16xf32>
        %swap3A_1467 = vector.shape_cast %mul3A_1462 : vector<16xf32> to vector<1x16xf32>
        tpu.vector_store %arg18[%swap3A_1463, %swap3A_1464], %swap3A_1467 {strides = array<i32>} : memref<80x144xf32, #tpu.memory_space<vmem>>, vector<1x16xf32>,
        %get3A_1468 = arith.index_cast %scan3A_1388 : i32 to index
        %get3A_1469 = arith.constant 96 : index
        %get3A_1470 = tpu.vector_load %arg18[%get3A_1468, %get3A_1469] {strides = array<i32>} : memref<80x144xf32, #tpu.memory_space<vmem>>, vector<1x16xf32>,
        %get3A_1471 = vector.shape_cast %get3A_1470 : vector<1x16xf32> to vector<16xf32>
        %mul3A_1472 = arith.mulf %get3A_1471, %exp3A_1402 : vector<16xf32>
        %swap3A_1473 = arith.index_cast %scan3A_1388 : i32 to index
        %swap3A_1474 = arith.constant 96 : index
        %swap3A_1475 = tpu.vector_load %arg18[%swap3A_1473, %swap3A_1474] {strides = array<i32>} : memref<80x144xf32, #tpu.memory_space<vmem>>, vector<1x16xf32>,
        %swap3A_1476 = vector.shape_cast %swap3A_1475 : vector<1x16xf32> to vector<16xf32>
        %swap3A_1477 = vector.shape_cast %mul3A_1472 : vector<16xf32> to vector<1x16xf32>
        tpu.vector_store %arg18[%swap3A_1473, %swap3A_1474], %swap3A_1477 {strides = array<i32>} : memref<80x144xf32, #tpu.memory_space<vmem>>, vector<1x16xf32>,
        %get3A_1478 = arith.index_cast %scan3A_1388 : i32 to index
        %get3A_1479 = arith.constant 112 : index
        %get3A_1480 = tpu.vector_load %arg18[%get3A_1478, %get3A_1479] {strides = array<i32>} : memref<80x144xf32, #tpu.memory_space<vmem>>, vector<1x16xf32>,
        %get3A_1481 = vector.shape_cast %get3A_1480 : vector<1x16xf32> to vector<16xf32>
        %mul3A_1482 = arith.mulf %get3A_1481, %exp3A_1402 : vector<16xf32>
        %swap3A_1483 = arith.index_cast %scan3A_1388 : i32 to index
        %swap3A_1484 = arith.constant 112 : index
        %swap3A_1485 = tpu.vector_load %arg18[%swap3A_1483, %swap3A_1484] {strides = array<i32>} : memref<80x144xf32, #tpu.memory_space<vmem>>, vector<1x16xf32>,
        %swap3A_1486 = vector.shape_cast %swap3A_1485 : vector<1x16xf32> to vector<16xf32>
        %swap3A_1487 = vector.shape_cast %mul3A_1482 : vector<16xf32> to vector<1x16xf32>
        tpu.vector_store %arg18[%swap3A_1483, %swap3A_1484], %swap3A_1487 {strides = array<i32>} : memref<80x144xf32, #tpu.memory_space<vmem>>, vector<1x16xf32>,
        %scan3A_1488 = arith.constant 0 : i32
        scf.yield %scan3A_1488 : i32
      }
      %scan3A_1075 = arith.constant 80 : i32
      %dma_wait3A_1076 = arith.constant 0 : i32
      %dma_wait3A_1077 = arith.constant 0 : i32
      %dma_wait3A_1078 = tpu.memref_slice %arg21[%dma_wait3A_1076, %dma_wait3A_1077] : memref<10016x144xf32, #tpu.memory_space<vmem_shared>> -> memref<10016x144xf32, #tpu.memory_space<vmem_shared>>
      tpu.wait_indirect_dma semaphore(%arg36 : memref<!tpu.dma_semaphore, #tpu.memory_space<semaphore_mem>>) src(%arg20 : memref<80x144xf32, #tpu.memory_space<vmem>>) dst(%dma_wait3A_1078 : memref<10016x144xf32, #tpu.memory_space<vmem_shared>>)
      %dma_start3A_1079 = arith.constant 0 : i32
      %dma_start3A_1080 = arith.constant 0 : i32
      %dma_start3A_1081 = tpu.memref_slice %arg21[%dma_start3A_1079, %dma_start3A_1080] : memref<10016x144xf32, #tpu.memory_space<vmem_shared>> -> memref<10016x144xf32, #tpu.memory_space<vmem_shared>>
      tpu.enqueue_indirect_dma source(%arg18 : memref<80x144xf32, #tpu.memory_space<vmem>>) target(%dma_start3A_1081 : memref<10016x144xf32, #tpu.memory_space<vmem_shared>>) offsets(%arg12 : memref<80xi32, #tpu.memory_space<vmem>>) semaphore(%arg34 : memref<!tpu.dma_semaphore, #tpu.memory_space<semaphore_mem>>) {add = true}
      %scan3A_1082 = arith.constant 0 : i32
      scf.yield %scan3A_1082 : i32
    }
    %scan3A_368 = arith.constant 41 : i32
    %dma_wait3A_369 = arith.constant 0 : i32
    %dma_wait3A_370 = tpu.memref_slice %arg4[%dma_wait3A_369] : memref<645120xi32, #tpu.memory_space<hbm>> -> memref<80xi32, #tpu.memory_space<hbm>>
    %dma_wait3A_371 = arith.constant 0 : i32
    %dma_wait3A_372 = tpu.memref_slice %arg4[%dma_wait3A_371] : memref<645120xi32, #tpu.memory_space<hbm>> -> memref<80xi32, #tpu.memory_space<hbm>>
    tpu.wait_dma2 semaphore(%arg24 : memref<!tpu.dma_semaphore, #tpu.memory_space<semaphore_mem>>) src(%dma_wait3A_372 : memref<80xi32, #tpu.memory_space<hbm>>) dst(%arg8 : memref<80xi32, #tpu.memory_space<vmem>>)
    %dma_wait3A_373 = arith.constant 0 : i32
    %dma_wait3A_374 = tpu.memref_slice %arg4[%dma_wait3A_373] : memref<645120xi32, #tpu.memory_space<hbm>> -> memref<80xi32, #tpu.memory_space<hbm>>
    %dma_wait3A_375 = arith.constant 0 : i32
    %dma_wait3A_376 = tpu.memref_slice %arg4[%dma_wait3A_375] : memref<645120xi32, #tpu.memory_space<hbm>> -> memref<80xi32, #tpu.memory_space<hbm>>
    tpu.wait_dma2 semaphore(%arg27 : memref<!tpu.dma_semaphore, #tpu.memory_space<semaphore_mem>>) src(%dma_wait3A_376 : memref<80xi32, #tpu.memory_space<hbm>>) dst(%arg11 : memref<80xi32, #tpu.memory_space<vmem>>)
    %get3A_377 = arith.constant 0 : index
    %get3A_378 = tpu.vector_load %arg8[%get3A_377] {strides = array<i32>} : memref<80xi32, #tpu.memory_space<vmem>>, vector<16xi32>,
    %get3A_379 = vector.shape_cast %get3A_378 : vector<16xi32> to vector<16xi32>
    %get3A_380 = arith.constant 0 : index
    %get3A_381 = tpu.vector_load %arg11[%get3A_380] {strides = array<i32>} : memref<80xi32, #tpu.memory_space<vmem>>, vector<16xi32>,
    %get3A_382 = vector.shape_cast %get3A_381 : vector<16xi32> to vector<16xi32>
    %eq3A_383 = arith.cmpi eq, %get3A_379, %get3A_382 : vector<16xi32>
    %jit3A_384 = arith.constant 10000 : i32
    %broadcast_in_dim3A_385 = vector.broadcast %jit3A_384 : i32 to vector<16xi32>
    %select_n3A_386 = arith.select %eq3A_383, %broadcast_in_dim3A_385, %get3A_379 : vector<16xi1>, vector<16xi32>
    %swap3A_387 = arith.constant 0 : index
    %swap3A_388 = tpu.vector_load %arg8[%swap3A_387] {strides = array<i32>} : memref<80xi32, #tpu.memory_space<vmem>>, vector<16xi32>,
    %swap3A_389 = vector.shape_cast %swap3A_388 : vector<16xi32> to vector<16xi32>
    %swap3A_390 = vector.shape_cast %select_n3A_386 : vector<16xi32> to vector<16xi32>
    tpu.vector_store %arg8[%swap3A_387], %swap3A_390 {strides = array<i32>} : memref<80xi32, #tpu.memory_space<vmem>>, vector<16xi32>,
    %jit3A_391 = arith.constant 10000 : i32
    %broadcast_in_dim3A_392 = vector.broadcast %jit3A_391 : i32 to vector<16xi32>
    %select_n3A_393 = arith.select %eq3A_383, %broadcast_in_dim3A_392, %get3A_382 : vector<16xi1>, vector<16xi32>
    %swap3A_394 = arith.constant 0 : index
    %swap3A_395 = tpu.vector_load %arg11[%swap3A_394] {strides = array<i32>} : memref<80xi32, #tpu.memory_space<vmem>>, vector<16xi32>,
    %swap3A_396 = vector.shape_cast %swap3A_395 : vector<16xi32> to vector<16xi32>
    %swap3A_397 = vector.shape_cast %select_n3A_393 : vector<16xi32> to vector<16xi32>
    tpu.vector_store %arg11[%swap3A_394], %swap3A_397 {strides = array<i32>} : memref<80xi32, #tpu.memory_space<vmem>>, vector<16xi32>,
    %swap3A_398 = arith.constant 0 : index
    %swap3A_399 = tpu.vector_load %arg14[%swap3A_398] {strides = array<i32>} : memref<80xi32, #tpu.memory_space<vmem>>, vector<16xi32>,
    %swap3A_400 = vector.shape_cast %swap3A_399 : vector<16xi32> to vector<16xi32>
    %swap3A_401 = vector.shape_cast %select_n3A_393 : vector<16xi32> to vector<16xi32>
    tpu.vector_store %arg14[%swap3A_398], %swap3A_401 {strides = array<i32>} : memref<80xi32, #tpu.memory_space<vmem>>, vector<16xi32>,
    %get3A_402 = arith.constant 16 : index
    %get3A_403 = tpu.vector_load %arg8[%get3A_402] {strides = array<i32>} : memref<80xi32, #tpu.memory_space<vmem>>, vector<16xi32>,
    %get3A_404 = vector.shape_cast %get3A_403 : vector<16xi32> to vector<16xi32>
    %get3A_405 = arith.constant 16 : index
    %get3A_406 = tpu.vector_load %arg11[%get3A_405] {strides = array<i32>} : memref<80xi32, #tpu.memory_space<vmem>>, vector<16xi32>,
    %get3A_407 = vector.shape_cast %get3A_406 : vector<16xi32> to vector<16xi32>
    %eq3A_408 = arith.cmpi eq, %get3A_404, %get3A_407 : vector<16xi32>
    %jit3A_409 = arith.constant 10000 : i32
    %broadcast_in_dim3A_410 = vector.broadcast %jit3A_409 : i32 to vector<16xi32>
    %select_n3A_411 = arith.select %eq3A_408, %broadcast_in_dim3A_410, %get3A_404 : vector<16xi1>, vector<16xi32>
    %swap3A_412 = arith.constant 16 : index
    %swap3A_413 = tpu.vector_load %arg8[%swap3A_412] {strides = array<i32>} : memref<80xi32, #tpu.memory_space<vmem>>, vector<16xi32>,
    %swap3A_414 = vector.shape_cast %swap3A_413 : vector<16xi32> to vector<16xi32>
    %swap3A_415 = vector.shape_cast %select_n3A_411 : vector<16xi32> to vector<16xi32>
    tpu.vector_store %arg8[%swap3A_412], %swap3A_415 {strides = array<i32>} : memref<80xi32, #tpu.memory_space<vmem>>, vector<16xi32>,
    %jit3A_416 = arith.constant 10000 : i32
    %broadcast_in_dim3A_417 = vector.broadcast %jit3A_416 : i32 to vector<16xi32>
    %select_n3A_418 = arith.select %eq3A_408, %broadcast_in_dim3A_417, %get3A_407 : vector<16xi1>, vector<16xi32>
    %swap3A_419 = arith.constant 16 : index
    %swap3A_420 = tpu.vector_load %arg11[%swap3A_419] {strides = array<i32>} : memref<80xi32, #tpu.memory_space<vmem>>, vector<16xi32>,
    %swap3A_421 = vector.shape_cast %swap3A_420 : vector<16xi32> to vector<16xi32>
    %swap3A_422 = vector.shape_cast %select_n3A_418 : vector<16xi32> to vector<16xi32>
    tpu.vector_store %arg11[%swap3A_419], %swap3A_422 {strides = array<i32>} : memref<80xi32, #tpu.memory_space<vmem>>, vector<16xi32>,
    %swap3A_423 = arith.constant 16 : index
    %swap3A_424 = tpu.vector_load %arg14[%swap3A_423] {strides = array<i32>} : memref<80xi32, #tpu.memory_space<vmem>>, vector<16xi32>,
    %swap3A_425 = vector.shape_cast %swap3A_424 : vector<16xi32> to vector<16xi32>
    %swap3A_426 = vector.shape_cast %select_n3A_418 : vector<16xi32> to vector<16xi32>
    tpu.vector_store %arg14[%swap3A_423], %swap3A_426 {strides = array<i32>} : memref<80xi32, #tpu.memory_space<vmem>>, vector<16xi32>,
    %get3A_427 = arith.constant 32 : index
    %get3A_428 = tpu.vector_load %arg8[%get3A_427] {strides = array<i32>} : memref<80xi32, #tpu.memory_space<vmem>>, vector<16xi32>,
    %get3A_429 = vector.shape_cast %get3A_428 : vector<16xi32> to vector<16xi32>
    %get3A_430 = arith.constant 32 : index
    %get3A_431 = tpu.vector_load %arg11[%get3A_430] {strides = array<i32>} : memref<80xi32, #tpu.memory_space<vmem>>, vector<16xi32>,
    %get3A_432 = vector.shape_cast %get3A_431 : vector<16xi32> to vector<16xi32>
    %eq3A_433 = arith.cmpi eq, %get3A_429, %get3A_432 : vector<16xi32>
    %jit3A_434 = arith.constant 10000 : i32
    %broadcast_in_dim3A_435 = vector.broadcast %jit3A_434 : i32 to vector<16xi32>
    %select_n3A_436 = arith.select %eq3A_433, %broadcast_in_dim3A_435, %get3A_429 : vector<16xi1>, vector<16xi32>
    %swap3A_437 = arith.constant 32 : index
    %swap3A_438 = tpu.vector_load %arg8[%swap3A_437] {strides = array<i32>} : memref<80xi32, #tpu.memory_space<vmem>>, vector<16xi32>,
    %swap3A_439 = vector.shape_cast %swap3A_438 : vector<16xi32> to vector<16xi32>
    %swap3A_440 = vector.shape_cast %select_n3A_436 : vector<16xi32> to vector<16xi32>
    tpu.vector_store %arg8[%swap3A_437], %swap3A_440 {strides = array<i32>} : memref<80xi32, #tpu.memory_space<vmem>>, vector<16xi32>,
    %jit3A_441 = arith.constant 10000 : i32
    %broadcast_in_dim3A_442 = vector.broadcast %jit3A_441 : i32 to vector<16xi32>
    %select_n3A_443 = arith.select %eq3A_433, %broadcast_in_dim3A_442, %get3A_432 : vector<16xi1>, vector<16xi32>
    %swap3A_444 = arith.constant 32 : index
    %swap3A_445 = tpu.vector_load %arg11[%swap3A_444] {strides = array<i32>} : memref<80xi32, #tpu.memory_space<vmem>>, vector<16xi32>,
    %swap3A_446 = vector.shape_cast %swap3A_445 : vector<16xi32> to vector<16xi32>
    %swap3A_447 = vector.shape_cast %select_n3A_443 : vector<16xi32> to vector<16xi32>
    tpu.vector_store %arg11[%swap3A_444], %swap3A_447 {strides = array<i32>} : memref<80xi32, #tpu.memory_space<vmem>>, vector<16xi32>,
    %swap3A_448 = arith.constant 32 : index
    %swap3A_449 = tpu.vector_load %arg14[%swap3A_448] {strides = array<i32>} : memref<80xi32, #tpu.memory_space<vmem>>, vector<16xi32>,
    %swap3A_450 = vector.shape_cast %swap3A_449 : vector<16xi32> to vector<16xi32>
    %swap3A_451 = vector.shape_cast %select_n3A_443 : vector<16xi32> to vector<16xi32>
    tpu.vector_store %arg14[%swap3A_448], %swap3A_451 {strides = array<i32>} : memref<80xi32, #tpu.memory_space<vmem>>, vector<16xi32>,
    %get3A_452 = arith.constant 48 : index
    %get3A_453 = tpu.vector_load %arg8[%get3A_452] {strides = array<i32>} : memref<80xi32, #tpu.memory_space<vmem>>, vector<16xi32>,
    %get3A_454 = vector.shape_cast %get3A_453 : vector<16xi32> to vector<16xi32>
    %get3A_455 = arith.constant 48 : index
    %get3A_456 = tpu.vector_load %arg11[%get3A_455] {strides = array<i32>} : memref<80xi32, #tpu.memory_space<vmem>>, vector<16xi32>,
    %get3A_457 = vector.shape_cast %get3A_456 : vector<16xi32> to vector<16xi32>
    %eq3A_458 = arith.cmpi eq, %get3A_454, %get3A_457 : vector<16xi32>
    %jit3A_459 = arith.constant 10000 : i32
    %broadcast_in_dim3A_460 = vector.broadcast %jit3A_459 : i32 to vector<16xi32>
    %select_n3A_461 = arith.select %eq3A_458, %broadcast_in_dim3A_460, %get3A_454 : vector<16xi1>, vector<16xi32>
    %swap3A_462 = arith.constant 48 : index
    %swap3A_463 = tpu.vector_load %arg8[%swap3A_462] {strides = array<i32>} : memref<80xi32, #tpu.memory_space<vmem>>, vector<16xi32>,
    %swap3A_464 = vector.shape_cast %swap3A_463 : vector<16xi32> to vector<16xi32>
    %swap3A_465 = vector.shape_cast %select_n3A_461 : vector<16xi32> to vector<16xi32>
    tpu.vector_store %arg8[%swap3A_462], %swap3A_465 {strides = array<i32>} : memref<80xi32, #tpu.memory_space<vmem>>, vector<16xi32>,
    %jit3A_466 = arith.constant 10000 : i32
    %broadcast_in_dim3A_467 = vector.broadcast %jit3A_466 : i32 to vector<16xi32>
    %select_n3A_468 = arith.select %eq3A_458, %broadcast_in_dim3A_467, %get3A_457 : vector<16xi1>, vector<16xi32>
    %swap3A_469 = arith.constant 48 : index
    %swap3A_470 = tpu.vector_load %arg11[%swap3A_469] {strides = array<i32>} : memref<80xi32, #tpu.memory_space<vmem>>, vector<16xi32>,
    %swap3A_471 = vector.shape_cast %swap3A_470 : vector<16xi32> to vector<16xi32>
    %swap3A_472 = vector.shape_cast %select_n3A_468 : vector<16xi32> to vector<16xi32>
    tpu.vector_store %arg11[%swap3A_469], %swap3A_472 {strides = array<i32>} : memref<80xi32, #tpu.memory_space<vmem>>, vector<16xi32>,
    %swap3A_473 = arith.constant 48 : index
    %swap3A_474 = tpu.vector_load %arg14[%swap3A_473] {strides = array<i32>} : memref<80xi32, #tpu.memory_space<vmem>>, vector<16xi32>,
    %swap3A_475 = vector.shape_cast %swap3A_474 : vector<16xi32> to vector<16xi32>
    %swap3A_476 = vector.shape_cast %select_n3A_468 : vector<16xi32> to vector<16xi32>
    tpu.vector_store %arg14[%swap3A_473], %swap3A_476 {strides = array<i32>} : memref<80xi32, #tpu.memory_space<vmem>>, vector<16xi32>,
    %get3A_477 = arith.constant 64 : index
    %get3A_478 = tpu.vector_load %arg8[%get3A_477] {strides = array<i32>} : memref<80xi32, #tpu.memory_space<vmem>>, vector<16xi32>,
    %get3A_479 = vector.shape_cast %get3A_478 : vector<16xi32> to vector<16xi32>
    %get3A_480 = arith.constant 64 : index
    %get3A_481 = tpu.vector_load %arg11[%get3A_480] {strides = array<i32>} : memref<80xi32, #tpu.memory_space<vmem>>, vector<16xi32>,
    %get3A_482 = vector.shape_cast %get3A_481 : vector<16xi32> to vector<16xi32>
    %eq3A_483 = arith.cmpi eq, %get3A_479, %get3A_482 : vector<16xi32>
    %jit3A_484 = arith.constant 10000 : i32
    %broadcast_in_dim3A_485 = vector.broadcast %jit3A_484 : i32 to vector<16xi32>
    %select_n3A_486 = arith.select %eq3A_483, %broadcast_in_dim3A_485, %get3A_479 : vector<16xi1>, vector<16xi32>
    %swap3A_487 = arith.constant 64 : index
    %swap3A_488 = tpu.vector_load %arg8[%swap3A_487] {strides = array<i32>} : memref<80xi32, #tpu.memory_space<vmem>>, vector<16xi32>,
    %swap3A_489 = vector.shape_cast %swap3A_488 : vector<16xi32> to vector<16xi32>
    %swap3A_490 = vector.shape_cast %select_n3A_486 : vector<16xi32> to vector<16xi32>
    tpu.vector_store %arg8[%swap3A_487], %swap3A_490 {strides = array<i32>} : memref<80xi32, #tpu.memory_space<vmem>>, vector<16xi32>,
    %jit3A_491 = arith.constant 10000 : i32
    %broadcast_in_dim3A_492 = vector.broadcast %jit3A_491 : i32 to vector<16xi32>
    %select_n3A_493 = arith.select %eq3A_483, %broadcast_in_dim3A_492, %get3A_482 : vector<16xi1>, vector<16xi32>
    %swap3A_494 = arith.constant 64 : index
    %swap3A_495 = tpu.vector_load %arg11[%swap3A_494] {strides = array<i32>} : memref<80xi32, #tpu.memory_space<vmem>>, vector<16xi32>,
    %swap3A_496 = vector.shape_cast %swap3A_495 : vector<16xi32> to vector<16xi32>
    %swap3A_497 = vector.shape_cast %select_n3A_493 : vector<16xi32> to vector<16xi32>
    tpu.vector_store %arg11[%swap3A_494], %swap3A_497 {strides = array<i32>} : memref<80xi32, #tpu.memory_space<vmem>>, vector<16xi32>,
    %swap3A_498 = arith.constant 64 : index
    %swap3A_499 = tpu.vector_load %arg14[%swap3A_498] {strides = array<i32>} : memref<80xi32, #tpu.memory_space<vmem>>, vector<16xi32>,
    %swap3A_500 = vector.shape_cast %swap3A_499 : vector<16xi32> to vector<16xi32>
    %swap3A_501 = vector.shape_cast %select_n3A_493 : vector<16xi32> to vector<16xi32>
    tpu.vector_store %arg14[%swap3A_498], %swap3A_501 {strides = array<i32>} : memref<80xi32, #tpu.memory_space<vmem>>, vector<16xi32>,
    %dma_start3A_502 = arith.constant 0 : i32
    %dma_start3A_503 = arith.constant 0 : i32
    %dma_start3A_504 = tpu.memref_slice %arg2[%dma_start3A_502, %dma_start3A_503] : memref<10016x144xf32, #tpu.memory_space<hbm>> -> memref<10016x144xf32, #tpu.memory_space<hbm>>
    tpu.enqueue_indirect_dma source(%dma_start3A_504 : memref<10016x144xf32, #tpu.memory_space<hbm>>) target(%arg20 : memref<80x144xf32, #tpu.memory_space<vmem>>) offsets(%arg8 : memref<80xi32, #tpu.memory_space<vmem>>) semaphore(%arg33 : memref<!tpu.dma_semaphore, #tpu.memory_space<semaphore_mem>>)
    %dma_start3A_505 = arith.constant 0 : i32
    %dma_start3A_506 = arith.constant 0 : i32
    %dma_start3A_507 = tpu.memref_slice %arg3[%dma_start3A_505, %dma_start3A_506] : memref<10016x16xf32, #tpu.memory_space<hbm>> -> memref<10016x16xf32, #tpu.memory_space<hbm>>
    tpu.enqueue_indirect_dma source(%dma_start3A_507 : memref<10016x16xf32, #tpu.memory_space<hbm>>) target(%arg17 : memref<80x16xf32, #tpu.memory_space<vmem>>) offsets(%arg11 : memref<80xi32, #tpu.memory_space<vmem>>) semaphore(%arg30 : memref<!tpu.dma_semaphore, #tpu.memory_space<semaphore_mem>>)
    %dma_wait3A_508 = arith.constant 0 : i32
    %dma_wait3A_509 = arith.constant 0 : i32
    %dma_wait3A_510 = tpu.memref_slice %arg2[%dma_wait3A_508, %dma_wait3A_509] : memref<10016x144xf32, #tpu.memory_space<hbm>> -> memref<10016x144xf32, #tpu.memory_space<hbm>>
    tpu.wait_indirect_dma semaphore(%arg32 : memref<!tpu.dma_semaphore, #tpu.memory_space<semaphore_mem>>) src(%dma_wait3A_510 : memref<10016x144xf32, #tpu.memory_space<hbm>>) dst(%arg19 : memref<80x144xf32, #tpu.memory_space<vmem>>)
    %dma_wait3A_511 = arith.constant 0 : i32
    %dma_wait3A_512 = arith.constant 0 : i32
    %dma_wait3A_513 = tpu.memref_slice %arg3[%dma_wait3A_511, %dma_wait3A_512] : memref<10016x16xf32, #tpu.memory_space<hbm>> -> memref<10016x16xf32, #tpu.memory_space<hbm>>
    tpu.wait_indirect_dma semaphore(%arg29 : memref<!tpu.dma_semaphore, #tpu.memory_space<semaphore_mem>>) src(%dma_wait3A_513 : memref<10016x16xf32, #tpu.memory_space<hbm>>) dst(%arg16 : memref<80x16xf32, #tpu.memory_space<vmem>>)
    %scan3A_514 = arith.constant 0 : i32
    %scan3A_515 = arith.constant 0 : i32
    %scan3A_516 = arith.constant 80 : i32
    %scan3A_517 = arith.addi %scan3A_515, %scan3A_516 : i32
    %scan3A_518 = arith.constant 4 : i32
    %scan3A_519 = scf.for %scan3A_550 = %scan3A_515 to %scan3A_517 step %scan3A_518 iter_args(%scan3A_551 = %scan3A_514) -> (i32)  : i32 {
      %get3A_552 = arith.index_cast %scan3A_550 : i32 to index
      %get3A_553 = arith.constant 128 : index
      %get3A_554 = tpu.vector_load %arg19[%get3A_552, %get3A_553] {strides = array<i32>} : memref<80x144xf32, #tpu.memory_space<vmem>>, vector<1x16xf32>,
      %get3A_555 = vector.shape_cast %get3A_554 : vector<1x16xf32> to vector<16xf32>
      %get3A_556 = arith.index_cast %scan3A_550 : i32 to index
      %get3A_557 = arith.constant 0 : index
      %get3A_558 = tpu.vector_load %arg16[%get3A_556, %get3A_557] {strides = array<i32>} : memref<80x16xf32, #tpu.memory_space<vmem>>, vector<1x16xf32>,
      %get3A_559 = vector.shape_cast %get3A_558 : vector<1x16xf32> to vector<16xf32>
      %add3A_560 = arith.addf %get3A_555, %get3A_559 : vector<16xf32>
      %mul3A_561 = arith.constant 2.000000e-01 : f32
      %mul3A_562 = vector.broadcast %mul3A_561 : f32 to vector<16xf32>
      %mul3A_563 = arith.mulf %mul3A_562, %add3A_560 : vector<16xf32>
      %max3A = arith.maximumf %add3A_560, %mul3A_563 : vector<16xf32>
      %exp3A = math.exp %max3A : vector<16xf32>
      %swap3A_564 = arith.index_cast %scan3A_550 : i32 to index
      %swap3A_565 = arith.constant 128 : index
      %swap3A_566 = tpu.vector_load %arg19[%swap3A_564, %swap3A_565] {strides = array<i32>} : memref<80x144xf32, #tpu.memory_space<vmem>>, vector<1x16xf32>,
      %swap3A_567 = vector.shape_cast %swap3A_566 : vector<1x16xf32> to vector<16xf32>
      %swap3A_568 = vector.shape_cast %exp3A : vector<16xf32> to vector<1x16xf32>
      tpu.vector_store %arg19[%swap3A_564, %swap3A_565], %swap3A_568 {strides = array<i32>} : memref<80x144xf32, #tpu.memory_space<vmem>>, vector<1x16xf32>,
      %get3A_569 = arith.index_cast %scan3A_550 : i32 to index
      %get3A_570 = arith.constant 0 : index
      %get3A_571 = tpu.vector_load %arg19[%get3A_569, %get3A_570] {strides = array<i32>} : memref<80x144xf32, #tpu.memory_space<vmem>>, vector<1x16xf32>,
      %get3A_572 = vector.shape_cast %get3A_571 : vector<1x16xf32> to vector<16xf32>
      %mul3A_573 = arith.mulf %get3A_572, %exp3A : vector<16xf32>
      %swap3A_574 = arith.index_cast %scan3A_550 : i32 to index
      %swap3A_575 = arith.constant 0 : index
      %swap3A_576 = tpu.vector_load %arg19[%swap3A_574, %swap3A_575] {strides = array<i32>} : memref<80x144xf32, #tpu.memory_space<vmem>>, vector<1x16xf32>,
      %swap3A_577 = vector.shape_cast %swap3A_576 : vector<1x16xf32> to vector<16xf32>
      %swap3A_578 = vector.shape_cast %mul3A_573 : vector<16xf32> to vector<1x16xf32>
      tpu.vector_store %arg19[%swap3A_574, %swap3A_575], %swap3A_578 {strides = array<i32>} : memref<80x144xf32, #tpu.memory_space<vmem>>, vector<1x16xf32>,
      %get3A_579 = arith.index_cast %scan3A_550 : i32 to index
      %get3A_580 = arith.constant 16 : index
      %get3A_581 = tpu.vector_load %arg19[%get3A_579, %get3A_580] {strides = array<i32>} : memref<80x144xf32, #tpu.memory_space<vmem>>, vector<1x16xf32>,
      %get3A_582 = vector.shape_cast %get3A_581 : vector<1x16xf32> to vector<16xf32>
      %mul3A_583 = arith.mulf %get3A_582, %exp3A : vector<16xf32>
      %swap3A_584 = arith.index_cast %scan3A_550 : i32 to index
      %swap3A_585 = arith.constant 16 : index
      %swap3A_586 = tpu.vector_load %arg19[%swap3A_584, %swap3A_585] {strides = array<i32>} : memref<80x144xf32, #tpu.memory_space<vmem>>, vector<1x16xf32>,
      %swap3A_587 = vector.shape_cast %swap3A_586 : vector<1x16xf32> to vector<16xf32>
      %swap3A_588 = vector.shape_cast %mul3A_583 : vector<16xf32> to vector<1x16xf32>
      tpu.vector_store %arg19[%swap3A_584, %swap3A_585], %swap3A_588 {strides = array<i32>} : memref<80x144xf32, #tpu.memory_space<vmem>>, vector<1x16xf32>,
      %get3A_589 = arith.index_cast %scan3A_550 : i32 to index
      %get3A_590 = arith.constant 32 : index
      %get3A_591 = tpu.vector_load %arg19[%get3A_589, %get3A_590] {strides = array<i32>} : memref<80x144xf32, #tpu.memory_space<vmem>>, vector<1x16xf32>,
      %get3A_592 = vector.shape_cast %get3A_591 : vector<1x16xf32> to vector<16xf32>
      %mul3A_593 = arith.mulf %get3A_592, %exp3A : vector<16xf32>
      %swap3A_594 = arith.index_cast %scan3A_550 : i32 to index
      %swap3A_595 = arith.constant 32 : index
      %swap3A_596 = tpu.vector_load %arg19[%swap3A_594, %swap3A_595] {strides = array<i32>} : memref<80x144xf32, #tpu.memory_space<vmem>>, vector<1x16xf32>,
      %swap3A_597 = vector.shape_cast %swap3A_596 : vector<1x16xf32> to vector<16xf32>
      %swap3A_598 = vector.shape_cast %mul3A_593 : vector<16xf32> to vector<1x16xf32>
      tpu.vector_store %arg19[%swap3A_594, %swap3A_595], %swap3A_598 {strides = array<i32>} : memref<80x144xf32, #tpu.memory_space<vmem>>, vector<1x16xf32>,
      %get3A_599 = arith.index_cast %scan3A_550 : i32 to index
      %get3A_600 = arith.constant 48 : index
      %get3A_601 = tpu.vector_load %arg19[%get3A_599, %get3A_600] {strides = array<i32>} : memref<80x144xf32, #tpu.memory_space<vmem>>, vector<1x16xf32>,
      %get3A_602 = vector.shape_cast %get3A_601 : vector<1x16xf32> to vector<16xf32>
      %mul3A_603 = arith.mulf %get3A_602, %exp3A : vector<16xf32>
      %swap3A_604 = arith.index_cast %scan3A_550 : i32 to index
      %swap3A_605 = arith.constant 48 : index
      %swap3A_606 = tpu.vector_load %arg19[%swap3A_604, %swap3A_605] {strides = array<i32>} : memref<80x144xf32, #tpu.memory_space<vmem>>, vector<1x16xf32>,
      %swap3A_607 = vector.shape_cast %swap3A_606 : vector<1x16xf32> to vector<16xf32>
      %swap3A_608 = vector.shape_cast %mul3A_603 : vector<16xf32> to vector<1x16xf32>
      tpu.vector_store %arg19[%swap3A_604, %swap3A_605], %swap3A_608 {strides = array<i32>} : memref<80x144xf32, #tpu.memory_space<vmem>>, vector<1x16xf32>,
      %get3A_609 = arith.index_cast %scan3A_550 : i32 to index
      %get3A_610 = arith.constant 64 : index
      %get3A_611 = tpu.vector_load %arg19[%get3A_609, %get3A_610] {strides = array<i32>} : memref<80x144xf32, #tpu.memory_space<vmem>>, vector<1x16xf32>,
      %get3A_612 = vector.shape_cast %get3A_611 : vector<1x16xf32> to vector<16xf32>
      %mul3A_613 = arith.mulf %get3A_612, %exp3A : vector<16xf32>
      %swap3A_614 = arith.index_cast %scan3A_550 : i32 to index
      %swap3A_615 = arith.constant 64 : index
      %swap3A_616 = tpu.vector_load %arg19[%swap3A_614, %swap3A_615] {strides = array<i32>} : memref<80x144xf32, #tpu.memory_space<vmem>>, vector<1x16xf32>,
      %swap3A_617 = vector.shape_cast %swap3A_616 : vector<1x16xf32> to vector<16xf32>
      %swap3A_618 = vector.shape_cast %mul3A_613 : vector<16xf32> to vector<1x16xf32>
      tpu.vector_store %arg19[%swap3A_614, %swap3A_615], %swap3A_618 {strides = array<i32>} : memref<80x144xf32, #tpu.memory_space<vmem>>, vector<1x16xf32>,
      %get3A_619 = arith.index_cast %scan3A_550 : i32 to index
      %get3A_620 = arith.constant 80 : index
      %get3A_621 = tpu.vector_load %arg19[%get3A_619, %get3A_620] {strides = array<i32>} : memref<80x144xf32, #tpu.memory_space<vmem>>, vector<1x16xf32>,
      %get3A_622 = vector.shape_cast %get3A_621 : vector<1x16xf32> to vector<16xf32>
      %mul3A_623 = arith.mulf %get3A_622, %exp3A : vector<16xf32>
      %swap3A_624 = arith.index_cast %scan3A_550 : i32 to index
      %swap3A_625 = arith.constant 80 : index
      %swap3A_626 = tpu.vector_load %arg19[%swap3A_624, %swap3A_625] {strides = array<i32>} : memref<80x144xf32, #tpu.memory_space<vmem>>, vector<1x16xf32>,
      %swap3A_627 = vector.shape_cast %swap3A_626 : vector<1x16xf32> to vector<16xf32>
      %swap3A_628 = vector.shape_cast %mul3A_623 : vector<16xf32> to vector<1x16xf32>
      tpu.vector_store %arg19[%swap3A_624, %swap3A_625], %swap3A_628 {strides = array<i32>} : memref<80x144xf32, #tpu.memory_space<vmem>>, vector<1x16xf32>,
      %get3A_629 = arith.index_cast %scan3A_550 : i32 to index
      %get3A_630 = arith.constant 96 : index
      %get3A_631 = tpu.vector_load %arg19[%get3A_629, %get3A_630] {strides = array<i32>} : memref<80x144xf32, #tpu.memory_space<vmem>>, vector<1x16xf32>,
      %get3A_632 = vector.shape_cast %get3A_631 : vector<1x16xf32> to vector<16xf32>
      %mul3A_633 = arith.mulf %get3A_632, %exp3A : vector<16xf32>
      %swap3A_634 = arith.index_cast %scan3A_550 : i32 to index
      %swap3A_635 = arith.constant 96 : index
      %swap3A_636 = tpu.vector_load %arg19[%swap3A_634, %swap3A_635] {strides = array<i32>} : memref<80x144xf32, #tpu.memory_space<vmem>>, vector<1x16xf32>,
      %swap3A_637 = vector.shape_cast %swap3A_636 : vector<1x16xf32> to vector<16xf32>
      %swap3A_638 = vector.shape_cast %mul3A_633 : vector<16xf32> to vector<1x16xf32>
      tpu.vector_store %arg19[%swap3A_634, %swap3A_635], %swap3A_638 {strides = array<i32>} : memref<80x144xf32, #tpu.memory_space<vmem>>, vector<1x16xf32>,
      %get3A_639 = arith.index_cast %scan3A_550 : i32 to index
      %get3A_640 = arith.constant 112 : index
      %get3A_641 = tpu.vector_load %arg19[%get3A_639, %get3A_640] {strides = array<i32>} : memref<80x144xf32, #tpu.memory_space<vmem>>, vector<1x16xf32>,
      %get3A_642 = vector.shape_cast %get3A_641 : vector<1x16xf32> to vector<16xf32>
      %mul3A_643 = arith.mulf %get3A_642, %exp3A : vector<16xf32>
      %swap3A_644 = arith.index_cast %scan3A_550 : i32 to index
      %swap3A_645 = arith.constant 112 : index
      %swap3A_646 = tpu.vector_load %arg19[%swap3A_644, %swap3A_645] {strides = array<i32>} : memref<80x144xf32, #tpu.memory_space<vmem>>, vector<1x16xf32>,
      %swap3A_647 = vector.shape_cast %swap3A_646 : vector<1x16xf32> to vector<16xf32>
      %swap3A_648 = vector.shape_cast %mul3A_643 : vector<16xf32> to vector<1x16xf32>
      tpu.vector_store %arg19[%swap3A_644, %swap3A_645], %swap3A_648 {strides = array<i32>} : memref<80x144xf32, #tpu.memory_space<vmem>>, vector<1x16xf32>,
      %scan3A_649 = arith.constant 0 : i32
      %scan3A_650 = arith.constant 1 : i32
      %scan3A_651 = arith.addi %scan3A_550, %scan3A_650 : i32
      %get3A_652 = arith.index_cast %scan3A_651 : i32 to index
      %get3A_653 = arith.constant 128 : index
      %get3A_654 = tpu.vector_load %arg19[%get3A_652, %get3A_653] {strides = array<i32>} : memref<80x144xf32, #tpu.memory_space<vmem>>, vector<1x16xf32>,
      %get3A_655 = vector.shape_cast %get3A_654 : vector<1x16xf32> to vector<16xf32>
      %get3A_656 = arith.index_cast %scan3A_651 : i32 to index
      %get3A_657 = arith.constant 0 : index
      %get3A_658 = tpu.vector_load %arg16[%get3A_656, %get3A_657] {strides = array<i32>} : memref<80x16xf32, #tpu.memory_space<vmem>>, vector<1x16xf32>,
      %get3A_659 = vector.shape_cast %get3A_658 : vector<1x16xf32> to vector<16xf32>
      %add3A_660 = arith.addf %get3A_655, %get3A_659 : vector<16xf32>
      %mul3A_661 = arith.constant 2.000000e-01 : f32
      %mul3A_662 = vector.broadcast %mul3A_661 : f32 to vector<16xf32>
      %mul3A_663 = arith.mulf %mul3A_662, %add3A_660 : vector<16xf32>
      %max3A_664 = arith.maximumf %add3A_660, %mul3A_663 : vector<16xf32>
      %exp3A_665 = math.exp %max3A_664 : vector<16xf32>
      %swap3A_666 = arith.index_cast %scan3A_651 : i32 to index
      %swap3A_667 = arith.constant 128 : index
      %swap3A_668 = tpu.vector_load %arg19[%swap3A_666, %swap3A_667] {strides = array<i32>} : memref<80x144xf32, #tpu.memory_space<vmem>>, vector<1x16xf32>,
      %swap3A_669 = vector.shape_cast %swap3A_668 : vector<1x16xf32> to vector<16xf32>
      %swap3A_670 = vector.shape_cast %exp3A_665 : vector<16xf32> to vector<1x16xf32>
      tpu.vector_store %arg19[%swap3A_666, %swap3A_667], %swap3A_670 {strides = array<i32>} : memref<80x144xf32, #tpu.memory_space<vmem>>, vector<1x16xf32>,
      %get3A_671 = arith.index_cast %scan3A_651 : i32 to index
      %get3A_672 = arith.constant 0 : index
      %get3A_673 = tpu.vector_load %arg19[%get3A_671, %get3A_672] {strides = array<i32>} : memref<80x144xf32, #tpu.memory_space<vmem>>, vector<1x16xf32>,
      %get3A_674 = vector.shape_cast %get3A_673 : vector<1x16xf32> to vector<16xf32>
      %mul3A_675 = arith.mulf %get3A_674, %exp3A_665 : vector<16xf32>
      %swap3A_676 = arith.index_cast %scan3A_651 : i32 to index
      %swap3A_677 = arith.constant 0 : index
      %swap3A_678 = tpu.vector_load %arg19[%swap3A_676, %swap3A_677] {strides = array<i32>} : memref<80x144xf32, #tpu.memory_space<vmem>>, vector<1x16xf32>,
      %swap3A_679 = vector.shape_cast %swap3A_678 : vector<1x16xf32> to vector<16xf32>
      %swap3A_680 = vector.shape_cast %mul3A_675 : vector<16xf32> to vector<1x16xf32>
      tpu.vector_store %arg19[%swap3A_676, %swap3A_677], %swap3A_680 {strides = array<i32>} : memref<80x144xf32, #tpu.memory_space<vmem>>, vector<1x16xf32>,
      %get3A_681 = arith.index_cast %scan3A_651 : i32 to index
      %get3A_682 = arith.constant 16 : index
      %get3A_683 = tpu.vector_load %arg19[%get3A_681, %get3A_682] {strides = array<i32>} : memref<80x144xf32, #tpu.memory_space<vmem>>, vector<1x16xf32>,
      %get3A_684 = vector.shape_cast %get3A_683 : vector<1x16xf32> to vector<16xf32>
      %mul3A_685 = arith.mulf %get3A_684, %exp3A_665 : vector<16xf32>
      %swap3A_686 = arith.index_cast %scan3A_651 : i32 to index
      %swap3A_687 = arith.constant 16 : index
      %swap3A_688 = tpu.vector_load %arg19[%swap3A_686, %swap3A_687] {strides = array<i32>} : memref<80x144xf32, #tpu.memory_space<vmem>>, vector<1x16xf32>,
      %swap3A_689 = vector.shape_cast %swap3A_688 : vector<1x16xf32> to vector<16xf32>
      %swap3A_690 = vector.shape_cast %mul3A_685 : vector<16xf32> to vector<1x16xf32>
      tpu.vector_store %arg19[%swap3A_686, %swap3A_687], %swap3A_690 {strides = array<i32>} : memref<80x144xf32, #tpu.memory_space<vmem>>, vector<1x16xf32>,
      %get3A_691 = arith.index_cast %scan3A_651 : i32 to index
      %get3A_692 = arith.constant 32 : index
      %get3A_693 = tpu.vector_load %arg19[%get3A_691, %get3A_692] {strides = array<i32>} : memref<80x144xf32, #tpu.memory_space<vmem>>, vector<1x16xf32>,
      %get3A_694 = vector.shape_cast %get3A_693 : vector<1x16xf32> to vector<16xf32>
      %mul3A_695 = arith.mulf %get3A_694, %exp3A_665 : vector<16xf32>
      %swap3A_696 = arith.index_cast %scan3A_651 : i32 to index
      %swap3A_697 = arith.constant 32 : index
      %swap3A_698 = tpu.vector_load %arg19[%swap3A_696, %swap3A_697] {strides = array<i32>} : memref<80x144xf32, #tpu.memory_space<vmem>>, vector<1x16xf32>,
      %swap3A_699 = vector.shape_cast %swap3A_698 : vector<1x16xf32> to vector<16xf32>
      %swap3A_700 = vector.shape_cast %mul3A_695 : vector<16xf32> to vector<1x16xf32>
      tpu.vector_store %arg19[%swap3A_696, %swap3A_697], %swap3A_700 {strides = array<i32>} : memref<80x144xf32, #tpu.memory_space<vmem>>, vector<1x16xf32>,
      %get3A_701 = arith.index_cast %scan3A_651 : i32 to index
      %get3A_702 = arith.constant 48 : index
      %get3A_703 = tpu.vector_load %arg19[%get3A_701, %get3A_702] {strides = array<i32>} : memref<80x144xf32, #tpu.memory_space<vmem>>, vector<1x16xf32>,
      %get3A_704 = vector.shape_cast %get3A_703 : vector<1x16xf32> to vector<16xf32>
      %mul3A_705 = arith.mulf %get3A_704, %exp3A_665 : vector<16xf32>
      %swap3A_706 = arith.index_cast %scan3A_651 : i32 to index
      %swap3A_707 = arith.constant 48 : index
      %swap3A_708 = tpu.vector_load %arg19[%swap3A_706, %swap3A_707] {strides = array<i32>} : memref<80x144xf32, #tpu.memory_space<vmem>>, vector<1x16xf32>,
      %swap3A_709 = vector.shape_cast %swap3A_708 : vector<1x16xf32> to vector<16xf32>
      %swap3A_710 = vector.shape_cast %mul3A_705 : vector<16xf32> to vector<1x16xf32>
      tpu.vector_store %arg19[%swap3A_706, %swap3A_707], %swap3A_710 {strides = array<i32>} : memref<80x144xf32, #tpu.memory_space<vmem>>, vector<1x16xf32>,
      %get3A_711 = arith.index_cast %scan3A_651 : i32 to index
      %get3A_712 = arith.constant 64 : index
      %get3A_713 = tpu.vector_load %arg19[%get3A_711, %get3A_712] {strides = array<i32>} : memref<80x144xf32, #tpu.memory_space<vmem>>, vector<1x16xf32>,
      %get3A_714 = vector.shape_cast %get3A_713 : vector<1x16xf32> to vector<16xf32>
      %mul3A_715 = arith.mulf %get3A_714, %exp3A_665 : vector<16xf32>
      %swap3A_716 = arith.index_cast %scan3A_651 : i32 to index
      %swap3A_717 = arith.constant 64 : index
      %swap3A_718 = tpu.vector_load %arg19[%swap3A_716, %swap3A_717] {strides = array<i32>} : memref<80x144xf32, #tpu.memory_space<vmem>>, vector<1x16xf32>,
      %swap3A_719 = vector.shape_cast %swap3A_718 : vector<1x16xf32> to vector<16xf32>
      %swap3A_720 = vector.shape_cast %mul3A_715 : vector<16xf32> to vector<1x16xf32>
      tpu.vector_store %arg19[%swap3A_716, %swap3A_717], %swap3A_720 {strides = array<i32>} : memref<80x144xf32, #tpu.memory_space<vmem>>, vector<1x16xf32>,
      %get3A_721 = arith.index_cast %scan3A_651 : i32 to index
      %get3A_722 = arith.constant 80 : index
      %get3A_723 = tpu.vector_load %arg19[%get3A_721, %get3A_722] {strides = array<i32>} : memref<80x144xf32, #tpu.memory_space<vmem>>, vector<1x16xf32>,
      %get3A_724 = vector.shape_cast %get3A_723 : vector<1x16xf32> to vector<16xf32>
      %mul3A_725 = arith.mulf %get3A_724, %exp3A_665 : vector<16xf32>
      %swap3A_726 = arith.index_cast %scan3A_651 : i32 to index
      %swap3A_727 = arith.constant 80 : index
      %swap3A_728 = tpu.vector_load %arg19[%swap3A_726, %swap3A_727] {strides = array<i32>} : memref<80x144xf32, #tpu.memory_space<vmem>>, vector<1x16xf32>,
      %swap3A_729 = vector.shape_cast %swap3A_728 : vector<1x16xf32> to vector<16xf32>
      %swap3A_730 = vector.shape_cast %mul3A_725 : vector<16xf32> to vector<1x16xf32>
      tpu.vector_store %arg19[%swap3A_726, %swap3A_727], %swap3A_730 {strides = array<i32>} : memref<80x144xf32, #tpu.memory_space<vmem>>, vector<1x16xf32>,
      %get3A_731 = arith.index_cast %scan3A_651 : i32 to index
      %get3A_732 = arith.constant 96 : index
      %get3A_733 = tpu.vector_load %arg19[%get3A_731, %get3A_732] {strides = array<i32>} : memref<80x144xf32, #tpu.memory_space<vmem>>, vector<1x16xf32>,
      %get3A_734 = vector.shape_cast %get3A_733 : vector<1x16xf32> to vector<16xf32>
      %mul3A_735 = arith.mulf %get3A_734, %exp3A_665 : vector<16xf32>
      %swap3A_736 = arith.index_cast %scan3A_651 : i32 to index
      %swap3A_737 = arith.constant 96 : index
      %swap3A_738 = tpu.vector_load %arg19[%swap3A_736, %swap3A_737] {strides = array<i32>} : memref<80x144xf32, #tpu.memory_space<vmem>>, vector<1x16xf32>,
      %swap3A_739 = vector.shape_cast %swap3A_738 : vector<1x16xf32> to vector<16xf32>
      %swap3A_740 = vector.shape_cast %mul3A_735 : vector<16xf32> to vector<1x16xf32>
      tpu.vector_store %arg19[%swap3A_736, %swap3A_737], %swap3A_740 {strides = array<i32>} : memref<80x144xf32, #tpu.memory_space<vmem>>, vector<1x16xf32>,
      %get3A_741 = arith.index_cast %scan3A_651 : i32 to index
      %get3A_742 = arith.constant 112 : index
      %get3A_743 = tpu.vector_load %arg19[%get3A_741, %get3A_742] {strides = array<i32>} : memref<80x144xf32, #tpu.memory_space<vmem>>, vector<1x16xf32>,
      %get3A_744 = vector.shape_cast %get3A_743 : vector<1x16xf32> to vector<16xf32>
      %mul3A_745 = arith.mulf %get3A_744, %exp3A_665 : vector<16xf32>
      %swap3A_746 = arith.index_cast %scan3A_651 : i32 to index
      %swap3A_747 = arith.constant 112 : index
      %swap3A_748 = tpu.vector_load %arg19[%swap3A_746, %swap3A_747] {strides = array<i32>} : memref<80x144xf32, #tpu.memory_space<vmem>>, vector<1x16xf32>,
      %swap3A_749 = vector.shape_cast %swap3A_748 : vector<1x16xf32> to vector<16xf32>
      %swap3A_750 = vector.shape_cast %mul3A_745 : vector<16xf32> to vector<1x16xf32>
      tpu.vector_store %arg19[%swap3A_746, %swap3A_747], %swap3A_750 {strides = array<i32>} : memref<80x144xf32, #tpu.memory_space<vmem>>, vector<1x16xf32>,
      %scan3A_751 = arith.constant 0 : i32
      %scan3A_752 = arith.constant 2 : i32
      %scan3A_753 = arith.addi %scan3A_550, %scan3A_752 : i32
      %get3A_754 = arith.index_cast %scan3A_753 : i32 to index
      %get3A_755 = arith.constant 128 : index
      %get3A_756 = tpu.vector_load %arg19[%get3A_754, %get3A_755] {strides = array<i32>} : memref<80x144xf32, #tpu.memory_space<vmem>>, vector<1x16xf32>,
      %get3A_757 = vector.shape_cast %get3A_756 : vector<1x16xf32> to vector<16xf32>
      %get3A_758 = arith.index_cast %scan3A_753 : i32 to index
      %get3A_759 = arith.constant 0 : index
      %get3A_760 = tpu.vector_load %arg16[%get3A_758, %get3A_759] {strides = array<i32>} : memref<80x16xf32, #tpu.memory_space<vmem>>, vector<1x16xf32>,
      %get3A_761 = vector.shape_cast %get3A_760 : vector<1x16xf32> to vector<16xf32>
      %add3A_762 = arith.addf %get3A_757, %get3A_761 : vector<16xf32>
      %mul3A_763 = arith.constant 2.000000e-01 : f32
      %mul3A_764 = vector.broadcast %mul3A_763 : f32 to vector<16xf32>
      %mul3A_765 = arith.mulf %mul3A_764, %add3A_762 : vector<16xf32>
      %max3A_766 = arith.maximumf %add3A_762, %mul3A_765 : vector<16xf32>
      %exp3A_767 = math.exp %max3A_766 : vector<16xf32>
      %swap3A_768 = arith.index_cast %scan3A_753 : i32 to index
      %swap3A_769 = arith.constant 128 : index
      %swap3A_770 = tpu.vector_load %arg19[%swap3A_768, %swap3A_769] {strides = array<i32>} : memref<80x144xf32, #tpu.memory_space<vmem>>, vector<1x16xf32>,
      %swap3A_771 = vector.shape_cast %swap3A_770 : vector<1x16xf32> to vector<16xf32>
      %swap3A_772 = vector.shape_cast %exp3A_767 : vector<16xf32> to vector<1x16xf32>
      tpu.vector_store %arg19[%swap3A_768, %swap3A_769], %swap3A_772 {strides = array<i32>} : memref<80x144xf32, #tpu.memory_space<vmem>>, vector<1x16xf32>,
      %get3A_773 = arith.index_cast %scan3A_753 : i32 to index
      %get3A_774 = arith.constant 0 : index
      %get3A_775 = tpu.vector_load %arg19[%get3A_773, %get3A_774] {strides = array<i32>} : memref<80x144xf32, #tpu.memory_space<vmem>>, vector<1x16xf32>,
      %get3A_776 = vector.shape_cast %get3A_775 : vector<1x16xf32> to vector<16xf32>
      %mul3A_777 = arith.mulf %get3A_776, %exp3A_767 : vector<16xf32>
      %swap3A_778 = arith.index_cast %scan3A_753 : i32 to index
      %swap3A_779 = arith.constant 0 : index
      %swap3A_780 = tpu.vector_load %arg19[%swap3A_778, %swap3A_779] {strides = array<i32>} : memref<80x144xf32, #tpu.memory_space<vmem>>, vector<1x16xf32>,
      %swap3A_781 = vector.shape_cast %swap3A_780 : vector<1x16xf32> to vector<16xf32>
      %swap3A_782 = vector.shape_cast %mul3A_777 : vector<16xf32> to vector<1x16xf32>
      tpu.vector_store %arg19[%swap3A_778, %swap3A_779], %swap3A_782 {strides = array<i32>} : memref<80x144xf32, #tpu.memory_space<vmem>>, vector<1x16xf32>,
      %get3A_783 = arith.index_cast %scan3A_753 : i32 to index
      %get3A_784 = arith.constant 16 : index
      %get3A_785 = tpu.vector_load %arg19[%get3A_783, %get3A_784] {strides = array<i32>} : memref<80x144xf32, #tpu.memory_space<vmem>>, vector<1x16xf32>,
      %get3A_786 = vector.shape_cast %get3A_785 : vector<1x16xf32> to vector<16xf32>
      %mul3A_787 = arith.mulf %get3A_786, %exp3A_767 : vector<16xf32>
      %swap3A_788 = arith.index_cast %scan3A_753 : i32 to index
      %swap3A_789 = arith.constant 16 : index
      %swap3A_790 = tpu.vector_load %arg19[%swap3A_788, %swap3A_789] {strides = array<i32>} : memref<80x144xf32, #tpu.memory_space<vmem>>, vector<1x16xf32>,
      %swap3A_791 = vector.shape_cast %swap3A_790 : vector<1x16xf32> to vector<16xf32>
      %swap3A_792 = vector.shape_cast %mul3A_787 : vector<16xf32> to vector<1x16xf32>
      tpu.vector_store %arg19[%swap3A_788, %swap3A_789], %swap3A_792 {strides = array<i32>} : memref<80x144xf32, #tpu.memory_space<vmem>>, vector<1x16xf32>,
      %get3A_793 = arith.index_cast %scan3A_753 : i32 to index
      %get3A_794 = arith.constant 32 : index
      %get3A_795 = tpu.vector_load %arg19[%get3A_793, %get3A_794] {strides = array<i32>} : memref<80x144xf32, #tpu.memory_space<vmem>>, vector<1x16xf32>,
      %get3A_796 = vector.shape_cast %get3A_795 : vector<1x16xf32> to vector<16xf32>
      %mul3A_797 = arith.mulf %get3A_796, %exp3A_767 : vector<16xf32>
      %swap3A_798 = arith.index_cast %scan3A_753 : i32 to index
      %swap3A_799 = arith.constant 32 : index
      %swap3A_800 = tpu.vector_load %arg19[%swap3A_798, %swap3A_799] {strides = array<i32>} : memref<80x144xf32, #tpu.memory_space<vmem>>, vector<1x16xf32>,
      %swap3A_801 = vector.shape_cast %swap3A_800 : vector<1x16xf32> to vector<16xf32>
      %swap3A_802 = vector.shape_cast %mul3A_797 : vector<16xf32> to vector<1x16xf32>
      tpu.vector_store %arg19[%swap3A_798, %swap3A_799], %swap3A_802 {strides = array<i32>} : memref<80x144xf32, #tpu.memory_space<vmem>>, vector<1x16xf32>,
      %get3A_803 = arith.index_cast %scan3A_753 : i32 to index
      %get3A_804 = arith.constant 48 : index
      %get3A_805 = tpu.vector_load %arg19[%get3A_803, %get3A_804] {strides = array<i32>} : memref<80x144xf32, #tpu.memory_space<vmem>>, vector<1x16xf32>,
      %get3A_806 = vector.shape_cast %get3A_805 : vector<1x16xf32> to vector<16xf32>
      %mul3A_807 = arith.mulf %get3A_806, %exp3A_767 : vector<16xf32>
      %swap3A_808 = arith.index_cast %scan3A_753 : i32 to index
      %swap3A_809 = arith.constant 48 : index
      %swap3A_810 = tpu.vector_load %arg19[%swap3A_808, %swap3A_809] {strides = array<i32>} : memref<80x144xf32, #tpu.memory_space<vmem>>, vector<1x16xf32>,
      %swap3A_811 = vector.shape_cast %swap3A_810 : vector<1x16xf32> to vector<16xf32>
      %swap3A_812 = vector.shape_cast %mul3A_807 : vector<16xf32> to vector<1x16xf32>
      tpu.vector_store %arg19[%swap3A_808, %swap3A_809], %swap3A_812 {strides = array<i32>} : memref<80x144xf32, #tpu.memory_space<vmem>>, vector<1x16xf32>,
      %get3A_813 = arith.index_cast %scan3A_753 : i32 to index
      %get3A_814 = arith.constant 64 : index
      %get3A_815 = tpu.vector_load %arg19[%get3A_813, %get3A_814] {strides = array<i32>} : memref<80x144xf32, #tpu.memory_space<vmem>>, vector<1x16xf32>,
      %get3A_816 = vector.shape_cast %get3A_815 : vector<1x16xf32> to vector<16xf32>
      %mul3A_817 = arith.mulf %get3A_816, %exp3A_767 : vector<16xf32>
      %swap3A_818 = arith.index_cast %scan3A_753 : i32 to index
      %swap3A_819 = arith.constant 64 : index
      %swap3A_820 = tpu.vector_load %arg19[%swap3A_818, %swap3A_819] {strides = array<i32>} : memref<80x144xf32, #tpu.memory_space<vmem>>, vector<1x16xf32>,
      %swap3A_821 = vector.shape_cast %swap3A_820 : vector<1x16xf32> to vector<16xf32>
      %swap3A_822 = vector.shape_cast %mul3A_817 : vector<16xf32> to vector<1x16xf32>
      tpu.vector_store %arg19[%swap3A_818, %swap3A_819], %swap3A_822 {strides = array<i32>} : memref<80x144xf32, #tpu.memory_space<vmem>>, vector<1x16xf32>,
      %get3A_823 = arith.index_cast %scan3A_753 : i32 to index
      %get3A_824 = arith.constant 80 : index
      %get3A_825 = tpu.vector_load %arg19[%get3A_823, %get3A_824] {strides = array<i32>} : memref<80x144xf32, #tpu.memory_space<vmem>>, vector<1x16xf32>,
      %get3A_826 = vector.shape_cast %get3A_825 : vector<1x16xf32> to vector<16xf32>
      %mul3A_827 = arith.mulf %get3A_826, %exp3A_767 : vector<16xf32>
      %swap3A_828 = arith.index_cast %scan3A_753 : i32 to index
      %swap3A_829 = arith.constant 80 : index
      %swap3A_830 = tpu.vector_load %arg19[%swap3A_828, %swap3A_829] {strides = array<i32>} : memref<80x144xf32, #tpu.memory_space<vmem>>, vector<1x16xf32>,
      %swap3A_831 = vector.shape_cast %swap3A_830 : vector<1x16xf32> to vector<16xf32>
      %swap3A_832 = vector.shape_cast %mul3A_827 : vector<16xf32> to vector<1x16xf32>
      tpu.vector_store %arg19[%swap3A_828, %swap3A_829], %swap3A_832 {strides = array<i32>} : memref<80x144xf32, #tpu.memory_space<vmem>>, vector<1x16xf32>,
      %get3A_833 = arith.index_cast %scan3A_753 : i32 to index
      %get3A_834 = arith.constant 96 : index
      %get3A_835 = tpu.vector_load %arg19[%get3A_833, %get3A_834] {strides = array<i32>} : memref<80x144xf32, #tpu.memory_space<vmem>>, vector<1x16xf32>,
      %get3A_836 = vector.shape_cast %get3A_835 : vector<1x16xf32> to vector<16xf32>
      %mul3A_837 = arith.mulf %get3A_836, %exp3A_767 : vector<16xf32>
      %swap3A_838 = arith.index_cast %scan3A_753 : i32 to index
      %swap3A_839 = arith.constant 96 : index
      %swap3A_840 = tpu.vector_load %arg19[%swap3A_838, %swap3A_839] {strides = array<i32>} : memref<80x144xf32, #tpu.memory_space<vmem>>, vector<1x16xf32>,
      %swap3A_841 = vector.shape_cast %swap3A_840 : vector<1x16xf32> to vector<16xf32>
      %swap3A_842 = vector.shape_cast %mul3A_837 : vector<16xf32> to vector<1x16xf32>
      tpu.vector_store %arg19[%swap3A_838, %swap3A_839], %swap3A_842 {strides = array<i32>} : memref<80x144xf32, #tpu.memory_space<vmem>>, vector<1x16xf32>,
      %get3A_843 = arith.index_cast %scan3A_753 : i32 to index
      %get3A_844 = arith.constant 112 : index
      %get3A_845 = tpu.vector_load %arg19[%get3A_843, %get3A_844] {strides = array<i32>} : memref<80x144xf32, #tpu.memory_space<vmem>>, vector<1x16xf32>,
      %get3A_846 = vector.shape_cast %get3A_845 : vector<1x16xf32> to vector<16xf32>
      %mul3A_847 = arith.mulf %get3A_846, %exp3A_767 : vector<16xf32>
      %swap3A_848 = arith.index_cast %scan3A_753 : i32 to index
      %swap3A_849 = arith.constant 112 : index
      %swap3A_850 = tpu.vector_load %arg19[%swap3A_848, %swap3A_849] {strides = array<i32>} : memref<80x144xf32, #tpu.memory_space<vmem>>, vector<1x16xf32>,
      %swap3A_851 = vector.shape_cast %swap3A_850 : vector<1x16xf32> to vector<16xf32>
      %swap3A_852 = vector.shape_cast %mul3A_847 : vector<16xf32> to vector<1x16xf32>
      tpu.vector_store %arg19[%swap3A_848, %swap3A_849], %swap3A_852 {strides = array<i32>} : memref<80x144xf32, #tpu.memory_space<vmem>>, vector<1x16xf32>,
      %scan3A_853 = arith.constant 0 : i32
      %scan3A_854 = arith.constant 3 : i32
      %scan3A_855 = arith.addi %scan3A_550, %scan3A_854 : i32
      %get3A_856 = arith.index_cast %scan3A_855 : i32 to index
      %get3A_857 = arith.constant 128 : index
      %get3A_858 = tpu.vector_load %arg19[%get3A_856, %get3A_857] {strides = array<i32>} : memref<80x144xf32, #tpu.memory_space<vmem>>, vector<1x16xf32>,
      %get3A_859 = vector.shape_cast %get3A_858 : vector<1x16xf32> to vector<16xf32>
      %get3A_860 = arith.index_cast %scan3A_855 : i32 to index
      %get3A_861 = arith.constant 0 : index
      %get3A_862 = tpu.vector_load %arg16[%get3A_860, %get3A_861] {strides = array<i32>} : memref<80x16xf32, #tpu.memory_space<vmem>>, vector<1x16xf32>,
      %get3A_863 = vector.shape_cast %get3A_862 : vector<1x16xf32> to vector<16xf32>
      %add3A_864 = arith.addf %get3A_859, %get3A_863 : vector<16xf32>
      %mul3A_865 = arith.constant 2.000000e-01 : f32
      %mul3A_866 = vector.broadcast %mul3A_865 : f32 to vector<16xf32>
      %mul3A_867 = arith.mulf %mul3A_866, %add3A_864 : vector<16xf32>
      %max3A_868 = arith.maximumf %add3A_864, %mul3A_867 : vector<16xf32>
      %exp3A_869 = math.exp %max3A_868 : vector<16xf32>
      %swap3A_870 = arith.index_cast %scan3A_855 : i32 to index
      %swap3A_871 = arith.constant 128 : index
      %swap3A_872 = tpu.vector_load %arg19[%swap3A_870, %swap3A_871] {strides = array<i32>} : memref<80x144xf32, #tpu.memory_space<vmem>>, vector<1x16xf32>,
      %swap3A_873 = vector.shape_cast %swap3A_872 : vector<1x16xf32> to vector<16xf32>
      %swap3A_874 = vector.shape_cast %exp3A_869 : vector<16xf32> to vector<1x16xf32>
      tpu.vector_store %arg19[%swap3A_870, %swap3A_871], %swap3A_874 {strides = array<i32>} : memref<80x144xf32, #tpu.memory_space<vmem>>, vector<1x16xf32>,
      %get3A_875 = arith.index_cast %scan3A_855 : i32 to index
      %get3A_876 = arith.constant 0 : index
      %get3A_877 = tpu.vector_load %arg19[%get3A_875, %get3A_876] {strides = array<i32>} : memref<80x144xf32, #tpu.memory_space<vmem>>, vector<1x16xf32>,
      %get3A_878 = vector.shape_cast %get3A_877 : vector<1x16xf32> to vector<16xf32>
      %mul3A_879 = arith.mulf %get3A_878, %exp3A_869 : vector<16xf32>
      %swap3A_880 = arith.index_cast %scan3A_855 : i32 to index
      %swap3A_881 = arith.constant 0 : index
      %swap3A_882 = tpu.vector_load %arg19[%swap3A_880, %swap3A_881] {strides = array<i32>} : memref<80x144xf32, #tpu.memory_space<vmem>>, vector<1x16xf32>,
      %swap3A_883 = vector.shape_cast %swap3A_882 : vector<1x16xf32> to vector<16xf32>
      %swap3A_884 = vector.shape_cast %mul3A_879 : vector<16xf32> to vector<1x16xf32>
      tpu.vector_store %arg19[%swap3A_880, %swap3A_881], %swap3A_884 {strides = array<i32>} : memref<80x144xf32, #tpu.memory_space<vmem>>, vector<1x16xf32>,
      %get3A_885 = arith.index_cast %scan3A_855 : i32 to index
      %get3A_886 = arith.constant 16 : index
      %get3A_887 = tpu.vector_load %arg19[%get3A_885, %get3A_886] {strides = array<i32>} : memref<80x144xf32, #tpu.memory_space<vmem>>, vector<1x16xf32>,
      %get3A_888 = vector.shape_cast %get3A_887 : vector<1x16xf32> to vector<16xf32>
      %mul3A_889 = arith.mulf %get3A_888, %exp3A_869 : vector<16xf32>
      %swap3A_890 = arith.index_cast %scan3A_855 : i32 to index
      %swap3A_891 = arith.constant 16 : index
      %swap3A_892 = tpu.vector_load %arg19[%swap3A_890, %swap3A_891] {strides = array<i32>} : memref<80x144xf32, #tpu.memory_space<vmem>>, vector<1x16xf32>,
      %swap3A_893 = vector.shape_cast %swap3A_892 : vector<1x16xf32> to vector<16xf32>
      %swap3A_894 = vector.shape_cast %mul3A_889 : vector<16xf32> to vector<1x16xf32>
      tpu.vector_store %arg19[%swap3A_890, %swap3A_891], %swap3A_894 {strides = array<i32>} : memref<80x144xf32, #tpu.memory_space<vmem>>, vector<1x16xf32>,
      %get3A_895 = arith.index_cast %scan3A_855 : i32 to index
      %get3A_896 = arith.constant 32 : index
      %get3A_897 = tpu.vector_load %arg19[%get3A_895, %get3A_896] {strides = array<i32>} : memref<80x144xf32, #tpu.memory_space<vmem>>, vector<1x16xf32>,
      %get3A_898 = vector.shape_cast %get3A_897 : vector<1x16xf32> to vector<16xf32>
      %mul3A_899 = arith.mulf %get3A_898, %exp3A_869 : vector<16xf32>
      %swap3A_900 = arith.index_cast %scan3A_855 : i32 to index
      %swap3A_901 = arith.constant 32 : index
      %swap3A_902 = tpu.vector_load %arg19[%swap3A_900, %swap3A_901] {strides = array<i32>} : memref<80x144xf32, #tpu.memory_space<vmem>>, vector<1x16xf32>,
      %swap3A_903 = vector.shape_cast %swap3A_902 : vector<1x16xf32> to vector<16xf32>
      %swap3A_904 = vector.shape_cast %mul3A_899 : vector<16xf32> to vector<1x16xf32>
      tpu.vector_store %arg19[%swap3A_900, %swap3A_901], %swap3A_904 {strides = array<i32>} : memref<80x144xf32, #tpu.memory_space<vmem>>, vector<1x16xf32>,
      %get3A_905 = arith.index_cast %scan3A_855 : i32 to index
      %get3A_906 = arith.constant 48 : index
      %get3A_907 = tpu.vector_load %arg19[%get3A_905, %get3A_906] {strides = array<i32>} : memref<80x144xf32, #tpu.memory_space<vmem>>, vector<1x16xf32>,
      %get3A_908 = vector.shape_cast %get3A_907 : vector<1x16xf32> to vector<16xf32>
      %mul3A_909 = arith.mulf %get3A_908, %exp3A_869 : vector<16xf32>
      %swap3A_910 = arith.index_cast %scan3A_855 : i32 to index
      %swap3A_911 = arith.constant 48 : index
      %swap3A_912 = tpu.vector_load %arg19[%swap3A_910, %swap3A_911] {strides = array<i32>} : memref<80x144xf32, #tpu.memory_space<vmem>>, vector<1x16xf32>,
      %swap3A_913 = vector.shape_cast %swap3A_912 : vector<1x16xf32> to vector<16xf32>
      %swap3A_914 = vector.shape_cast %mul3A_909 : vector<16xf32> to vector<1x16xf32>
      tpu.vector_store %arg19[%swap3A_910, %swap3A_911], %swap3A_914 {strides = array<i32>} : memref<80x144xf32, #tpu.memory_space<vmem>>, vector<1x16xf32>,
      %get3A_915 = arith.index_cast %scan3A_855 : i32 to index
      %get3A_916 = arith.constant 64 : index
      %get3A_917 = tpu.vector_load %arg19[%get3A_915, %get3A_916] {strides = array<i32>} : memref<80x144xf32, #tpu.memory_space<vmem>>, vector<1x16xf32>,
      %get3A_918 = vector.shape_cast %get3A_917 : vector<1x16xf32> to vector<16xf32>
      %mul3A_919 = arith.mulf %get3A_918, %exp3A_869 : vector<16xf32>
      %swap3A_920 = arith.index_cast %scan3A_855 : i32 to index
      %swap3A_921 = arith.constant 64 : index
      %swap3A_922 = tpu.vector_load %arg19[%swap3A_920, %swap3A_921] {strides = array<i32>} : memref<80x144xf32, #tpu.memory_space<vmem>>, vector<1x16xf32>,
      %swap3A_923 = vector.shape_cast %swap3A_922 : vector<1x16xf32> to vector<16xf32>
      %swap3A_924 = vector.shape_cast %mul3A_919 : vector<16xf32> to vector<1x16xf32>
      tpu.vector_store %arg19[%swap3A_920, %swap3A_921], %swap3A_924 {strides = array<i32>} : memref<80x144xf32, #tpu.memory_space<vmem>>, vector<1x16xf32>,
      %get3A_925 = arith.index_cast %scan3A_855 : i32 to index
      %get3A_926 = arith.constant 80 : index
      %get3A_927 = tpu.vector_load %arg19[%get3A_925, %get3A_926] {strides = array<i32>} : memref<80x144xf32, #tpu.memory_space<vmem>>, vector<1x16xf32>,
      %get3A_928 = vector.shape_cast %get3A_927 : vector<1x16xf32> to vector<16xf32>
      %mul3A_929 = arith.mulf %get3A_928, %exp3A_869 : vector<16xf32>
      %swap3A_930 = arith.index_cast %scan3A_855 : i32 to index
      %swap3A_931 = arith.constant 80 : index
      %swap3A_932 = tpu.vector_load %arg19[%swap3A_930, %swap3A_931] {strides = array<i32>} : memref<80x144xf32, #tpu.memory_space<vmem>>, vector<1x16xf32>,
      %swap3A_933 = vector.shape_cast %swap3A_932 : vector<1x16xf32> to vector<16xf32>
      %swap3A_934 = vector.shape_cast %mul3A_929 : vector<16xf32> to vector<1x16xf32>
      tpu.vector_store %arg19[%swap3A_930, %swap3A_931], %swap3A_934 {strides = array<i32>} : memref<80x144xf32, #tpu.memory_space<vmem>>, vector<1x16xf32>,
      %get3A_935 = arith.index_cast %scan3A_855 : i32 to index
      %get3A_936 = arith.constant 96 : index
      %get3A_937 = tpu.vector_load %arg19[%get3A_935, %get3A_936] {strides = array<i32>} : memref<80x144xf32, #tpu.memory_space<vmem>>, vector<1x16xf32>,
      %get3A_938 = vector.shape_cast %get3A_937 : vector<1x16xf32> to vector<16xf32>
      %mul3A_939 = arith.mulf %get3A_938, %exp3A_869 : vector<16xf32>
      %swap3A_940 = arith.index_cast %scan3A_855 : i32 to index
      %swap3A_941 = arith.constant 96 : index
      %swap3A_942 = tpu.vector_load %arg19[%swap3A_940, %swap3A_941] {strides = array<i32>} : memref<80x144xf32, #tpu.memory_space<vmem>>, vector<1x16xf32>,
      %swap3A_943 = vector.shape_cast %swap3A_942 : vector<1x16xf32> to vector<16xf32>
      %swap3A_944 = vector.shape_cast %mul3A_939 : vector<16xf32> to vector<1x16xf32>
      tpu.vector_store %arg19[%swap3A_940, %swap3A_941], %swap3A_944 {strides = array<i32>} : memref<80x144xf32, #tpu.memory_space<vmem>>, vector<1x16xf32>,
      %get3A_945 = arith.index_cast %scan3A_855 : i32 to index
      %get3A_946 = arith.constant 112 : index
      %get3A_947 = tpu.vector_load %arg19[%get3A_945, %get3A_946] {strides = array<i32>} : memref<80x144xf32, #tpu.memory_space<vmem>>, vector<1x16xf32>,
      %get3A_948 = vector.shape_cast %get3A_947 : vector<1x16xf32> to vector<16xf32>
      %mul3A_949 = arith.mulf %get3A_948, %exp3A_869 : vector<16xf32>
      %swap3A_950 = arith.index_cast %scan3A_855 : i32 to index
      %swap3A_951 = arith.constant 112 : index
      %swap3A_952 = tpu.vector_load %arg19[%swap3A_950, %swap3A_951] {strides = array<i32>} : memref<80x144xf32, #tpu.memory_space<vmem>>, vector<1x16xf32>,
      %swap3A_953 = vector.shape_cast %swap3A_952 : vector<1x16xf32> to vector<16xf32>
      %swap3A_954 = vector.shape_cast %mul3A_949 : vector<16xf32> to vector<1x16xf32>
      tpu.vector_store %arg19[%swap3A_950, %swap3A_951], %swap3A_954 {strides = array<i32>} : memref<80x144xf32, #tpu.memory_space<vmem>>, vector<1x16xf32>,
      %scan3A_955 = arith.constant 0 : i32
      scf.yield %scan3A_955 : i32
    }
    %scan3A_520 = arith.constant 80 : i32
    %dma_wait3A_521 = arith.constant 0 : i32
    %dma_wait3A_522 = arith.constant 0 : i32
    %dma_wait3A_523 = tpu.memref_slice %arg21[%dma_wait3A_521, %dma_wait3A_522] : memref<10016x144xf32, #tpu.memory_space<vmem_shared>> -> memref<10016x144xf32, #tpu.memory_space<vmem_shared>>
    tpu.wait_indirect_dma semaphore(%arg34 : memref<!tpu.dma_semaphore, #tpu.memory_space<semaphore_mem>>) src(%arg18 : memref<80x144xf32, #tpu.memory_space<vmem>>) dst(%dma_wait3A_523 : memref<10016x144xf32, #tpu.memory_space<vmem_shared>>)
    %dma_start3A_524 = arith.constant 0 : i32
    %dma_start3A_525 = arith.constant 0 : i32
    %dma_start3A_526 = tpu.memref_slice %arg21[%dma_start3A_524, %dma_start3A_525] : memref<10016x144xf32, #tpu.memory_space<vmem_shared>> -> memref<10016x144xf32, #tpu.memory_space<vmem_shared>>
    tpu.enqueue_indirect_dma source(%arg19 : memref<80x144xf32, #tpu.memory_space<vmem>>) target(%dma_start3A_526 : memref<10016x144xf32, #tpu.memory_space<vmem_shared>>) offsets(%arg13 : memref<80xi32, #tpu.memory_space<vmem>>) semaphore(%arg35 : memref<!tpu.dma_semaphore, #tpu.memory_space<semaphore_mem>>) {add = true}
    %dma_wait3A_527 = arith.constant 0 : i32
    %dma_wait3A_528 = arith.constant 0 : i32
    %dma_wait3A_529 = tpu.memref_slice %arg2[%dma_wait3A_527, %dma_wait3A_528] : memref<10016x144xf32, #tpu.memory_space<hbm>> -> memref<10016x144xf32, #tpu.memory_space<hbm>>
    tpu.wait_indirect_dma semaphore(%arg33 : memref<!tpu.dma_semaphore, #tpu.memory_space<semaphore_mem>>) src(%dma_wait3A_529 : memref<10016x144xf32, #tpu.memory_space<hbm>>) dst(%arg20 : memref<80x144xf32, #tpu.memory_space<vmem>>)
    %dma_wait3A_530 = arith.constant 0 : i32
    %dma_wait3A_531 = arith.constant 0 : i32
    %dma_wait3A_532 = tpu.memref_slice %arg3[%dma_wait3A_530, %dma_wait3A_531] : memref<10016x16xf32, #tpu.memory_space<hbm>> -> memref<10016x16xf32, #tpu.memory_space<hbm>>
    tpu.wait_indirect_dma semaphore(%arg30 : memref<!tpu.dma_semaphore, #tpu.memory_space<semaphore_mem>>) src(%dma_wait3A_532 : memref<10016x16xf32, #tpu.memory_space<hbm>>) dst(%arg17 : memref<80x16xf32, #tpu.memory_space<vmem>>)
    %scan3A_533 = arith.constant 0 : i32
    %scan3A_534 = arith.constant 0 : i32
    %scan3A_535 = arith.constant 80 : i32
    %scan3A_536 = arith.addi %scan3A_534, %scan3A_535 : i32
    %scan3A_537 = arith.constant 4 : i32
    %scan3A_538 = scf.for %scan3A_550 = %scan3A_534 to %scan3A_536 step %scan3A_537 iter_args(%scan3A_551 = %scan3A_533) -> (i32)  : i32 {
      %get3A_552 = arith.index_cast %scan3A_550 : i32 to index
      %get3A_553 = arith.constant 128 : index
      %get3A_554 = tpu.vector_load %arg20[%get3A_552, %get3A_553] {strides = array<i32>} : memref<80x144xf32, #tpu.memory_space<vmem>>, vector<1x16xf32>,
      %get3A_555 = vector.shape_cast %get3A_554 : vector<1x16xf32> to vector<16xf32>
      %get3A_556 = arith.index_cast %scan3A_550 : i32 to index
      %get3A_557 = arith.constant 0 : index
      %get3A_558 = tpu.vector_load %arg17[%get3A_556, %get3A_557] {strides = array<i32>} : memref<80x16xf32, #tpu.memory_space<vmem>>, vector<1x16xf32>,
      %get3A_559 = vector.shape_cast %get3A_558 : vector<1x16xf32> to vector<16xf32>
      %add3A_560 = arith.addf %get3A_555, %get3A_559 : vector<16xf32>
      %mul3A_561 = arith.constant 2.000000e-01 : f32
      %mul3A_562 = vector.broadcast %mul3A_561 : f32 to vector<16xf32>
      %mul3A_563 = arith.mulf %mul3A_562, %add3A_560 : vector<16xf32>
      %max3A = arith.maximumf %add3A_560, %mul3A_563 : vector<16xf32>
      %exp3A = math.exp %max3A : vector<16xf32>
      %swap3A_564 = arith.index_cast %scan3A_550 : i32 to index
      %swap3A_565 = arith.constant 128 : index
      %swap3A_566 = tpu.vector_load %arg20[%swap3A_564, %swap3A_565] {strides = array<i32>} : memref<80x144xf32, #tpu.memory_space<vmem>>, vector<1x16xf32>,
      %swap3A_567 = vector.shape_cast %swap3A_566 : vector<1x16xf32> to vector<16xf32>
      %swap3A_568 = vector.shape_cast %exp3A : vector<16xf32> to vector<1x16xf32>
      tpu.vector_store %arg20[%swap3A_564, %swap3A_565], %swap3A_568 {strides = array<i32>} : memref<80x144xf32, #tpu.memory_space<vmem>>, vector<1x16xf32>,
      %get3A_569 = arith.index_cast %scan3A_550 : i32 to index
      %get3A_570 = arith.constant 0 : index
      %get3A_571 = tpu.vector_load %arg20[%get3A_569, %get3A_570] {strides = array<i32>} : memref<80x144xf32, #tpu.memory_space<vmem>>, vector<1x16xf32>,
      %get3A_572 = vector.shape_cast %get3A_571 : vector<1x16xf32> to vector<16xf32>
      %mul3A_573 = arith.mulf %get3A_572, %exp3A : vector<16xf32>
      %swap3A_574 = arith.index_cast %scan3A_550 : i32 to index
      %swap3A_575 = arith.constant 0 : index
      %swap3A_576 = tpu.vector_load %arg20[%swap3A_574, %swap3A_575] {strides = array<i32>} : memref<80x144xf32, #tpu.memory_space<vmem>>, vector<1x16xf32>,
      %swap3A_577 = vector.shape_cast %swap3A_576 : vector<1x16xf32> to vector<16xf32>
      %swap3A_578 = vector.shape_cast %mul3A_573 : vector<16xf32> to vector<1x16xf32>
      tpu.vector_store %arg20[%swap3A_574, %swap3A_575], %swap3A_578 {strides = array<i32>} : memref<80x144xf32, #tpu.memory_space<vmem>>, vector<1x16xf32>,
      %get3A_579 = arith.index_cast %scan3A_550 : i32 to index
      %get3A_580 = arith.constant 16 : index
      %get3A_581 = tpu.vector_load %arg20[%get3A_579, %get3A_580] {strides = array<i32>} : memref<80x144xf32, #tpu.memory_space<vmem>>, vector<1x16xf32>,
      %get3A_582 = vector.shape_cast %get3A_581 : vector<1x16xf32> to vector<16xf32>
      %mul3A_583 = arith.mulf %get3A_582, %exp3A : vector<16xf32>
      %swap3A_584 = arith.index_cast %scan3A_550 : i32 to index
      %swap3A_585 = arith.constant 16 : index
      %swap3A_586 = tpu.vector_load %arg20[%swap3A_584, %swap3A_585] {strides = array<i32>} : memref<80x144xf32, #tpu.memory_space<vmem>>, vector<1x16xf32>,
      %swap3A_587 = vector.shape_cast %swap3A_586 : vector<1x16xf32> to vector<16xf32>
      %swap3A_588 = vector.shape_cast %mul3A_583 : vector<16xf32> to vector<1x16xf32>
      tpu.vector_store %arg20[%swap3A_584, %swap3A_585], %swap3A_588 {strides = array<i32>} : memref<80x144xf32, #tpu.memory_space<vmem>>, vector<1x16xf32>,
      %get3A_589 = arith.index_cast %scan3A_550 : i32 to index
      %get3A_590 = arith.constant 32 : index
      %get3A_591 = tpu.vector_load %arg20[%get3A_589, %get3A_590] {strides = array<i32>} : memref<80x144xf32, #tpu.memory_space<vmem>>, vector<1x16xf32>,
      %get3A_592 = vector.shape_cast %get3A_591 : vector<1x16xf32> to vector<16xf32>
      %mul3A_593 = arith.mulf %get3A_592, %exp3A : vector<16xf32>
      %swap3A_594 = arith.index_cast %scan3A_550 : i32 to index
      %swap3A_595 = arith.constant 32 : index
      %swap3A_596 = tpu.vector_load %arg20[%swap3A_594, %swap3A_595] {strides = array<i32>} : memref<80x144xf32, #tpu.memory_space<vmem>>, vector<1x16xf32>,
      %swap3A_597 = vector.shape_cast %swap3A_596 : vector<1x16xf32> to vector<16xf32>
      %swap3A_598 = vector.shape_cast %mul3A_593 : vector<16xf32> to vector<1x16xf32>
      tpu.vector_store %arg20[%swap3A_594, %swap3A_595], %swap3A_598 {strides = array<i32>} : memref<80x144xf32, #tpu.memory_space<vmem>>, vector<1x16xf32>,
      %get3A_599 = arith.index_cast %scan3A_550 : i32 to index
      %get3A_600 = arith.constant 48 : index
      %get3A_601 = tpu.vector_load %arg20[%get3A_599, %get3A_600] {strides = array<i32>} : memref<80x144xf32, #tpu.memory_space<vmem>>, vector<1x16xf32>,
      %get3A_602 = vector.shape_cast %get3A_601 : vector<1x16xf32> to vector<16xf32>
      %mul3A_603 = arith.mulf %get3A_602, %exp3A : vector<16xf32>
      %swap3A_604 = arith.index_cast %scan3A_550 : i32 to index
      %swap3A_605 = arith.constant 48 : index
      %swap3A_606 = tpu.vector_load %arg20[%swap3A_604, %swap3A_605] {strides = array<i32>} : memref<80x144xf32, #tpu.memory_space<vmem>>, vector<1x16xf32>,
      %swap3A_607 = vector.shape_cast %swap3A_606 : vector<1x16xf32> to vector<16xf32>
      %swap3A_608 = vector.shape_cast %mul3A_603 : vector<16xf32> to vector<1x16xf32>
      tpu.vector_store %arg20[%swap3A_604, %swap3A_605], %swap3A_608 {strides = array<i32>} : memref<80x144xf32, #tpu.memory_space<vmem>>, vector<1x16xf32>,
      %get3A_609 = arith.index_cast %scan3A_550 : i32 to index
      %get3A_610 = arith.constant 64 : index
      %get3A_611 = tpu.vector_load %arg20[%get3A_609, %get3A_610] {strides = array<i32>} : memref<80x144xf32, #tpu.memory_space<vmem>>, vector<1x16xf32>,
      %get3A_612 = vector.shape_cast %get3A_611 : vector<1x16xf32> to vector<16xf32>
      %mul3A_613 = arith.mulf %get3A_612, %exp3A : vector<16xf32>
      %swap3A_614 = arith.index_cast %scan3A_550 : i32 to index
      %swap3A_615 = arith.constant 64 : index
      %swap3A_616 = tpu.vector_load %arg20[%swap3A_614, %swap3A_615] {strides = array<i32>} : memref<80x144xf32, #tpu.memory_space<vmem>>, vector<1x16xf32>,
      %swap3A_617 = vector.shape_cast %swap3A_616 : vector<1x16xf32> to vector<16xf32>
      %swap3A_618 = vector.shape_cast %mul3A_613 : vector<16xf32> to vector<1x16xf32>
      tpu.vector_store %arg20[%swap3A_614, %swap3A_615], %swap3A_618 {strides = array<i32>} : memref<80x144xf32, #tpu.memory_space<vmem>>, vector<1x16xf32>,
      %get3A_619 = arith.index_cast %scan3A_550 : i32 to index
      %get3A_620 = arith.constant 80 : index
      %get3A_621 = tpu.vector_load %arg20[%get3A_619, %get3A_620] {strides = array<i32>} : memref<80x144xf32, #tpu.memory_space<vmem>>, vector<1x16xf32>,
      %get3A_622 = vector.shape_cast %get3A_621 : vector<1x16xf32> to vector<16xf32>
      %mul3A_623 = arith.mulf %get3A_622, %exp3A : vector<16xf32>
      %swap3A_624 = arith.index_cast %scan3A_550 : i32 to index
      %swap3A_625 = arith.constant 80 : index
      %swap3A_626 = tpu.vector_load %arg20[%swap3A_624, %swap3A_625] {strides = array<i32>} : memref<80x144xf32, #tpu.memory_space<vmem>>, vector<1x16xf32>,
      %swap3A_627 = vector.shape_cast %swap3A_626 : vector<1x16xf32> to vector<16xf32>
      %swap3A_628 = vector.shape_cast %mul3A_623 : vector<16xf32> to vector<1x16xf32>
      tpu.vector_store %arg20[%swap3A_624, %swap3A_625], %swap3A_628 {strides = array<i32>} : memref<80x144xf32, #tpu.memory_space<vmem>>, vector<1x16xf32>,
      %get3A_629 = arith.index_cast %scan3A_550 : i32 to index
      %get3A_630 = arith.constant 96 : index
      %get3A_631 = tpu.vector_load %arg20[%get3A_629, %get3A_630] {strides = array<i32>} : memref<80x144xf32, #tpu.memory_space<vmem>>, vector<1x16xf32>,
      %get3A_632 = vector.shape_cast %get3A_631 : vector<1x16xf32> to vector<16xf32>
      %mul3A_633 = arith.mulf %get3A_632, %exp3A : vector<16xf32>
      %swap3A_634 = arith.index_cast %scan3A_550 : i32 to index
      %swap3A_635 = arith.constant 96 : index
      %swap3A_636 = tpu.vector_load %arg20[%swap3A_634, %swap3A_635] {strides = array<i32>} : memref<80x144xf32, #tpu.memory_space<vmem>>, vector<1x16xf32>,
      %swap3A_637 = vector.shape_cast %swap3A_636 : vector<1x16xf32> to vector<16xf32>
      %swap3A_638 = vector.shape_cast %mul3A_633 : vector<16xf32> to vector<1x16xf32>
      tpu.vector_store %arg20[%swap3A_634, %swap3A_635], %swap3A_638 {strides = array<i32>} : memref<80x144xf32, #tpu.memory_space<vmem>>, vector<1x16xf32>,
      %get3A_639 = arith.index_cast %scan3A_550 : i32 to index
      %get3A_640 = arith.constant 112 : index
      %get3A_641 = tpu.vector_load %arg20[%get3A_639, %get3A_640] {strides = array<i32>} : memref<80x144xf32, #tpu.memory_space<vmem>>, vector<1x16xf32>,
      %get3A_642 = vector.shape_cast %get3A_641 : vector<1x16xf32> to vector<16xf32>
      %mul3A_643 = arith.mulf %get3A_642, %exp3A : vector<16xf32>
      %swap3A_644 = arith.index_cast %scan3A_550 : i32 to index
      %swap3A_645 = arith.constant 112 : index
      %swap3A_646 = tpu.vector_load %arg20[%swap3A_644, %swap3A_645] {strides = array<i32>} : memref<80x144xf32, #tpu.memory_space<vmem>>, vector<1x16xf32>,
      %swap3A_647 = vector.shape_cast %swap3A_646 : vector<1x16xf32> to vector<16xf32>
      %swap3A_648 = vector.shape_cast %mul3A_643 : vector<16xf32> to vector<1x16xf32>
      tpu.vector_store %arg20[%swap3A_644, %swap3A_645], %swap3A_648 {strides = array<i32>} : memref<80x144xf32, #tpu.memory_space<vmem>>, vector<1x16xf32>,
      %scan3A_649 = arith.constant 0 : i32
      %scan3A_650 = arith.constant 1 : i32
      %scan3A_651 = arith.addi %scan3A_550, %scan3A_650 : i32
      %get3A_652 = arith.index_cast %scan3A_651 : i32 to index
      %get3A_653 = arith.constant 128 : index
      %get3A_654 = tpu.vector_load %arg20[%get3A_652, %get3A_653] {strides = array<i32>} : memref<80x144xf32, #tpu.memory_space<vmem>>, vector<1x16xf32>,
      %get3A_655 = vector.shape_cast %get3A_654 : vector<1x16xf32> to vector<16xf32>
      %get3A_656 = arith.index_cast %scan3A_651 : i32 to index
      %get3A_657 = arith.constant 0 : index
      %get3A_658 = tpu.vector_load %arg17[%get3A_656, %get3A_657] {strides = array<i32>} : memref<80x16xf32, #tpu.memory_space<vmem>>, vector<1x16xf32>,
      %get3A_659 = vector.shape_cast %get3A_658 : vector<1x16xf32> to vector<16xf32>
      %add3A_660 = arith.addf %get3A_655, %get3A_659 : vector<16xf32>
      %mul3A_661 = arith.constant 2.000000e-01 : f32
      %mul3A_662 = vector.broadcast %mul3A_661 : f32 to vector<16xf32>
      %mul3A_663 = arith.mulf %mul3A_662, %add3A_660 : vector<16xf32>
      %max3A_664 = arith.maximumf %add3A_660, %mul3A_663 : vector<16xf32>
      %exp3A_665 = math.exp %max3A_664 : vector<16xf32>
      %swap3A_666 = arith.index_cast %scan3A_651 : i32 to index
      %swap3A_667 = arith.constant 128 : index
      %swap3A_668 = tpu.vector_load %arg20[%swap3A_666, %swap3A_667] {strides = array<i32>} : memref<80x144xf32, #tpu.memory_space<vmem>>, vector<1x16xf32>,
      %swap3A_669 = vector.shape_cast %swap3A_668 : vector<1x16xf32> to vector<16xf32>
      %swap3A_670 = vector.shape_cast %exp3A_665 : vector<16xf32> to vector<1x16xf32>
      tpu.vector_store %arg20[%swap3A_666, %swap3A_667], %swap3A_670 {strides = array<i32>} : memref<80x144xf32, #tpu.memory_space<vmem>>, vector<1x16xf32>,
      %get3A_671 = arith.index_cast %scan3A_651 : i32 to index
      %get3A_672 = arith.constant 0 : index
      %get3A_673 = tpu.vector_load %arg20[%get3A_671, %get3A_672] {strides = array<i32>} : memref<80x144xf32, #tpu.memory_space<vmem>>, vector<1x16xf32>,
      %get3A_674 = vector.shape_cast %get3A_673 : vector<1x16xf32> to vector<16xf32>
      %mul3A_675 = arith.mulf %get3A_674, %exp3A_665 : vector<16xf32>
      %swap3A_676 = arith.index_cast %scan3A_651 : i32 to index
      %swap3A_677 = arith.constant 0 : index
      %swap3A_678 = tpu.vector_load %arg20[%swap3A_676, %swap3A_677] {strides = array<i32>} : memref<80x144xf32, #tpu.memory_space<vmem>>, vector<1x16xf32>,
      %swap3A_679 = vector.shape_cast %swap3A_678 : vector<1x16xf32> to vector<16xf32>
      %swap3A_680 = vector.shape_cast %mul3A_675 : vector<16xf32> to vector<1x16xf32>
      tpu.vector_store %arg20[%swap3A_676, %swap3A_677], %swap3A_680 {strides = array<i32>} : memref<80x144xf32, #tpu.memory_space<vmem>>, vector<1x16xf32>,
      %get3A_681 = arith.index_cast %scan3A_651 : i32 to index
      %get3A_682 = arith.constant 16 : index
      %get3A_683 = tpu.vector_load %arg20[%get3A_681, %get3A_682] {strides = array<i32>} : memref<80x144xf32, #tpu.memory_space<vmem>>, vector<1x16xf32>,
      %get3A_684 = vector.shape_cast %get3A_683 : vector<1x16xf32> to vector<16xf32>
      %mul3A_685 = arith.mulf %get3A_684, %exp3A_665 : vector<16xf32>
      %swap3A_686 = arith.index_cast %scan3A_651 : i32 to index
      %swap3A_687 = arith.constant 16 : index
      %swap3A_688 = tpu.vector_load %arg20[%swap3A_686, %swap3A_687] {strides = array<i32>} : memref<80x144xf32, #tpu.memory_space<vmem>>, vector<1x16xf32>,
      %swap3A_689 = vector.shape_cast %swap3A_688 : vector<1x16xf32> to vector<16xf32>
      %swap3A_690 = vector.shape_cast %mul3A_685 : vector<16xf32> to vector<1x16xf32>
      tpu.vector_store %arg20[%swap3A_686, %swap3A_687], %swap3A_690 {strides = array<i32>} : memref<80x144xf32, #tpu.memory_space<vmem>>, vector<1x16xf32>,
      %get3A_691 = arith.index_cast %scan3A_651 : i32 to index
      %get3A_692 = arith.constant 32 : index
      %get3A_693 = tpu.vector_load %arg20[%get3A_691, %get3A_692] {strides = array<i32>} : memref<80x144xf32, #tpu.memory_space<vmem>>, vector<1x16xf32>,
      %get3A_694 = vector.shape_cast %get3A_693 : vector<1x16xf32> to vector<16xf32>
      %mul3A_695 = arith.mulf %get3A_694, %exp3A_665 : vector<16xf32>
      %swap3A_696 = arith.index_cast %scan3A_651 : i32 to index
      %swap3A_697 = arith.constant 32 : index
      %swap3A_698 = tpu.vector_load %arg20[%swap3A_696, %swap3A_697] {strides = array<i32>} : memref<80x144xf32, #tpu.memory_space<vmem>>, vector<1x16xf32>,
      %swap3A_699 = vector.shape_cast %swap3A_698 : vector<1x16xf32> to vector<16xf32>
      %swap3A_700 = vector.shape_cast %mul3A_695 : vector<16xf32> to vector<1x16xf32>
      tpu.vector_store %arg20[%swap3A_696, %swap3A_697], %swap3A_700 {strides = array<i32>} : memref<80x144xf32, #tpu.memory_space<vmem>>, vector<1x16xf32>,
      %get3A_701 = arith.index_cast %scan3A_651 : i32 to index
      %get3A_702 = arith.constant 48 : index
      %get3A_703 = tpu.vector_load %arg20[%get3A_701, %get3A_702] {strides = array<i32>} : memref<80x144xf32, #tpu.memory_space<vmem>>, vector<1x16xf32>,
      %get3A_704 = vector.shape_cast %get3A_703 : vector<1x16xf32> to vector<16xf32>
      %mul3A_705 = arith.mulf %get3A_704, %exp3A_665 : vector<16xf32>
      %swap3A_706 = arith.index_cast %scan3A_651 : i32 to index
      %swap3A_707 = arith.constant 48 : index
      %swap3A_708 = tpu.vector_load %arg20[%swap3A_706, %swap3A_707] {strides = array<i32>} : memref<80x144xf32, #tpu.memory_space<vmem>>, vector<1x16xf32>,
      %swap3A_709 = vector.shape_cast %swap3A_708 : vector<1x16xf32> to vector<16xf32>
      %swap3A_710 = vector.shape_cast %mul3A_705 : vector<16xf32> to vector<1x16xf32>
      tpu.vector_store %arg20[%swap3A_706, %swap3A_707], %swap3A_710 {strides = array<i32>} : memref<80x144xf32, #tpu.memory_space<vmem>>, vector<1x16xf32>,
      %get3A_711 = arith.index_cast %scan3A_651 : i32 to index
      %get3A_712 = arith.constant 64 : index
      %get3A_713 = tpu.vector_load %arg20[%get3A_711, %get3A_712] {strides = array<i32>} : memref<80x144xf32, #tpu.memory_space<vmem>>, vector<1x16xf32>,
      %get3A_714 = vector.shape_cast %get3A_713 : vector<1x16xf32> to vector<16xf32>
      %mul3A_715 = arith.mulf %get3A_714, %exp3A_665 : vector<16xf32>
      %swap3A_716 = arith.index_cast %scan3A_651 : i32 to index
      %swap3A_717 = arith.constant 64 : index
      %swap3A_718 = tpu.vector_load %arg20[%swap3A_716, %swap3A_717] {strides = array<i32>} : memref<80x144xf32, #tpu.memory_space<vmem>>, vector<1x16xf32>,
      %swap3A_719 = vector.shape_cast %swap3A_718 : vector<1x16xf32> to vector<16xf32>
      %swap3A_720 = vector.shape_cast %mul3A_715 : vector<16xf32> to vector<1x16xf32>
      tpu.vector_store %arg20[%swap3A_716, %swap3A_717], %swap3A_720 {strides = array<i32>} : memref<80x144xf32, #tpu.memory_space<vmem>>, vector<1x16xf32>,
      %get3A_721 = arith.index_cast %scan3A_651 : i32 to index
      %get3A_722 = arith.constant 80 : index
      %get3A_723 = tpu.vector_load %arg20[%get3A_721, %get3A_722] {strides = array<i32>} : memref<80x144xf32, #tpu.memory_space<vmem>>, vector<1x16xf32>,
      %get3A_724 = vector.shape_cast %get3A_723 : vector<1x16xf32> to vector<16xf32>
      %mul3A_725 = arith.mulf %get3A_724, %exp3A_665 : vector<16xf32>
      %swap3A_726 = arith.index_cast %scan3A_651 : i32 to index
      %swap3A_727 = arith.constant 80 : index
      %swap3A_728 = tpu.vector_load %arg20[%swap3A_726, %swap3A_727] {strides = array<i32>} : memref<80x144xf32, #tpu.memory_space<vmem>>, vector<1x16xf32>,
      %swap3A_729 = vector.shape_cast %swap3A_728 : vector<1x16xf32> to vector<16xf32>
      %swap3A_730 = vector.shape_cast %mul3A_725 : vector<16xf32> to vector<1x16xf32>
      tpu.vector_store %arg20[%swap3A_726, %swap3A_727], %swap3A_730 {strides = array<i32>} : memref<80x144xf32, #tpu.memory_space<vmem>>, vector<1x16xf32>,
      %get3A_731 = arith.index_cast %scan3A_651 : i32 to index
      %get3A_732 = arith.constant 96 : index
      %get3A_733 = tpu.vector_load %arg20[%get3A_731, %get3A_732] {strides = array<i32>} : memref<80x144xf32, #tpu.memory_space<vmem>>, vector<1x16xf32>,
      %get3A_734 = vector.shape_cast %get3A_733 : vector<1x16xf32> to vector<16xf32>
      %mul3A_735 = arith.mulf %get3A_734, %exp3A_665 : vector<16xf32>
      %swap3A_736 = arith.index_cast %scan3A_651 : i32 to index
      %swap3A_737 = arith.constant 96 : index
      %swap3A_738 = tpu.vector_load %arg20[%swap3A_736, %swap3A_737] {strides = array<i32>} : memref<80x144xf32, #tpu.memory_space<vmem>>, vector<1x16xf32>,
      %swap3A_739 = vector.shape_cast %swap3A_738 : vector<1x16xf32> to vector<16xf32>
      %swap3A_740 = vector.shape_cast %mul3A_735 : vector<16xf32> to vector<1x16xf32>
      tpu.vector_store %arg20[%swap3A_736, %swap3A_737], %swap3A_740 {strides = array<i32>} : memref<80x144xf32, #tpu.memory_space<vmem>>, vector<1x16xf32>,
      %get3A_741 = arith.index_cast %scan3A_651 : i32 to index
      %get3A_742 = arith.constant 112 : index
      %get3A_743 = tpu.vector_load %arg20[%get3A_741, %get3A_742] {strides = array<i32>} : memref<80x144xf32, #tpu.memory_space<vmem>>, vector<1x16xf32>,
      %get3A_744 = vector.shape_cast %get3A_743 : vector<1x16xf32> to vector<16xf32>
      %mul3A_745 = arith.mulf %get3A_744, %exp3A_665 : vector<16xf32>
      %swap3A_746 = arith.index_cast %scan3A_651 : i32 to index
      %swap3A_747 = arith.constant 112 : index
      %swap3A_748 = tpu.vector_load %arg20[%swap3A_746, %swap3A_747] {strides = array<i32>} : memref<80x144xf32, #tpu.memory_space<vmem>>, vector<1x16xf32>,
      %swap3A_749 = vector.shape_cast %swap3A_748 : vector<1x16xf32> to vector<16xf32>
      %swap3A_750 = vector.shape_cast %mul3A_745 : vector<16xf32> to vector<1x16xf32>
      tpu.vector_store %arg20[%swap3A_746, %swap3A_747], %swap3A_750 {strides = array<i32>} : memref<80x144xf32, #tpu.memory_space<vmem>>, vector<1x16xf32>,
      %scan3A_751 = arith.constant 0 : i32
      %scan3A_752 = arith.constant 2 : i32
      %scan3A_753 = arith.addi %scan3A_550, %scan3A_752 : i32
      %get3A_754 = arith.index_cast %scan3A_753 : i32 to index
      %get3A_755 = arith.constant 128 : index
      %get3A_756 = tpu.vector_load %arg20[%get3A_754, %get3A_755] {strides = array<i32>} : memref<80x144xf32, #tpu.memory_space<vmem>>, vector<1x16xf32>,
      %get3A_757 = vector.shape_cast %get3A_756 : vector<1x16xf32> to vector<16xf32>
      %get3A_758 = arith.index_cast %scan3A_753 : i32 to index
      %get3A_759 = arith.constant 0 : index
      %get3A_760 = tpu.vector_load %arg17[%get3A_758, %get3A_759] {strides = array<i32>} : memref<80x16xf32, #tpu.memory_space<vmem>>, vector<1x16xf32>,
      %get3A_761 = vector.shape_cast %get3A_760 : vector<1x16xf32> to vector<16xf32>
      %add3A_762 = arith.addf %get3A_757, %get3A_761 : vector<16xf32>
      %mul3A_763 = arith.constant 2.000000e-01 : f32
      %mul3A_764 = vector.broadcast %mul3A_763 : f32 to vector<16xf32>
      %mul3A_765 = arith.mulf %mul3A_764, %add3A_762 : vector<16xf32>
      %max3A_766 = arith.maximumf %add3A_762, %mul3A_765 : vector<16xf32>
      %exp3A_767 = math.exp %max3A_766 : vector<16xf32>
      %swap3A_768 = arith.index_cast %scan3A_753 : i32 to index
      %swap3A_769 = arith.constant 128 : index
      %swap3A_770 = tpu.vector_load %arg20[%swap3A_768, %swap3A_769] {strides = array<i32>} : memref<80x144xf32, #tpu.memory_space<vmem>>, vector<1x16xf32>,
      %swap3A_771 = vector.shape_cast %swap3A_770 : vector<1x16xf32> to vector<16xf32>
      %swap3A_772 = vector.shape_cast %exp3A_767 : vector<16xf32> to vector<1x16xf32>
      tpu.vector_store %arg20[%swap3A_768, %swap3A_769], %swap3A_772 {strides = array<i32>} : memref<80x144xf32, #tpu.memory_space<vmem>>, vector<1x16xf32>,
      %get3A_773 = arith.index_cast %scan3A_753 : i32 to index
      %get3A_774 = arith.constant 0 : index
      %get3A_775 = tpu.vector_load %arg20[%get3A_773, %get3A_774] {strides = array<i32>} : memref<80x144xf32, #tpu.memory_space<vmem>>, vector<1x16xf32>,
      %get3A_776 = vector.shape_cast %get3A_775 : vector<1x16xf32> to vector<16xf32>
      %mul3A_777 = arith.mulf %get3A_776, %exp3A_767 : vector<16xf32>
      %swap3A_778 = arith.index_cast %scan3A_753 : i32 to index
      %swap3A_779 = arith.constant 0 : index
      %swap3A_780 = tpu.vector_load %arg20[%swap3A_778, %swap3A_779] {strides = array<i32>} : memref<80x144xf32, #tpu.memory_space<vmem>>, vector<1x16xf32>,
      %swap3A_781 = vector.shape_cast %swap3A_780 : vector<1x16xf32> to vector<16xf32>
      %swap3A_782 = vector.shape_cast %mul3A_777 : vector<16xf32> to vector<1x16xf32>
      tpu.vector_store %arg20[%swap3A_778, %swap3A_779], %swap3A_782 {strides = array<i32>} : memref<80x144xf32, #tpu.memory_space<vmem>>, vector<1x16xf32>,
      %get3A_783 = arith.index_cast %scan3A_753 : i32 to index
      %get3A_784 = arith.constant 16 : index
      %get3A_785 = tpu.vector_load %arg20[%get3A_783, %get3A_784] {strides = array<i32>} : memref<80x144xf32, #tpu.memory_space<vmem>>, vector<1x16xf32>,
      %get3A_786 = vector.shape_cast %get3A_785 : vector<1x16xf32> to vector<16xf32>
      %mul3A_787 = arith.mulf %get3A_786, %exp3A_767 : vector<16xf32>
      %swap3A_788 = arith.index_cast %scan3A_753 : i32 to index
      %swap3A_789 = arith.constant 16 : index
      %swap3A_790 = tpu.vector_load %arg20[%swap3A_788, %swap3A_789] {strides = array<i32>} : memref<80x144xf32, #tpu.memory_space<vmem>>, vector<1x16xf32>,
      %swap3A_791 = vector.shape_cast %swap3A_790 : vector<1x16xf32> to vector<16xf32>
      %swap3A_792 = vector.shape_cast %mul3A_787 : vector<16xf32> to vector<1x16xf32>
      tpu.vector_store %arg20[%swap3A_788, %swap3A_789], %swap3A_792 {strides = array<i32>} : memref<80x144xf32, #tpu.memory_space<vmem>>, vector<1x16xf32>,
      %get3A_793 = arith.index_cast %scan3A_753 : i32 to index
      %get3A_794 = arith.constant 32 : index
      %get3A_795 = tpu.vector_load %arg20[%get3A_793, %get3A_794] {strides = array<i32>} : memref<80x144xf32, #tpu.memory_space<vmem>>, vector<1x16xf32>,
      %get3A_796 = vector.shape_cast %get3A_795 : vector<1x16xf32> to vector<16xf32>
      %mul3A_797 = arith.mulf %get3A_796, %exp3A_767 : vector<16xf32>
      %swap3A_798 = arith.index_cast %scan3A_753 : i32 to index
      %swap3A_799 = arith.constant 32 : index
      %swap3A_800 = tpu.vector_load %arg20[%swap3A_798, %swap3A_799] {strides = array<i32>} : memref<80x144xf32, #tpu.memory_space<vmem>>, vector<1x16xf32>,
      %swap3A_801 = vector.shape_cast %swap3A_800 : vector<1x16xf32> to vector<16xf32>
      %swap3A_802 = vector.shape_cast %mul3A_797 : vector<16xf32> to vector<1x16xf32>
      tpu.vector_store %arg20[%swap3A_798, %swap3A_799], %swap3A_802 {strides = array<i32>} : memref<80x144xf32, #tpu.memory_space<vmem>>, vector<1x16xf32>,
      %get3A_803 = arith.index_cast %scan3A_753 : i32 to index
      %get3A_804 = arith.constant 48 : index
      %get3A_805 = tpu.vector_load %arg20[%get3A_803, %get3A_804] {strides = array<i32>} : memref<80x144xf32, #tpu.memory_space<vmem>>, vector<1x16xf32>,
      %get3A_806 = vector.shape_cast %get3A_805 : vector<1x16xf32> to vector<16xf32>
      %mul3A_807 = arith.mulf %get3A_806, %exp3A_767 : vector<16xf32>
      %swap3A_808 = arith.index_cast %scan3A_753 : i32 to index
      %swap3A_809 = arith.constant 48 : index
      %swap3A_810 = tpu.vector_load %arg20[%swap3A_808, %swap3A_809] {strides = array<i32>} : memref<80x144xf32, #tpu.memory_space<vmem>>, vector<1x16xf32>,
      %swap3A_811 = vector.shape_cast %swap3A_810 : vector<1x16xf32> to vector<16xf32>
      %swap3A_812 = vector.shape_cast %mul3A_807 : vector<16xf32> to vector<1x16xf32>
      tpu.vector_store %arg20[%swap3A_808, %swap3A_809], %swap3A_812 {strides = array<i32>} : memref<80x144xf32, #tpu.memory_space<vmem>>, vector<1x16xf32>,
      %get3A_813 = arith.index_cast %scan3A_753 : i32 to index
      %get3A_814 = arith.constant 64 : index
      %get3A_815 = tpu.vector_load %arg20[%get3A_813, %get3A_814] {strides = array<i32>} : memref<80x144xf32, #tpu.memory_space<vmem>>, vector<1x16xf32>,
      %get3A_816 = vector.shape_cast %get3A_815 : vector<1x16xf32> to vector<16xf32>
      %mul3A_817 = arith.mulf %get3A_816, %exp3A_767 : vector<16xf32>
      %swap3A_818 = arith.index_cast %scan3A_753 : i32 to index
      %swap3A_819 = arith.constant 64 : index
      %swap3A_820 = tpu.vector_load %arg20[%swap3A_818, %swap3A_819] {strides = array<i32>} : memref<80x144xf32, #tpu.memory_space<vmem>>, vector<1x16xf32>,
      %swap3A_821 = vector.shape_cast %swap3A_820 : vector<1x16xf32> to vector<16xf32>
      %swap3A_822 = vector.shape_cast %mul3A_817 : vector<16xf32> to vector<1x16xf32>
      tpu.vector_store %arg20[%swap3A_818, %swap3A_819], %swap3A_822 {strides = array<i32>} : memref<80x144xf32, #tpu.memory_space<vmem>>, vector<1x16xf32>,
      %get3A_823 = arith.index_cast %scan3A_753 : i32 to index
      %get3A_824 = arith.constant 80 : index
      %get3A_825 = tpu.vector_load %arg20[%get3A_823, %get3A_824] {strides = array<i32>} : memref<80x144xf32, #tpu.memory_space<vmem>>, vector<1x16xf32>,
      %get3A_826 = vector.shape_cast %get3A_825 : vector<1x16xf32> to vector<16xf32>
      %mul3A_827 = arith.mulf %get3A_826, %exp3A_767 : vector<16xf32>
      %swap3A_828 = arith.index_cast %scan3A_753 : i32 to index
      %swap3A_829 = arith.constant 80 : index
      %swap3A_830 = tpu.vector_load %arg20[%swap3A_828, %swap3A_829] {strides = array<i32>} : memref<80x144xf32, #tpu.memory_space<vmem>>, vector<1x16xf32>,
      %swap3A_831 = vector.shape_cast %swap3A_830 : vector<1x16xf32> to vector<16xf32>
      %swap3A_832 = vector.shape_cast %mul3A_827 : vector<16xf32> to vector<1x16xf32>
      tpu.vector_store %arg20[%swap3A_828, %swap3A_829], %swap3A_832 {strides = array<i32>} : memref<80x144xf32, #tpu.memory_space<vmem>>, vector<1x16xf32>,
      %get3A_833 = arith.index_cast %scan3A_753 : i32 to index
      %get3A_834 = arith.constant 96 : index
      %get3A_835 = tpu.vector_load %arg20[%get3A_833, %get3A_834] {strides = array<i32>} : memref<80x144xf32, #tpu.memory_space<vmem>>, vector<1x16xf32>,
      %get3A_836 = vector.shape_cast %get3A_835 : vector<1x16xf32> to vector<16xf32>
      %mul3A_837 = arith.mulf %get3A_836, %exp3A_767 : vector<16xf32>
      %swap3A_838 = arith.index_cast %scan3A_753 : i32 to index
      %swap3A_839 = arith.constant 96 : index
      %swap3A_840 = tpu.vector_load %arg20[%swap3A_838, %swap3A_839] {strides = array<i32>} : memref<80x144xf32, #tpu.memory_space<vmem>>, vector<1x16xf32>,
      %swap3A_841 = vector.shape_cast %swap3A_840 : vector<1x16xf32> to vector<16xf32>
      %swap3A_842 = vector.shape_cast %mul3A_837 : vector<16xf32> to vector<1x16xf32>
      tpu.vector_store %arg20[%swap3A_838, %swap3A_839], %swap3A_842 {strides = array<i32>} : memref<80x144xf32, #tpu.memory_space<vmem>>, vector<1x16xf32>,
      %get3A_843 = arith.index_cast %scan3A_753 : i32 to index
      %get3A_844 = arith.constant 112 : index
      %get3A_845 = tpu.vector_load %arg20[%get3A_843, %get3A_844] {strides = array<i32>} : memref<80x144xf32, #tpu.memory_space<vmem>>, vector<1x16xf32>,
      %get3A_846 = vector.shape_cast %get3A_845 : vector<1x16xf32> to vector<16xf32>
      %mul3A_847 = arith.mulf %get3A_846, %exp3A_767 : vector<16xf32>
      %swap3A_848 = arith.index_cast %scan3A_753 : i32 to index
      %swap3A_849 = arith.constant 112 : index
      %swap3A_850 = tpu.vector_load %arg20[%swap3A_848, %swap3A_849] {strides = array<i32>} : memref<80x144xf32, #tpu.memory_space<vmem>>, vector<1x16xf32>,
      %swap3A_851 = vector.shape_cast %swap3A_850 : vector<1x16xf32> to vector<16xf32>
      %swap3A_852 = vector.shape_cast %mul3A_847 : vector<16xf32> to vector<1x16xf32>
      tpu.vector_store %arg20[%swap3A_848, %swap3A_849], %swap3A_852 {strides = array<i32>} : memref<80x144xf32, #tpu.memory_space<vmem>>, vector<1x16xf32>,
      %scan3A_853 = arith.constant 0 : i32
      %scan3A_854 = arith.constant 3 : i32
      %scan3A_855 = arith.addi %scan3A_550, %scan3A_854 : i32
      %get3A_856 = arith.index_cast %scan3A_855 : i32 to index
      %get3A_857 = arith.constant 128 : index
      %get3A_858 = tpu.vector_load %arg20[%get3A_856, %get3A_857] {strides = array<i32>} : memref<80x144xf32, #tpu.memory_space<vmem>>, vector<1x16xf32>,
      %get3A_859 = vector.shape_cast %get3A_858 : vector<1x16xf32> to vector<16xf32>
      %get3A_860 = arith.index_cast %scan3A_855 : i32 to index
      %get3A_861 = arith.constant 0 : index
      %get3A_862 = tpu.vector_load %arg17[%get3A_860, %get3A_861] {strides = array<i32>} : memref<80x16xf32, #tpu.memory_space<vmem>>, vector<1x16xf32>,
      %get3A_863 = vector.shape_cast %get3A_862 : vector<1x16xf32> to vector<16xf32>
      %add3A_864 = arith.addf %get3A_859, %get3A_863 : vector<16xf32>
      %mul3A_865 = arith.constant 2.000000e-01 : f32
      %mul3A_866 = vector.broadcast %mul3A_865 : f32 to vector<16xf32>
      %mul3A_867 = arith.mulf %mul3A_866, %add3A_864 : vector<16xf32>
      %max3A_868 = arith.maximumf %add3A_864, %mul3A_867 : vector<16xf32>
      %exp3A_869 = math.exp %max3A_868 : vector<16xf32>
      %swap3A_870 = arith.index_cast %scan3A_855 : i32 to index
      %swap3A_871 = arith.constant 128 : index
      %swap3A_872 = tpu.vector_load %arg20[%swap3A_870, %swap3A_871] {strides = array<i32>} : memref<80x144xf32, #tpu.memory_space<vmem>>, vector<1x16xf32>,
      %swap3A_873 = vector.shape_cast %swap3A_872 : vector<1x16xf32> to vector<16xf32>
      %swap3A_874 = vector.shape_cast %exp3A_869 : vector<16xf32> to vector<1x16xf32>
      tpu.vector_store %arg20[%swap3A_870, %swap3A_871], %swap3A_874 {strides = array<i32>} : memref<80x144xf32, #tpu.memory_space<vmem>>, vector<1x16xf32>,
      %get3A_875 = arith.index_cast %scan3A_855 : i32 to index
      %get3A_876 = arith.constant 0 : index
      %get3A_877 = tpu.vector_load %arg20[%get3A_875, %get3A_876] {strides = array<i32>} : memref<80x144xf32, #tpu.memory_space<vmem>>, vector<1x16xf32>,
      %get3A_878 = vector.shape_cast %get3A_877 : vector<1x16xf32> to vector<16xf32>
      %mul3A_879 = arith.mulf %get3A_878, %exp3A_869 : vector<16xf32>
      %swap3A_880 = arith.index_cast %scan3A_855 : i32 to index
      %swap3A_881 = arith.constant 0 : index
      %swap3A_882 = tpu.vector_load %arg20[%swap3A_880, %swap3A_881] {strides = array<i32>} : memref<80x144xf32, #tpu.memory_space<vmem>>, vector<1x16xf32>,
      %swap3A_883 = vector.shape_cast %swap3A_882 : vector<1x16xf32> to vector<16xf32>
      %swap3A_884 = vector.shape_cast %mul3A_879 : vector<16xf32> to vector<1x16xf32>
      tpu.vector_store %arg20[%swap3A_880, %swap3A_881], %swap3A_884 {strides = array<i32>} : memref<80x144xf32, #tpu.memory_space<vmem>>, vector<1x16xf32>,
      %get3A_885 = arith.index_cast %scan3A_855 : i32 to index
      %get3A_886 = arith.constant 16 : index
      %get3A_887 = tpu.vector_load %arg20[%get3A_885, %get3A_886] {strides = array<i32>} : memref<80x144xf32, #tpu.memory_space<vmem>>, vector<1x16xf32>,
      %get3A_888 = vector.shape_cast %get3A_887 : vector<1x16xf32> to vector<16xf32>
      %mul3A_889 = arith.mulf %get3A_888, %exp3A_869 : vector<16xf32>
      %swap3A_890 = arith.index_cast %scan3A_855 : i32 to index
      %swap3A_891 = arith.constant 16 : index
      %swap3A_892 = tpu.vector_load %arg20[%swap3A_890, %swap3A_891] {strides = array<i32>} : memref<80x144xf32, #tpu.memory_space<vmem>>, vector<1x16xf32>,
      %swap3A_893 = vector.shape_cast %swap3A_892 : vector<1x16xf32> to vector<16xf32>
      %swap3A_894 = vector.shape_cast %mul3A_889 : vector<16xf32> to vector<1x16xf32>
      tpu.vector_store %arg20[%swap3A_890, %swap3A_891], %swap3A_894 {strides = array<i32>} : memref<80x144xf32, #tpu.memory_space<vmem>>, vector<1x16xf32>,
      %get3A_895 = arith.index_cast %scan3A_855 : i32 to index
      %get3A_896 = arith.constant 32 : index
      %get3A_897 = tpu.vector_load %arg20[%get3A_895, %get3A_896] {strides = array<i32>} : memref<80x144xf32, #tpu.memory_space<vmem>>, vector<1x16xf32>,
      %get3A_898 = vector.shape_cast %get3A_897 : vector<1x16xf32> to vector<16xf32>
      %mul3A_899 = arith.mulf %get3A_898, %exp3A_869 : vector<16xf32>
      %swap3A_900 = arith.index_cast %scan3A_855 : i32 to index
      %swap3A_901 = arith.constant 32 : index
      %swap3A_902 = tpu.vector_load %arg20[%swap3A_900, %swap3A_901] {strides = array<i32>} : memref<80x144xf32, #tpu.memory_space<vmem>>, vector<1x16xf32>,
      %swap3A_903 = vector.shape_cast %swap3A_902 : vector<1x16xf32> to vector<16xf32>
      %swap3A_904 = vector.shape_cast %mul3A_899 : vector<16xf32> to vector<1x16xf32>
      tpu.vector_store %arg20[%swap3A_900, %swap3A_901], %swap3A_904 {strides = array<i32>} : memref<80x144xf32, #tpu.memory_space<vmem>>, vector<1x16xf32>,
      %get3A_905 = arith.index_cast %scan3A_855 : i32 to index
      %get3A_906 = arith.constant 48 : index
      %get3A_907 = tpu.vector_load %arg20[%get3A_905, %get3A_906] {strides = array<i32>} : memref<80x144xf32, #tpu.memory_space<vmem>>, vector<1x16xf32>,
      %get3A_908 = vector.shape_cast %get3A_907 : vector<1x16xf32> to vector<16xf32>
      %mul3A_909 = arith.mulf %get3A_908, %exp3A_869 : vector<16xf32>
      %swap3A_910 = arith.index_cast %scan3A_855 : i32 to index
      %swap3A_911 = arith.constant 48 : index
      %swap3A_912 = tpu.vector_load %arg20[%swap3A_910, %swap3A_911] {strides = array<i32>} : memref<80x144xf32, #tpu.memory_space<vmem>>, vector<1x16xf32>,
      %swap3A_913 = vector.shape_cast %swap3A_912 : vector<1x16xf32> to vector<16xf32>
      %swap3A_914 = vector.shape_cast %mul3A_909 : vector<16xf32> to vector<1x16xf32>
      tpu.vector_store %arg20[%swap3A_910, %swap3A_911], %swap3A_914 {strides = array<i32>} : memref<80x144xf32, #tpu.memory_space<vmem>>, vector<1x16xf32>,
      %get3A_915 = arith.index_cast %scan3A_855 : i32 to index
      %get3A_916 = arith.constant 64 : index
      %get3A_917 = tpu.vector_load %arg20[%get3A_915, %get3A_916] {strides = array<i32>} : memref<80x144xf32, #tpu.memory_space<vmem>>, vector<1x16xf32>,
      %get3A_918 = vector.shape_cast %get3A_917 : vector<1x16xf32> to vector<16xf32>
      %mul3A_919 = arith.mulf %get3A_918, %exp3A_869 : vector<16xf32>
      %swap3A_920 = arith.index_cast %scan3A_855 : i32 to index
      %swap3A_921 = arith.constant 64 : index
      %swap3A_922 = tpu.vector_load %arg20[%swap3A_920, %swap3A_921] {strides = array<i32>} : memref<80x144xf32, #tpu.memory_space<vmem>>, vector<1x16xf32>,
      %swap3A_923 = vector.shape_cast %swap3A_922 : vector<1x16xf32> to vector<16xf32>
      %swap3A_924 = vector.shape_cast %mul3A_919 : vector<16xf32> to vector<1x16xf32>
      tpu.vector_store %arg20[%swap3A_920, %swap3A_921], %swap3A_924 {strides = array<i32>} : memref<80x144xf32, #tpu.memory_space<vmem>>, vector<1x16xf32>,
      %get3A_925 = arith.index_cast %scan3A_855 : i32 to index
      %get3A_926 = arith.constant 80 : index
      %get3A_927 = tpu.vector_load %arg20[%get3A_925, %get3A_926] {strides = array<i32>} : memref<80x144xf32, #tpu.memory_space<vmem>>, vector<1x16xf32>,
      %get3A_928 = vector.shape_cast %get3A_927 : vector<1x16xf32> to vector<16xf32>
      %mul3A_929 = arith.mulf %get3A_928, %exp3A_869 : vector<16xf32>
      %swap3A_930 = arith.index_cast %scan3A_855 : i32 to index
      %swap3A_931 = arith.constant 80 : index
      %swap3A_932 = tpu.vector_load %arg20[%swap3A_930, %swap3A_931] {strides = array<i32>} : memref<80x144xf32, #tpu.memory_space<vmem>>, vector<1x16xf32>,
      %swap3A_933 = vector.shape_cast %swap3A_932 : vector<1x16xf32> to vector<16xf32>
      %swap3A_934 = vector.shape_cast %mul3A_929 : vector<16xf32> to vector<1x16xf32>
      tpu.vector_store %arg20[%swap3A_930, %swap3A_931], %swap3A_934 {strides = array<i32>} : memref<80x144xf32, #tpu.memory_space<vmem>>, vector<1x16xf32>,
      %get3A_935 = arith.index_cast %scan3A_855 : i32 to index
      %get3A_936 = arith.constant 96 : index
      %get3A_937 = tpu.vector_load %arg20[%get3A_935, %get3A_936] {strides = array<i32>} : memref<80x144xf32, #tpu.memory_space<vmem>>, vector<1x16xf32>,
      %get3A_938 = vector.shape_cast %get3A_937 : vector<1x16xf32> to vector<16xf32>
      %mul3A_939 = arith.mulf %get3A_938, %exp3A_869 : vector<16xf32>
      %swap3A_940 = arith.index_cast %scan3A_855 : i32 to index
      %swap3A_941 = arith.constant 96 : index
      %swap3A_942 = tpu.vector_load %arg20[%swap3A_940, %swap3A_941] {strides = array<i32>} : memref<80x144xf32, #tpu.memory_space<vmem>>, vector<1x16xf32>,
      %swap3A_943 = vector.shape_cast %swap3A_942 : vector<1x16xf32> to vector<16xf32>
      %swap3A_944 = vector.shape_cast %mul3A_939 : vector<16xf32> to vector<1x16xf32>
      tpu.vector_store %arg20[%swap3A_940, %swap3A_941], %swap3A_944 {strides = array<i32>} : memref<80x144xf32, #tpu.memory_space<vmem>>, vector<1x16xf32>,
      %get3A_945 = arith.index_cast %scan3A_855 : i32 to index
      %get3A_946 = arith.constant 112 : index
      %get3A_947 = tpu.vector_load %arg20[%get3A_945, %get3A_946] {strides = array<i32>} : memref<80x144xf32, #tpu.memory_space<vmem>>, vector<1x16xf32>,
      %get3A_948 = vector.shape_cast %get3A_947 : vector<1x16xf32> to vector<16xf32>
      %mul3A_949 = arith.mulf %get3A_948, %exp3A_869 : vector<16xf32>
      %swap3A_950 = arith.index_cast %scan3A_855 : i32 to index
      %swap3A_951 = arith.constant 112 : index
      %swap3A_952 = tpu.vector_load %arg20[%swap3A_950, %swap3A_951] {strides = array<i32>} : memref<80x144xf32, #tpu.memory_space<vmem>>, vector<1x16xf32>,
      %swap3A_953 = vector.shape_cast %swap3A_952 : vector<1x16xf32> to vector<16xf32>
      %swap3A_954 = vector.shape_cast %mul3A_949 : vector<16xf32> to vector<1x16xf32>
      tpu.vector_store %arg20[%swap3A_950, %swap3A_951], %swap3A_954 {strides = array<i32>} : memref<80x144xf32, #tpu.memory_space<vmem>>, vector<1x16xf32>,
      %scan3A_955 = arith.constant 0 : i32
      scf.yield %scan3A_955 : i32
    }
    %scan3A_539 = arith.constant 80 : i32
    %dma_wait3A_540 = arith.constant 0 : i32
    %dma_wait3A_541 = arith.constant 0 : i32
    %dma_wait3A_542 = tpu.memref_slice %arg21[%dma_wait3A_540, %dma_wait3A_541] : memref<10016x144xf32, #tpu.memory_space<vmem_shared>> -> memref<10016x144xf32, #tpu.memory_space<vmem_shared>>
    tpu.wait_indirect_dma semaphore(%arg35 : memref<!tpu.dma_semaphore, #tpu.memory_space<semaphore_mem>>) src(%arg19 : memref<80x144xf32, #tpu.memory_space<vmem>>) dst(%dma_wait3A_542 : memref<10016x144xf32, #tpu.memory_space<vmem_shared>>)
    %dma_start3A_543 = arith.constant 0 : i32
    %dma_start3A_544 = arith.constant 0 : i32
    %dma_start3A_545 = tpu.memref_slice %arg21[%dma_start3A_543, %dma_start3A_544] : memref<10016x144xf32, #tpu.memory_space<vmem_shared>> -> memref<10016x144xf32, #tpu.memory_space<vmem_shared>>
    tpu.enqueue_indirect_dma source(%arg20 : memref<80x144xf32, #tpu.memory_space<vmem>>) target(%dma_start3A_545 : memref<10016x144xf32, #tpu.memory_space<vmem_shared>>) offsets(%arg14 : memref<80xi32, #tpu.memory_space<vmem>>) semaphore(%arg36 : memref<!tpu.dma_semaphore, #tpu.memory_space<semaphore_mem>>) {add = true}
    %dma_wait3A_546 = arith.constant 0 : i32
    %dma_wait3A_547 = arith.constant 0 : i32
    %dma_wait3A_548 = tpu.memref_slice %arg21[%dma_wait3A_546, %dma_wait3A_547] : memref<10016x144xf32, #tpu.memory_space<vmem_shared>> -> memref<10016x144xf32, #tpu.memory_space<vmem_shared>>
    tpu.wait_indirect_dma semaphore(%arg36 : memref<!tpu.dma_semaphore, #tpu.memory_space<semaphore_mem>>) src(%arg20 : memref<80x144xf32, #tpu.memory_space<vmem>>) dst(%dma_wait3A_548 : memref<10016x144xf32, #tpu.memory_space<vmem_shared>>)
    %barrier3A_549 = arith.constant 0 : index
    tpu.barrier barrier_id(%barrier3A_549)
    "tpu.region"() ({
      %run_scoped3A = tpu.sem_alloc : memref<!tpu.dma_semaphore, #tpu.memory_space<semaphore_mem>>
      %dma_start3A_550 = arith.constant 0 : i32
      %dma_start3A_551 = tpu.memref_slice %arg5[%arg0, %mul3A_2, %dma_start3A_550] : memref<2x10016x144xf32, #tpu.memory_space<hbm>> -> memref<1x626x144xf32, #tpu.memory_space<hbm>>
      %dma_start3A_552 = tpu.memref_squeeze %dma_start3A_551 : memref<1x626x144xf32, #tpu.memory_space<hbm>> -> memref<626x144xf32, #tpu.memory_space<hbm>>
      %dma_start3A_553 = arith.constant 0 : i32
      %dma_start3A_554 = tpu.memref_slice %arg21[%mul3A_2, %dma_start3A_553] : memref<10016x144xf32, #tpu.memory_space<vmem_shared>> -> memref<626x144xf32, #tpu.memory_space<vmem_shared>>
      tpu.enqueue_dma source(%dma_start3A_554 : memref<626x144xf32, #tpu.memory_space<vmem_shared>>) target(%dma_start3A_552 : memref<626x144xf32, #tpu.memory_space<hbm>>) target_semaphore(%run_scoped3A : memref<!tpu.dma_semaphore, #tpu.memory_space<semaphore_mem>>)
      %dma_wait3A_555 = arith.constant 0 : i32
      %dma_wait3A_556 = tpu.memref_slice %arg5[%arg0, %mul3A_2, %dma_wait3A_555] : memref<2x10016x144xf32, #tpu.memory_space<hbm>> -> memref<1x626x144xf32, #tpu.memory_space<hbm>>
      %dma_wait3A_557 = tpu.memref_squeeze %dma_wait3A_556 : memref<1x626x144xf32, #tpu.memory_space<hbm>> -> memref<626x144xf32, #tpu.memory_space<hbm>>
      %dma_wait3A_558 = arith.constant 0 : i32
      %dma_wait3A_559 = tpu.memref_slice %arg21[%mul3A_2, %dma_wait3A_558] : memref<10016x144xf32, #tpu.memory_space<vmem_shared>> -> memref<626x144xf32, #tpu.memory_space<vmem_shared>>
      tpu.wait_dma2 semaphore(%run_scoped3A : memref<!tpu.dma_semaphore, #tpu.memory_space<semaphore_mem>>) src(%dma_wait3A_559 : memref<626x144xf32, #tpu.memory_space<vmem_shared>>) dst(%dma_wait3A_557 : memref<626x144xf32, #tpu.memory_space<hbm>>)
      tpu.yield
    }) : () -> ()
    return
  }
}

module attributes {stable_mosaic.version = 14 : i64} {
  func.func @_prologue_body(%arg0: i32, %arg1: memref<10000x128xf32, #tpu.memory_space<vmem>>, %arg2: memref<128x128xf32, #tpu.memory_space<vmem>>, %arg3: memref<128x8xf32, #tpu.memory_space<vmem>>, %arg4: memref<128x8xf32, #tpu.memory_space<vmem>>, %arg5: memref<10016x144xf32, #tpu.memory_space<vmem>>, %arg6: memref<10016x16xf32, #tpu.memory_space<vmem>>) attributes {dimension_semantics = [#tpu.dimension_semantics<arbitrary>], iteration_bounds = array<i64: 1>, scalar_prefetch = 0 : i64, scratch_operands = 0 : i64, tpu.core_type = #tpu.core_type<tc>, window_params = [{pipeline_mode = #tpu.pipeline_mode<synchronous>, transform_indices = @transform_0, window_bounds = array<i64: 10000, 128>}, {pipeline_mode = #tpu.pipeline_mode<synchronous>, transform_indices = @transform_1, window_bounds = array<i64: 128, 128>}, {pipeline_mode = #tpu.pipeline_mode<synchronous>, transform_indices = @transform_2, window_bounds = array<i64: 128, 8>}, {pipeline_mode = #tpu.pipeline_mode<synchronous>, transform_indices = @transform_3, window_bounds = array<i64: 128, 8>}, {pipeline_mode = #tpu.pipeline_mode<synchronous>, transform_indices = @transform_4, window_bounds = array<i64: 10016, 144>}, {pipeline_mode = #tpu.pipeline_mode<synchronous>, transform_indices = @transform_5, window_bounds = array<i64: 10016, 16>}]} {
    %get3A = arith.constant 0 : index
    %get3A_0 = arith.constant 0 : index
    %get3A_1 = vector.load %arg1[%get3A, %get3A_0] : memref<10000x128xf32, #tpu.memory_space<vmem>>, vector<10000x128xf32>
    %get3A_2 = arith.constant 0 : index
    %get3A_3 = arith.constant 0 : index
    %get3A_4 = vector.load %arg2[%get3A_2, %get3A_3] : memref<128x128xf32, #tpu.memory_space<vmem>>, vector<128x128xf32>
    %dot_general3A = arith.constant dense<0.000000e+00> : vector<10000x128xf32>
    %dot_general3A_5 = tpu.matmul %get3A_1, %get3A_4, %dot_general3A {dimension_numbers = #tpu.dot_dimension_numbers<[1], [0], [0], [1], [0, 0, 1, 1], [], []>, transpose_lhs_hint = false} : vector<10000x128xf32>, vector<128x128xf32>, vector<10000x128xf32> -> vector<10000x128xf32>
    %get3A_6 = arith.constant 0 : index
    %get3A_7 = arith.constant 0 : index
    %get3A_8 = vector.load %arg3[%get3A_6, %get3A_7] : memref<128x8xf32, #tpu.memory_space<vmem>>, vector<128x8xf32>
    %dot_general3A_9 = arith.constant dense<0.000000e+00> : vector<10000x8xf32>
    %dot_general3A_10 = tpu.matmul %dot_general3A_5, %get3A_8, %dot_general3A_9 {dimension_numbers = #tpu.dot_dimension_numbers<[1], [0], [0], [1], [0, 0, 1, 1], [], []>, transpose_lhs_hint = false} : vector<10000x128xf32>, vector<128x8xf32>, vector<10000x8xf32> -> vector<10000x8xf32>
    %get3A_11 = arith.constant 0 : index
    %get3A_12 = arith.constant 0 : index
    %get3A_13 = vector.load %arg4[%get3A_11, %get3A_12] : memref<128x8xf32, #tpu.memory_space<vmem>>, vector<128x8xf32>
    %dot_general3A_14 = arith.constant dense<0.000000e+00> : vector<10000x8xf32>
    %dot_general3A_15 = tpu.matmul %dot_general3A_5, %get3A_13, %dot_general3A_14 {dimension_numbers = #tpu.dot_dimension_numbers<[1], [0], [0], [1], [0, 0, 1, 1], [], []>, transpose_lhs_hint = false} : vector<10000x128xf32>, vector<128x8xf32>, vector<10000x8xf32> -> vector<10000x8xf32>
    %concatenate3A = tpu.concatenate %dot_general3A_5, %dot_general3A_10, %dot_general3A_10 in 1 : vector<10000x128xf32>, vector<10000x8xf32>, vector<10000x8xf32> -> vector<10000x144xf32>
    %swap3A = arith.constant 0 : index
    %swap3A_16 = arith.constant 0 : index
    %swap3A_17 = vector.load %arg5[%swap3A, %swap3A_16] : memref<10016x144xf32, #tpu.memory_space<vmem>>, vector<10000x144xf32>
    tpu.vector_store %arg5[%swap3A, %swap3A_16], %concatenate3A {strides = array<i32>} : memref<10016x144xf32, #tpu.memory_space<vmem>>, vector<10000x144xf32>,
    %broadcast_in_dim3A = arith.constant 0.000000e+00 : f32
    %broadcast_in_dim3A_18 = vector.broadcast %broadcast_in_dim3A : f32 to vector<16x144xf32>
    %swap3A_19 = arith.constant 10000 : index
    %swap3A_20 = arith.constant 0 : index
    %swap3A_21 = vector.load %arg5[%swap3A_19, %swap3A_20] : memref<10016x144xf32, #tpu.memory_space<vmem>>, vector<16x144xf32>
    tpu.vector_store %arg5[%swap3A_19, %swap3A_20], %broadcast_in_dim3A_18 {strides = array<i32>} : memref<10016x144xf32, #tpu.memory_space<vmem>>, vector<16x144xf32>,
    %concatenate3A_22 = tpu.concatenate %dot_general3A_15, %dot_general3A_15 in 1 : vector<10000x8xf32>, vector<10000x8xf32> -> vector<10000x16xf32>
    %swap3A_23 = arith.constant 0 : index
    %swap3A_24 = arith.constant 0 : index
    %swap3A_25 = vector.load %arg6[%swap3A_23, %swap3A_24] : memref<10016x16xf32, #tpu.memory_space<vmem>>, vector<10000x16xf32>
    tpu.vector_store %arg6[%swap3A_23, %swap3A_24], %concatenate3A_22 {strides = array<i32>} : memref<10016x16xf32, #tpu.memory_space<vmem>>, vector<10000x16xf32>,
    %broadcast_in_dim3A_26 = arith.constant 0.000000e+00 : f32
    %broadcast_in_dim3A_27 = vector.broadcast %broadcast_in_dim3A_26 : f32 to vector<16x16xf32>
    %swap3A_28 = arith.constant 10000 : index
    %swap3A_29 = arith.constant 0 : index
    %swap3A_30 = vector.load %arg6[%swap3A_28, %swap3A_29] : memref<10016x16xf32, #tpu.memory_space<vmem>>, vector<16x16xf32>
    tpu.vector_store %arg6[%swap3A_28, %swap3A_29], %broadcast_in_dim3A_27 {strides = array<i32>} : memref<10016x16xf32, #tpu.memory_space<vmem>>, vector<16x16xf32>,
    return
  }
  func.func @transform_0(%arg0: i32) -> (i32, i32) {
    %c0_i32 = arith.constant 0 : i32
    %c0_i32_0 = arith.constant 0 : i32
    %c0_i32_1 = arith.constant 0 : i32
    return %c0_i32, %c0_i32_0 : i32, i32
  }
  func.func @transform_1(%arg0: i32) -> (i32, i32) {
    %c0_i32 = arith.constant 0 : i32
    %c0_i32_0 = arith.constant 0 : i32
    %c0_i32_1 = arith.constant 0 : i32
    return %c0_i32, %c0_i32_0 : i32, i32
  }
  func.func @transform_2(%arg0: i32) -> (i32, i32) {
    %c0_i32 = arith.constant 0 : i32
    %c0_i32_0 = arith.constant 0 : i32
    %c0_i32_1 = arith.constant 0 : i32
    return %c0_i32, %c0_i32_0 : i32, i32
  }
  func.func @transform_3(%arg0: i32) -> (i32, i32) {
    %c0_i32 = arith.constant 0 : i32
    %c0_i32_0 = arith.constant 0 : i32
    %c0_i32_1 = arith.constant 0 : i32
    return %c0_i32, %c0_i32_0 : i32, i32
  }
  func.func @transform_4(%arg0: i32) -> (i32, i32) {
    %c0_i32 = arith.constant 0 : i32
    %c0_i32_0 = arith.constant 0 : i32
    %c0_i32_1 = arith.constant 0 : i32
    return %c0_i32, %c0_i32_0 : i32, i32
  }
  func.func @transform_5(%arg0: i32) -> (i32, i32) {
    %c0_i32 = arith.constant 0 : i32
    %c0_i32_0 = arith.constant 0 : i32
    %c0_i32_1 = arith.constant 0 : i32
    return %c0_i32, %c0_i32_0 : i32, i32
  }
}

module attributes {stable_mosaic.version = 14 : i64} {
  func.func @_epilogue_body(%arg0: i32, %arg1: memref<2000x144xf32, #tpu.memory_space<vmem>>, %arg2: memref<2000x144xf32, #tpu.memory_space<vmem>>, %arg3: memref<2000x144xf32, #tpu.memory_space<vmem>>, %arg4: memref<2000x16xf32, #tpu.memory_space<vmem>>, %arg5: memref<8x128xf32, #tpu.memory_space<vmem>>, %arg6: memref<128x128xf32, #tpu.memory_space<vmem>>, %arg7: memref<2000x128xf32, #tpu.memory_space<vmem>>) attributes {dimension_semantics = [#tpu.dimension_semantics<arbitrary>], iteration_bounds = array<i64: 5>, scalar_prefetch = 0 : i64, scratch_operands = 0 : i64, tpu.core_type = #tpu.core_type<tc>, window_params = [{transform_indices = @transform_0, window_bounds = array<i64: 2000, 144>}, {transform_indices = @transform_1, window_bounds = array<i64: 2000, 144>}, {transform_indices = @transform_2, window_bounds = array<i64: 2000, 144>}, {transform_indices = @transform_3, window_bounds = array<i64: 2000, 16>}, {pipeline_mode = #tpu.pipeline_mode<synchronous>, transform_indices = @transform_4, window_bounds = array<i64: 8, 128>}, {pipeline_mode = #tpu.pipeline_mode<synchronous>, transform_indices = @transform_5, window_bounds = array<i64: 128, 128>}, {transform_indices = @transform_6, window_bounds = array<i64: 2000, 128>}]} {
    %get3A = arith.constant 0 : index
    %get3A_0 = arith.constant 0 : index
    %get3A_1 = vector.load %arg1[%get3A, %get3A_0] : memref<2000x144xf32, #tpu.memory_space<vmem>>, vector<2000x144xf32>
    %get3A_2 = arith.constant 0 : index
    %get3A_3 = arith.constant 0 : index
    %get3A_4 = vector.load %arg2[%get3A_2, %get3A_3] : memref<2000x144xf32, #tpu.memory_space<vmem>>, vector<2000x144xf32>
    %get3A_5 = arith.constant 0 : index
    %get3A_6 = arith.constant 0 : index
    %get3A_7 = vector.load %arg3[%get3A_5, %get3A_6] : memref<2000x144xf32, #tpu.memory_space<vmem>>, vector<2000x144xf32>
    %slice3A = vector.extract_strided_slice %get3A_7 {offsets = [0, 128], sizes = [2000, 8], strides = [1, 1]} : vector<2000x144xf32> to vector<2000x8xf32>
    %get3A_8 = arith.constant 0 : index
    %get3A_9 = arith.constant 0 : index
    %get3A_10 = vector.load %arg4[%get3A_8, %get3A_9] : memref<2000x16xf32, #tpu.memory_space<vmem>>, vector<2000x8xf32>
    %add3A = arith.addf %slice3A, %get3A_10 : vector<2000x8xf32>
    %mul3A = arith.constant 2.000000e-01 : f32
    %mul3A_11 = vector.broadcast %mul3A : f32 to vector<2000x8xf32>
    %mul3A_12 = arith.mulf %mul3A_11, %add3A : vector<2000x8xf32>
    %max3A = arith.maximumf %add3A, %mul3A_12 : vector<2000x8xf32>
    %exp3A = math.exp %max3A : vector<2000x8xf32>
    %slice3A_13 = vector.extract_strided_slice %get3A_1 {offsets = [0, 128], sizes = [2000, 8], strides = [1, 1]} : vector<2000x144xf32> to vector<2000x8xf32>
    %slice3A_14 = vector.extract_strided_slice %get3A_4 {offsets = [0, 128], sizes = [2000, 8], strides = [1, 1]} : vector<2000x144xf32> to vector<2000x8xf32>
    %add3A_15 = arith.addf %slice3A_13, %slice3A_14 : vector<2000x8xf32>
    %add3A_16 = arith.addf %add3A_15, %exp3A : vector<2000x8xf32>
    %get3A_17 = arith.constant 0 : index
    %get3A_18 = arith.constant 0 : index
    %get3A_19 = vector.load %arg5[%get3A_17, %get3A_18] : memref<8x128xf32, #tpu.memory_space<vmem>>, vector<8x128xf32>
    %dot_general3A = arith.constant dense<0.000000e+00> : vector<2000x128xf32>
    %dot_general3A_20 = tpu.matmul %exp3A, %get3A_19, %dot_general3A {dimension_numbers = #tpu.dot_dimension_numbers<[1], [0], [0], [1], [0, 0, 1, 1], [], []>, transpose_lhs_hint = false} : vector<2000x8xf32>, vector<8x128xf32>, vector<2000x128xf32> -> vector<2000x128xf32>
    %dot_general3A_21 = arith.constant dense<0.000000e+00> : vector<2000x128xf32>
    %dot_general3A_22 = tpu.matmul %add3A_16, %get3A_19, %dot_general3A_21 {dimension_numbers = #tpu.dot_dimension_numbers<[1], [0], [0], [1], [0, 0, 1, 1], [], []>, transpose_lhs_hint = false} : vector<2000x8xf32>, vector<8x128xf32>, vector<2000x128xf32> -> vector<2000x128xf32>
    %add3A_23 = arith.constant 1.000000e-16 : f32
    %add3A_24 = vector.broadcast %add3A_23 : f32 to vector<2000x128xf32>
    %add3A_25 = arith.addf %dot_general3A_22, %add3A_24 : vector<2000x128xf32>
    %slice3A_26 = vector.extract_strided_slice %get3A_1 {offsets = [0, 0], sizes = [2000, 128], strides = [1, 1]} : vector<2000x144xf32> to vector<2000x128xf32>
    %slice3A_27 = vector.extract_strided_slice %get3A_4 {offsets = [0, 0], sizes = [2000, 128], strides = [1, 1]} : vector<2000x144xf32> to vector<2000x128xf32>
    %add3A_28 = arith.addf %slice3A_26, %slice3A_27 : vector<2000x128xf32>
    %slice3A_29 = vector.extract_strided_slice %get3A_7 {offsets = [0, 0], sizes = [2000, 128], strides = [1, 1]} : vector<2000x144xf32> to vector<2000x128xf32>
    %mul3A_30 = arith.mulf %dot_general3A_20, %slice3A_29 : vector<2000x128xf32>
    %add3A_31 = arith.addf %add3A_28, %mul3A_30 : vector<2000x128xf32>
    %div3A = arith.divf %add3A_31, %add3A_25 : vector<2000x128xf32>
    %get3A_32 = arith.constant 0 : index
    %get3A_33 = arith.constant 0 : index
    %get3A_34 = vector.load %arg6[%get3A_32, %get3A_33] : memref<128x128xf32, #tpu.memory_space<vmem>>, vector<128x128xf32>
    %dot_general3A_35 = arith.constant dense<0.000000e+00> : vector<2000x128xf32>
    %dot_general3A_36 = tpu.matmul %div3A, %get3A_34, %dot_general3A_35 {dimension_numbers = #tpu.dot_dimension_numbers<[1], [0], [0], [1], [0, 0, 1, 1], [], []>, transpose_lhs_hint = false} : vector<2000x128xf32>, vector<128x128xf32>, vector<2000x128xf32> -> vector<2000x128xf32>
    %swap3A = arith.constant 0 : index
    %swap3A_37 = arith.constant 0 : index
    %swap3A_38 = vector.load %arg7[%swap3A, %swap3A_37] : memref<2000x128xf32, #tpu.memory_space<vmem>>, vector<2000x128xf32>
    tpu.vector_store %arg7[%swap3A, %swap3A_37], %dot_general3A_36 {strides = array<i32>} : memref<2000x128xf32, #tpu.memory_space<vmem>>, vector<2000x128xf32>,
    return
  }
  func.func @transform_0(%arg0: i32) -> (i32, i32) {
    %c0_i32 = arith.constant 0 : i32
    %c0_i32_0 = arith.constant 0 : i32
    return %arg0, %c0_i32 : i32, i32
  }
  func.func @transform_1(%arg0: i32) -> (i32, i32) {
    %c0_i32 = arith.constant 0 : i32
    %c0_i32_0 = arith.constant 0 : i32
    return %arg0, %c0_i32 : i32, i32
  }
  func.func @transform_2(%arg0: i32) -> (i32, i32) {
    %c0_i32 = arith.constant 0 : i32
    %c0_i32_0 = arith.constant 0 : i32
    return %arg0, %c0_i32 : i32, i32
  }
  func.func @transform_3(%arg0: i32) -> (i32, i32) {
    %c0_i32 = arith.constant 0 : i32
    %c0_i32_0 = arith.constant 0 : i32
    return %arg0, %c0_i32 : i32, i32
  }
  func.func @transform_4(%arg0: i32) -> (i32, i32) {
    %c0_i32 = arith.constant 0 : i32
    %c0_i32_0 = arith.constant 0 : i32
    %c0_i32_1 = arith.constant 0 : i32
    return %c0_i32, %c0_i32_0 : i32, i32
  }
  func.func @transform_5(%arg0: i32) -> (i32, i32) {
    %c0_i32 = arith.constant 0 : i32
    %c0_i32_0 = arith.constant 0 : i32
    %c0_i32_1 = arith.constant 0 : i32
    return %c0_i32, %c0_i32_0 : i32, i32
  }
  func.func @transform_6(%arg0: i32) -> (i32, i32) {
    %c0_i32 = arith.constant 0 : i32
    %c0_i32_0 = arith.constant 0 : i32
    return %arg0, %c0_i32 : i32, i32
  }
}

</mosaic_0001>

<sc_bundles>
// kernel: kernel.5.cloned.1.call-start
scs
__scs_entry_jumppad:
0x0: {  	(pc) =	sbr.rel $0x88, $3  }
0x1: {  	(tag) =	ssettag $0x0;
	lr =	simm.s32 $0x1  }
0x2: {  	[smem:$0x3F9C] =	sst lr;
	_ =	strace $0xD0000000  }
0x3: {  	_ = 	snop  }
0x4: {  	_ = 	snop  }
0x5: {  	_ = 	snop  }
0x6: {  	_ = 	snop  }
0x7: {  	_ = 	snop  }
__scs_overlays_trampoline_lowered:
0x8: {  	[smem:$0x3FAB] =	sst s0  }
0x9: {  	[smem:$0x3FAC] =	sst s1  }
0xa: {  	[smem:$0x3FAD] =	sst s2  }
0xb: {  	[smem:$0x3FAE] =	sst s3  }
0xc: {  	[smem:$0x3FAF] =	sst s4  }
0xd: {  	[smem:$0x3FB0] =	sst s5  }
0xe: {  	[smem:$0x3FB1] =	sst s6  }
0xf: {  	[smem:$0x3FB2] =	sst s7  }
0x10: {  	[smem:$0x3FB3] =	sst s8  }
0x11: {  	[smem:$0x3FB4] =	sst s9;
	s0 =	simm.s32 @!p0 $0x0  }
0x12: {  	s1 =	sld [smem:$0x3F9A];
	s0 =	simm.s32 @p0 $0x1  }
0x13: {  	[smem:$0x3FB5] =	sst s0;
	s0 =	simm.s32 @!p1 $0x0  }
0x14: {  	s2 =	sld [smem:$0x3F99];
	s0 =	simm.s32 @p1 $0x1  }
0x15: {  	[smem:$0x3FB6] =	sst s0;
	s0 =	simm.s32 @!p2 $0x0  }
0x16: {  	s3 =	sld [smem:$0x3FDB];
	s0 =	simm.s32 @p2 $0x1  }
0x17: {  	s4 =	simm.s32 $0x1BF5;
	[smem:$0x3FB8] =	sst s0  }
0x18: {  	s0 =	sld [smem:$0x3F9B];
	_ =	swait.ge [sflag:s4], $0x0  }
0x19: {  	s7 =	sld [smem:$0x3F9C]  }
0x1a: {  	s8 =	sadd.s32 $0xFFFFE003, lr  }
0x1b: {  	s9 =	sadd.s32 $0xFFFFFEF7, lr;
	s5 =	simm.s32 $0xFFFFFFFF;
	p2 =	slt.u32 s8, $0xFFFFF086  }
0x1c: {  	p1 =	slt.u32 s9, $0xF7A;
	s5 =	simm.s32 @!p2 $0x0  }
0x1d: {  	s5 =	simm.s32 @p1 $0x1;
	p0 =	seq.s32 s7, s2  }
0x1e: {  	s7 =	smul.u32 @!p0 $0xF7A, s2;
	p2 =	seq.s32 @!p0 s5, $0x0  }
0x1f: {  	s9 =	smul.u32 $0xF7A, s1;
	s8 =	simm.s32 @!p0 $0x1BF5;
	p2 =	por !p2, p0  }
0x20: {  	[sflag:s8] =	ssyncset.s32 @!p0 $0xFFFFF086;
	s6 =	sadd.s32 @!p0 s3, s7;
	s7 =	simm.s32 @!p0 $0x108  }
0x21: {  	s3 =	sadd.s32 s3, s9;
	s6 =	sadd.s32 @!p0 $0x88, s6;
	s7 =	simm.s32 @p2 $0x1082  }
0x22: {  	[simem:s7], [sflag:s8] =	dma.local @!p0 [hbm:s6], $0xF7A  }
0x23: {  	s9 =	sor.u32 $0xD0000000, s2;
	s6 =	simm.s32 $0x108;
	_ =	swait.ge @!p0 [sflag:s8], $0x0  }
0x24: {  	s3 =	sadd.s32 $0x88, s3;
	s6 =	simm.s32 @!p1 $0x1082;
	[sflag:s4] =	ssyncset.s32 $0xFFFFF086  }
0x25: {  	[simem:s6], [sflag:s4] =	dma.local [hbm:s3], $0xF7A  }
0x26: {  	[smem:$0x3F9C] =	sst s1;
	(tag) =	ssettag s2;
	_ =	strace s9  }
0x27: {  	s1 =	sld [smem:$0x3FAC]  }
0x28: {  	s2 =	sld [smem:$0x3FAD]  }
0x29: {  	s4 =	sld [smem:$0x3FAF]  }
0x2a: {  	p0 =	seq.s32 s5, $0x0;
	s5 =	sld [smem:$0x3FB0]  }
0x2b: {  	s6 =	sld [smem:$0x3FB1]  }
0x2c: {  	s7 =	sld [smem:$0x3FB2]  }
0x2d: {  	s3 =	simm.s32 $0x108;
	s8 =	sld [smem:$0x3FB3]  }
0x2e: {  	s3 =	simm.s32 @!p0 $0x1082;
	s9 =	sld [smem:$0x3FB4]  }
0x2f: {  	lr =	sadd.s32 s0, s3;
	s0 =	sld [smem:$0x3FAB]  }
0x30: {  	s3 =	sld [smem:$0x3FAE]  }
0x31: {  	[smem:$0x3FB7] =	sst s10  }
0x32: {  	s10 =	sld [smem:$0x3FB5];
	_ =	sdelay $0x3  }
0x33: {  	p0 =	seq.s32 s10, $0x1;
	s10 =	sld [smem:$0x3FB7];
	_ =	sdelay $0x3  }
0x34: {  	[smem:$0x3FB7] =	sst s10  }
0x35: {  	s10 =	sld [smem:$0x3FB6];
	_ =	sdelay $0x3  }
0x36: {  	p1 =	seq.s32 s10, $0x1;
	s10 =	sld [smem:$0x3FB7];
	_ =	sdelay $0x3  }
0x37: {  	[smem:$0x3FB7] =	sst s10  }
0x38: {  	s10 =	sld [smem:$0x3FB8]  }
0x39: {  	_ = 	snop;
	(pc) =	sbr.ind lr, $3  }
0x3a: {  	_ = 	snop  }
0x3b: {  	_ = 	snop  }
0x3c: {  	p2 =	seq.s32 s10, $0x1;
	s10 =	sld [smem:$0x3FB7]  }
0x3d: {  	_ =	shalt  }
0x3e: {  	_ =	shalt  }
0x3f: {  	_ =	shalt  }
0x40: {  	_ =	shalt  }
0x41: {  	_ =	shalt  }
0x42: {  	_ =	shalt  }
0x43: {  	_ =	shalt  }
0x44: {  	_ =	shalt  }
0x45: {  	_ =	shalt  }
0x46: {  	_ =	shalt  }
0x47: {  	_ =	shalt  }
0x48: {  	_ =	shalt  }
0x49: {  	_ =	shalt  }
0x4a: {  	_ =	shalt  }
0x4b: {  	_ =	shalt  }
0x4c: {  	_ =	shalt  }
0x4d: {  	_ =	shalt  }
0x4e: {  	_ =	shalt  }
0x4f: {  	_ =	shalt  }
0x50: {  	_ =	shalt  }
0x51: {  	_ =	shalt  }
0x52: {  	_ =	shalt  }
0x53: {  	_ =	shalt  }
0x54: {  	_ =	shalt  }
0x55: {  	_ =	shalt  }
0x56: {  	_ =	shalt  }
0x57: {  	_ =	shalt  }
0x58: {  	_ =	shalt  }
0x59: {  	_ =	shalt  }
0x5a: {  	_ =	shalt  }
0x5b: {  	_ =	shalt  }
0x5c: {  	_ =	shalt  }
0x5d: {  	_ =	shalt  }
0x5e: {  	_ =	shalt  }
0x5f: {  	_ =	shalt  }
0x60: {  	_ =	shalt  }
0x61: {  	_ =	shalt  }
0x62: {  	_ =	shalt  }
0x63: {  	_ =	shalt  }
0x64: {  	_ =	shalt  }
0x65: {  	_ =	shalt  }
0x66: {  	_ =	shalt  }
0x67: {  	_ =	shalt  }
0x68: {  	_ =	shalt  }
0x69: {  	_ =	shalt  }
0x6a: {  	_ =	shalt  }
0x6b: {  	_ =	shalt  }
0x6c: {  	_ =	shalt  }
0x6d: {  	_ =	shalt  }
0x6e: {  	_ =	shalt  }
0x6f: {  	_ =	shalt  }
0x70: {  	_ =	shalt  }
0x71: {  	_ =	shalt  }
0x72: {  	_ =	shalt  }
0x73: {  	_ =	shalt  }
0x74: {  	_ =	shalt  }
0x75: {  	_ =	shalt  }
0x76: {  	_ =	shalt  }
0x77: {  	_ =	shalt  }
0x78: {  	_ =	shalt  }
0x79: {  	_ =	shalt  }
0x7a: {  	_ =	shalt  }
0x7b: {  	_ =	shalt  }
0x7c: {  	_ =	shalt  }
0x7d: {  	_ =	shalt  }
0x7e: {  	_ =	shalt  }
0x7f: {  	_ =	shalt  }
0x80: {  	_ =	shalt  }
0x81: {  	_ =	shalt  }
0x82: {  	_ =	shalt  }
0x83: {  	_ =	shalt  }
0x84: {  	_ =	shalt  }
0x85: {  	_ =	shalt  }
0x86: {  	_ =	shalt  }
0x87: {  	_ =	shalt  }
.Lfunc_end0:
.L_simem_size_0:
called_computation_lowered:
.L_overlay_start_0:
0x88: {  	s2 =	sld [smem:$0x3FD9]  }
0x89: {  	s3 =	sld [smem:$0x3FFE];
	_ =	sdelay $0x1  }
0x8a: {  	s1 =	srdreg.scid  }
0x8b: {  	s0 =	sand.u32 $0x1, s1  }
0x8c: {  	s17 =	sshll.u32 s0, $0xA;
	s2 =	sadd.s32 s3, s2  }
0x8d: {  	s2 =	sadd.s32 s2, s17  }
0x8e: {  	[smem:$0x3FC3] =	sst s2  }
0x8f: {  	_ = 	snop  }
0x90: {  	s2 =	sld [smem:$0x3FD0];
	(tm) =	ssettm $0x1  }
0x91: {  	s18 =	sld [smem:$0x3FFB];
	_ =	sdelay $0x3  }
0x92: {  	_ =	strace s18  }
0x93: {  	s3 =	sld [smem:$0x3FFC];
	_ =	sdelay $0x3  }
0x94: {  	_ =	strace s3  }
0x95: {  	s3 =	sld [smem:$0x3FFD];
	_ =	sdelay $0x3  }
0x96: {  	_ =	strace s3  }
0x97: {  	_ =	strace $0x8FFFFFFF  }
0x98: {  	s19 =	sld [smem:$0x3FDB];
	_ =	sdelay $0x1  }
0x99: {  	s4 =	simm.s32 $_scs_section_size  }
0x9a: {  	s5 =	simm.s32 $_size__tile_overlayer_lowered;
	s6 =	simm.s32 $_tile_overlayer_lowered  }
0x9b: {  	s22 =	simm.s32 $0x1BFF;
	s21 =	sshll.u32 s6, $0x1;
	s3 =	sadd.s32 s4, s19  }
0x9c: {  	s7 =	simm.s32 $0x0;
	s20 =	sshll.u32 s5, $0x1;
	s5 =	sadd.s32 s21, s3  }
0x9d: {  	[timem:s7], [sflag:s22] =	dma.local [hbm:s5], s20  }
0x9e: {  	_ =	swait.ge [sflag:s22], s20  }
0x9f: {  	s4 =	ssub.s32 $0x0, s20;
	[sflag:s22] =	ssyncset.done $0x0  }
0xa0: {  	[sflag:s22] =	ssyncadd.s32 s4;
	_ =	sdelay $0x1  }
0xa1: {  	s23 =	simm.s32 $0x1B8B  }
0xa2: {  	_ =	swait.ge [sflag:s23], $0x1  }
0xa3: {  	[sflag:s23] =	ssyncset.done $0x0  }
0xa4: {  	s25 =	simm.s32 $0x1B8E;
	s24 =	sld [smem:$0x3FFE];
	[sflag:s23] =	ssyncadd.s32 $0xFFFFFFFF  }
0xa5: {  	s26 =	simm.s32 $execute0_lowered;
	[smem:$0x3FD2] =	sst s25  }
0xa6: {  	s5 =	sshll.u32 s26, $0x1;
	_ =	strace $0x80000046;
	[dreg:$0x1] =	wrdreg $0xFFFFFFFF  }
0xa7: {  	s28 =	simm.s32 $_size_execute0_lowered;
	s3 =	sadd.s32 s3, s5;
	[dreg:$0x0] =	wrdreg $0x0  }
0xa8: {  	s5 =	sshll.u32 s28, $0x1;
	[dreg:$0x2] =	wrdreg s3  }
0xa9: {  	[dreg:$0x3] =	wrdreg s5  }
0xaa: {  	[dreg:$0x4] =	wrdreg $0xC0  }
0xab: {  	_ =	task [dreg:s7], $0x5FFFF  }
0xac: {  	[dreg:$0x1] =	wrdreg $0xFFFFFFFF  }
0xad: {  	[dreg:$0x0] =	wrdreg $0x60  }
0xae: {  	[dreg:$0x2] =	wrdreg s24  }
0xaf: {  	[dreg:$0x3] =	wrdreg s2  }
0xb0: {  	[dreg:$0x4] =	wrdreg $0x98D00  }
0xb1: {  	[dreg:$0x5] =	wrdreg $0x9  }
0xb2: {  	_ =	task.clear_ibuf [dreg:s7], $0x6FFFF;
	_ =	strace $0x90000046  }
0xb3: {  	s29 =	simm.s32 $0x9;
	_ =	strace $0x80000048  }
0xb4: {  	_ =	swait.ge [sflag:s29], $0x1  }
0xb5: {  	[sflag:s29] =	ssyncadd.s32 $0xFFFFFFFF  }
0xb6: {  	_ =	strace $0x90000048  }
0xb7: {  	_ =	sfence  }
0xb8: {  	s30 =	sld [smem:$0x0];
	_ =	sdelay $0x2  }
0xb9: {  	s31 =	sshll.u32 s1, $0xD;
	s1 =	sshrl.u32 s1, $0x2  }
0xba: {  	s3 =	sand.u32 $0x4000, s31;
	s1 =	sadd.s32 s1, s30  }
0xbb: {  	s0 =	sor.u32 s3, s0;
	s1 =	sshll.u32 s1, $0x11  }
0xbc: {  	s0 =	sor.u32 s1, s0  }
0xbd: {  	s0 =	sadd.s32 $0x8F2B, s0  }
0xbe: {  	[sflag:s0] =	ssyncadd.remote.s32 $0x1  }
0xbf: {  	_ =	sfence.sel $0xFFFF  }
0xc0: {  	[dreg:$0x0] =	wrdreg $0xFFFFFFFF;
	(pc) =	sbr.abs _section_cstart, $3  }
0xc1: {  	[dreg:$0x1] =	wrdreg $0xFFFFFFFF  }
0xc2: {  	_ =	task.clear_ibuf [dreg:s7], $0x2FFFF;
	_ =	strace $0x9FFFFFFF  }
0xc3: {  	(tm) =	ssettm $0x7FFFFFFF  }
tec
execute0_lowered:
.L_overlay_start_1:
0x0: {  	(tag) =	ssettag $0x1  }
0x1: {  	s0 =	rddreg [dreg:$0x0]  }
0x2: {  	s2 =	rddreg [dreg:$0x1]  }
0x3: {  	s3 =	rddreg [dreg:$0x2];
	s1 =	srdreg.scid  }
0x4: {  	s11 =	stileid.u32;
	s4 =	simm.s32 $0x0;
	s30 =	simm.s32 $0x1  }
0x5: {  	s31 =	simm.s32 $0x4;
	s29 =	simm.s32 $0xA0;
	s28 =	simm.s32 $0xD  }
0x6: {  	s1 =	sand.u32 $0x1, s1;
	s7 =	smul.u32 $0x16020, s11;
	[smem:$0x7FF] =	sst s4  }
0x7: {  	s5 =	sadd.s32 $0x4EE00, s0;
	s6 =	sadd.s32 $0x7B000, s0;
	s10 =	smul.u32 $0x58080, s11  }
0x8: {  	s8 =	smul.u32 $0x160200, s1;
	_ =	strace $0x80000047;
	s9 =	sshll.u32 s1, $0x4  }
0x9: {  	s1 =	ssub.s32 $0x2, s1;
	s23 =	sor.u32 s11, s9;
	s10 =	sshrl.u32 s10, $0x2  }
0xa: {  	s24 =	sshrl.u32 s1, $0x1;
	s21 =	sadd.s32 s7, s3;
	s25 =	sadd.s32 s10, s3  }
0xb: {  	s9 =	simm.s32 $0x2;
	[dreg:$0x4] =	wrdreg s21;
	s26 =	sadd.s32 $0x2D00, s25  }
0xc: {  	s8 =	sadd.s32 s7, s8;
	s10 =	sadd.s32 $0x5A00, s25;
	[dreg:$0x5] =	wrdreg s26  }
0xd: {  	s11 =	smul.u32 $0x7E, s23;
	s12 =	sadd.s32 $0x8700, s25;
	[dreg:$0x6] =	wrdreg s10  }
0xe: {  	s1 =	ssub.s32 s1, s24;
	s13 =	sadd.s32 $0xB400, s25;
	[dreg:$0x7] =	wrdreg s12  }
0xf: {  	s8 =	sshrl.u32 s8, $0x3;
	s15 =	sadd.s32 $0xE100, s25;
	[dreg:$0x8] =	wrdreg s13  }
0x10: {  	s16 =	sadd.s32 $0x10E00, s25;
	s17 =	sadd.s32 $0x13B00, s25;
	[dreg:$0x9] =	wrdreg s15  }
0x11: {  	s0 =	sadd.s32 s8, s0;
	s8 =	smul.u32 $0x2760, s23;
	[dreg:$0xa] =	wrdreg s16  }
0x12: {  	[dreg:$0xc] =	wrdreg s17;
	s23 =	sadd.s32 $0x3, s11;
	s24 =	sadd.s32 $0x4, s11  }
0x13: {  	s25 =	sadd.s32 $0x5, s11;
	s26 =	smax.u32 s1, $0x1;
	s10 =	simm.s32 $0x5  }
0x14: {  	s13 =	simm.s32 $0xA;
	s15 =	simm.s32 $0x7;
	[dreg:$0x12] =	wrdreg s23  }
0x15: {  	s12 =	simm.s32 $0xC;
	s1 =	simm.s32 $0xF;
	[dreg:$0x13] =	wrdreg s24  }
0x16: {  	s11 =	simm.s32 $0x0;
	s16 =	simm.s32 $0xF0;
	[dreg:$0x14] =	wrdreg s25  }
0x17: {  	s0 =	sadd.s32 $0x80000, s0;
	[dreg:$0x16] =	wrdreg s26;
	s14 =	sshrl.u32 s8, $0x3  }
0x18: {  	s17 =	simm.s32 $0x140;
	[dreg:$0x15] =	wrdreg s0;
	s7 =	sadd.s32 s2, s14  }
0x19: {  	s26 =	simm.s32 $0x11D0;
	s18 =	sadd.s32 $0x9D80, s7;
	[dreg:$0xb] =	wrdreg s7  }
0x1a: {  	s24 =	simm.s32 $0x6BD0;
	s19 =	sadd.s32 $0xA, s7;
	[dreg:$0xd] =	wrdreg s18  }
0x1b: {  	s25 =	simm.s32 $0xE;
	s20 =	sadd.s32 $0x9D8A, s7;
	[dreg:$0xe] =	wrdreg s19  }
0x1c: {  	s0 =	simm.s32 $0x50;
	s22 =	sadd.s32 $0x14, s7;
	[dreg:$0xf] =	wrdreg s20  }
0x1d: {  	s14 =	simm.s32 $0xB;
	s7 =	sadd.s32 $0x9D94, s7;
	[dreg:$0x10] =	wrdreg s22  }
0x1e: {  	[dreg:$0x11] =	wrdreg s7;
	s22 =	simm.s32 $0x10;
	s19 =	simm.s32 $0x3  }
0x1f: {  	v0 =	vimm.f32 $0.0e+00;
	s20 =	simm.s32 $0x6;
	s7 =	simm.s32 $0x8;
	s18 =	simm.s32 $0x9  }
.LBB2_1:
0x20: {  	[dreg:$0x17] =	wrdreg s11;
	s8 =	simm.s32 $0x0;
	s11 =	simm.s32 $0x240  }
.LBB2_2:
0x21: {  	p0 =	sne.s32 s11, $0xB1C0;
	[tilespmem:s8+$0x1250] =	vst v0  }
0x22: {  	[tilespmem:s8+$0x11D0] =	vst v0  }
0x23: {  	[tilespmem:s8+$0x11E0] =	vst v0  }
0x24: {  	[tilespmem:s8+$0x11F0] =	vst v0  }
.Ltmp0:
0x25: {  	[tilespmem:s8+$0x1200] =	vst v0;
	(pc) =	sbr.rel @p0 .LBB2_2-.Ltmp0, $4  }
0x26: {  	[tilespmem:s8+$0x1210] =	vst v0  }
0x27: {  	[tilespmem:s8+$0x1220] =	vst v0  }
0x28: {  	[tilespmem:s8+$0x1230] =	vst v0  }
0x29: {  	[tilespmem:s8+$0x1240] =	vst v0;
	s8 =	sshra.s32 s11, $0x2;
	s11 =	sadd.s32 $0x240, s11  }
0x2a: {  	[tilespmem:s8+$0x1250] =	vst v0  }
0x2b: {  	[tilespmem:s8+$0x11D0] =	vst v0  }
0x2c: {  	[tilespmem:s8+$0x11E0] =	vst v0  }
0x2d: {  	[tilespmem:s8+$0x11F0] =	vst v0  }
0x2e: {  	[tilespmem:s8+$0x1200] =	vst v0  }
0x2f: {  	[tilespmem:s8+$0x1210] =	vst v0  }
0x30: {  	[tilespmem:s8+$0x1220] =	vst v0  }
0x31: {  	[tilespmem:s8+$0x1230] =	vst v0  }
0x32: {  	[tilespmem:s8+$0x1240] =	vst v0  }
0x33: {  	[spmem:s21] =	stream.linear.scatter [tilespmem:s26], [sflag:$0x10], $0x2D00, $0x38;
	[tilespmem:$0x1F8F0] =	vst v63  }
0x34: {  	_ =	swait.ge [sflag:s22], $0x2D00  }
0x35: {  	[sflag:s22] =	ssyncset.done $0x0  }
0x36: {  	s23 =	rddreg [dreg:$0x5];
	[sflag:s22] =	ssyncadd.s32 $0xFFFFD300  }
0x37: {  	[spmem:s23] =	stream.linear.scatter [tilespmem:s26], [sflag:$0x10], $0x2D00, $0x38;
	[tilespmem:$0x1F8F0] =	vst v63  }
0x38: {  	_ =	swait.ge [sflag:s22], $0x2D00  }
0x39: {  	[sflag:s22] =	ssyncset.done $0x0  }
0x3a: {  	s11 =	rddreg [dreg:$0x6];
	[sflag:s22] =	ssyncadd.s32 $0xFFFFD300  }
0x3b: {  	[spmem:s11] =	stream.linear.scatter [tilespmem:s26], [sflag:$0x10], $0x2D00, $0x38;
	[tilespmem:$0x1F8F0] =	vst v63  }
0x3c: {  	_ =	swait.ge [sflag:s22], $0x2D00  }
0x3d: {  	[sflag:s22] =	ssyncset.done $0x0  }
0x3e: {  	s21 =	rddreg [dreg:$0x7];
	[sflag:s22] =	ssyncadd.s32 $0xFFFFD300  }
0x3f: {  	[spmem:s21] =	stream.linear.scatter [tilespmem:s26], [sflag:$0x10], $0x2D00, $0x38;
	[tilespmem:$0x1F8F0] =	vst v63  }
0x40: {  	_ =	swait.ge [sflag:s22], $0x2D00  }
0x41: {  	[sflag:s22] =	ssyncset.done $0x0  }
0x42: {  	s23 =	rddreg [dreg:$0x8];
	[sflag:s22] =	ssyncadd.s32 $0xFFFFD300  }
0x43: {  	[spmem:s23] =	stream.linear.scatter [tilespmem:s26], [sflag:$0x10], $0x2D00, $0x38;
	[tilespmem:$0x1F8F0] =	vst v63  }
0x44: {  	_ =	swait.ge [sflag:s22], $0x2D00  }
0x45: {  	[sflag:s22] =	ssyncset.done $0x0  }
0x46: {  	s11 =	rddreg [dreg:$0x9];
	[sflag:s22] =	ssyncadd.s32 $0xFFFFD300  }
0x47: {  	[spmem:s11] =	stream.linear.scatter [tilespmem:s26], [sflag:$0x10], $0x2D00, $0x38;
	[tilespmem:$0x1F8F0] =	vst v63  }
0x48: {  	_ =	swait.ge [sflag:s22], $0x2D00  }
0x49: {  	[sflag:s22] =	ssyncset.done $0x0  }
0x4a: {  	s21 =	rddreg [dreg:$0xa];
	[sflag:s22] =	ssyncadd.s32 $0xFFFFD300  }
0x4b: {  	[spmem:s21] =	stream.linear.scatter [tilespmem:s26], [sflag:$0x10], $0x2D00, $0x38;
	[tilespmem:$0x1F8F0] =	vst v63  }
0x4c: {  	_ =	swait.ge [sflag:s22], $0x2D00  }
0x4d: {  	[sflag:s22] =	ssyncset.done $0x0  }
0x4e: {  	s23 =	rddreg [dreg:$0xc];
	[sflag:s22] =	ssyncadd.s32 $0xFFFFD300  }
0x4f: {  	[spmem:s23] =	stream.linear.scatter [tilespmem:s26], [sflag:$0x10], $0x2520, $0x38;
	[tilespmem:$0x1F8F0] =	vst v63  }
0x50: {  	_ =	swait.ge [sflag:s22], $0x2520  }
0x51: {  	[sflag:s22] =	ssyncset.done $0x0  }
0x52: {  	[sflag:s22] =	ssyncadd.s32 $0xFFFFDAE0  }
0x53: {  	[bflag:$0x0] =	sbarrier.arrive $0xFFFF  }
0x54: {  	s11 =	rddreg [dreg:$0xb]  }
0x55: {  	[tilespmem:s4], [sflag:$0x1] =	stream.linear.gather [hbm4b:s11+s4], $0x50, $0x38;
	[tilespmem:$0x1F8F0] =	vst v63  }
0x56: {  	s21 =	rddreg [dreg:$0xd];
	s11 =	simm.s32 $0xF0  }
0x57: {  	[tilespmem:s11], [sflag:$0x4] =	stream.linear.gather [hbm4b:s21+s4], $0x50, $0x38;
	[tilespmem:$0x1F8F0] =	vst v63  }
0x58: {  	_ =	swait.ge [sflag:s30], $0x50  }
0x59: {  	[sflag:s30] =	ssyncset.done $0x0  }
0x5a: {  	[sflag:s30] =	ssyncadd.s32 $0xFFFFFFB0  }
0x5b: {  	_ =	swait.ge [sflag:s31], $0x50  }
0x5c: {  	[sflag:s31] =	ssyncset.done $0x0  }
0x5d: {  	[sflag:s31] =	ssyncadd.s32 $0xFFFFFFB0  }
0x5e: {  	v1 =	vld [tilespmem:$0x0]  }
0x5f: {  	v2 =	vld [tilespmem:$0xF0];
	_ =	sdelay $0x1  }
0x60: {  	v3 =	vld [tilespmem:$0x10]  }
0x61: {  	v4 =	vld [tilespmem:$0x100];
	_ =	sdelay $0x1  }
0x62: {  	v5 =	vld [tilespmem:$0x20];
	vm0 =	veq.s32 v1, v2  }
0x63: {  	v6 =	vld [tilespmem:$0x110];
	v1 =	vsel vm0, $0x2710, v1  }
0x64: {  	[tilespmem:$0x0] =	vst v1;
	v1 =	vsel vm0, $0x2710, v2  }
0x65: {  	vm7 =	veq.s32 v3, v4;
	v2 =	vld [tilespmem:$0x30];
	[tilespmem:$0xF0] =	vst v1  }
0x66: {  	[tilespmem:$0x1E0] =	vst v1;
	v1 =	vsel vm7, $0x2710, v3;
	v3 =	vld [tilespmem:$0x120]  }
0x67: {  	[tilespmem:$0x10] =	vst v1;
	v1 =	vsel vm7, $0x2710, v4  }
0x68: {  	v38 =	vld [tilespmem:$0x40];
	vm8 =	veq.s32 v5, v6;
	[tilespmem:$0x100] =	vst v1  }
0x69: {  	v39 =	vld [tilespmem:$0x130];
	[tilespmem:$0x1F0] =	vst v1;
	v1 =	vsel vm8, $0x2710, v5  }
0x6a: {  	[tilespmem:$0x20] =	vst v1;
	v1 =	vsel vm8, $0x2710, v6  }
0x6b: {  	[tilespmem:$0x110] =	vst v1;
	vm9 =	veq.s32 v2, v3  }
0x6c: {  	[tilespmem:$0x200] =	vst v1;
	v1 =	vsel vm9, $0x2710, v2  }
0x6d: {  	[tilespmem:$0x30] =	vst v1;
	v1 =	vsel vm9, $0x2710, v3  }
0x6e: {  	vm10 =	veq.s32 v38, v39;
	[tilespmem:$0x120] =	vst v1  }
0x6f: {  	[tilespmem:$0x210] =	vst v1;
	v1 =	vsel vm10, $0x2710, v38  }
0x70: {  	[tilespmem:$0x40] =	vst v1;
	v1 =	vsel vm10, $0x2710, v39  }
0x71: {  	[tilespmem:$0x130] =	vst v1  }
0x72: {  	[tilespmem:$0x220] =	vst v1  }
0x73: {  	[tilespmem:s26], [sflag:$0xA] =	stream.indirect.gather [hbm4b:s5+s0], $0x90, s4, s0, $0xb8;
	[tilespmem:$0x1F8F0] =	vst v63  }
0x74: {  	s22 =	simm.s32 $0x2D0  }
0x75: {  	[tilespmem:s22], [sflag:$0x7] =	stream.indirect.gather [hbm4b:s6+s0], $0x10, s11, s0, $0xb8;
	[tilespmem:$0x1F8F0] =	vst v63  }
0x76: {  	s23 =	rddreg [dreg:$0xe]  }
0x77: {  	[tilespmem:s0], [sflag:$0x2] =	stream.linear.gather [hbm4b:s23+s4], $0x50, $0x38;
	[tilespmem:$0x1F8F0] =	vst v63  }
0x78: {  	s21 =	simm.s32 $0x140;
	s11 =	rddreg [dreg:$0xf]  }
0x79: {  	[tilespmem:s21], [sflag:$0x5] =	stream.linear.gather [hbm4b:s11+s4], $0x50, $0x38;
	[tilespmem:$0x1F8F0] =	vst v63  }
0x7a: {  	_ =	swait.ge [sflag:s9], $0x50  }
0x7b: {  	[sflag:s9] =	ssyncset.done $0x0  }
0x7c: {  	[sflag:s9] =	ssyncadd.s32 $0xFFFFFFB0  }
0x7d: {  	_ =	swait.ge [sflag:s10], $0x50  }
0x7e: {  	[sflag:s10] =	ssyncset.done $0x0  }
0x7f: {  	[sflag:s10] =	ssyncadd.s32 $0xFFFFFFB0  }
0x80: {  	v1 =	vld [tilespmem:$0x50]  }
0x81: {  	v2 =	vld [tilespmem:$0x140];
	_ =	sdelay $0x1  }
0x82: {  	v3 =	vld [tilespmem:$0x60]  }
0x83: {  	v40 =	vld [tilespmem:$0x150];
	_ =	sdelay $0x1  }
0x84: {  	v41 =	vld [tilespmem:$0x70];
	vm11 =	veq.s32 v1, v2  }
0x85: {  	v42 =	vld [tilespmem:$0x160];
	v1 =	vsel vm11, $0x2710, v1  }
0x86: {  	[tilespmem:$0x50] =	vst v1;
	v1 =	vsel vm11, $0x2710, v2  }
0x87: {  	vm12 =	veq.s32 v3, v40;
	v2 =	vld [tilespmem:$0x80];
	[tilespmem:$0x140] =	vst v1  }
0x88: {  	[tilespmem:$0x230] =	vst v1;
	v1 =	vsel vm12, $0x2710, v3;
	v3 =	vld [tilespmem:$0x170]  }
0x89: {  	[tilespmem:$0x60] =	vst v1;
	v1 =	vsel vm12, $0x2710, v40  }
0x8a: {  	v43 =	vld [tilespmem:$0x90];
	vm13 =	veq.s32 v41, v42;
	[tilespmem:$0x150] =	vst v1  }
0x8b: {  	v44 =	vld [tilespmem:$0x180];
	[tilespmem:$0x240] =	vst v1;
	v1 =	vsel vm13, $0x2710, v41  }
0x8c: {  	[tilespmem:$0x70] =	vst v1;
	v1 =	vsel vm13, $0x2710, v42  }
0x8d: {  	[tilespmem:$0x160] =	vst v1;
	vm14 =	veq.s32 v2, v3  }
0x8e: {  	[tilespmem:$0x250] =	vst v1;
	v1 =	vsel vm14, $0x2710, v2  }
0x8f: {  	[tilespmem:$0x80] =	vst v1;
	v1 =	vsel vm14, $0x2710, v3  }
0x90: {  	vm15 =	veq.s32 v43, v44;
	[tilespmem:$0x170] =	vst v1  }
0x91: {  	[tilespmem:$0x260] =	vst v1;
	v1 =	vsel vm15, $0x2710, v43  }
0x92: {  	[tilespmem:$0x90] =	vst v1;
	v1 =	vsel vm15, $0x2710, v44  }
0x93: {  	[tilespmem:$0x180] =	vst v1  }
0x94: {  	s22 =	simm.s32 $0x3ED0;
	[tilespmem:$0x270] =	vst v1  }
0x95: {  	[tilespmem:s22], [sflag:$0xB] =	stream.indirect.gather [hbm4b:s5+s0], $0x90, s0, s0, $0xb8;
	[tilespmem:$0x1F8F0] =	vst v63  }
0x96: {  	s23 =	simm.s32 $0x7D0  }
0x97: {  	[tilespmem:s23], [sflag:$0x8] =	stream.indirect.gather [hbm4b:s6+s0], $0x10, s21, s0, $0xb8;
	[tilespmem:$0x1F8F0] =	vst v63  }
0x98: {  	_ =	swait.ge [sflag:s13], $0x2D00  }
0x99: {  	[sflag:s13] =	ssyncset.done $0x0  }
0x9a: {  	[sflag:s13] =	ssyncadd.s32 $0xFFFFD300  }
0x9b: {  	_ =	swait.ge [sflag:s15], $0x500  }
0x9c: {  	[sflag:s15] =	ssyncset.done $0x0  }
0x9d: {  	s21 =	rddreg [dreg:$0x10];
	[sflag:s15] =	ssyncadd.s32 $0xFFFFFB00  }
0x9e: {  	[tilespmem:s29], [sflag:$0x3] =	stream.linear.gather [hbm4b:s21+s4], $0x50, $0x38;
	[tilespmem:$0x1F8F0] =	vst v63  }
0x9f: {  	s23 =	simm.s32 $0x190;
	s22 =	rddreg [dreg:$0x11];
	s21 =	simm.s32 $0x12F0  }
0xa0: {  	[tilespmem:s23], [sflag:$0x6] =	stream.linear.gather [hbm4b:s22+s4], $0x50, $0x38;
	[tilespmem:$0x1F8F0] =	vst v63  }
0xa1: {  	s22 =	simm.s32 $0x2F0;
	v1 =	vld [tilespmem:s21+$0xFFFFFF60]  }
0xa2: {  	v2 =	vld [tilespmem:s22+$0xFFFFFFE0];
	_ =	sdelay $0x4  }
0xa3: {  	v1 =	vadd.f32 v2, v1;
	_ =	sdelay $0x1  }
0xa4: {  	v2 =	vmul.f32 $2.000000030e-01, v1;
	_ =	sdelay $0x1  }
0xa5: {  	v1 =	vmax.f32 v1, v2  }
0xa6: {  	v1 =	vmul.f32 $1.442695020e+00, v1;
	_ =	sdelay $0x1  }
0xa7: {  	(erf) = vpow2.f32 v1;
	_ =	sdelay $0x4  }
0xa8: {  	v2 =	vld [tilespmem:s21+$0xFFFFFF50]  }
0xa9: {  	v3 =	vld [tilespmem:s21+$0xFFFFFF30]  }
0xaa: {  	v45 =	vld [tilespmem:s21+$0xFFFFFEE0]  }
0xab: {  	v8 =	vld [tilespmem:s21+$0xFFFFFF10]  }
0xac: {  	v1 =	vld [tilespmem:s21+$0xFFFFFF20];
	v7 =	vpop (erf)  }
0xad: {  	v46 =	vld [tilespmem:s21+$0xFFFFFEF0];
	v2 =	vmul.f32 v2, v7  }
0xae: {  	v47 =	vld [tilespmem:s21+$0xFFFFFF40];
	[tilespmem:s21+$0xFFFFFF60] =	vst v7;
	v3 =	vmul.f32 v3, v7  }
0xaf: {  	v9 =	vld [tilespmem:s21+$0xFFFFFF00];
	v4 =	vmul.f32 v7, v45;
	[tilespmem:s21+$0xFFFFFF50] =	vst v2  }
0xb0: {  	v48 =	vmul.f32 v8, v7;
	[tilespmem:s21+$0xFFFFFF30] =	vst v3  }
0xb1: {  	v1 =	vmul.f32 v1, v7;
	[tilespmem:s21+$0xFFFFFEE0] =	vst v4  }
0xb2: {  	v2 =	vmul.f32 v7, v46;
	[tilespmem:s21+$0xFFFFFF10] =	vst v48  }
0xb3: {  	v3 =	vmul.f32 v47, v7;
	[tilespmem:s21+$0xFFFFFF20] =	vst v1  }
0xb4: {  	[tilespmem:s21+$0xFFFFFEF0] =	vst v2;
	v2 =	vmul.f32 v9, v7  }
0xb5: {  	[tilespmem:s21+$0xFFFFFF40] =	vst v3  }
0xb6: {  	v1 =	vld [tilespmem:s21+$0xFFFFFFF0];
	[tilespmem:s21+$0xFFFFFF00] =	vst v2  }
0xb7: {  	v2 =	vld [tilespmem:s22+$0xFFFFFFF0];
	_ =	sdelay $0x4  }
0xb8: {  	v1 =	vadd.f32 v2, v1;
	_ =	sdelay $0x1  }
0xb9: {  	v2 =	vmul.f32 $2.000000030e-01, v1;
	_ =	sdelay $0x1  }
0xba: {  	v1 =	vmax.f32 v1, v2  }
0xbb: {  	v1 =	vmul.f32 $1.442695020e+00, v1;
	_ =	sdelay $0x1  }
0xbc: {  	(erf) = vpow2.f32 v1;
	_ =	sdelay $0x4  }
0xbd: {  	v1 =	vld [tilespmem:s21+$0xFFFFFFC0]  }
0xbe: {  	v3 =	vld [tilespmem:s21+$0xFFFFFF70]  }
0xbf: {  	v52 =	vld [tilespmem:s21+$0xFFFFFF80]  }
0xc0: {  	v49 =	vld [tilespmem:s21+$0xFFFFFF90]  }
0xc1: {  	v50 =	vld [tilespmem:s21+$0xFFFFFFB0];
	v51 =	vpop (erf)  }
0xc2: {  	v2 =	vld [tilespmem:s21+$0xFFFFFFE0];
	v1 =	vmul.f32 v1, v51  }
0xc3: {  	v53 =	vld [tilespmem:s21+$0xFFFFFFA0];
	[tilespmem:s21+$0xFFFFFFF0] =	vst v51;
	v3 =	vmul.f32 v51, v3  }
0xc4: {  	v54 =	vld [tilespmem:s21+$0xFFFFFFD0];
	v55 =	vmul.f32 v51, v52;
	[tilespmem:s21+$0xFFFFFFC0] =	vst v1  }
0xc5: {  	v1 =	vmul.f32 v49, v51;
	[tilespmem:s21+$0xFFFFFF70] =	vst v3  }
0xc6: {  	v3 =	vmul.f32 v50, v51;
	[tilespmem:s21+$0xFFFFFF80] =	vst v55  }
0xc7: {  	[tilespmem:s21+$0xFFFFFF90] =	vst v1;
	v1 =	vmul.f32 v2, v51  }
0xc8: {  	[tilespmem:s21+$0xFFFFFFB0] =	vst v3;
	v2 =	vmul.f32 v53, v51  }
0xc9: {  	v3 =	vmul.f32 v54, v51;
	[tilespmem:s21+$0xFFFFFFE0] =	vst v1  }
0xca: {  	[tilespmem:s21+$0xFFFFFFA0] =	vst v2  }
0xcb: {  	[tilespmem:s21+$0xFFFFFFD0] =	vst v3;
	v1 =	vld [tilespmem:s21+$0x80]  }
0xcc: {  	v2 =	vld [tilespmem:s22+$0x0];
	_ =	sdelay $0x4  }
0xcd: {  	v1 =	vadd.f32 v2, v1;
	_ =	sdelay $0x1  }
0xce: {  	v2 =	vmul.f32 $2.000000030e-01, v1;
	_ =	sdelay $0x1  }
0xcf: {  	v1 =	vmax.f32 v1, v2  }
0xd0: {  	v1 =	vmul.f32 $1.442695020e+00, v1;
	_ =	sdelay $0x1  }
0xd1: {  	(erf) = vpow2.f32 v1;
	_ =	sdelay $0x4  }
0xd2: {  	v3 =	vld [tilespmem:s21+$0x0]  }
0xd3: {  	v56 =	vld [tilespmem:s21+$0x10]  }
0xd4: {  	v58 =	vld [tilespmem:s21+$0x20]  }
0xd5: {  	v59 =	vld [tilespmem:s21+$0x30]  }
0xd6: {  	v1 =	vld [tilespmem:s21+$0x70];
	v60 =	vpop (erf)  }
0xd7: {  	v57 =	vld [tilespmem:s21+$0x40];
	v3 =	vmul.f32 v60, v3  }
0xd8: {  	v2 =	vld [tilespmem:s21+$0x50];
	[tilespmem:s21+$0x80] =	vst v60;
	v4 =	vmul.f32 v60, v56  }
0xd9: {  	v61 =	vld [tilespmem:s21+$0x60];
	v62 =	vmul.f32 v58, v60;
	[tilespmem:s21+$0x0] =	vst v3  }
0xda: {  	v63 =	vmul.f32 v59, v60;
	[tilespmem:s21+$0x10] =	vst v4  }
0xdb: {  	v1 =	vmul.f32 v1, v60;
	[tilespmem:s21+$0x20] =	vst v62  }
0xdc: {  	v3 =	vmul.f32 v57, v60;
	[tilespmem:s21+$0x30] =	vst v63  }
0xdd: {  	v2 =	vmul.f32 v2, v60;
	[tilespmem:s21+$0x70] =	vst v1  }
0xde: {  	[tilespmem:s21+$0x40] =	vst v3;
	v3 =	vmul.f32 v61, v60  }
0xdf: {  	[tilespmem:s21+$0x50] =	vst v2  }
0xe0: {  	v1 =	vld [tilespmem:s21+$0x110];
	[tilespmem:s21+$0x60] =	vst v3  }
0xe1: {  	s8 =	simm.s32 $0x0;
	s23 =	simm.s32 $0x12F0;
	v2 =	vld [tilespmem:s22+$0x10]  }
.LBB2_4:
0xe2: {  	_ = 	snop  }
0xe3: {  	s8 =	sadd.s32 $0x4, s8;
	s21 =	sadd.s32 $0x240, s21;
	s22 =	sadd.s32 $0x40, s22  }
0xe4: {  	p0 =	slt.u32 s8, $0x4C;
	_ =	sdelay $0x1  }
0xe5: {  	v1 =	vadd.f32 v2, v1;
	_ =	sdelay $0x1  }
0xe6: {  	v2 =	vmul.f32 $2.000000030e-01, v1;
	_ =	sdelay $0x1  }
0xe7: {  	v1 =	vmax.f32 v1, v2  }
0xe8: {  	v1 =	vmul.f32 $1.442695020e+00, v1;
	_ =	sdelay $0x1  }
0xe9: {  	(erf) = vpow2.f32 v1  }
0xea: {  	v1 =	vld [tilespmem:s23+$0xF0]  }
0xeb: {  	v2 =	vld [tilespmem:s23+$0xE0]  }
0xec: {  	v3 =	vld [tilespmem:s23+$0x90]  }
0xed: {  	v4 =	vld [tilespmem:s23+$0xB0]  }
0xee: {  	v5 =	vld [tilespmem:s23+$0xA0]  }
0xef: {  	v6 =	vld [tilespmem:s23+$0xC0]  }
0xf0: {  	v7 =	vld [tilespmem:s23+$0xD0]  }
0xf1: {  	v8 =	vld [tilespmem:s23+$0x100]  }
0xf2: {  	v9 =	vpop (erf)  }
0xf3: {  	[tilespmem:s23+$0x110] =	vst v9;
	v3 =	vmul.f32 v9, v3;
	v5 =	vmul.f32 v9, v5  }
0xf4: {  	v4 =	vmul.f32 v4, v9;
	v6 =	vmul.f32 v6, v9  }
0xf5: {  	v2 =	vmul.f32 v2, v9;
	[tilespmem:s23+$0x90] =	vst v3;
	v3 =	vmul.f32 v7, v9  }
0xf6: {  	v1 =	vmul.f32 v1, v9;
	[tilespmem:s23+$0xA0] =	vst v5;
	v5 =	vmul.f32 v8, v9  }
0xf7: {  	[tilespmem:s23+$0xD0] =	vst v3  }
0xf8: {  	[tilespmem:s23+$0xE0] =	vst v2  }
0xf9: {  	[tilespmem:s23+$0xF0] =	vst v1  }
0xfa: {  	[tilespmem:s23+$0x100] =	vst v5  }
0xfb: {  	[tilespmem:s23+$0xB0] =	vst v4  }
0xfc: {  	v1 =	vld [tilespmem:s21+$0xFFFFFF60];
	[tilespmem:s23+$0xC0] =	vst v6;
	s23 =	smov.u32 s21  }
0xfd: {  	v2 =	vld [tilespmem:s22+$0xFFFFFFE0];
	_ =	sdelay $0x4  }
0xfe: {  	v1 =	vadd.f32 v2, v1;
	_ =	sdelay $0x1  }
0xff: {  	v2 =	vmul.f32 $2.000000030e-01, v1;
	_ =	sdelay $0x1  }
0x100: {  	v1 =	vmax.f32 v1, v2  }
0x101: {  	v1 =	vmul.f32 $1.442695020e+00, v1;
	_ =	sdelay $0x1  }
0x102: {  	(erf) = vpow2.f32 v1  }
0x103: {  	v1 =	vld [tilespmem:s21+$0xFFFFFF20]  }
0x104: {  	v2 =	vld [tilespmem:s21+$0xFFFFFF40]  }
0x105: {  	v3 =	vld [tilespmem:s21+$0xFFFFFF30]  }
0x106: {  	v4 =	vld [tilespmem:s21+$0xFFFFFF50]  }
0x107: {  	v5 =	vld [tilespmem:s21+$0xFFFFFEE0]  }
0x108: {  	v6 =	vld [tilespmem:s21+$0xFFFFFF00]  }
0x109: {  	v7 =	vld [tilespmem:s21+$0xFFFFFF10]  }
0x10a: {  	v8 =	vld [tilespmem:s21+$0xFFFFFEF0]  }
0x10b: {  	v9 =	vpop (erf)  }
0x10c: {  	[tilespmem:s21+$0xFFFFFF60] =	vst v9;
	v5 =	vmul.f32 v9, v5;
	v4 =	vmul.f32 v4, v9  }
0x10d: {  	v3 =	vmul.f32 v3, v9;
	v6 =	vmul.f32 v6, v9  }
0x10e: {  	v2 =	vmul.f32 v2, v9;
	v7 =	vmul.f32 v7, v9;
	[tilespmem:s21+$0xFFFFFF50] =	vst v4  }
0x10f: {  	v1 =	vmul.f32 v1, v9;
	v4 =	vmul.f32 v9, v8;
	[tilespmem:s21+$0xFFFFFF30] =	vst v3  }
0x110: {  	[tilespmem:s21+$0xFFFFFEE0] =	vst v5  }
0x111: {  	[tilespmem:s21+$0xFFFFFEF0] =	vst v4  }
0x112: {  	[tilespmem:s21+$0xFFFFFF40] =	vst v2  }
0x113: {  	[tilespmem:s21+$0xFFFFFF10] =	vst v7  }
0x114: {  	[tilespmem:s21+$0xFFFFFF00] =	vst v6  }
0x115: {  	[tilespmem:s21+$0xFFFFFF20] =	vst v1;
	v1 =	vld [tilespmem:s21+$0xFFFFFFF0]  }
0x116: {  	v2 =	vld [tilespmem:s22+$0xFFFFFFF0];
	_ =	sdelay $0x4  }
0x117: {  	v1 =	vadd.f32 v2, v1;
	_ =	sdelay $0x1  }
0x118: {  	v2 =	vmul.f32 $2.000000030e-01, v1;
	_ =	sdelay $0x1  }
0x119: {  	v1 =	vmax.f32 v1, v2  }
0x11a: {  	v1 =	vmul.f32 $1.442695020e+00, v1;
	_ =	sdelay $0x1  }
0x11b: {  	(erf) = vpow2.f32 v1;
	_ =	sdelay $0x2  }
0x11c: {  	v1 =	vld [tilespmem:s21+$0xFFFFFFE0]  }
0x11d: {  	v2 =	vld [tilespmem:s21+$0xFFFFFFC0]  }
0x11e: {  	v3 =	vld [tilespmem:s21+$0xFFFFFF70]  }
0x11f: {  	v4 =	vld [tilespmem:s21+$0xFFFFFF90]  }
0x120: {  	v5 =	vld [tilespmem:s21+$0xFFFFFFA0]  }
0x121: {  	v6 =	vld [tilespmem:s21+$0xFFFFFFB0]  }
0x122: {  	v7 =	vld [tilespmem:s21+$0xFFFFFF80];
	v8 =	vpop (erf)  }
0x123: {  	[tilespmem:s21+$0xFFFFFFF0] =	vst v8;
	v3 =	vmul.f32 v8, v3;
	v2 =	vmul.f32 v2, v8  }
0x124: {  	v1 =	vmul.f32 v1, v8;
	v4 =	vmul.f32 v4, v8  }
0x125: {  	v5 =	vmul.f32 v5, v8;
	[tilespmem:s21+$0xFFFFFFC0] =	vst v2;
	v2 =	vld [tilespmem:s21+$0xFFFFFFD0]  }
0x126: {  	[tilespmem:s21+$0xFFFFFF70] =	vst v3;
	v3 =	vmul.f32 v6, v8  }
0x127: {  	v6 =	vmul.f32 v8, v7;
	[tilespmem:s21+$0xFFFFFF90] =	vst v4  }
0x128: {  	[tilespmem:s21+$0xFFFFFFB0] =	vst v3  }
0x129: {  	[tilespmem:s21+$0xFFFFFF80] =	vst v6  }
0x12a: {  	v2 =	vmul.f32 v2, v8;
	[tilespmem:s21+$0xFFFFFFE0] =	vst v1  }
0x12b: {  	[tilespmem:s21+$0xFFFFFFA0] =	vst v5  }
0x12c: {  	[tilespmem:s21+$0xFFFFFFD0] =	vst v2;
	v1 =	vld [tilespmem:s21+$0x80]  }
0x12d: {  	v2 =	vld [tilespmem:s22+$0x0];
	_ =	sdelay $0x4  }
0x12e: {  	v1 =	vadd.f32 v2, v1;
	_ =	sdelay $0x1  }
0x12f: {  	v2 =	vmul.f32 $2.000000030e-01, v1;
	_ =	sdelay $0x1  }
0x130: {  	v1 =	vmax.f32 v1, v2  }
0x131: {  	v1 =	vmul.f32 $1.442695020e+00, v1;
	_ =	sdelay $0x1  }
0x132: {  	(erf) = vpow2.f32 v1  }
0x133: {  	v1 =	vld [tilespmem:s21+$0x70]  }
0x134: {  	v2 =	vld [tilespmem:s21+$0x50]  }
0x135: {  	v3 =	vld [tilespmem:s21+$0x30]  }
0x136: {  	v4 =	vld [tilespmem:s21+$0x10]  }
0x137: {  	v5 =	vld [tilespmem:s21+$0x0]  }
0x138: {  	v6 =	vld [tilespmem:s21+$0x20]  }
0x139: {  	v7 =	vld [tilespmem:s21+$0x40]  }
0x13a: {  	v8 =	vld [tilespmem:s21+$0x60]  }
0x13b: {  	v9 =	vpop (erf)  }
0x13c: {  	[tilespmem:s21+$0x80] =	vst v9;
	v5 =	vmul.f32 v9, v5;
	v4 =	vmul.f32 v9, v4  }
0x13d: {  	v3 =	vmul.f32 v3, v9;
	v6 =	vmul.f32 v6, v9  }
0x13e: {  	v2 =	vmul.f32 v2, v9;
	[tilespmem:s21+$0x0] =	vst v5;
	v5 =	vmul.f32 v7, v9  }
0x13f: {  	v1 =	vmul.f32 v1, v9;
	[tilespmem:s21+$0x10] =	vst v4;
	v4 =	vmul.f32 v8, v9  }
0x140: {  	[tilespmem:s21+$0x40] =	vst v5  }
0x141: {  	[tilespmem:s21+$0x20] =	vst v6  }
.Ltmp1:
0x142: {  	[tilespmem:s21+$0x30] =	vst v3;
	(pc) =	sbr.rel @p0 .LBB2_4-.Ltmp1, $4  }
0x143: {  	[tilespmem:s21+$0x70] =	vst v1  }
0x144: {  	[tilespmem:s21+$0x50] =	vst v2  }
0x145: {  	[tilespmem:s21+$0x60] =	vst v4;
	v1 =	vld [tilespmem:s21+$0x110]  }
0x146: {  	v2 =	vld [tilespmem:s22+$0x10]  }
0x147: {  	_ =	sdelay $0x3  }
0x148: {  	v1 =	vadd.f32 v2, v1;
	_ =	sdelay $0x1  }
0x149: {  	v2 =	vmul.f32 $2.000000030e-01, v1;
	_ =	sdelay $0x1  }
0x14a: {  	v1 =	vmax.f32 v1, v2  }
0x14b: {  	v1 =	vmul.f32 $1.442695020e+00, v1;
	_ =	sdelay $0x1  }
0x14c: {  	(erf) = vpow2.f32 v1;
	_ =	sdelay $0x4  }
0x14d: {  	v2 =	vld [tilespmem:s23+$0x90]  }
0x14e: {  	v3 =	vld [tilespmem:s23+$0xA0]  }
0x14f: {  	v5 =	vld [tilespmem:s23+$0xE0]  }
0x150: {  	v1 =	vld [tilespmem:s23+$0xF0]  }
0x151: {  	v4 =	vld [tilespmem:s23+$0xD0];
	v7 =	vpop (erf)  }
0x152: {  	v6 =	vld [tilespmem:s23+$0xB0];
	v2 =	vmul.f32 v7, v2  }
0x153: {  	v9 =	vld [tilespmem:s23+$0xC0];
	[tilespmem:s23+$0x110] =	vst v7;
	v3 =	vmul.f32 v7, v3  }
0x154: {  	v8 =	vld [tilespmem:s23+$0x100];
	v63 =	vmul.f32 v5, v7;
	[tilespmem:s23+$0x90] =	vst v2  }
0x155: {  	v1 =	vmul.f32 v1, v7;
	[tilespmem:s23+$0xA0] =	vst v3  }
0x156: {  	v2 =	vmul.f32 v4, v7;
	[tilespmem:s23+$0xE0] =	vst v63  }
0x157: {  	v3 =	vmul.f32 v6, v7;
	[tilespmem:s23+$0xF0] =	vst v1  }
0x158: {  	v1 =	vmul.f32 v9, v7;
	[tilespmem:s23+$0xD0] =	vst v2  }
0x159: {  	v2 =	vmul.f32 v8, v7;
	[tilespmem:s23+$0xB0] =	vst v3  }
0x15a: {  	[tilespmem:s23+$0xC0] =	vst v1  }
0x15b: {  	s8 =	simm.s32 $0x1E0;
	s21 =	simm.s32 $0x0;
	[tilespmem:s23+$0x100] =	vst v2  }
0x15c: {  	[spmem:s3] =	stream.indirect.scatter.add.f32 [tilespmem:s26], [sflag:$0xD], $0x90, s8, s0, $0xb8;
	[tilespmem:$0x1F8F0] =	vst v63  }
.LBB2_6:
0x15d: {  	_ =	swait.ge [sflag:s19], $0x50  }
0x15e: {  	[sflag:s19] =	ssyncset.done $0x0  }
0x15f: {  	[sflag:s19] =	ssyncadd.s32 $0xFFFFFFB0  }
0x160: {  	_ =	swait.ge [sflag:s20], $0x50  }
0x161: {  	[sflag:s20] =	ssyncset.done $0x0  }
0x162: {  	[sflag:s20] =	ssyncadd.s32 $0xFFFFFFB0  }
0x163: {  	v1 =	vld [tilespmem:$0xA0]  }
0x164: {  	v2 =	vld [tilespmem:$0x190];
	_ =	sdelay $0x1  }
0x165: {  	v3 =	vld [tilespmem:$0xB0]  }
0x166: {  	v4 =	vld [tilespmem:$0x1A0];
	_ =	sdelay $0x1  }
0x167: {  	v5 =	vld [tilespmem:$0xC0];
	vm0 =	veq.s32 v1, v2  }
0x168: {  	v6 =	vld [tilespmem:$0x1B0];
	v1 =	vsel vm0, $0x2710, v1  }
0x169: {  	[tilespmem:$0xA0] =	vst v1;
	v1 =	vsel vm0, $0x2710, v2  }
0x16a: {  	vm12 =	veq.s32 v3, v4;
	v2 =	vld [tilespmem:$0xD0];
	[tilespmem:$0x190] =	vst v1  }
0x16b: {  	[tilespmem:$0x280] =	vst v1;
	v1 =	vsel vm12, $0x2710, v3;
	v3 =	vld [tilespmem:$0x1C0]  }
0x16c: {  	[tilespmem:$0xB0] =	vst v1;
	v1 =	vsel vm12, $0x2710, v4  }
0x16d: {  	v43 =	vld [tilespmem:$0xE0];
	vm13 =	veq.s32 v5, v6;
	[tilespmem:$0x1A0] =	vst v1  }
0x16e: {  	v44 =	vld [tilespmem:$0x1D0];
	[tilespmem:$0x290] =	vst v1;
	v1 =	vsel vm13, $0x2710, v5  }
0x16f: {  	[tilespmem:$0xC0] =	vst v1;
	v1 =	vsel vm13, $0x2710, v6  }
0x170: {  	[tilespmem:$0x1B0] =	vst v1;
	vm14 =	veq.s32 v2, v3  }
0x171: {  	[tilespmem:$0x2A0] =	vst v1;
	v1 =	vsel vm14, $0x2710, v2  }
0x172: {  	[tilespmem:$0xD0] =	vst v1;
	v1 =	vsel vm14, $0x2710, v3  }
0x173: {  	vm15 =	veq.s32 v43, v44;
	[tilespmem:$0x1C0] =	vst v1  }
0x174: {  	[tilespmem:$0x2B0] =	vst v1;
	v1 =	vsel vm15, $0x2710, v43  }
0x175: {  	[tilespmem:$0xE0] =	vst v1;
	v1 =	vsel vm15, $0x2710, v44  }
0x176: {  	[tilespmem:$0x1D0] =	vst v1  }
0x177: {  	[tilespmem:$0x2C0] =	vst v1  }
0x178: {  	[tilespmem:s24], [sflag:$0xC] =	stream.indirect.gather [hbm4b:s5+s0], $0x90, s29, s0, $0xb8;
	[tilespmem:$0x1F8F0] =	vst v63  }
0x179: {  	s8 =	simm.s32 $0x190;
	s11 =	simm.s32 $0xCD0  }
0x17a: {  	[tilespmem:s11], [sflag:$0x9] =	stream.indirect.gather [hbm4b:s6+s0], $0x10, s8, s0, $0xb8;
	[tilespmem:$0x1F8F0] =	vst v63  }
0x17b: {  	s22 =	smul.u32 $0x3, s21;
	_ =	swait.ge [sflag:s14], $0x2D00  }
0x17c: {  	s23 =	rddreg [dreg:$0x12]  }
0x17d: {  	[sflag:s14] =	ssyncset.done $0x0;
	s8 =	sadd.s32 s22, s23  }
0x17e: {  	[sflag:s14] =	ssyncadd.s32 $0xFFFFD300;
	s8 =	smul.u32 $0x50, s8  }
0x17f: {  	_ =	swait.ge [sflag:s7], $0x500  }
0x180: {  	[sflag:s7] =	ssyncset.done $0x0;
	s8 =	sshrl.u32 s8, $0x3  }
0x181: {  	[sflag:s7] =	ssyncadd.s32 $0xFFFFFB00;
	s8 =	sadd.s32 s2, s8  }
0x182: {  	[tilespmem:s4], [sflag:$0x1] =	stream.linear.gather [hbm4b:s8+s4], $0x50, $0x38;
	[tilespmem:$0x1F8F0] =	vst v63  }
0x183: {  	s23 =	simm.s32 $0x3FF0;
	s8 =	sadd.s32 $0x9D80, s8  }
0x184: {  	[tilespmem:s16], [sflag:$0x4] =	stream.linear.gather [hbm4b:s8+s4], $0x50, $0x38;
	[tilespmem:$0x1F8F0] =	vst v63  }
0x185: {  	s29 =	simm.s32 $0x7F0;
	v1 =	vld [tilespmem:s23+$0xFFFFFF60]  }
0x186: {  	v2 =	vld [tilespmem:s29+$0xFFFFFFE0];
	_ =	sdelay $0x4  }
0x187: {  	v1 =	vadd.f32 v2, v1;
	_ =	sdelay $0x1  }
0x188: {  	v2 =	vmul.f32 $2.000000030e-01, v1;
	_ =	sdelay $0x1  }
0x189: {  	v1 =	vmax.f32 v1, v2  }
0x18a: {  	v1 =	vmul.f32 $1.442695020e+00, v1;
	_ =	sdelay $0x1  }
0x18b: {  	(erf) = vpow2.f32 v1;
	_ =	sdelay $0x4  }
0x18c: {  	v2 =	vld [tilespmem:s23+$0xFFFFFF50]  }
0x18d: {  	v3 =	vld [tilespmem:s23+$0xFFFFFF30]  }
0x18e: {  	v45 =	vld [tilespmem:s23+$0xFFFFFEE0]  }
0x18f: {  	v8 =	vld [tilespmem:s23+$0xFFFFFF10]  }
0x190: {  	v1 =	vld [tilespmem:s23+$0xFFFFFF20];
	v7 =	vpop (erf)  }
0x191: {  	v46 =	vld [tilespmem:s23+$0xFFFFFEF0];
	v2 =	vmul.f32 v2, v7  }
0x192: {  	v47 =	vld [tilespmem:s23+$0xFFFFFF40];
	[tilespmem:s23+$0xFFFFFF60] =	vst v7;
	v3 =	vmul.f32 v3, v7  }
0x193: {  	v9 =	vld [tilespmem:s23+$0xFFFFFF00];
	v4 =	vmul.f32 v7, v45;
	[tilespmem:s23+$0xFFFFFF50] =	vst v2  }
0x194: {  	v48 =	vmul.f32 v8, v7;
	[tilespmem:s23+$0xFFFFFF30] =	vst v3  }
0x195: {  	v1 =	vmul.f32 v1, v7;
	[tilespmem:s23+$0xFFFFFEE0] =	vst v4  }
0x196: {  	v2 =	vmul.f32 v7, v46;
	[tilespmem:s23+$0xFFFFFF10] =	vst v48  }
0x197: {  	v3 =	vmul.f32 v47, v7;
	[tilespmem:s23+$0xFFFFFF20] =	vst v1  }
0x198: {  	[tilespmem:s23+$0xFFFFFEF0] =	vst v2;
	v2 =	vmul.f32 v9, v7  }
0x199: {  	[tilespmem:s23+$0xFFFFFF40] =	vst v3  }
0x19a: {  	v1 =	vld [tilespmem:s23+$0xFFFFFFF0];
	[tilespmem:s23+$0xFFFFFF00] =	vst v2  }
0x19b: {  	v2 =	vld [tilespmem:s29+$0xFFFFFFF0];
	_ =	sdelay $0x4  }
0x19c: {  	v1 =	vadd.f32 v2, v1;
	_ =	sdelay $0x1  }
0x19d: {  	v2 =	vmul.f32 $2.000000030e-01, v1;
	_ =	sdelay $0x1  }
0x19e: {  	v1 =	vmax.f32 v1, v2  }
0x19f: {  	v1 =	vmul.f32 $1.442695020e+00, v1;
	_ =	sdelay $0x1  }
0x1a0: {  	(erf) = vpow2.f32 v1;
	_ =	sdelay $0x4  }
0x1a1: {  	v1 =	vld [tilespmem:s23+$0xFFFFFFC0]  }
0x1a2: {  	v3 =	vld [tilespmem:s23+$0xFFFFFF70]  }
0x1a3: {  	v52 =	vld [tilespmem:s23+$0xFFFFFF80]  }
0x1a4: {  	v49 =	vld [tilespmem:s23+$0xFFFFFF90]  }
0x1a5: {  	v50 =	vld [tilespmem:s23+$0xFFFFFFB0];
	v51 =	vpop (erf)  }
0x1a6: {  	v2 =	vld [tilespmem:s23+$0xFFFFFFE0];
	v1 =	vmul.f32 v1, v51  }
0x1a7: {  	v53 =	vld [tilespmem:s23+$0xFFFFFFA0];
	[tilespmem:s23+$0xFFFFFFF0] =	vst v51;
	v3 =	vmul.f32 v51, v3  }
0x1a8: {  	v54 =	vld [tilespmem:s23+$0xFFFFFFD0];
	v55 =	vmul.f32 v51, v52;
	[tilespmem:s23+$0xFFFFFFC0] =	vst v1  }
0x1a9: {  	v1 =	vmul.f32 v49, v51;
	[tilespmem:s23+$0xFFFFFF70] =	vst v3  }
0x1aa: {  	v3 =	vmul.f32 v50, v51;
	[tilespmem:s23+$0xFFFFFF80] =	vst v55  }
0x1ab: {  	[tilespmem:s23+$0xFFFFFF90] =	vst v1;
	v1 =	vmul.f32 v2, v51  }
0x1ac: {  	[tilespmem:s23+$0xFFFFFFB0] =	vst v3;
	v2 =	vmul.f32 v53, v51  }
0x1ad: {  	v3 =	vmul.f32 v54, v51;
	[tilespmem:s23+$0xFFFFFFE0] =	vst v1  }
0x1ae: {  	[tilespmem:s23+$0xFFFFFFA0] =	vst v2  }
0x1af: {  	[tilespmem:s23+$0xFFFFFFD0] =	vst v3;
	v1 =	vld [tilespmem:s23+$0x80]  }
0x1b0: {  	v2 =	vld [tilespmem:s29+$0x0];
	_ =	sdelay $0x4  }
0x1b1: {  	v1 =	vadd.f32 v2, v1;
	_ =	sdelay $0x1  }
0x1b2: {  	v2 =	vmul.f32 $2.000000030e-01, v1;
	_ =	sdelay $0x1  }
0x1b3: {  	v1 =	vmax.f32 v1, v2  }
0x1b4: {  	v1 =	vmul.f32 $1.442695020e+00, v1;
	_ =	sdelay $0x1  }
0x1b5: {  	(erf) = vpow2.f32 v1;
	_ =	sdelay $0x4  }
0x1b6: {  	v3 =	vld [tilespmem:s23+$0x0]  }
0x1b7: {  	v56 =	vld [tilespmem:s23+$0x10]  }
0x1b8: {  	v58 =	vld [tilespmem:s23+$0x20]  }
0x1b9: {  	v59 =	vld [tilespmem:s23+$0x30]  }
0x1ba: {  	v1 =	vld [tilespmem:s23+$0x70];
	v60 =	vpop (erf)  }
0x1bb: {  	v57 =	vld [tilespmem:s23+$0x40];
	v3 =	vmul.f32 v60, v3  }
0x1bc: {  	v2 =	vld [tilespmem:s23+$0x50];
	[tilespmem:s23+$0x80] =	vst v60;
	v4 =	vmul.f32 v60, v56  }
0x1bd: {  	v61 =	vld [tilespmem:s23+$0x60];
	v62 =	vmul.f32 v58, v60;
	[tilespmem:s23+$0x0] =	vst v3  }
0x1be: {  	v63 =	vmul.f32 v59, v60;
	[tilespmem:s23+$0x10] =	vst v4  }
0x1bf: {  	v1 =	vmul.f32 v1, v60;
	[tilespmem:s23+$0x20] =	vst v62  }
0x1c0: {  	v3 =	vmul.f32 v57, v60;
	[tilespmem:s23+$0x30] =	vst v63  }
0x1c1: {  	v2 =	vmul.f32 v2, v60;
	[tilespmem:s23+$0x70] =	vst v1  }
0x1c2: {  	[tilespmem:s23+$0x40] =	vst v3;
	v3 =	vmul.f32 v61, v60  }
0x1c3: {  	[tilespmem:s23+$0x50] =	vst v2  }
0x1c4: {  	v1 =	vld [tilespmem:s23+$0x110];
	[tilespmem:s23+$0x60] =	vst v3  }
0x1c5: {  	s11 =	simm.s32 $0x0;
	s8 =	simm.s32 $0x3FF0;
	v2 =	vld [tilespmem:s29+$0x10]  }
.LBB2_7:
0x1c6: {  	_ = 	snop  }
0x1c7: {  	s11 =	sadd.s32 $0x4, s11;
	s23 =	sadd.s32 $0x240, s23;
	s29 =	sadd.s32 $0x40, s29  }
0x1c8: {  	p0 =	slt.u32 s11, $0x4C;
	_ =	sdelay $0x1  }
0x1c9: {  	v1 =	vadd.f32 v2, v1;
	_ =	sdelay $0x1  }
0x1ca: {  	v2 =	vmul.f32 $2.000000030e-01, v1;
	_ =	sdelay $0x1  }
0x1cb: {  	v1 =	vmax.f32 v1, v2  }
0x1cc: {  	v1 =	vmul.f32 $1.442695020e+00, v1;
	_ =	sdelay $0x1  }
0x1cd: {  	(erf) = vpow2.f32 v1  }
0x1ce: {  	v1 =	vld [tilespmem:s8+$0xF0]  }
0x1cf: {  	v2 =	vld [tilespmem:s8+$0xE0]  }
0x1d0: {  	v3 =	vld [tilespmem:s8+$0x90]  }
0x1d1: {  	v4 =	vld [tilespmem:s8+$0xB0]  }
0x1d2: {  	v5 =	vld [tilespmem:s8+$0xA0]  }
0x1d3: {  	v6 =	vld [tilespmem:s8+$0xC0]  }
0x1d4: {  	v7 =	vld [tilespmem:s8+$0xD0]  }
0x1d5: {  	v8 =	vld [tilespmem:s8+$0x100]  }
0x1d6: {  	v9 =	vpop (erf)  }
0x1d7: {  	[tilespmem:s8+$0x110] =	vst v9;
	v3 =	vmul.f32 v9, v3;
	v5 =	vmul.f32 v9, v5  }
0x1d8: {  	v4 =	vmul.f32 v4, v9;
	v6 =	vmul.f32 v6, v9  }
0x1d9: {  	v2 =	vmul.f32 v2, v9;
	[tilespmem:s8+$0x90] =	vst v3;
	v3 =	vmul.f32 v7, v9  }
0x1da: {  	v1 =	vmul.f32 v1, v9;
	[tilespmem:s8+$0xA0] =	vst v5;
	v5 =	vmul.f32 v8, v9  }
0x1db: {  	[tilespmem:s8+$0xD0] =	vst v3  }
0x1dc: {  	[tilespmem:s8+$0xE0] =	vst v2  }
0x1dd: {  	[tilespmem:s8+$0xF0] =	vst v1  }
0x1de: {  	[tilespmem:s8+$0x100] =	vst v5  }
0x1df: {  	[tilespmem:s8+$0xB0] =	vst v4  }
0x1e0: {  	v1 =	vld [tilespmem:s23+$0xFFFFFF60];
	[tilespmem:s8+$0xC0] =	vst v6;
	s8 =	smov.u32 s23  }
0x1e1: {  	v2 =	vld [tilespmem:s29+$0xFFFFFFE0];
	_ =	sdelay $0x4  }
0x1e2: {  	v1 =	vadd.f32 v2, v1;
	_ =	sdelay $0x1  }
0x1e3: {  	v2 =	vmul.f32 $2.000000030e-01, v1;
	_ =	sdelay $0x1  }
0x1e4: {  	v1 =	vmax.f32 v1, v2  }
0x1e5: {  	v1 =	vmul.f32 $1.442695020e+00, v1;
	_ =	sdelay $0x1  }
0x1e6: {  	(erf) = vpow2.f32 v1  }
0x1e7: {  	v1 =	vld [tilespmem:s23+$0xFFFFFF20]  }
0x1e8: {  	v2 =	vld [tilespmem:s23+$0xFFFFFF40]  }
0x1e9: {  	v3 =	vld [tilespmem:s23+$0xFFFFFF30]  }
0x1ea: {  	v4 =	vld [tilespmem:s23+$0xFFFFFF50]  }
0x1eb: {  	v5 =	vld [tilespmem:s23+$0xFFFFFEE0]  }
0x1ec: {  	v6 =	vld [tilespmem:s23+$0xFFFFFF00]  }
0x1ed: {  	v7 =	vld [tilespmem:s23+$0xFFFFFF10]  }
0x1ee: {  	v8 =	vld [tilespmem:s23+$0xFFFFFEF0]  }
0x1ef: {  	v9 =	vpop (erf)  }
0x1f0: {  	[tilespmem:s23+$0xFFFFFF60] =	vst v9;
	v5 =	vmul.f32 v9, v5;
	v4 =	vmul.f32 v4, v9  }
0x1f1: {  	v3 =	vmul.f32 v3, v9;
	v6 =	vmul.f32 v6, v9  }
0x1f2: {  	v2 =	vmul.f32 v2, v9;
	v7 =	vmul.f32 v7, v9;
	[tilespmem:s23+$0xFFFFFF50] =	vst v4  }
0x1f3: {  	v1 =	vmul.f32 v1, v9;
	v4 =	vmul.f32 v9, v8;
	[tilespmem:s23+$0xFFFFFF30] =	vst v3  }
0x1f4: {  	[tilespmem:s23+$0xFFFFFEE0] =	vst v5  }
0x1f5: {  	[tilespmem:s23+$0xFFFFFEF0] =	vst v4  }
0x1f6: {  	[tilespmem:s23+$0xFFFFFF40] =	vst v2  }
0x1f7: {  	[tilespmem:s23+$0xFFFFFF10] =	vst v7  }
0x1f8: {  	[tilespmem:s23+$0xFFFFFF00] =	vst v6  }
0x1f9: {  	[tilespmem:s23+$0xFFFFFF20] =	vst v1;
	v1 =	vld [tilespmem:s23+$0xFFFFFFF0]  }
0x1fa: {  	v2 =	vld [tilespmem:s29+$0xFFFFFFF0];
	_ =	sdelay $0x4  }
0x1fb: {  	v1 =	vadd.f32 v2, v1;
	_ =	sdelay $0x1  }
0x1fc: {  	v2 =	vmul.f32 $2.000000030e-01, v1;
	_ =	sdelay $0x1  }
0x1fd: {  	v1 =	vmax.f32 v1, v2  }
0x1fe: {  	v1 =	vmul.f32 $1.442695020e+00, v1;
	_ =	sdelay $0x1  }
0x1ff: {  	(erf) = vpow2.f32 v1;
	_ =	sdelay $0x2  }
0x200: {  	v1 =	vld [tilespmem:s23+$0xFFFFFFE0]  }
0x201: {  	v2 =	vld [tilespmem:s23+$0xFFFFFFC0]  }
0x202: {  	v3 =	vld [tilespmem:s23+$0xFFFFFF70]  }
0x203: {  	v4 =	vld [tilespmem:s23+$0xFFFFFF90]  }
0x204: {  	v5 =	vld [tilespmem:s23+$0xFFFFFFA0]  }
0x205: {  	v6 =	vld [tilespmem:s23+$0xFFFFFFB0]  }
0x206: {  	v7 =	vld [tilespmem:s23+$0xFFFFFF80];
	v8 =	vpop (erf)  }
0x207: {  	[tilespmem:s23+$0xFFFFFFF0] =	vst v8;
	v3 =	vmul.f32 v8, v3;
	v2 =	vmul.f32 v2, v8  }
0x208: {  	v1 =	vmul.f32 v1, v8;
	v4 =	vmul.f32 v4, v8  }
0x209: {  	v5 =	vmul.f32 v5, v8;
	[tilespmem:s23+$0xFFFFFFC0] =	vst v2;
	v2 =	vld [tilespmem:s23+$0xFFFFFFD0]  }
0x20a: {  	[tilespmem:s23+$0xFFFFFF70] =	vst v3;
	v3 =	vmul.f32 v6, v8  }
0x20b: {  	v6 =	vmul.f32 v8, v7;
	[tilespmem:s23+$0xFFFFFF90] =	vst v4  }
0x20c: {  	[tilespmem:s23+$0xFFFFFFB0] =	vst v3  }
0x20d: {  	[tilespmem:s23+$0xFFFFFF80] =	vst v6  }
0x20e: {  	v2 =	vmul.f32 v2, v8;
	[tilespmem:s23+$0xFFFFFFE0] =	vst v1  }
0x20f: {  	[tilespmem:s23+$0xFFFFFFA0] =	vst v5  }
0x210: {  	[tilespmem:s23+$0xFFFFFFD0] =	vst v2;
	v1 =	vld [tilespmem:s23+$0x80]  }
0x211: {  	v2 =	vld [tilespmem:s29+$0x0];
	_ =	sdelay $0x4  }
0x212: {  	v1 =	vadd.f32 v2, v1;
	_ =	sdelay $0x1  }
0x213: {  	v2 =	vmul.f32 $2.000000030e-01, v1;
	_ =	sdelay $0x1  }
0x214: {  	v1 =	vmax.f32 v1, v2  }
0x215: {  	v1 =	vmul.f32 $1.442695020e+00, v1;
	_ =	sdelay $0x1  }
0x216: {  	(erf) = vpow2.f32 v1  }
0x217: {  	v1 =	vld [tilespmem:s23+$0x70]  }
0x218: {  	v2 =	vld [tilespmem:s23+$0x50]  }
0x219: {  	v3 =	vld [tilespmem:s23+$0x30]  }
0x21a: {  	v4 =	vld [tilespmem:s23+$0x10]  }
0x21b: {  	v5 =	vld [tilespmem:s23+$0x0]  }
0x21c: {  	v6 =	vld [tilespmem:s23+$0x20]  }
0x21d: {  	v7 =	vld [tilespmem:s23+$0x40]  }
0x21e: {  	v8 =	vld [tilespmem:s23+$0x60]  }
0x21f: {  	v9 =	vpop (erf)  }
0x220: {  	[tilespmem:s23+$0x80] =	vst v9;
	v5 =	vmul.f32 v9, v5;
	v4 =	vmul.f32 v9, v4  }
0x221: {  	v3 =	vmul.f32 v3, v9;
	v6 =	vmul.f32 v6, v9  }
0x222: {  	v2 =	vmul.f32 v2, v9;
	[tilespmem:s23+$0x0] =	vst v5;
	v5 =	vmul.f32 v7, v9  }
0x223: {  	v1 =	vmul.f32 v1, v9;
	[tilespmem:s23+$0x10] =	vst v4;
	v4 =	vmul.f32 v8, v9  }
0x224: {  	[tilespmem:s23+$0x40] =	vst v5  }
0x225: {  	[tilespmem:s23+$0x20] =	vst v6  }
.Ltmp2:
0x226: {  	[tilespmem:s23+$0x30] =	vst v3;
	(pc) =	sbr.rel @p0 .LBB2_7-.Ltmp2, $4  }
0x227: {  	[tilespmem:s23+$0x70] =	vst v1  }
0x228: {  	[tilespmem:s23+$0x50] =	vst v2  }
0x229: {  	[tilespmem:s23+$0x60] =	vst v4;
	v1 =	vld [tilespmem:s23+$0x110]  }
0x22a: {  	v2 =	vld [tilespmem:s29+$0x10]  }
0x22b: {  	_ =	sdelay $0x3  }
0x22c: {  	v1 =	vadd.f32 v2, v1;
	_ =	sdelay $0x1  }
0x22d: {  	v2 =	vmul.f32 $2.000000030e-01, v1;
	_ =	sdelay $0x1  }
0x22e: {  	v1 =	vmax.f32 v1, v2  }
0x22f: {  	v1 =	vmul.f32 $1.442695020e+00, v1;
	_ =	sdelay $0x1  }
0x230: {  	(erf) = vpow2.f32 v1;
	_ =	sdelay $0x4  }
0x231: {  	v2 =	vld [tilespmem:s8+$0x90]  }
0x232: {  	v3 =	vld [tilespmem:s8+$0xA0]  }
0x233: {  	v5 =	vld [tilespmem:s8+$0xE0]  }
0x234: {  	v1 =	vld [tilespmem:s8+$0xF0]  }
0x235: {  	v4 =	vld [tilespmem:s8+$0xD0];
	v7 =	vpop (erf)  }
0x236: {  	v6 =	vld [tilespmem:s8+$0xB0];
	v2 =	vmul.f32 v7, v2  }
0x237: {  	v9 =	vld [tilespmem:s8+$0xC0];
	[tilespmem:s8+$0x110] =	vst v7;
	v3 =	vmul.f32 v7, v3  }
0x238: {  	v8 =	vld [tilespmem:s8+$0x100];
	v36 =	vmul.f32 v5, v7;
	[tilespmem:s8+$0x90] =	vst v2  }
0x239: {  	v1 =	vmul.f32 v1, v7;
	[tilespmem:s8+$0xA0] =	vst v3  }
0x23a: {  	v2 =	vmul.f32 v4, v7;
	[tilespmem:s8+$0xE0] =	vst v36  }
0x23b: {  	v3 =	vmul.f32 v6, v7;
	[tilespmem:s8+$0xF0] =	vst v1  }
0x23c: {  	v1 =	vmul.f32 v9, v7;
	[tilespmem:s8+$0xD0] =	vst v2  }
0x23d: {  	v2 =	vmul.f32 v8, v7;
	[tilespmem:s8+$0xB0] =	vst v3  }
0x23e: {  	[tilespmem:s8+$0xC0] =	vst v1  }
0x23f: {  	[tilespmem:s8+$0x100] =	vst v2  }
0x240: {  	_ =	swait.ge [sflag:s28], $0x2D00  }
0x241: {  	[sflag:s28] =	ssyncset.done $0x0  }
0x242: {  	s23 =	simm.s32 $0x3ED0;
	s11 =	simm.s32 $0x230;
	[sflag:s28] =	ssyncadd.s32 $0xFFFFD300  }
0x243: {  	[spmem:s3] =	stream.indirect.scatter.add.f32 [tilespmem:s23], [sflag:$0xE], $0x90, s11, s0, $0xb8;
	[tilespmem:$0x1F8F0] =	vst v63  }
0x244: {  	_ =	swait.ge [sflag:s30], $0x50  }
0x245: {  	[sflag:s30] =	ssyncset.done $0x0  }
0x246: {  	[sflag:s30] =	ssyncadd.s32 $0xFFFFFFB0  }
0x247: {  	_ =	swait.ge [sflag:s31], $0x50  }
0x248: {  	[sflag:s31] =	ssyncset.done $0x0  }
0x249: {  	[sflag:s31] =	ssyncadd.s32 $0xFFFFFFB0  }
0x24a: {  	v1 =	vld [tilespmem:$0x0]  }
0x24b: {  	v2 =	vld [tilespmem:$0xF0];
	_ =	sdelay $0x1  }
0x24c: {  	v3 =	vld [tilespmem:$0x10]  }
0x24d: {  	v37 =	vld [tilespmem:$0x100];
	_ =	sdelay $0x1  }
0x24e: {  	v38 =	vld [tilespmem:$0x20];
	vm0 =	veq.s32 v1, v2  }
0x24f: {  	v39 =	vld [tilespmem:$0x110];
	v1 =	vsel vm0, $0x2710, v1  }
0x250: {  	[tilespmem:$0x0] =	vst v1;
	v1 =	vsel vm0, $0x2710, v2  }
0x251: {  	vm12 =	veq.s32 v3, v37;
	v2 =	vld [tilespmem:$0x30];
	[tilespmem:$0xF0] =	vst v1  }
0x252: {  	[tilespmem:$0x1E0] =	vst v1;
	v1 =	vsel vm12, $0x2710, v3;
	v3 =	vld [tilespmem:$0x120]  }
0x253: {  	[tilespmem:$0x10] =	vst v1;
	v1 =	vsel vm12, $0x2710, v37  }
0x254: {  	v40 =	vld [tilespmem:$0x40];
	vm13 =	veq.s32 v38, v39;
	[tilespmem:$0x100] =	vst v1  }
0x255: {  	v41 =	vld [tilespmem:$0x130];
	[tilespmem:$0x1F0] =	vst v1;
	v1 =	vsel vm13, $0x2710, v38  }
0x256: {  	[tilespmem:$0x20] =	vst v1;
	v1 =	vsel vm13, $0x2710, v39  }
0x257: {  	[tilespmem:$0x110] =	vst v1;
	vm14 =	veq.s32 v2, v3  }
0x258: {  	[tilespmem:$0x200] =	vst v1;
	v1 =	vsel vm14, $0x2710, v2  }
0x259: {  	[tilespmem:$0x30] =	vst v1;
	v1 =	vsel vm14, $0x2710, v3  }
0x25a: {  	vm15 =	veq.s32 v40, v41;
	[tilespmem:$0x120] =	vst v1  }
0x25b: {  	[tilespmem:$0x210] =	vst v1;
	v1 =	vsel vm15, $0x2710, v40  }
0x25c: {  	[tilespmem:$0x40] =	vst v1;
	v1 =	vsel vm15, $0x2710, v41  }
0x25d: {  	[tilespmem:$0x130] =	vst v1  }
0x25e: {  	[tilespmem:$0x220] =	vst v1  }
0x25f: {  	[tilespmem:s26], [sflag:$0xA] =	stream.indirect.gather [hbm4b:s5+s0], $0x90, s4, s0, $0xb8;
	[tilespmem:$0x1F8F0] =	vst v63  }
0x260: {  	s11 =	simm.s32 $0x2D0  }
0x261: {  	[tilespmem:s11], [sflag:$0x7] =	stream.indirect.gather [hbm4b:s6+s0], $0x10, s16, s0, $0xb8;
	[tilespmem:$0x1F8F0] =	vst v63  }
0x262: {  	_ =	swait.ge [sflag:s12], $0x2D00  }
0x263: {  	s23 =	rddreg [dreg:$0x13]  }
0x264: {  	[sflag:s12] =	ssyncset.done $0x0;
	s8 =	sadd.s32 s22, s23  }
0x265: {  	[sflag:s12] =	ssyncadd.s32 $0xFFFFD300;
	s8 =	smul.u32 $0x50, s8  }
0x266: {  	_ =	swait.ge [sflag:s18], $0x500  }
0x267: {  	[sflag:s18] =	ssyncset.done $0x0;
	s8 =	sshrl.u32 s8, $0x3  }
0x268: {  	[sflag:s18] =	ssyncadd.s32 $0xFFFFFB00;
	s8 =	sadd.s32 s2, s8  }
0x269: {  	[tilespmem:s0], [sflag:$0x2] =	stream.linear.gather [hbm4b:s8+s4], $0x50, $0x38;
	[tilespmem:$0x1F8F0] =	vst v63  }
0x26a: {  	s23 =	simm.s32 $0x6CF0;
	s8 =	sadd.s32 $0x9D80, s8  }
0x26b: {  	[tilespmem:s17], [sflag:$0x5] =	stream.linear.gather [hbm4b:s8+s4], $0x50, $0x38;
	[tilespmem:$0x1F8F0] =	vst v63  }
0x26c: {  	s29 =	simm.s32 $0xCF0;
	v1 =	vld [tilespmem:s23+$0xFFFFFF60]  }
0x26d: {  	v2 =	vld [tilespmem:s29+$0xFFFFFFE0];
	_ =	sdelay $0x4  }
0x26e: {  	v1 =	vadd.f32 v2, v1;
	_ =	sdelay $0x1  }
0x26f: {  	v2 =	vmul.f32 $2.000000030e-01, v1;
	_ =	sdelay $0x1  }
0x270: {  	v1 =	vmax.f32 v1, v2  }
0x271: {  	v1 =	vmul.f32 $1.442695020e+00, v1;
	_ =	sdelay $0x1  }
0x272: {  	(erf) = vpow2.f32 v1;
	_ =	sdelay $0x4  }
0x273: {  	v2 =	vld [tilespmem:s23+$0xFFFFFF50]  }
0x274: {  	v3 =	vld [tilespmem:s23+$0xFFFFFF30]  }
0x275: {  	v42 =	vld [tilespmem:s23+$0xFFFFFEE0]  }
0x276: {  	v46 =	vld [tilespmem:s23+$0xFFFFFF10]  }
0x277: {  	v1 =	vld [tilespmem:s23+$0xFFFFFF20];
	v45 =	vpop (erf)  }
0x278: {  	v43 =	vld [tilespmem:s23+$0xFFFFFEF0];
	v2 =	vmul.f32 v2, v45  }
0x279: {  	v44 =	vld [tilespmem:s23+$0xFFFFFF40];
	[tilespmem:s23+$0xFFFFFF60] =	vst v45;
	v3 =	vmul.f32 v3, v45  }
0x27a: {  	v47 =	vld [tilespmem:s23+$0xFFFFFF00];
	v4 =	vmul.f32 v45, v42;
	[tilespmem:s23+$0xFFFFFF50] =	vst v2  }
0x27b: {  	v48 =	vmul.f32 v46, v45;
	[tilespmem:s23+$0xFFFFFF30] =	vst v3  }
0x27c: {  	v1 =	vmul.f32 v1, v45;
	[tilespmem:s23+$0xFFFFFEE0] =	vst v4  }
0x27d: {  	v2 =	vmul.f32 v45, v43;
	[tilespmem:s23+$0xFFFFFF10] =	vst v48  }
0x27e: {  	v3 =	vmul.f32 v44, v45;
	[tilespmem:s23+$0xFFFFFF20] =	vst v1  }
0x27f: {  	[tilespmem:s23+$0xFFFFFEF0] =	vst v2;
	v2 =	vmul.f32 v47, v45  }
0x280: {  	[tilespmem:s23+$0xFFFFFF40] =	vst v3  }
0x281: {  	v1 =	vld [tilespmem:s23+$0xFFFFFFF0];
	[tilespmem:s23+$0xFFFFFF00] =	vst v2  }
0x282: {  	v2 =	vld [tilespmem:s29+$0xFFFFFFF0];
	_ =	sdelay $0x4  }
0x283: {  	v1 =	vadd.f32 v2, v1;
	_ =	sdelay $0x1  }
0x284: {  	v2 =	vmul.f32 $2.000000030e-01, v1;
	_ =	sdelay $0x1  }
0x285: {  	v1 =	vmax.f32 v1, v2  }
0x286: {  	v1 =	vmul.f32 $1.442695020e+00, v1;
	_ =	sdelay $0x1  }
0x287: {  	(erf) = vpow2.f32 v1;
	_ =	sdelay $0x4  }
0x288: {  	v1 =	vld [tilespmem:s23+$0xFFFFFFC0]  }
0x289: {  	v3 =	vld [tilespmem:s23+$0xFFFFFF70]  }
0x28a: {  	v52 =	vld [tilespmem:s23+$0xFFFFFF80]  }
0x28b: {  	v49 =	vld [tilespmem:s23+$0xFFFFFF90]  }
0x28c: {  	v50 =	vld [tilespmem:s23+$0xFFFFFFB0];
	v51 =	vpop (erf)  }
0x28d: {  	v2 =	vld [tilespmem:s23+$0xFFFFFFE0];
	v1 =	vmul.f32 v1, v51  }
0x28e: {  	v53 =	vld [tilespmem:s23+$0xFFFFFFA0];
	[tilespmem:s23+$0xFFFFFFF0] =	vst v51;
	v3 =	vmul.f32 v51, v3  }
0x28f: {  	v54 =	vld [tilespmem:s23+$0xFFFFFFD0];
	v55 =	vmul.f32 v51, v52;
	[tilespmem:s23+$0xFFFFFFC0] =	vst v1  }
0x290: {  	v1 =	vmul.f32 v49, v51;
	[tilespmem:s23+$0xFFFFFF70] =	vst v3  }
0x291: {  	v3 =	vmul.f32 v50, v51;
	[tilespmem:s23+$0xFFFFFF80] =	vst v55  }
0x292: {  	[tilespmem:s23+$0xFFFFFF90] =	vst v1;
	v1 =	vmul.f32 v2, v51  }
0x293: {  	[tilespmem:s23+$0xFFFFFFB0] =	vst v3;
	v2 =	vmul.f32 v53, v51  }
0x294: {  	v3 =	vmul.f32 v54, v51;
	[tilespmem:s23+$0xFFFFFFE0] =	vst v1  }
0x295: {  	[tilespmem:s23+$0xFFFFFFA0] =	vst v2  }
0x296: {  	[tilespmem:s23+$0xFFFFFFD0] =	vst v3;
	v1 =	vld [tilespmem:s23+$0x80]  }
0x297: {  	v2 =	vld [tilespmem:s29+$0x0];
	_ =	sdelay $0x4  }
0x298: {  	v1 =	vadd.f32 v2, v1;
	_ =	sdelay $0x1  }
0x299: {  	v2 =	vmul.f32 $2.000000030e-01, v1;
	_ =	sdelay $0x1  }
0x29a: {  	v1 =	vmax.f32 v1, v2  }
0x29b: {  	v1 =	vmul.f32 $1.442695020e+00, v1;
	_ =	sdelay $0x1  }
0x29c: {  	(erf) = vpow2.f32 v1;
	_ =	sdelay $0x4  }
0x29d: {  	v3 =	vld [tilespmem:s23+$0x0]  }
0x29e: {  	v56 =	vld [tilespmem:s23+$0x10]  }
0x29f: {  	v58 =	vld [tilespmem:s23+$0x20]  }
0x2a0: {  	v59 =	vld [tilespmem:s23+$0x30]  }
0x2a1: {  	v1 =	vld [tilespmem:s23+$0x70];
	v60 =	vpop (erf)  }
0x2a2: {  	v57 =	vld [tilespmem:s23+$0x40];
	v3 =	vmul.f32 v60, v3  }
0x2a3: {  	v2 =	vld [tilespmem:s23+$0x50];
	[tilespmem:s23+$0x80] =	vst v60;
	v4 =	vmul.f32 v60, v56  }
0x2a4: {  	v61 =	vld [tilespmem:s23+$0x60];
	v62 =	vmul.f32 v58, v60;
	[tilespmem:s23+$0x0] =	vst v3  }
0x2a5: {  	v63 =	vmul.f32 v59, v60;
	[tilespmem:s23+$0x10] =	vst v4  }
0x2a6: {  	v1 =	vmul.f32 v1, v60;
	[tilespmem:s23+$0x20] =	vst v62  }
0x2a7: {  	v3 =	vmul.f32 v57, v60;
	[tilespmem:s23+$0x30] =	vst v63  }
0x2a8: {  	v2 =	vmul.f32 v2, v60;
	[tilespmem:s23+$0x70] =	vst v1  }
0x2a9: {  	[tilespmem:s23+$0x40] =	vst v3;
	v3 =	vmul.f32 v61, v60  }
0x2aa: {  	[tilespmem:s23+$0x50] =	vst v2  }
0x2ab: {  	v1 =	vld [tilespmem:s23+$0x110];
	[tilespmem:s23+$0x60] =	vst v3  }
0x2ac: {  	s11 =	simm.s32 $0x0;
	s8 =	simm.s32 $0x6CF0;
	v2 =	vld [tilespmem:s29+$0x10]  }
.LBB2_9:
0x2ad: {  	_ = 	snop  }
0x2ae: {  	s11 =	sadd.s32 $0x4, s11;
	s23 =	sadd.s32 $0x240, s23;
	s29 =	sadd.s32 $0x40, s29  }
0x2af: {  	p0 =	slt.u32 s11, $0x4C;
	_ =	sdelay $0x1  }
0x2b0: {  	v1 =	vadd.f32 v2, v1;
	_ =	sdelay $0x1  }
0x2b1: {  	v2 =	vmul.f32 $2.000000030e-01, v1;
	_ =	sdelay $0x1  }
0x2b2: {  	v1 =	vmax.f32 v1, v2  }
0x2b3: {  	v1 =	vmul.f32 $1.442695020e+00, v1;
	_ =	sdelay $0x1  }
0x2b4: {  	(erf) = vpow2.f32 v1  }
0x2b5: {  	v1 =	vld [tilespmem:s8+$0xF0]  }
0x2b6: {  	v2 =	vld [tilespmem:s8+$0xE0]  }
0x2b7: {  	v3 =	vld [tilespmem:s8+$0x90]  }
0x2b8: {  	v4 =	vld [tilespmem:s8+$0xB0]  }
0x2b9: {  	v5 =	vld [tilespmem:s8+$0xA0]  }
0x2ba: {  	v6 =	vld [tilespmem:s8+$0xC0]  }
0x2bb: {  	v7 =	vld [tilespmem:s8+$0xD0]  }
0x2bc: {  	v8 =	vld [tilespmem:s8+$0x100]  }
0x2bd: {  	v9 =	vpop (erf)  }
0x2be: {  	[tilespmem:s8+$0x110] =	vst v9;
	v3 =	vmul.f32 v9, v3;
	v5 =	vmul.f32 v9, v5  }
0x2bf: {  	v4 =	vmul.f32 v4, v9;
	v6 =	vmul.f32 v6, v9  }
0x2c0: {  	v2 =	vmul.f32 v2, v9;
	[tilespmem:s8+$0x90] =	vst v3;
	v3 =	vmul.f32 v7, v9  }
0x2c1: {  	v1 =	vmul.f32 v1, v9;
	[tilespmem:s8+$0xA0] =	vst v5;
	v5 =	vmul.f32 v8, v9  }
0x2c2: {  	[tilespmem:s8+$0xD0] =	vst v3  }
0x2c3: {  	[tilespmem:s8+$0xE0] =	vst v2  }
0x2c4: {  	[tilespmem:s8+$0xF0] =	vst v1  }
0x2c5: {  	[tilespmem:s8+$0x100] =	vst v5  }
0x2c6: {  	[tilespmem:s8+$0xB0] =	vst v4  }
0x2c7: {  	v1 =	vld [tilespmem:s23+$0xFFFFFF60];
	[tilespmem:s8+$0xC0] =	vst v6;
	s8 =	smov.u32 s23  }
0x2c8: {  	v2 =	vld [tilespmem:s29+$0xFFFFFFE0];
	_ =	sdelay $0x4  }
0x2c9: {  	v1 =	vadd.f32 v2, v1;
	_ =	sdelay $0x1  }
0x2ca: {  	v2 =	vmul.f32 $2.000000030e-01, v1;
	_ =	sdelay $0x1  }
0x2cb: {  	v1 =	vmax.f32 v1, v2  }
0x2cc: {  	v1 =	vmul.f32 $1.442695020e+00, v1;
	_ =	sdelay $0x1  }
0x2cd: {  	(erf) = vpow2.f32 v1  }
0x2ce: {  	v1 =	vld [tilespmem:s23+$0xFFFFFF20]  }
0x2cf: {  	v2 =	vld [tilespmem:s23+$0xFFFFFF40]  }
0x2d0: {  	v3 =	vld [tilespmem:s23+$0xFFFFFF30]  }
0x2d1: {  	v4 =	vld [tilespmem:s23+$0xFFFFFF50]  }
0x2d2: {  	v5 =	vld [tilespmem:s23+$0xFFFFFEE0]  }
0x2d3: {  	v6 =	vld [tilespmem:s23+$0xFFFFFF00]  }
0x2d4: {  	v7 =	vld [tilespmem:s23+$0xFFFFFF10]  }
0x2d5: {  	v8 =	vld [tilespmem:s23+$0xFFFFFEF0]  }
0x2d6: {  	v9 =	vpop (erf)  }
0x2d7: {  	[tilespmem:s23+$0xFFFFFF60] =	vst v9;
	v5 =	vmul.f32 v9, v5;
	v4 =	vmul.f32 v4, v9  }
0x2d8: {  	v3 =	vmul.f32 v3, v9;
	v6 =	vmul.f32 v6, v9  }
0x2d9: {  	v2 =	vmul.f32 v2, v9;
	v7 =	vmul.f32 v7, v9;
	[tilespmem:s23+$0xFFFFFF50] =	vst v4  }
0x2da: {  	v1 =	vmul.f32 v1, v9;
	v4 =	vmul.f32 v9, v8;
	[tilespmem:s23+$0xFFFFFF30] =	vst v3  }
0x2db: {  	[tilespmem:s23+$0xFFFFFEE0] =	vst v5  }
0x2dc: {  	[tilespmem:s23+$0xFFFFFEF0] =	vst v4  }
0x2dd: {  	[tilespmem:s23+$0xFFFFFF40] =	vst v2  }
0x2de: {  	[tilespmem:s23+$0xFFFFFF10] =	vst v7  }
0x2df: {  	[tilespmem:s23+$0xFFFFFF00] =	vst v6  }
0x2e0: {  	[tilespmem:s23+$0xFFFFFF20] =	vst v1;
	v1 =	vld [tilespmem:s23+$0xFFFFFFF0]  }
0x2e1: {  	v2 =	vld [tilespmem:s29+$0xFFFFFFF0];
	_ =	sdelay $0x4  }
0x2e2: {  	v1 =	vadd.f32 v2, v1;
	_ =	sdelay $0x1  }
0x2e3: {  	v2 =	vmul.f32 $2.000000030e-01, v1;
	_ =	sdelay $0x1  }
0x2e4: {  	v1 =	vmax.f32 v1, v2  }
0x2e5: {  	v1 =	vmul.f32 $1.442695020e+00, v1;
	_ =	sdelay $0x1  }
0x2e6: {  	(erf) = vpow2.f32 v1;
	_ =	sdelay $0x2  }
0x2e7: {  	v1 =	vld [tilespmem:s23+$0xFFFFFFE0]  }
0x2e8: {  	v2 =	vld [tilespmem:s23+$0xFFFFFFC0]  }
0x2e9: {  	v3 =	vld [tilespmem:s23+$0xFFFFFF70]  }
0x2ea: {  	v4 =	vld [tilespmem:s23+$0xFFFFFF90]  }
0x2eb: {  	v5 =	vld [tilespmem:s23+$0xFFFFFFA0]  }
0x2ec: {  	v6 =	vld [tilespmem:s23+$0xFFFFFFB0]  }
0x2ed: {  	v7 =	vld [tilespmem:s23+$0xFFFFFF80];
	v8 =	vpop (erf)  }
0x2ee: {  	[tilespmem:s23+$0xFFFFFFF0] =	vst v8;
	v3 =	vmul.f32 v8, v3;
	v2 =	vmul.f32 v2, v8  }
0x2ef: {  	v1 =	vmul.f32 v1, v8;
	v4 =	vmul.f32 v4, v8  }
0x2f0: {  	v5 =	vmul.f32 v5, v8;
	[tilespmem:s23+$0xFFFFFFC0] =	vst v2;
	v2 =	vld [tilespmem:s23+$0xFFFFFFD0]  }
0x2f1: {  	[tilespmem:s23+$0xFFFFFF70] =	vst v3;
	v3 =	vmul.f32 v6, v8  }
0x2f2: {  	v6 =	vmul.f32 v8, v7;
	[tilespmem:s23+$0xFFFFFF90] =	vst v4  }
0x2f3: {  	[tilespmem:s23+$0xFFFFFFB0] =	vst v3  }
0x2f4: {  	[tilespmem:s23+$0xFFFFFF80] =	vst v6  }
0x2f5: {  	v2 =	vmul.f32 v2, v8;
	[tilespmem:s23+$0xFFFFFFE0] =	vst v1  }
0x2f6: {  	[tilespmem:s23+$0xFFFFFFA0] =	vst v5  }
0x2f7: {  	[tilespmem:s23+$0xFFFFFFD0] =	vst v2;
	v1 =	vld [tilespmem:s23+$0x80]  }
0x2f8: {  	v2 =	vld [tilespmem:s29+$0x0];
	_ =	sdelay $0x4  }
0x2f9: {  	v1 =	vadd.f32 v2, v1;
	_ =	sdelay $0x1  }
0x2fa: {  	v2 =	vmul.f32 $2.000000030e-01, v1;
	_ =	sdelay $0x1  }
0x2fb: {  	v1 =	vmax.f32 v1, v2  }
0x2fc: {  	v1 =	vmul.f32 $1.442695020e+00, v1;
	_ =	sdelay $0x1  }
0x2fd: {  	(erf) = vpow2.f32 v1  }
0x2fe: {  	v1 =	vld [tilespmem:s23+$0x70]  }
0x2ff: {  	v2 =	vld [tilespmem:s23+$0x50]  }
0x300: {  	v3 =	vld [tilespmem:s23+$0x30]  }
0x301: {  	v4 =	vld [tilespmem:s23+$0x10]  }
0x302: {  	v5 =	vld [tilespmem:s23+$0x0]  }
0x303: {  	v6 =	vld [tilespmem:s23+$0x20]  }
0x304: {  	v7 =	vld [tilespmem:s23+$0x40]  }
0x305: {  	v8 =	vld [tilespmem:s23+$0x60]  }
0x306: {  	v9 =	vpop (erf)  }
0x307: {  	[tilespmem:s23+$0x80] =	vst v9;
	v5 =	vmul.f32 v9, v5;
	v4 =	vmul.f32 v9, v4  }
0x308: {  	v3 =	vmul.f32 v3, v9;
	v6 =	vmul.f32 v6, v9  }
0x309: {  	v2 =	vmul.f32 v2, v9;
	[tilespmem:s23+$0x0] =	vst v5;
	v5 =	vmul.f32 v7, v9  }
0x30a: {  	v1 =	vmul.f32 v1, v9;
	[tilespmem:s23+$0x10] =	vst v4;
	v4 =	vmul.f32 v8, v9  }
0x30b: {  	[tilespmem:s23+$0x40] =	vst v5  }
0x30c: {  	[tilespmem:s23+$0x20] =	vst v6  }
.Ltmp3:
0x30d: {  	[tilespmem:s23+$0x30] =	vst v3;
	(pc) =	sbr.rel @p0 .LBB2_9-.Ltmp3, $4  }
0x30e: {  	[tilespmem:s23+$0x70] =	vst v1  }
0x30f: {  	[tilespmem:s23+$0x50] =	vst v2  }
0x310: {  	[tilespmem:s23+$0x60] =	vst v4;
	v1 =	vld [tilespmem:s23+$0x110]  }
0x311: {  	v2 =	vld [tilespmem:s29+$0x10]  }
0x312: {  	_ =	sdelay $0x3  }
0x313: {  	v1 =	vadd.f32 v2, v1;
	_ =	sdelay $0x1  }
0x314: {  	v2 =	vmul.f32 $2.000000030e-01, v1;
	_ =	sdelay $0x1  }
0x315: {  	v1 =	vmax.f32 v1, v2  }
0x316: {  	v1 =	vmul.f32 $1.442695020e+00, v1;
	_ =	sdelay $0x1  }
0x317: {  	(erf) = vpow2.f32 v1;
	_ =	sdelay $0x4  }
0x318: {  	v2 =	vld [tilespmem:s8+$0x90]  }
0x319: {  	v3 =	vld [tilespmem:s8+$0xA0]  }
0x31a: {  	v5 =	vld [tilespmem:s8+$0xE0]  }
0x31b: {  	v1 =	vld [tilespmem:s8+$0xF0]  }
0x31c: {  	v4 =	vld [tilespmem:s8+$0xD0];
	v7 =	vpop (erf)  }
0x31d: {  	v6 =	vld [tilespmem:s8+$0xB0];
	v2 =	vmul.f32 v7, v2  }
0x31e: {  	v9 =	vld [tilespmem:s8+$0xC0];
	[tilespmem:s8+$0x110] =	vst v7;
	v3 =	vmul.f32 v7, v3  }
0x31f: {  	v8 =	vld [tilespmem:s8+$0x100];
	v36 =	vmul.f32 v5, v7;
	[tilespmem:s8+$0x90] =	vst v2  }
0x320: {  	v1 =	vmul.f32 v1, v7;
	[tilespmem:s8+$0xA0] =	vst v3  }
0x321: {  	v2 =	vmul.f32 v4, v7;
	[tilespmem:s8+$0xE0] =	vst v36  }
0x322: {  	v3 =	vmul.f32 v6, v7;
	[tilespmem:s8+$0xF0] =	vst v1  }
0x323: {  	v1 =	vmul.f32 v9, v7;
	[tilespmem:s8+$0xD0] =	vst v2  }
0x324: {  	v2 =	vmul.f32 v8, v7;
	[tilespmem:s8+$0xB0] =	vst v3  }
0x325: {  	[tilespmem:s8+$0xC0] =	vst v1  }
0x326: {  	[tilespmem:s8+$0x100] =	vst v2  }
0x327: {  	_ =	swait.ge [sflag:s25], $0x2D00  }
0x328: {  	[sflag:s25] =	ssyncset.done $0x0  }
0x329: {  	s11 =	simm.s32 $0x280;
	[sflag:s25] =	ssyncadd.s32 $0xFFFFD300  }
0x32a: {  	[spmem:s3] =	stream.indirect.scatter.add.f32 [tilespmem:s24], [sflag:$0xF], $0x90, s11, s0, $0xb8;
	[tilespmem:$0x1F8F0] =	vst v63  }
0x32b: {  	_ =	swait.ge [sflag:s9], $0x50  }
0x32c: {  	[sflag:s9] =	ssyncset.done $0x0  }
0x32d: {  	[sflag:s9] =	ssyncadd.s32 $0xFFFFFFB0  }
0x32e: {  	_ =	swait.ge [sflag:s10], $0x50  }
0x32f: {  	[sflag:s10] =	ssyncset.done $0x0  }
0x330: {  	[sflag:s10] =	ssyncadd.s32 $0xFFFFFFB0  }
0x331: {  	v1 =	vld [tilespmem:$0x50]  }
0x332: {  	v2 =	vld [tilespmem:$0x140];
	_ =	sdelay $0x1  }
0x333: {  	v3 =	vld [tilespmem:$0x60]  }
0x334: {  	v37 =	vld [tilespmem:$0x150];
	_ =	sdelay $0x1  }
0x335: {  	v38 =	vld [tilespmem:$0x70];
	vm0 =	veq.s32 v1, v2  }
0x336: {  	v39 =	vld [tilespmem:$0x160];
	v1 =	vsel vm0, $0x2710, v1  }
0x337: {  	[tilespmem:$0x50] =	vst v1;
	v1 =	vsel vm0, $0x2710, v2  }
0x338: {  	vm12 =	veq.s32 v3, v37;
	v2 =	vld [tilespmem:$0x80];
	[tilespmem:$0x140] =	vst v1  }
0x339: {  	[tilespmem:$0x230] =	vst v1;
	v1 =	vsel vm12, $0x2710, v3;
	v3 =	vld [tilespmem:$0x170]  }
0x33a: {  	[tilespmem:$0x60] =	vst v1;
	v1 =	vsel vm12, $0x2710, v37  }
0x33b: {  	v40 =	vld [tilespmem:$0x90];
	vm13 =	veq.s32 v38, v39;
	[tilespmem:$0x150] =	vst v1  }
0x33c: {  	v41 =	vld [tilespmem:$0x180];
	[tilespmem:$0x240] =	vst v1;
	v1 =	vsel vm13, $0x2710, v38  }
0x33d: {  	[tilespmem:$0x70] =	vst v1;
	v1 =	vsel vm13, $0x2710, v39  }
0x33e: {  	[tilespmem:$0x160] =	vst v1;
	vm14 =	veq.s32 v2, v3  }
0x33f: {  	[tilespmem:$0x250] =	vst v1;
	v1 =	vsel vm14, $0x2710, v2  }
0x340: {  	[tilespmem:$0x80] =	vst v1;
	v1 =	vsel vm14, $0x2710, v3  }
0x341: {  	vm15 =	veq.s32 v40, v41;
	[tilespmem:$0x170] =	vst v1  }
0x342: {  	[tilespmem:$0x260] =	vst v1;
	v1 =	vsel vm15, $0x2710, v40  }
0x343: {  	[tilespmem:$0x90] =	vst v1;
	v1 =	vsel vm15, $0x2710, v41  }
0x344: {  	[tilespmem:$0x180] =	vst v1  }
0x345: {  	s23 =	simm.s32 $0x3ED0;
	[tilespmem:$0x270] =	vst v1  }
0x346: {  	[tilespmem:s23], [sflag:$0xB] =	stream.indirect.gather [hbm4b:s5+s0], $0x90, s0, s0, $0xb8;
	[tilespmem:$0x1F8F0] =	vst v63  }
0x347: {  	s11 =	simm.s32 $0x7D0  }
0x348: {  	[tilespmem:s11], [sflag:$0x8] =	stream.indirect.gather [hbm4b:s6+s0], $0x10, s17, s0, $0xb8;
	[tilespmem:$0x1F8F0] =	vst v63  }
0x349: {  	_ =	swait.ge [sflag:s13], $0x2D00  }
0x34a: {  	s23 =	rddreg [dreg:$0x14]  }
0x34b: {  	[sflag:s13] =	ssyncset.done $0x0;
	s8 =	sadd.s32 s22, s23  }
0x34c: {  	[sflag:s13] =	ssyncadd.s32 $0xFFFFD300;
	s8 =	smul.u32 $0x50, s8  }
0x34d: {  	_ =	swait.ge [sflag:s15], $0x500  }
0x34e: {  	[sflag:s15] =	ssyncset.done $0x0;
	s8 =	sshrl.u32 s8, $0x3  }
0x34f: {  	s29 =	simm.s32 $0xA0;
	[sflag:s15] =	ssyncadd.s32 $0xFFFFFB00;
	s8 =	sadd.s32 s2, s8  }
0x350: {  	[tilespmem:s29], [sflag:$0x3] =	stream.linear.gather [hbm4b:s8+s4], $0x50, $0x38;
	[tilespmem:$0x1F8F0] =	vst v63  }
0x351: {  	s11 =	simm.s32 $0x190;
	s22 =	simm.s32 $0x12F0;
	s8 =	sadd.s32 $0x9D80, s8  }
0x352: {  	[tilespmem:s11], [sflag:$0x6] =	stream.linear.gather [hbm4b:s8+s4], $0x50, $0x38;
	[tilespmem:$0x1F8F0] =	vst v63  }
0x353: {  	s23 =	simm.s32 $0x2F0;
	v1 =	vld [tilespmem:s22+$0xFFFFFF60]  }
0x354: {  	v2 =	vld [tilespmem:s23+$0xFFFFFFE0];
	_ =	sdelay $0x4  }
0x355: {  	v1 =	vadd.f32 v2, v1;
	_ =	sdelay $0x1  }
0x356: {  	v2 =	vmul.f32 $2.000000030e-01, v1;
	_ =	sdelay $0x1  }
0x357: {  	v1 =	vmax.f32 v1, v2  }
0x358: {  	v1 =	vmul.f32 $1.442695020e+00, v1;
	_ =	sdelay $0x1  }
0x359: {  	(erf) = vpow2.f32 v1;
	_ =	sdelay $0x4  }
0x35a: {  	v2 =	vld [tilespmem:s22+$0xFFFFFF50]  }
0x35b: {  	v3 =	vld [tilespmem:s22+$0xFFFFFF30]  }
0x35c: {  	v42 =	vld [tilespmem:s22+$0xFFFFFEE0]  }
0x35d: {  	v46 =	vld [tilespmem:s22+$0xFFFFFF10]  }
0x35e: {  	v1 =	vld [tilespmem:s22+$0xFFFFFF20];
	v45 =	vpop (erf)  }
0x35f: {  	v43 =	vld [tilespmem:s22+$0xFFFFFEF0];
	v2 =	vmul.f32 v2, v45  }
0x360: {  	v44 =	vld [tilespmem:s22+$0xFFFFFF40];
	[tilespmem:s22+$0xFFFFFF60] =	vst v45;
	v3 =	vmul.f32 v3, v45  }
0x361: {  	v47 =	vld [tilespmem:s22+$0xFFFFFF00];
	v4 =	vmul.f32 v45, v42;
	[tilespmem:s22+$0xFFFFFF50] =	vst v2  }
0x362: {  	v48 =	vmul.f32 v46, v45;
	[tilespmem:s22+$0xFFFFFF30] =	vst v3  }
0x363: {  	v1 =	vmul.f32 v1, v45;
	[tilespmem:s22+$0xFFFFFEE0] =	vst v4  }
0x364: {  	v2 =	vmul.f32 v45, v43;
	[tilespmem:s22+$0xFFFFFF10] =	vst v48  }
0x365: {  	v3 =	vmul.f32 v44, v45;
	[tilespmem:s22+$0xFFFFFF20] =	vst v1  }
0x366: {  	[tilespmem:s22+$0xFFFFFEF0] =	vst v2;
	v2 =	vmul.f32 v47, v45  }
0x367: {  	[tilespmem:s22+$0xFFFFFF40] =	vst v3  }
0x368: {  	v1 =	vld [tilespmem:s22+$0xFFFFFFF0];
	[tilespmem:s22+$0xFFFFFF00] =	vst v2  }
0x369: {  	v2 =	vld [tilespmem:s23+$0xFFFFFFF0];
	_ =	sdelay $0x4  }
0x36a: {  	v1 =	vadd.f32 v2, v1;
	_ =	sdelay $0x1  }
0x36b: {  	v2 =	vmul.f32 $2.000000030e-01, v1;
	_ =	sdelay $0x1  }
0x36c: {  	v1 =	vmax.f32 v1, v2  }
0x36d: {  	v1 =	vmul.f32 $1.442695020e+00, v1;
	_ =	sdelay $0x1  }
0x36e: {  	(erf) = vpow2.f32 v1;
	_ =	sdelay $0x4  }
0x36f: {  	v1 =	vld [tilespmem:s22+$0xFFFFFFC0]  }
0x370: {  	v3 =	vld [tilespmem:s22+$0xFFFFFF70]  }
0x371: {  	v52 =	vld [tilespmem:s22+$0xFFFFFF80]  }
0x372: {  	v49 =	vld [tilespmem:s22+$0xFFFFFF90]  }
0x373: {  	v50 =	vld [tilespmem:s22+$0xFFFFFFB0];
	v51 =	vpop (erf)  }
0x374: {  	v2 =	vld [tilespmem:s22+$0xFFFFFFE0];
	v1 =	vmul.f32 v1, v51  }
0x375: {  	v53 =	vld [tilespmem:s22+$0xFFFFFFA0];
	[tilespmem:s22+$0xFFFFFFF0] =	vst v51;
	v3 =	vmul.f32 v51, v3  }
0x376: {  	v54 =	vld [tilespmem:s22+$0xFFFFFFD0];
	v55 =	vmul.f32 v51, v52;
	[tilespmem:s22+$0xFFFFFFC0] =	vst v1  }
0x377: {  	v1 =	vmul.f32 v49, v51;
	[tilespmem:s22+$0xFFFFFF70] =	vst v3  }
0x378: {  	v3 =	vmul.f32 v50, v51;
	[tilespmem:s22+$0xFFFFFF80] =	vst v55  }
0x379: {  	[tilespmem:s22+$0xFFFFFF90] =	vst v1;
	v1 =	vmul.f32 v2, v51  }
0x37a: {  	[tilespmem:s22+$0xFFFFFFB0] =	vst v3;
	v2 =	vmul.f32 v53, v51  }
0x37b: {  	v3 =	vmul.f32 v54, v51;
	[tilespmem:s22+$0xFFFFFFE0] =	vst v1  }
0x37c: {  	[tilespmem:s22+$0xFFFFFFA0] =	vst v2  }
0x37d: {  	[tilespmem:s22+$0xFFFFFFD0] =	vst v3;
	v1 =	vld [tilespmem:s22+$0x80]  }
0x37e: {  	v2 =	vld [tilespmem:s23+$0x0];
	_ =	sdelay $0x4  }
0x37f: {  	v1 =	vadd.f32 v2, v1;
	_ =	sdelay $0x1  }
0x380: {  	v2 =	vmul.f32 $2.000000030e-01, v1;
	_ =	sdelay $0x1  }
0x381: {  	v1 =	vmax.f32 v1, v2  }
0x382: {  	v1 =	vmul.f32 $1.442695020e+00, v1;
	_ =	sdelay $0x1  }
0x383: {  	(erf) = vpow2.f32 v1;
	_ =	sdelay $0x4  }
0x384: {  	v3 =	vld [tilespmem:s22+$0x0]  }
0x385: {  	v56 =	vld [tilespmem:s22+$0x10]  }
0x386: {  	v58 =	vld [tilespmem:s22+$0x20]  }
0x387: {  	v59 =	vld [tilespmem:s22+$0x30]  }
0x388: {  	v1 =	vld [tilespmem:s22+$0x70];
	v60 =	vpop (erf)  }
0x389: {  	v57 =	vld [tilespmem:s22+$0x40];
	v3 =	vmul.f32 v60, v3  }
0x38a: {  	v2 =	vld [tilespmem:s22+$0x50];
	[tilespmem:s22+$0x80] =	vst v60;
	v4 =	vmul.f32 v60, v56  }
0x38b: {  	v61 =	vld [tilespmem:s22+$0x60];
	v62 =	vmul.f32 v58, v60;
	[tilespmem:s22+$0x0] =	vst v3  }
0x38c: {  	v63 =	vmul.f32 v59, v60;
	[tilespmem:s22+$0x10] =	vst v4  }
0x38d: {  	v1 =	vmul.f32 v1, v60;
	[tilespmem:s22+$0x20] =	vst v62  }
0x38e: {  	v3 =	vmul.f32 v57, v60;
	[tilespmem:s22+$0x30] =	vst v63  }
0x38f: {  	v2 =	vmul.f32 v2, v60;
	[tilespmem:s22+$0x70] =	vst v1  }
0x390: {  	[tilespmem:s22+$0x40] =	vst v3;
	v3 =	vmul.f32 v61, v60  }
0x391: {  	[tilespmem:s22+$0x50] =	vst v2  }
0x392: {  	v1 =	vld [tilespmem:s22+$0x110];
	[tilespmem:s22+$0x60] =	vst v3  }
0x393: {  	s11 =	simm.s32 $0x0;
	s8 =	simm.s32 $0x12F0;
	v2 =	vld [tilespmem:s23+$0x10]  }
.LBB2_11:
0x394: {  	_ = 	snop  }
0x395: {  	s11 =	sadd.s32 $0x4, s11;
	s22 =	sadd.s32 $0x240, s22;
	s23 =	sadd.s32 $0x40, s23  }
0x396: {  	p0 =	slt.u32 s11, $0x4C;
	_ =	sdelay $0x1  }
0x397: {  	v1 =	vadd.f32 v2, v1;
	_ =	sdelay $0x1  }
0x398: {  	v2 =	vmul.f32 $2.000000030e-01, v1;
	_ =	sdelay $0x1  }
0x399: {  	v1 =	vmax.f32 v1, v2  }
0x39a: {  	v1 =	vmul.f32 $1.442695020e+00, v1;
	_ =	sdelay $0x1  }
0x39b: {  	(erf) = vpow2.f32 v1  }
0x39c: {  	v1 =	vld [tilespmem:s8+$0xF0]  }
0x39d: {  	v2 =	vld [tilespmem:s8+$0xE0]  }
0x39e: {  	v3 =	vld [tilespmem:s8+$0x90]  }
0x39f: {  	v4 =	vld [tilespmem:s8+$0xB0]  }
0x3a0: {  	v5 =	vld [tilespmem:s8+$0xA0]  }
0x3a1: {  	v6 =	vld [tilespmem:s8+$0xC0]  }
0x3a2: {  	v7 =	vld [tilespmem:s8+$0xD0]  }
0x3a3: {  	v8 =	vld [tilespmem:s8+$0x100]  }
0x3a4: {  	v9 =	vpop (erf)  }
0x3a5: {  	[tilespmem:s8+$0x110] =	vst v9;
	v3 =	vmul.f32 v9, v3;
	v5 =	vmul.f32 v9, v5  }
0x3a6: {  	v4 =	vmul.f32 v4, v9;
	v6 =	vmul.f32 v6, v9  }
0x3a7: {  	v2 =	vmul.f32 v2, v9;
	[tilespmem:s8+$0x90] =	vst v3;
	v3 =	vmul.f32 v7, v9  }
0x3a8: {  	v1 =	vmul.f32 v1, v9;
	[tilespmem:s8+$0xA0] =	vst v5;
	v5 =	vmul.f32 v8, v9  }
0x3a9: {  	[tilespmem:s8+$0xD0] =	vst v3  }
0x3aa: {  	[tilespmem:s8+$0xE0] =	vst v2  }
0x3ab: {  	[tilespmem:s8+$0xF0] =	vst v1  }
0x3ac: {  	[tilespmem:s8+$0x100] =	vst v5  }
0x3ad: {  	[tilespmem:s8+$0xB0] =	vst v4  }
0x3ae: {  	v1 =	vld [tilespmem:s22+$0xFFFFFF60];
	[tilespmem:s8+$0xC0] =	vst v6;
	s8 =	smov.u32 s22  }
0x3af: {  	v2 =	vld [tilespmem:s23+$0xFFFFFFE0];
	_ =	sdelay $0x4  }
0x3b0: {  	v1 =	vadd.f32 v2, v1;
	_ =	sdelay $0x1  }
0x3b1: {  	v2 =	vmul.f32 $2.000000030e-01, v1;
	_ =	sdelay $0x1  }
0x3b2: {  	v1 =	vmax.f32 v1, v2  }
0x3b3: {  	v1 =	vmul.f32 $1.442695020e+00, v1;
	_ =	sdelay $0x1  }
0x3b4: {  	(erf) = vpow2.f32 v1  }
0x3b5: {  	v1 =	vld [tilespmem:s22+$0xFFFFFF20]  }
0x3b6: {  	v2 =	vld [tilespmem:s22+$0xFFFFFF40]  }
0x3b7: {  	v3 =	vld [tilespmem:s22+$0xFFFFFF30]  }
0x3b8: {  	v4 =	vld [tilespmem:s22+$0xFFFFFF50]  }
0x3b9: {  	v5 =	vld [tilespmem:s22+$0xFFFFFEE0]  }
0x3ba: {  	v6 =	vld [tilespmem:s22+$0xFFFFFF00]  }
0x3bb: {  	v7 =	vld [tilespmem:s22+$0xFFFFFF10]  }
0x3bc: {  	v8 =	vld [tilespmem:s22+$0xFFFFFEF0]  }
0x3bd: {  	v9 =	vpop (erf)  }
0x3be: {  	[tilespmem:s22+$0xFFFFFF60] =	vst v9;
	v5 =	vmul.f32 v9, v5;
	v4 =	vmul.f32 v4, v9  }
0x3bf: {  	v3 =	vmul.f32 v3, v9;
	v6 =	vmul.f32 v6, v9  }
0x3c0: {  	v2 =	vmul.f32 v2, v9;
	v7 =	vmul.f32 v7, v9;
	[tilespmem:s22+$0xFFFFFF50] =	vst v4  }
0x3c1: {  	v1 =	vmul.f32 v1, v9;
	v4 =	vmul.f32 v9, v8;
	[tilespmem:s22+$0xFFFFFF30] =	vst v3  }
0x3c2: {  	[tilespmem:s22+$0xFFFFFEE0] =	vst v5  }
0x3c3: {  	[tilespmem:s22+$0xFFFFFEF0] =	vst v4  }
0x3c4: {  	[tilespmem:s22+$0xFFFFFF40] =	vst v2  }
0x3c5: {  	[tilespmem:s22+$0xFFFFFF10] =	vst v7  }
0x3c6: {  	[tilespmem:s22+$0xFFFFFF00] =	vst v6  }
0x3c7: {  	[tilespmem:s22+$0xFFFFFF20] =	vst v1;
	v1 =	vld [tilespmem:s22+$0xFFFFFFF0]  }
0x3c8: {  	v2 =	vld [tilespmem:s23+$0xFFFFFFF0];
	_ =	sdelay $0x4  }
0x3c9: {  	v1 =	vadd.f32 v2, v1;
	_ =	sdelay $0x1  }
0x3ca: {  	v2 =	vmul.f32 $2.000000030e-01, v1;
	_ =	sdelay $0x1  }
0x3cb: {  	v1 =	vmax.f32 v1, v2  }
0x3cc: {  	v1 =	vmul.f32 $1.442695020e+00, v1;
	_ =	sdelay $0x1  }
0x3cd: {  	(erf) = vpow2.f32 v1;
	_ =	sdelay $0x2  }
0x3ce: {  	v1 =	vld [tilespmem:s22+$0xFFFFFFE0]  }
0x3cf: {  	v2 =	vld [tilespmem:s22+$0xFFFFFFC0]  }
0x3d0: {  	v3 =	vld [tilespmem:s22+$0xFFFFFF70]  }
0x3d1: {  	v4 =	vld [tilespmem:s22+$0xFFFFFF90]  }
0x3d2: {  	v5 =	vld [tilespmem:s22+$0xFFFFFFA0]  }
0x3d3: {  	v6 =	vld [tilespmem:s22+$0xFFFFFFB0]  }
0x3d4: {  	v7 =	vld [tilespmem:s22+$0xFFFFFF80];
	v8 =	vpop (erf)  }
0x3d5: {  	[tilespmem:s22+$0xFFFFFFF0] =	vst v8;
	v3 =	vmul.f32 v8, v3;
	v2 =	vmul.f32 v2, v8  }
0x3d6: {  	v1 =	vmul.f32 v1, v8;
	v4 =	vmul.f32 v4, v8  }
0x3d7: {  	v5 =	vmul.f32 v5, v8;
	[tilespmem:s22+$0xFFFFFFC0] =	vst v2;
	v2 =	vld [tilespmem:s22+$0xFFFFFFD0]  }
0x3d8: {  	[tilespmem:s22+$0xFFFFFF70] =	vst v3;
	v3 =	vmul.f32 v6, v8  }
0x3d9: {  	v6 =	vmul.f32 v8, v7;
	[tilespmem:s22+$0xFFFFFF90] =	vst v4  }
0x3da: {  	[tilespmem:s22+$0xFFFFFFB0] =	vst v3  }
0x3db: {  	[tilespmem:s22+$0xFFFFFF80] =	vst v6  }
0x3dc: {  	v2 =	vmul.f32 v2, v8;
	[tilespmem:s22+$0xFFFFFFE0] =	vst v1  }
0x3dd: {  	[tilespmem:s22+$0xFFFFFFA0] =	vst v5  }
0x3de: {  	[tilespmem:s22+$0xFFFFFFD0] =	vst v2;
	v1 =	vld [tilespmem:s22+$0x80]  }
0x3df: {  	v2 =	vld [tilespmem:s23+$0x0];
	_ =	sdelay $0x4  }
0x3e0: {  	v1 =	vadd.f32 v2, v1;
	_ =	sdelay $0x1  }
0x3e1: {  	v2 =	vmul.f32 $2.000000030e-01, v1;
	_ =	sdelay $0x1  }
0x3e2: {  	v1 =	vmax.f32 v1, v2  }
0x3e3: {  	v1 =	vmul.f32 $1.442695020e+00, v1;
	_ =	sdelay $0x1  }
0x3e4: {  	(erf) = vpow2.f32 v1  }
0x3e5: {  	v1 =	vld [tilespmem:s22+$0x70]  }
0x3e6: {  	v2 =	vld [tilespmem:s22+$0x50]  }
0x3e7: {  	v3 =	vld [tilespmem:s22+$0x30]  }
0x3e8: {  	v4 =	vld [tilespmem:s22+$0x10]  }
0x3e9: {  	v5 =	vld [tilespmem:s22+$0x0]  }
0x3ea: {  	v6 =	vld [tilespmem:s22+$0x20]  }
0x3eb: {  	v7 =	vld [tilespmem:s22+$0x40]  }
0x3ec: {  	v8 =	vld [tilespmem:s22+$0x60]  }
0x3ed: {  	v9 =	vpop (erf)  }
0x3ee: {  	[tilespmem:s22+$0x80] =	vst v9;
	v5 =	vmul.f32 v9, v5;
	v4 =	vmul.f32 v9, v4  }
0x3ef: {  	v3 =	vmul.f32 v3, v9;
	v6 =	vmul.f32 v6, v9  }
0x3f0: {  	v2 =	vmul.f32 v2, v9;
	[tilespmem:s22+$0x0] =	vst v5;
	v5 =	vmul.f32 v7, v9  }
0x3f1: {  	v1 =	vmul.f32 v1, v9;
	[tilespmem:s22+$0x10] =	vst v4;
	v4 =	vmul.f32 v8, v9  }
0x3f2: {  	[tilespmem:s22+$0x40] =	vst v5  }
0x3f3: {  	[tilespmem:s22+$0x20] =	vst v6  }
.Ltmp4:
0x3f4: {  	[tilespmem:s22+$0x30] =	vst v3;
	(pc) =	sbr.rel @p0 .LBB2_11-.Ltmp4, $4  }
0x3f5: {  	[tilespmem:s22+$0x70] =	vst v1  }
0x3f6: {  	[tilespmem:s22+$0x50] =	vst v2  }
0x3f7: {  	[tilespmem:s22+$0x60] =	vst v4;
	v1 =	vld [tilespmem:s22+$0x110]  }
0x3f8: {  	v2 =	vld [tilespmem:s23+$0x10]  }
0x3f9: {  	_ =	sdelay $0x3  }
0x3fa: {  	v1 =	vadd.f32 v2, v1;
	_ =	sdelay $0x1  }
0x3fb: {  	v2 =	vmul.f32 $2.000000030e-01, v1;
	_ =	sdelay $0x1  }
0x3fc: {  	v1 =	vmax.f32 v1, v2  }
0x3fd: {  	v1 =	vmul.f32 $1.442695020e+00, v1;
	_ =	sdelay $0x1  }
0x3fe: {  	(erf) = vpow2.f32 v1;
	_ =	sdelay $0x4  }
0x3ff: {  	v2 =	vld [tilespmem:s8+$0x90]  }
0x400: {  	v3 =	vld [tilespmem:s8+$0xA0]  }
0x401: {  	v5 =	vld [tilespmem:s8+$0xE0]  }
0x402: {  	v1 =	vld [tilespmem:s8+$0xF0]  }
0x403: {  	v4 =	vld [tilespmem:s8+$0xD0];
	v7 =	vpop (erf)  }
0x404: {  	v6 =	vld [tilespmem:s8+$0xB0];
	v2 =	vmul.f32 v7, v2  }
0x405: {  	v9 =	vld [tilespmem:s8+$0xC0];
	[tilespmem:s8+$0x110] =	vst v7;
	v3 =	vmul.f32 v7, v3  }
0x406: {  	v8 =	vld [tilespmem:s8+$0x100];
	v63 =	vmul.f32 v5, v7;
	[tilespmem:s8+$0x90] =	vst v2  }
0x407: {  	v1 =	vmul.f32 v1, v7;
	[tilespmem:s8+$0xA0] =	vst v3  }
0x408: {  	v2 =	vmul.f32 v4, v7;
	[tilespmem:s8+$0xE0] =	vst v63  }
0x409: {  	v3 =	vmul.f32 v6, v7;
	[tilespmem:s8+$0xF0] =	vst v1  }
0x40a: {  	v1 =	vmul.f32 v9, v7;
	[tilespmem:s8+$0xD0] =	vst v2  }
0x40b: {  	s21 =	sadd.s32 $0x1, s21;
	v2 =	vmul.f32 v8, v7;
	[tilespmem:s8+$0xB0] =	vst v3  }
0x40c: {  	p0 =	sne.s32 s21, $0x29;
	[tilespmem:s8+$0xC0] =	vst v1  }
.Ltmp5:
0x40d: {  	[tilespmem:s8+$0x100] =	vst v2;
	(pc) =	sbr.rel @p0 .LBB2_6-.Ltmp5, $4  }
0x40e: {  	_ =	swait.ge [sflag:s1], $0x2D00  }
0x40f: {  	[sflag:s1] =	ssyncset.done $0x0  }
0x410: {  	s23 =	simm.s32 $0x1E0;
	[sflag:s1] =	ssyncadd.s32 $0xFFFFD300  }
0x411: {  	[spmem:s3] =	stream.indirect.scatter.add.f32 [tilespmem:s26], [sflag:$0xD], $0x90, s23, s0, $0xb8;
	[tilespmem:$0x1F8F0] =	vst v63  }
0x412: {  	_ =	swait.ge [sflag:s19], $0x50  }
0x413: {  	[sflag:s19] =	ssyncset.done $0x0  }
0x414: {  	[sflag:s19] =	ssyncadd.s32 $0xFFFFFFB0  }
0x415: {  	_ =	swait.ge [sflag:s20], $0x50  }
0x416: {  	[sflag:s20] =	ssyncset.done $0x0  }
0x417: {  	[sflag:s20] =	ssyncadd.s32 $0xFFFFFFB0  }
0x418: {  	v1 =	vld [tilespmem:$0xA0]  }
0x419: {  	v2 =	vld [tilespmem:$0x190];
	_ =	sdelay $0x1  }
0x41a: {  	v3 =	vld [tilespmem:$0xB0]  }
0x41b: {  	v4 =	vld [tilespmem:$0x1A0];
	_ =	sdelay $0x1  }
0x41c: {  	v5 =	vld [tilespmem:$0xC0];
	vm0 =	veq.s32 v1, v2  }
0x41d: {  	v6 =	vld [tilespmem:$0x1B0];
	v1 =	vsel vm0, $0x2710, v1  }
0x41e: {  	[tilespmem:$0xA0] =	vst v1;
	v1 =	vsel vm0, $0x2710, v2  }
0x41f: {  	vm12 =	veq.s32 v3, v4;
	v2 =	vld [tilespmem:$0xD0];
	[tilespmem:$0x190] =	vst v1  }
0x420: {  	[tilespmem:$0x280] =	vst v1;
	v1 =	vsel vm12, $0x2710, v3;
	v3 =	vld [tilespmem:$0x1C0]  }
0x421: {  	[tilespmem:$0xB0] =	vst v1;
	v1 =	vsel vm12, $0x2710, v4  }
0x422: {  	v43 =	vld [tilespmem:$0xE0];
	vm13 =	veq.s32 v5, v6;
	[tilespmem:$0x1A0] =	vst v1  }
0x423: {  	v44 =	vld [tilespmem:$0x1D0];
	[tilespmem:$0x290] =	vst v1;
	v1 =	vsel vm13, $0x2710, v5  }
0x424: {  	[tilespmem:$0xC0] =	vst v1;
	v1 =	vsel vm13, $0x2710, v6  }
0x425: {  	[tilespmem:$0x1B0] =	vst v1;
	vm14 =	veq.s32 v2, v3  }
0x426: {  	[tilespmem:$0x2A0] =	vst v1;
	v1 =	vsel vm14, $0x2710, v2  }
0x427: {  	[tilespmem:$0xD0] =	vst v1;
	v1 =	vsel vm14, $0x2710, v3  }
0x428: {  	vm15 =	veq.s32 v43, v44;
	[tilespmem:$0x1C0] =	vst v1  }
0x429: {  	[tilespmem:$0x2B0] =	vst v1;
	v1 =	vsel vm15, $0x2710, v43  }
0x42a: {  	[tilespmem:$0xE0] =	vst v1;
	v1 =	vsel vm15, $0x2710, v44  }
0x42b: {  	[tilespmem:$0x1D0] =	vst v1  }
0x42c: {  	[tilespmem:$0x2C0] =	vst v1  }
0x42d: {  	[tilespmem:s24], [sflag:$0xC] =	stream.indirect.gather [hbm4b:s5+s0], $0x90, s29, s0, $0xb8;
	[tilespmem:$0x1F8F0] =	vst v63  }
0x42e: {  	s8 =	simm.s32 $0x190;
	s11 =	simm.s32 $0xCD0  }
0x42f: {  	[tilespmem:s11], [sflag:$0x9] =	stream.indirect.gather [hbm4b:s6+s0], $0x10, s8, s0, $0xb8;
	[tilespmem:$0x1F8F0] =	vst v63  }
0x430: {  	_ =	swait.ge [sflag:s14], $0x2D00  }
0x431: {  	[sflag:s14] =	ssyncset.done $0x0  }
0x432: {  	[sflag:s14] =	ssyncadd.s32 $0xFFFFD300  }
0x433: {  	_ =	swait.ge [sflag:s7], $0x500  }
0x434: {  	[sflag:s7] =	ssyncset.done $0x0  }
0x435: {  	s21 =	simm.s32 $0x3FF0;
	[sflag:s7] =	ssyncadd.s32 $0xFFFFFB00  }
0x436: {  	s22 =	simm.s32 $0x7F0;
	v1 =	vld [tilespmem:s21+$0xFFFFFF60]  }
0x437: {  	v2 =	vld [tilespmem:s22+$0xFFFFFFE0];
	_ =	sdelay $0x4  }
0x438: {  	v1 =	vadd.f32 v2, v1;
	_ =	sdelay $0x1  }
0x439: {  	v2 =	vmul.f32 $2.000000030e-01, v1;
	_ =	sdelay $0x1  }
0x43a: {  	v1 =	vmax.f32 v1, v2  }
0x43b: {  	v1 =	vmul.f32 $1.442695020e+00, v1;
	_ =	sdelay $0x1  }
0x43c: {  	(erf) = vpow2.f32 v1;
	_ =	sdelay $0x4  }
0x43d: {  	v2 =	vld [tilespmem:s21+$0xFFFFFF50]  }
0x43e: {  	v3 =	vld [tilespmem:s21+$0xFFFFFF30]  }
0x43f: {  	v45 =	vld [tilespmem:s21+$0xFFFFFEE0]  }
0x440: {  	v8 =	vld [tilespmem:s21+$0xFFFFFF10]  }
0x441: {  	v1 =	vld [tilespmem:s21+$0xFFFFFF20];
	v7 =	vpop (erf)  }
0x442: {  	v46 =	vld [tilespmem:s21+$0xFFFFFEF0];
	v2 =	vmul.f32 v2, v7  }
0x443: {  	v47 =	vld [tilespmem:s21+$0xFFFFFF40];
	[tilespmem:s21+$0xFFFFFF60] =	vst v7;
	v3 =	vmul.f32 v3, v7  }
0x444: {  	v9 =	vld [tilespmem:s21+$0xFFFFFF00];
	v4 =	vmul.f32 v7, v45;
	[tilespmem:s21+$0xFFFFFF50] =	vst v2  }
0x445: {  	v48 =	vmul.f32 v8, v7;
	[tilespmem:s21+$0xFFFFFF30] =	vst v3  }
0x446: {  	v1 =	vmul.f32 v1, v7;
	[tilespmem:s21+$0xFFFFFEE0] =	vst v4  }
0x447: {  	v2 =	vmul.f32 v7, v46;
	[tilespmem:s21+$0xFFFFFF10] =	vst v48  }
0x448: {  	v3 =	vmul.f32 v47, v7;
	[tilespmem:s21+$0xFFFFFF20] =	vst v1  }
0x449: {  	[tilespmem:s21+$0xFFFFFEF0] =	vst v2;
	v2 =	vmul.f32 v9, v7  }
0x44a: {  	[tilespmem:s21+$0xFFFFFF40] =	vst v3  }
0x44b: {  	v1 =	vld [tilespmem:s21+$0xFFFFFFF0];
	[tilespmem:s21+$0xFFFFFF00] =	vst v2  }
0x44c: {  	v2 =	vld [tilespmem:s22+$0xFFFFFFF0];
	_ =	sdelay $0x4  }
0x44d: {  	v1 =	vadd.f32 v2, v1;
	_ =	sdelay $0x1  }
0x44e: {  	v2 =	vmul.f32 $2.000000030e-01, v1;
	_ =	sdelay $0x1  }
0x44f: {  	v1 =	vmax.f32 v1, v2  }
0x450: {  	v1 =	vmul.f32 $1.442695020e+00, v1;
	_ =	sdelay $0x1  }
0x451: {  	(erf) = vpow2.f32 v1;
	_ =	sdelay $0x4  }
0x452: {  	v1 =	vld [tilespmem:s21+$0xFFFFFFC0]  }
0x453: {  	v3 =	vld [tilespmem:s21+$0xFFFFFF70]  }
0x454: {  	v52 =	vld [tilespmem:s21+$0xFFFFFF80]  }
0x455: {  	v49 =	vld [tilespmem:s21+$0xFFFFFF90]  }
0x456: {  	v50 =	vld [tilespmem:s21+$0xFFFFFFB0];
	v51 =	vpop (erf)  }
0x457: {  	v2 =	vld [tilespmem:s21+$0xFFFFFFE0];
	v1 =	vmul.f32 v1, v51  }
0x458: {  	v53 =	vld [tilespmem:s21+$0xFFFFFFA0];
	[tilespmem:s21+$0xFFFFFFF0] =	vst v51;
	v3 =	vmul.f32 v51, v3  }
0x459: {  	v54 =	vld [tilespmem:s21+$0xFFFFFFD0];
	v55 =	vmul.f32 v51, v52;
	[tilespmem:s21+$0xFFFFFFC0] =	vst v1  }
0x45a: {  	v1 =	vmul.f32 v49, v51;
	[tilespmem:s21+$0xFFFFFF70] =	vst v3  }
0x45b: {  	v3 =	vmul.f32 v50, v51;
	[tilespmem:s21+$0xFFFFFF80] =	vst v55  }
0x45c: {  	[tilespmem:s21+$0xFFFFFF90] =	vst v1;
	v1 =	vmul.f32 v2, v51  }
0x45d: {  	[tilespmem:s21+$0xFFFFFFB0] =	vst v3;
	v2 =	vmul.f32 v53, v51  }
0x45e: {  	v3 =	vmul.f32 v54, v51;
	[tilespmem:s21+$0xFFFFFFE0] =	vst v1  }
0x45f: {  	[tilespmem:s21+$0xFFFFFFA0] =	vst v2  }
0x460: {  	[tilespmem:s21+$0xFFFFFFD0] =	vst v3;
	v1 =	vld [tilespmem:s21+$0x80]  }
0x461: {  	v2 =	vld [tilespmem:s22+$0x0];
	_ =	sdelay $0x4  }
0x462: {  	v1 =	vadd.f32 v2, v1;
	_ =	sdelay $0x1  }
0x463: {  	v2 =	vmul.f32 $2.000000030e-01, v1;
	_ =	sdelay $0x1  }
0x464: {  	v1 =	vmax.f32 v1, v2  }
0x465: {  	v1 =	vmul.f32 $1.442695020e+00, v1;
	_ =	sdelay $0x1  }
0x466: {  	(erf) = vpow2.f32 v1;
	_ =	sdelay $0x4  }
0x467: {  	v3 =	vld [tilespmem:s21+$0x0]  }
0x468: {  	v56 =	vld [tilespmem:s21+$0x10]  }
0x469: {  	v58 =	vld [tilespmem:s21+$0x20]  }
0x46a: {  	v59 =	vld [tilespmem:s21+$0x30]  }
0x46b: {  	v1 =	vld [tilespmem:s21+$0x70];
	v60 =	vpop (erf)  }
0x46c: {  	v57 =	vld [tilespmem:s21+$0x40];
	v3 =	vmul.f32 v60, v3  }
0x46d: {  	v2 =	vld [tilespmem:s21+$0x50];
	[tilespmem:s21+$0x80] =	vst v60;
	v4 =	vmul.f32 v60, v56  }
0x46e: {  	v61 =	vld [tilespmem:s21+$0x60];
	v62 =	vmul.f32 v58, v60;
	[tilespmem:s21+$0x0] =	vst v3  }
0x46f: {  	v63 =	vmul.f32 v59, v60;
	[tilespmem:s21+$0x10] =	vst v4  }
0x470: {  	v1 =	vmul.f32 v1, v60;
	[tilespmem:s21+$0x20] =	vst v62  }
0x471: {  	v3 =	vmul.f32 v57, v60;
	[tilespmem:s21+$0x30] =	vst v63  }
0x472: {  	v2 =	vmul.f32 v2, v60;
	[tilespmem:s21+$0x70] =	vst v1  }
0x473: {  	[tilespmem:s21+$0x40] =	vst v3;
	v3 =	vmul.f32 v61, v60  }
0x474: {  	[tilespmem:s21+$0x50] =	vst v2  }
0x475: {  	v1 =	vld [tilespmem:s21+$0x110];
	[tilespmem:s21+$0x60] =	vst v3  }
0x476: {  	s11 =	simm.s32 $0x0;
	s8 =	simm.s32 $0x3FF0;
	v2 =	vld [tilespmem:s22+$0x10]  }
.LBB2_14:
0x477: {  	_ = 	snop  }
0x478: {  	s11 =	sadd.s32 $0x4, s11;
	s21 =	sadd.s32 $0x240, s21;
	s22 =	sadd.s32 $0x40, s22  }
0x479: {  	p0 =	slt.u32 s11, $0x4C;
	_ =	sdelay $0x1  }
0x47a: {  	v1 =	vadd.f32 v2, v1;
	_ =	sdelay $0x1  }
0x47b: {  	v2 =	vmul.f32 $2.000000030e-01, v1;
	_ =	sdelay $0x1  }
0x47c: {  	v1 =	vmax.f32 v1, v2  }
0x47d: {  	v1 =	vmul.f32 $1.442695020e+00, v1;
	_ =	sdelay $0x1  }
0x47e: {  	(erf) = vpow2.f32 v1  }
0x47f: {  	v1 =	vld [tilespmem:s8+$0xF0]  }
0x480: {  	v2 =	vld [tilespmem:s8+$0xE0]  }
0x481: {  	v3 =	vld [tilespmem:s8+$0x90]  }
0x482: {  	v4 =	vld [tilespmem:s8+$0xB0]  }
0x483: {  	v5 =	vld [tilespmem:s8+$0xA0]  }
0x484: {  	v6 =	vld [tilespmem:s8+$0xC0]  }
0x485: {  	v7 =	vld [tilespmem:s8+$0xD0]  }
0x486: {  	v8 =	vld [tilespmem:s8+$0x100]  }
0x487: {  	v9 =	vpop (erf)  }
0x488: {  	[tilespmem:s8+$0x110] =	vst v9;
	v3 =	vmul.f32 v9, v3;
	v5 =	vmul.f32 v9, v5  }
0x489: {  	v4 =	vmul.f32 v4, v9;
	v6 =	vmul.f32 v6, v9  }
0x48a: {  	v2 =	vmul.f32 v2, v9;
	[tilespmem:s8+$0x90] =	vst v3;
	v3 =	vmul.f32 v7, v9  }
0x48b: {  	v1 =	vmul.f32 v1, v9;
	[tilespmem:s8+$0xA0] =	vst v5;
	v5 =	vmul.f32 v8, v9  }
0x48c: {  	[tilespmem:s8+$0xD0] =	vst v3  }
0x48d: {  	[tilespmem:s8+$0xE0] =	vst v2  }
0x48e: {  	[tilespmem:s8+$0xF0] =	vst v1  }
0x48f: {  	[tilespmem:s8+$0x100] =	vst v5  }
0x490: {  	[tilespmem:s8+$0xB0] =	vst v4  }
0x491: {  	v1 =	vld [tilespmem:s21+$0xFFFFFF60];
	[tilespmem:s8+$0xC0] =	vst v6;
	s8 =	smov.u32 s21  }
0x492: {  	v2 =	vld [tilespmem:s22+$0xFFFFFFE0];
	_ =	sdelay $0x4  }
0x493: {  	v1 =	vadd.f32 v2, v1;
	_ =	sdelay $0x1  }
0x494: {  	v2 =	vmul.f32 $2.000000030e-01, v1;
	_ =	sdelay $0x1  }
0x495: {  	v1 =	vmax.f32 v1, v2  }
0x496: {  	v1 =	vmul.f32 $1.442695020e+00, v1;
	_ =	sdelay $0x1  }
0x497: {  	(erf) = vpow2.f32 v1  }
0x498: {  	v1 =	vld [tilespmem:s21+$0xFFFFFF20]  }
0x499: {  	v2 =	vld [tilespmem:s21+$0xFFFFFF40]  }
0x49a: {  	v3 =	vld [tilespmem:s21+$0xFFFFFF30]  }
0x49b: {  	v4 =	vld [tilespmem:s21+$0xFFFFFF50]  }
0x49c: {  	v5 =	vld [tilespmem:s21+$0xFFFFFEE0]  }
0x49d: {  	v6 =	vld [tilespmem:s21+$0xFFFFFF00]  }
0x49e: {  	v7 =	vld [tilespmem:s21+$0xFFFFFF10]  }
0x49f: {  	v8 =	vld [tilespmem:s21+$0xFFFFFEF0]  }
0x4a0: {  	v9 =	vpop (erf)  }
0x4a1: {  	[tilespmem:s21+$0xFFFFFF60] =	vst v9;
	v5 =	vmul.f32 v9, v5;
	v4 =	vmul.f32 v4, v9  }
0x4a2: {  	v3 =	vmul.f32 v3, v9;
	v6 =	vmul.f32 v6, v9  }
0x4a3: {  	v2 =	vmul.f32 v2, v9;
	v7 =	vmul.f32 v7, v9;
	[tilespmem:s21+$0xFFFFFF50] =	vst v4  }
0x4a4: {  	v1 =	vmul.f32 v1, v9;
	v4 =	vmul.f32 v9, v8;
	[tilespmem:s21+$0xFFFFFF30] =	vst v3  }
0x4a5: {  	[tilespmem:s21+$0xFFFFFEE0] =	vst v5  }
0x4a6: {  	[tilespmem:s21+$0xFFFFFEF0] =	vst v4  }
0x4a7: {  	[tilespmem:s21+$0xFFFFFF40] =	vst v2  }
0x4a8: {  	[tilespmem:s21+$0xFFFFFF10] =	vst v7  }
0x4a9: {  	[tilespmem:s21+$0xFFFFFF00] =	vst v6  }
0x4aa: {  	[tilespmem:s21+$0xFFFFFF20] =	vst v1;
	v1 =	vld [tilespmem:s21+$0xFFFFFFF0]  }
0x4ab: {  	v2 =	vld [tilespmem:s22+$0xFFFFFFF0];
	_ =	sdelay $0x4  }
0x4ac: {  	v1 =	vadd.f32 v2, v1;
	_ =	sdelay $0x1  }
0x4ad: {  	v2 =	vmul.f32 $2.000000030e-01, v1;
	_ =	sdelay $0x1  }
0x4ae: {  	v1 =	vmax.f32 v1, v2  }
0x4af: {  	v1 =	vmul.f32 $1.442695020e+00, v1;
	_ =	sdelay $0x1  }
0x4b0: {  	(erf) = vpow2.f32 v1;
	_ =	sdelay $0x2  }
0x4b1: {  	v1 =	vld [tilespmem:s21+$0xFFFFFFE0]  }
0x4b2: {  	v2 =	vld [tilespmem:s21+$0xFFFFFFC0]  }
0x4b3: {  	v3 =	vld [tilespmem:s21+$0xFFFFFF70]  }
0x4b4: {  	v4 =	vld [tilespmem:s21+$0xFFFFFF90]  }
0x4b5: {  	v5 =	vld [tilespmem:s21+$0xFFFFFFA0]  }
0x4b6: {  	v6 =	vld [tilespmem:s21+$0xFFFFFFB0]  }
0x4b7: {  	v7 =	vld [tilespmem:s21+$0xFFFFFF80];
	v8 =	vpop (erf)  }
0x4b8: {  	[tilespmem:s21+$0xFFFFFFF0] =	vst v8;
	v3 =	vmul.f32 v8, v3;
	v2 =	vmul.f32 v2, v8  }
0x4b9: {  	v1 =	vmul.f32 v1, v8;
	v4 =	vmul.f32 v4, v8  }
0x4ba: {  	v5 =	vmul.f32 v5, v8;
	[tilespmem:s21+$0xFFFFFFC0] =	vst v2;
	v2 =	vld [tilespmem:s21+$0xFFFFFFD0]  }
0x4bb: {  	[tilespmem:s21+$0xFFFFFF70] =	vst v3;
	v3 =	vmul.f32 v6, v8  }
0x4bc: {  	v6 =	vmul.f32 v8, v7;
	[tilespmem:s21+$0xFFFFFF90] =	vst v4  }
0x4bd: {  	[tilespmem:s21+$0xFFFFFFB0] =	vst v3  }
0x4be: {  	[tilespmem:s21+$0xFFFFFF80] =	vst v6  }
0x4bf: {  	v2 =	vmul.f32 v2, v8;
	[tilespmem:s21+$0xFFFFFFE0] =	vst v1  }
0x4c0: {  	[tilespmem:s21+$0xFFFFFFA0] =	vst v5  }
0x4c1: {  	[tilespmem:s21+$0xFFFFFFD0] =	vst v2;
	v1 =	vld [tilespmem:s21+$0x80]  }
0x4c2: {  	v2 =	vld [tilespmem:s22+$0x0];
	_ =	sdelay $0x4  }
0x4c3: {  	v1 =	vadd.f32 v2, v1;
	_ =	sdelay $0x1  }
0x4c4: {  	v2 =	vmul.f32 $2.000000030e-01, v1;
	_ =	sdelay $0x1  }
0x4c5: {  	v1 =	vmax.f32 v1, v2  }
0x4c6: {  	v1 =	vmul.f32 $1.442695020e+00, v1;
	_ =	sdelay $0x1  }
0x4c7: {  	(erf) = vpow2.f32 v1  }
0x4c8: {  	v1 =	vld [tilespmem:s21+$0x70]  }
0x4c9: {  	v2 =	vld [tilespmem:s21+$0x50]  }
0x4ca: {  	v3 =	vld [tilespmem:s21+$0x30]  }
0x4cb: {  	v4 =	vld [tilespmem:s21+$0x10]  }
0x4cc: {  	v5 =	vld [tilespmem:s21+$0x0]  }
0x4cd: {  	v6 =	vld [tilespmem:s21+$0x20]  }
0x4ce: {  	v7 =	vld [tilespmem:s21+$0x40]  }
0x4cf: {  	v8 =	vld [tilespmem:s21+$0x60]  }
0x4d0: {  	v9 =	vpop (erf)  }
0x4d1: {  	[tilespmem:s21+$0x80] =	vst v9;
	v5 =	vmul.f32 v9, v5;
	v4 =	vmul.f32 v9, v4  }
0x4d2: {  	v3 =	vmul.f32 v3, v9;
	v6 =	vmul.f32 v6, v9  }
0x4d3: {  	v2 =	vmul.f32 v2, v9;
	[tilespmem:s21+$0x0] =	vst v5;
	v5 =	vmul.f32 v7, v9  }
0x4d4: {  	v1 =	vmul.f32 v1, v9;
	[tilespmem:s21+$0x10] =	vst v4;
	v4 =	vmul.f32 v8, v9  }
0x4d5: {  	[tilespmem:s21+$0x40] =	vst v5  }
0x4d6: {  	[tilespmem:s21+$0x20] =	vst v6  }
.Ltmp6:
0x4d7: {  	[tilespmem:s21+$0x30] =	vst v3;
	(pc) =	sbr.rel @p0 .LBB2_14-.Ltmp6, $4  }
0x4d8: {  	[tilespmem:s21+$0x70] =	vst v1  }
0x4d9: {  	[tilespmem:s21+$0x50] =	vst v2  }
0x4da: {  	[tilespmem:s21+$0x60] =	vst v4;
	v1 =	vld [tilespmem:s21+$0x110]  }
0x4db: {  	v2 =	vld [tilespmem:s22+$0x10]  }
0x4dc: {  	_ =	sdelay $0x3  }
0x4dd: {  	v1 =	vadd.f32 v2, v1;
	_ =	sdelay $0x1  }
0x4de: {  	v2 =	vmul.f32 $2.000000030e-01, v1;
	_ =	sdelay $0x1  }
0x4df: {  	v1 =	vmax.f32 v1, v2  }
0x4e0: {  	v1 =	vmul.f32 $1.442695020e+00, v1;
	_ =	sdelay $0x1  }
0x4e1: {  	(erf) = vpow2.f32 v1;
	_ =	sdelay $0x4  }
0x4e2: {  	v2 =	vld [tilespmem:s8+$0x90]  }
0x4e3: {  	v3 =	vld [tilespmem:s8+$0xA0]  }
0x4e4: {  	v5 =	vld [tilespmem:s8+$0xE0]  }
0x4e5: {  	v1 =	vld [tilespmem:s8+$0xF0]  }
0x4e6: {  	v4 =	vld [tilespmem:s8+$0xD0];
	v7 =	vpop (erf)  }
0x4e7: {  	v6 =	vld [tilespmem:s8+$0xB0];
	v2 =	vmul.f32 v7, v2  }
0x4e8: {  	v9 =	vld [tilespmem:s8+$0xC0];
	[tilespmem:s8+$0x110] =	vst v7;
	v3 =	vmul.f32 v7, v3  }
0x4e9: {  	v8 =	vld [tilespmem:s8+$0x100];
	v41 =	vmul.f32 v5, v7;
	[tilespmem:s8+$0x90] =	vst v2  }
0x4ea: {  	v1 =	vmul.f32 v1, v7;
	[tilespmem:s8+$0xA0] =	vst v3  }
0x4eb: {  	v2 =	vmul.f32 v4, v7;
	[tilespmem:s8+$0xE0] =	vst v41  }
0x4ec: {  	v3 =	vmul.f32 v6, v7;
	[tilespmem:s8+$0xF0] =	vst v1  }
0x4ed: {  	v1 =	vmul.f32 v9, v7;
	[tilespmem:s8+$0xD0] =	vst v2  }
0x4ee: {  	v2 =	vmul.f32 v8, v7;
	[tilespmem:s8+$0xB0] =	vst v3  }
0x4ef: {  	[tilespmem:s8+$0xC0] =	vst v1  }
0x4f0: {  	[tilespmem:s8+$0x100] =	vst v2  }
0x4f1: {  	_ =	swait.ge [sflag:s28], $0x2D00  }
0x4f2: {  	[sflag:s28] =	ssyncset.done $0x0  }
0x4f3: {  	s23 =	simm.s32 $0x3ED0;
	s11 =	simm.s32 $0x230;
	[sflag:s28] =	ssyncadd.s32 $0xFFFFD300  }
0x4f4: {  	[spmem:s3] =	stream.indirect.scatter.add.f32 [tilespmem:s23], [sflag:$0xE], $0x90, s11, s0, $0xb8;
	[tilespmem:$0x1F8F0] =	vst v63  }
0x4f5: {  	_ =	swait.ge [sflag:s12], $0x2D00  }
0x4f6: {  	[sflag:s12] =	ssyncset.done $0x0  }
0x4f7: {  	[sflag:s12] =	ssyncadd.s32 $0xFFFFD300  }
0x4f8: {  	_ =	swait.ge [sflag:s18], $0x500  }
0x4f9: {  	[sflag:s18] =	ssyncset.done $0x0  }
0x4fa: {  	s21 =	simm.s32 $0x6CF0;
	[sflag:s18] =	ssyncadd.s32 $0xFFFFFB00  }
0x4fb: {  	s22 =	simm.s32 $0xCF0;
	v1 =	vld [tilespmem:s21+$0xFFFFFF60]  }
0x4fc: {  	v2 =	vld [tilespmem:s22+$0xFFFFFFE0];
	_ =	sdelay $0x4  }
0x4fd: {  	v1 =	vadd.f32 v2, v1;
	_ =	sdelay $0x1  }
0x4fe: {  	v2 =	vmul.f32 $2.000000030e-01, v1;
	_ =	sdelay $0x1  }
0x4ff: {  	v1 =	vmax.f32 v1, v2  }
0x500: {  	v1 =	vmul.f32 $1.442695020e+00, v1;
	_ =	sdelay $0x1  }
0x501: {  	(erf) = vpow2.f32 v1;
	_ =	sdelay $0x4  }
0x502: {  	v2 =	vld [tilespmem:s21+$0xFFFFFF50]  }
0x503: {  	v3 =	vld [tilespmem:s21+$0xFFFFFF30]  }
0x504: {  	v42 =	vld [tilespmem:s21+$0xFFFFFEE0]  }
0x505: {  	v46 =	vld [tilespmem:s21+$0xFFFFFF10]  }
0x506: {  	v1 =	vld [tilespmem:s21+$0xFFFFFF20];
	v45 =	vpop (erf)  }
0x507: {  	v43 =	vld [tilespmem:s21+$0xFFFFFEF0];
	v2 =	vmul.f32 v2, v45  }
0x508: {  	v44 =	vld [tilespmem:s21+$0xFFFFFF40];
	[tilespmem:s21+$0xFFFFFF60] =	vst v45;
	v3 =	vmul.f32 v3, v45  }
0x509: {  	v47 =	vld [tilespmem:s21+$0xFFFFFF00];
	v4 =	vmul.f32 v45, v42;
	[tilespmem:s21+$0xFFFFFF50] =	vst v2  }
0x50a: {  	v48 =	vmul.f32 v46, v45;
	[tilespmem:s21+$0xFFFFFF30] =	vst v3  }
0x50b: {  	v1 =	vmul.f32 v1, v45;
	[tilespmem:s21+$0xFFFFFEE0] =	vst v4  }
0x50c: {  	v2 =	vmul.f32 v45, v43;
	[tilespmem:s21+$0xFFFFFF10] =	vst v48  }
0x50d: {  	v3 =	vmul.f32 v44, v45;
	[tilespmem:s21+$0xFFFFFF20] =	vst v1  }
0x50e: {  	[tilespmem:s21+$0xFFFFFEF0] =	vst v2;
	v2 =	vmul.f32 v47, v45  }
0x50f: {  	[tilespmem:s21+$0xFFFFFF40] =	vst v3  }
0x510: {  	v1 =	vld [tilespmem:s21+$0xFFFFFFF0];
	[tilespmem:s21+$0xFFFFFF00] =	vst v2  }
0x511: {  	v2 =	vld [tilespmem:s22+$0xFFFFFFF0];
	_ =	sdelay $0x4  }
0x512: {  	v1 =	vadd.f32 v2, v1;
	_ =	sdelay $0x1  }
0x513: {  	v2 =	vmul.f32 $2.000000030e-01, v1;
	_ =	sdelay $0x1  }
0x514: {  	v1 =	vmax.f32 v1, v2  }
0x515: {  	v1 =	vmul.f32 $1.442695020e+00, v1;
	_ =	sdelay $0x1  }
0x516: {  	(erf) = vpow2.f32 v1;
	_ =	sdelay $0x4  }
0x517: {  	v1 =	vld [tilespmem:s21+$0xFFFFFFC0]  }
0x518: {  	v3 =	vld [tilespmem:s21+$0xFFFFFF70]  }
0x519: {  	v52 =	vld [tilespmem:s21+$0xFFFFFF80]  }
0x51a: {  	v49 =	vld [tilespmem:s21+$0xFFFFFF90]  }
0x51b: {  	v50 =	vld [tilespmem:s21+$0xFFFFFFB0];
	v51 =	vpop (erf)  }
0x51c: {  	v2 =	vld [tilespmem:s21+$0xFFFFFFE0];
	v1 =	vmul.f32 v1, v51  }
0x51d: {  	v53 =	vld [tilespmem:s21+$0xFFFFFFA0];
	[tilespmem:s21+$0xFFFFFFF0] =	vst v51;
	v3 =	vmul.f32 v51, v3  }
0x51e: {  	v54 =	vld [tilespmem:s21+$0xFFFFFFD0];
	v55 =	vmul.f32 v51, v52;
	[tilespmem:s21+$0xFFFFFFC0] =	vst v1  }
0x51f: {  	v1 =	vmul.f32 v49, v51;
	[tilespmem:s21+$0xFFFFFF70] =	vst v3  }
0x520: {  	v3 =	vmul.f32 v50, v51;
	[tilespmem:s21+$0xFFFFFF80] =	vst v55  }
0x521: {  	[tilespmem:s21+$0xFFFFFF90] =	vst v1;
	v1 =	vmul.f32 v2, v51  }
0x522: {  	[tilespmem:s21+$0xFFFFFFB0] =	vst v3;
	v2 =	vmul.f32 v53, v51  }
0x523: {  	v3 =	vmul.f32 v54, v51;
	[tilespmem:s21+$0xFFFFFFE0] =	vst v1  }
0x524: {  	[tilespmem:s21+$0xFFFFFFA0] =	vst v2  }
0x525: {  	[tilespmem:s21+$0xFFFFFFD0] =	vst v3;
	v1 =	vld [tilespmem:s21+$0x80]  }
0x526: {  	v2 =	vld [tilespmem:s22+$0x0];
	_ =	sdelay $0x4  }
0x527: {  	v1 =	vadd.f32 v2, v1;
	_ =	sdelay $0x1  }
0x528: {  	v2 =	vmul.f32 $2.000000030e-01, v1;
	_ =	sdelay $0x1  }
0x529: {  	v1 =	vmax.f32 v1, v2  }
0x52a: {  	v1 =	vmul.f32 $1.442695020e+00, v1;
	_ =	sdelay $0x1  }
0x52b: {  	(erf) = vpow2.f32 v1;
	_ =	sdelay $0x4  }
0x52c: {  	v3 =	vld [tilespmem:s21+$0x0]  }
0x52d: {  	v56 =	vld [tilespmem:s21+$0x10]  }
0x52e: {  	v58 =	vld [tilespmem:s21+$0x20]  }
0x52f: {  	v59 =	vld [tilespmem:s21+$0x30]  }
0x530: {  	v1 =	vld [tilespmem:s21+$0x70];
	v60 =	vpop (erf)  }
0x531: {  	v57 =	vld [tilespmem:s21+$0x40];
	v3 =	vmul.f32 v60, v3  }
0x532: {  	v2 =	vld [tilespmem:s21+$0x50];
	[tilespmem:s21+$0x80] =	vst v60;
	v4 =	vmul.f32 v60, v56  }
0x533: {  	v61 =	vld [tilespmem:s21+$0x60];
	v62 =	vmul.f32 v58, v60;
	[tilespmem:s21+$0x0] =	vst v3  }
0x534: {  	v63 =	vmul.f32 v59, v60;
	[tilespmem:s21+$0x10] =	vst v4  }
0x535: {  	v1 =	vmul.f32 v1, v60;
	[tilespmem:s21+$0x20] =	vst v62  }
0x536: {  	v3 =	vmul.f32 v57, v60;
	[tilespmem:s21+$0x30] =	vst v63  }
0x537: {  	v2 =	vmul.f32 v2, v60;
	[tilespmem:s21+$0x70] =	vst v1  }
0x538: {  	[tilespmem:s21+$0x40] =	vst v3;
	v3 =	vmul.f32 v61, v60  }
0x539: {  	[tilespmem:s21+$0x50] =	vst v2  }
0x53a: {  	v1 =	vld [tilespmem:s21+$0x110];
	[tilespmem:s21+$0x60] =	vst v3  }
0x53b: {  	s8 =	simm.s32 $0x6CF0;
	s11 =	simm.s32 $0x0;
	v2 =	vld [tilespmem:s22+$0x10]  }
.LBB2_16:
0x53c: {  	_ = 	snop  }
0x53d: {  	s11 =	sadd.s32 $0x4, s11;
	s21 =	sadd.s32 $0x240, s21;
	s22 =	sadd.s32 $0x40, s22  }
0x53e: {  	p0 =	slt.u32 s11, $0x4C;
	_ =	sdelay $0x1  }
0x53f: {  	v1 =	vadd.f32 v2, v1;
	_ =	sdelay $0x1  }
0x540: {  	v2 =	vmul.f32 $2.000000030e-01, v1;
	_ =	sdelay $0x1  }
0x541: {  	v1 =	vmax.f32 v1, v2  }
0x542: {  	v1 =	vmul.f32 $1.442695020e+00, v1;
	_ =	sdelay $0x1  }
0x543: {  	(erf) = vpow2.f32 v1  }
0x544: {  	v1 =	vld [tilespmem:s8+$0xF0]  }
0x545: {  	v2 =	vld [tilespmem:s8+$0xE0]  }
0x546: {  	v3 =	vld [tilespmem:s8+$0x90]  }
0x547: {  	v4 =	vld [tilespmem:s8+$0xB0]  }
0x548: {  	v5 =	vld [tilespmem:s8+$0xA0]  }
0x549: {  	v6 =	vld [tilespmem:s8+$0xC0]  }
0x54a: {  	v7 =	vld [tilespmem:s8+$0xD0]  }
0x54b: {  	v8 =	vld [tilespmem:s8+$0x100]  }
0x54c: {  	v9 =	vpop (erf)  }
0x54d: {  	[tilespmem:s8+$0x110] =	vst v9;
	v3 =	vmul.f32 v9, v3;
	v5 =	vmul.f32 v9, v5  }
0x54e: {  	v4 =	vmul.f32 v4, v9;
	v6 =	vmul.f32 v6, v9  }
0x54f: {  	v2 =	vmul.f32 v2, v9;
	[tilespmem:s8+$0x90] =	vst v3;
	v3 =	vmul.f32 v7, v9  }
0x550: {  	v1 =	vmul.f32 v1, v9;
	[tilespmem:s8+$0xA0] =	vst v5;
	v5 =	vmul.f32 v8, v9  }
0x551: {  	[tilespmem:s8+$0xD0] =	vst v3  }
0x552: {  	[tilespmem:s8+$0xE0] =	vst v2  }
0x553: {  	[tilespmem:s8+$0xF0] =	vst v1  }
0x554: {  	[tilespmem:s8+$0x100] =	vst v5  }
0x555: {  	[tilespmem:s8+$0xB0] =	vst v4  }
0x556: {  	v1 =	vld [tilespmem:s21+$0xFFFFFF60];
	[tilespmem:s8+$0xC0] =	vst v6;
	s8 =	smov.u32 s21  }
0x557: {  	v2 =	vld [tilespmem:s22+$0xFFFFFFE0];
	_ =	sdelay $0x4  }
0x558: {  	v1 =	vadd.f32 v2, v1;
	_ =	sdelay $0x1  }
0x559: {  	v2 =	vmul.f32 $2.000000030e-01, v1;
	_ =	sdelay $0x1  }
0x55a: {  	v1 =	vmax.f32 v1, v2  }
0x55b: {  	v1 =	vmul.f32 $1.442695020e+00, v1;
	_ =	sdelay $0x1  }
0x55c: {  	(erf) = vpow2.f32 v1  }
0x55d: {  	v1 =	vld [tilespmem:s21+$0xFFFFFF20]  }
0x55e: {  	v2 =	vld [tilespmem:s21+$0xFFFFFF40]  }
0x55f: {  	v3 =	vld [tilespmem:s21+$0xFFFFFF30]  }
0x560: {  	v4 =	vld [tilespmem:s21+$0xFFFFFF50]  }
0x561: {  	v5 =	vld [tilespmem:s21+$0xFFFFFEE0]  }
0x562: {  	v6 =	vld [tilespmem:s21+$0xFFFFFF00]  }
0x563: {  	v7 =	vld [tilespmem:s21+$0xFFFFFF10]  }
0x564: {  	v8 =	vld [tilespmem:s21+$0xFFFFFEF0]  }
0x565: {  	v9 =	vpop (erf)  }
0x566: {  	[tilespmem:s21+$0xFFFFFF60] =	vst v9;
	v5 =	vmul.f32 v9, v5;
	v4 =	vmul.f32 v4, v9  }
0x567: {  	v3 =	vmul.f32 v3, v9;
	v6 =	vmul.f32 v6, v9  }
0x568: {  	v2 =	vmul.f32 v2, v9;
	v7 =	vmul.f32 v7, v9;
	[tilespmem:s21+$0xFFFFFF50] =	vst v4  }
0x569: {  	v1 =	vmul.f32 v1, v9;
	v4 =	vmul.f32 v9, v8;
	[tilespmem:s21+$0xFFFFFF30] =	vst v3  }
0x56a: {  	[tilespmem:s21+$0xFFFFFEE0] =	vst v5  }
0x56b: {  	[tilespmem:s21+$0xFFFFFEF0] =	vst v4  }
0x56c: {  	[tilespmem:s21+$0xFFFFFF40] =	vst v2  }
0x56d: {  	[tilespmem:s21+$0xFFFFFF10] =	vst v7  }
0x56e: {  	[tilespmem:s21+$0xFFFFFF00] =	vst v6  }
0x56f: {  	[tilespmem:s21+$0xFFFFFF20] =	vst v1;
	v1 =	vld [tilespmem:s21+$0xFFFFFFF0]  }
0x570: {  	v2 =	vld [tilespmem:s22+$0xFFFFFFF0];
	_ =	sdelay $0x4  }
0x571: {  	v1 =	vadd.f32 v2, v1;
	_ =	sdelay $0x1  }
0x572: {  	v2 =	vmul.f32 $2.000000030e-01, v1;
	_ =	sdelay $0x1  }
0x573: {  	v1 =	vmax.f32 v1, v2  }
0x574: {  	v1 =	vmul.f32 $1.442695020e+00, v1;
	_ =	sdelay $0x1  }
0x575: {  	(erf) = vpow2.f32 v1;
	_ =	sdelay $0x2  }
0x576: {  	v1 =	vld [tilespmem:s21+$0xFFFFFFE0]  }
0x577: {  	v2 =	vld [tilespmem:s21+$0xFFFFFFC0]  }
0x578: {  	v3 =	vld [tilespmem:s21+$0xFFFFFF70]  }
0x579: {  	v4 =	vld [tilespmem:s21+$0xFFFFFF90]  }
0x57a: {  	v5 =	vld [tilespmem:s21+$0xFFFFFFA0]  }
0x57b: {  	v6 =	vld [tilespmem:s21+$0xFFFFFFB0]  }
0x57c: {  	v7 =	vld [tilespmem:s21+$0xFFFFFF80];
	v8 =	vpop (erf)  }
0x57d: {  	[tilespmem:s21+$0xFFFFFFF0] =	vst v8;
	v3 =	vmul.f32 v8, v3;
	v2 =	vmul.f32 v2, v8  }
0x57e: {  	v1 =	vmul.f32 v1, v8;
	v4 =	vmul.f32 v4, v8  }
0x57f: {  	v5 =	vmul.f32 v5, v8;
	[tilespmem:s21+$0xFFFFFFC0] =	vst v2;
	v2 =	vld [tilespmem:s21+$0xFFFFFFD0]  }
0x580: {  	[tilespmem:s21+$0xFFFFFF70] =	vst v3;
	v3 =	vmul.f32 v6, v8  }
0x581: {  	v6 =	vmul.f32 v8, v7;
	[tilespmem:s21+$0xFFFFFF90] =	vst v4  }
0x582: {  	[tilespmem:s21+$0xFFFFFFB0] =	vst v3  }
0x583: {  	[tilespmem:s21+$0xFFFFFF80] =	vst v6  }
0x584: {  	v2 =	vmul.f32 v2, v8;
	[tilespmem:s21+$0xFFFFFFE0] =	vst v1  }
0x585: {  	[tilespmem:s21+$0xFFFFFFA0] =	vst v5  }
0x586: {  	[tilespmem:s21+$0xFFFFFFD0] =	vst v2;
	v1 =	vld [tilespmem:s21+$0x80]  }
0x587: {  	v2 =	vld [tilespmem:s22+$0x0];
	_ =	sdelay $0x4  }
0x588: {  	v1 =	vadd.f32 v2, v1;
	_ =	sdelay $0x1  }
0x589: {  	v2 =	vmul.f32 $2.000000030e-01, v1;
	_ =	sdelay $0x1  }
0x58a: {  	v1 =	vmax.f32 v1, v2  }
0x58b: {  	v1 =	vmul.f32 $1.442695020e+00, v1;
	_ =	sdelay $0x1  }
0x58c: {  	(erf) = vpow2.f32 v1  }
0x58d: {  	v1 =	vld [tilespmem:s21+$0x70]  }
0x58e: {  	v2 =	vld [tilespmem:s21+$0x50]  }
0x58f: {  	v3 =	vld [tilespmem:s21+$0x30]  }
0x590: {  	v4 =	vld [tilespmem:s21+$0x10]  }
0x591: {  	v5 =	vld [tilespmem:s21+$0x0]  }
0x592: {  	v6 =	vld [tilespmem:s21+$0x20]  }
0x593: {  	v7 =	vld [tilespmem:s21+$0x40]  }
0x594: {  	v8 =	vld [tilespmem:s21+$0x60]  }
0x595: {  	v9 =	vpop (erf)  }
0x596: {  	[tilespmem:s21+$0x80] =	vst v9;
	v5 =	vmul.f32 v9, v5;
	v4 =	vmul.f32 v9, v4  }
0x597: {  	v3 =	vmul.f32 v3, v9;
	v6 =	vmul.f32 v6, v9  }
0x598: {  	v2 =	vmul.f32 v2, v9;
	[tilespmem:s21+$0x0] =	vst v5;
	v5 =	vmul.f32 v7, v9  }
0x599: {  	v1 =	vmul.f32 v1, v9;
	[tilespmem:s21+$0x10] =	vst v4;
	v4 =	vmul.f32 v8, v9  }
0x59a: {  	[tilespmem:s21+$0x40] =	vst v5  }
0x59b: {  	[tilespmem:s21+$0x20] =	vst v6  }
.Ltmp7:
0x59c: {  	[tilespmem:s21+$0x30] =	vst v3;
	(pc) =	sbr.rel @p0 .LBB2_16-.Ltmp7, $4  }
0x59d: {  	[tilespmem:s21+$0x70] =	vst v1  }
0x59e: {  	[tilespmem:s21+$0x50] =	vst v2  }
0x59f: {  	[tilespmem:s21+$0x60] =	vst v4;
	v1 =	vld [tilespmem:s21+$0x110]  }
0x5a0: {  	v2 =	vld [tilespmem:s22+$0x10]  }
0x5a1: {  	_ =	sdelay $0x3  }
0x5a2: {  	v1 =	vadd.f32 v2, v1;
	_ =	sdelay $0x1  }
0x5a3: {  	v2 =	vmul.f32 $2.000000030e-01, v1;
	_ =	sdelay $0x1  }
0x5a4: {  	v1 =	vmax.f32 v1, v2  }
0x5a5: {  	v1 =	vmul.f32 $1.442695020e+00, v1;
	_ =	sdelay $0x1  }
0x5a6: {  	(erf) = vpow2.f32 v1;
	_ =	sdelay $0x4  }
0x5a7: {  	v2 =	vld [tilespmem:s8+$0x90]  }
0x5a8: {  	v3 =	vld [tilespmem:s8+$0xA0]  }
0x5a9: {  	v5 =	vld [tilespmem:s8+$0xE0]  }
0x5aa: {  	v1 =	vld [tilespmem:s8+$0xF0]  }
0x5ab: {  	v4 =	vld [tilespmem:s8+$0xD0];
	v7 =	vpop (erf)  }
0x5ac: {  	v6 =	vld [tilespmem:s8+$0xB0];
	v2 =	vmul.f32 v7, v2  }
0x5ad: {  	v9 =	vld [tilespmem:s8+$0xC0];
	[tilespmem:s8+$0x110] =	vst v7;
	v3 =	vmul.f32 v7, v3  }
0x5ae: {  	v8 =	vld [tilespmem:s8+$0x100];
	v63 =	vmul.f32 v5, v7;
	[tilespmem:s8+$0x90] =	vst v2  }
0x5af: {  	v1 =	vmul.f32 v1, v7;
	[tilespmem:s8+$0xA0] =	vst v3  }
0x5b0: {  	v2 =	vmul.f32 v4, v7;
	[tilespmem:s8+$0xE0] =	vst v63  }
0x5b1: {  	v3 =	vmul.f32 v6, v7;
	[tilespmem:s8+$0xF0] =	vst v1  }
0x5b2: {  	v1 =	vmul.f32 v9, v7;
	[tilespmem:s8+$0xD0] =	vst v2  }
0x5b3: {  	v2 =	vmul.f32 v8, v7;
	[tilespmem:s8+$0xB0] =	vst v3  }
0x5b4: {  	[tilespmem:s8+$0xC0] =	vst v1  }
0x5b5: {  	[tilespmem:s8+$0x100] =	vst v2  }
0x5b6: {  	_ =	swait.ge [sflag:s25], $0x2D00  }
0x5b7: {  	[sflag:s25] =	ssyncset.done $0x0  }
0x5b8: {  	s22 =	simm.s32 $0x280;
	[sflag:s25] =	ssyncadd.s32 $0xFFFFD300  }
0x5b9: {  	[spmem:s3] =	stream.indirect.scatter.add.f32 [tilespmem:s24], [sflag:$0xF], $0x90, s22, s0, $0xb8;
	[tilespmem:$0x1F8F0] =	vst v63  }
0x5ba: {  	_ =	swait.ge [sflag:s1], $0x2D00  }
0x5bb: {  	[sflag:s1] =	ssyncset.done $0x0  }
0x5bc: {  	[sflag:s1] =	ssyncadd.s32 $0xFFFFD300  }
0x5bd: {  	s23 =	stileid.u32;
	[bflag:$0x0] =	sbarrier.arrive $0xFFFF  }
0x5be: {  	s8 =	sshll.u32 s23, $0x6;
	s21 =	rddreg [dreg:$0x4]  }
0x5bf: {  	s8 =	sor.u32 $0x1C10, s8;
	s22 =	rddreg [dreg:$0x15];
	s11 =	sshrl.u32 s21, $0x3  }
0x5c0: {  	[hbm:s22], [sflag:s8] =	dma.local [spmem:s11], $0x2C04  }
0x5c1: {  	s22 =	simm.s32 $0x10  }
0x5c2: {  	_ =	swait.ge [sflag:s22], $0x2C04  }
0x5c3: {  	s8 =	rddreg [dreg:$0x17]  }
0x5c4: {  	s23 =	rddreg [dreg:$0x16];
	s11 =	sadd.s32 $0x1, s8  }
0x5c5: {  	p0 =	sne.s32 s11, s23  }
.Ltmp8:
0x5c6: {  	_ = 	snop;
	(pc) =	sbr.rel @p0 .LBB2_1-.Ltmp8, $3  }
0x5c7: {  	_ =	sdelay $0x1  }
0x5c8: {  	[sflag:s22] =	ssyncset.done $0x0  }
0x5c9: {  	[sflag:s22] =	ssyncadd.s32 $0xFFFFD3FC  }
0x5ca: {  	_ =	sfence.sel $0x180000  }
0x5cb: {  	[bflag:$0x0] =	sbarrier.arrive $0xFFFF  }
0x5cc: {  	_ =	strace $0x90000047  }
0x5cd: {  	s0 =	stileid.u32;
	[bflag:$0x2] =	sbarrier.arrive $0xFFFF  }
0x5ce: {  	p0 =	sne.s32 s0, $0x0;
	s0 =	rddreg [dreg:$0x3]  }
0x5cf: {  	s0 =	sadd.s32 @!p0 $0x100000, s0  }
0x5d0: {  	[sflag:s0] =	ssyncadd.tile.s32 @!p0 $0x1;
	_ =	shalt  }
.Lfunc_end2:
_tile_overlayer_lowered:
.L_overlay_start_2:
0x5d1: {  	(tag) =	ssettag $0x2  }
0x5d2: {  	s0 =	rddreg [dreg:$0x0];
	s2 =	stileid.u32  }
0x5d3: {  	s1 =	rddreg [dreg:$0x1];
	p0 =	sne.s32 s2, $0x0  }
0x5d4: {  	s3 =	rddreg [dreg:$0x2];
	[bflag:$0x3] =	sbarrier.arrive $0xFFFF;
	s2 =	simm.s32 @!p0 $0x1C10  }
0x5d5: {  	[timem:s3], [sflag:s2] =	dma.local @!p0 [hbm:s0], s1  }
0x5d6: {  	s0 =	simm.s32 @!p0 $0x10  }
0x5d7: {  	_ =	swait.ge @!p0 [sflag:s0], s1  }
0x5d8: {  	s1 =	ssub.s32 @!p0 $0x0, s1;
	[sflag:s0] =	ssyncset.done @!p0 $0x0  }
0x5d9: {  	[sflag:s0] =	ssyncadd.s32 @!p0 s1  }
0x5da: {  	[bflag:$0x3] =	sbarrier.arrive $0xFFFF  }
0x5db: {  	_ =	shalt  }

</sc_bundles>
